<compile_context>
chip_gen: v7x
topology: tpu7x:2x2x1
jax: 0.10.2.dev20260603
libtpu: 0.0.44.dev20260713+nightly
codegen_flags: <defaults>
</compile_context>

<pallas_src>
import functools

import jax
import jax.numpy as jnp
from jax import lax
from jax.experimental import pallas as pl
from jax.experimental.pallas import tpu as pltpu
from jax.experimental.pallas import tpu_sc as plsc

N = 8192
NSEG = 8
K = 20
F = 64
R = 256
CT = 512
NRB = N // R
NCT = N // CT
NW = 32
GCH = 128
PREC = lax.Precision.DEFAULT


def _dot(a, b):
    return lax.dot_general(a, b, (((1,), (0,)), ((), ())),
                           precision=PREC, preferred_element_type=jnp.float32)



def _knn_body(tw_ref, xr_ref, xt3_ref, br_ref, bc3_ref, idx_ref, dist_ref):
    i = pl.program_id(0)
    t0 = tw_ref[i, 0]
    t1 = tw_ref[i, 1]
    xr = xr_ref[...]
    d2r = jnp.sum(xr * xr, axis=1, keepdims=True)
    br = br_ref[...]
    inf = jnp.float32(jnp.inf)

    def compute(t, carry):
        xc = xt3_ref[t]
        mm = _dot(xr, xc)
        d2c = jnp.sum(xc * xc, axis=0, keepdims=True)
        dt = (d2r + d2c) - 2.0 * mm
        dt = jnp.where(br != bc3_ref[t], inf, dt)
        dist_ref[t] = dt
        return carry

    lax.fori_loop(t0, t1, compute, 0)

    prev = jnp.full((R, 1), -1, jnp.int32)
    for k in range(K):
        def scan(t, carry, prev=prev):
            m, am = carry
            tile = dist_ref[t]
            lanes = lax.broadcasted_iota(jnp.int32, (R, CT), 1) + t * CT
            tile = jnp.where(lanes == prev, inf, tile)
            dist_ref[t] = tile
            tm = jnp.min(tile, axis=1, keepdims=True)
            ta = jnp.min(jnp.where(tile == tm, lanes, N), axis=1, keepdims=True)
            better = tm < m
            return jnp.where(better, tm, m), jnp.where(better, ta, am)

        m0 = jnp.full((R, 1), jnp.inf, jnp.float32)
        a0 = jnp.zeros((R, 1), jnp.int32)
        m, am = lax.fori_loop(t0, t1, scan, (m0, a0))
        idx_ref[:, k] = am[:, 0]
        prev = am


def _knn(tw, xpad, batf_row, batf_col):
    xt3 = xpad.T.reshape(F, NCT, CT).transpose(1, 0, 2)
    bc3 = batf_col.reshape(NCT, 1, CT)
    return pl.pallas_call(
        _knn_body,
        grid=(NRB,),
        in_specs=[
            pl.BlockSpec(memory_space=pltpu.SMEM),
            pl.BlockSpec((R, F), lambda i: (i, 0)),
            pl.BlockSpec((NCT, F, CT), lambda i: (0, 0, 0)),
            pl.BlockSpec((R, 1), lambda i: (i, 0)),
            pl.BlockSpec((NCT, 1, CT), lambda i: (0, 0, 0)),
        ],
        out_specs=pl.BlockSpec((R, K), lambda i: (i, 0)),
        out_shape=jax.ShapeDtypeStruct((N, K), jnp.int32),
        scratch_shapes=[pltpu.VMEM((NCT, R, CT), jnp.float32)],
    )(tw, xpad, xt3, batf_row, bc3)



def _gather_rows(table, idx3):
    ch = idx3.shape[1]
    total = NW * ch * GCH
    mesh = plsc.VectorSubcoreMesh(core_axis_name="c", subcore_axis_name="s")

    @functools.partial(
        pl.kernel,
        out_type=jax.ShapeDtypeStruct((total, F), jnp.float32),
        mesh=mesh,
        compiler_params=pltpu.CompilerParams(use_tc_tiling_on_sc=False),
        scratch_types=[
            pltpu.VMEM((ch, GCH), jnp.int32),
            pltpu.VMEM((8 * GCH, F), jnp.float32),
            pltpu.SemaphoreType.DMA,
        ],
    )
    def gk(table_hbm, idx_hbm, out_hbm, idx_v, rows_v, sem):
        wid = lax.axis_index("s") * 2 + lax.axis_index("c")
        base = wid * (ch * GCH)
        pltpu.sync_copy(idx_hbm.at[wid], idx_v)

        def super_chunk(g, carry):
            copies = []
            for b in range(8):
                copies.append(pltpu.async_copy(
                    table_hbm.at[idx_v.at[g * 8 + b]],
                    rows_v.at[pl.ds(b * GCH, GCH)], sem))
            for c in copies:
                c.wait()
            pltpu.sync_copy(rows_v,
                            out_hbm.at[pl.ds(base + g * (8 * GCH), 8 * GCH)])
            return carry

        lax.fori_loop(0, ch // 8, super_chunk, 0)

    return gk(table, idx3)



def _edge1_body(e_ref, x_ref, w_ref, b_ref, h_ref):
    xi = x_ref[...]
    b = b_ref[...]
    wa = w_ref[:F]
    wb = w_ref[F:]
    ha = _dot(xi, wa)
    h_ref[:, :F] = (ha + _dot(e_ref[0] - xi, wb)) + b
    h_ref[:, F:] = (ha + _dot(e_ref[1] - xi, wb)) + b


def _edge1(e3, x, w0, b0, bm=512):
    return pl.pallas_call(
        _edge1_body,
        grid=(N // bm, K // 2),
        in_specs=[
            pl.BlockSpec((2, bm, F), lambda i, kk: (kk, i, 0)),
            pl.BlockSpec((bm, F), lambda i, kk: (i, 0)),
            pl.BlockSpec((2 * F, F), lambda i, kk: (0, 0)),
            pl.BlockSpec((1, F), lambda i, kk: (0, 0)),
        ],
        out_specs=pl.BlockSpec((bm, 2 * F), lambda i, kk: (i, kk)),
        out_shape=jax.ShapeDtypeStruct((N, K * F), jnp.float32),
    )(e3, x, w0, b0)



def _edge2_body(h_ref, m_ref, v_ref, g_ref, be_ref, w_ref, b_ref, o_ref):
    kk = pl.program_id(1)
    m = m_ref[...]
    v = v_ref[...]
    g = g_ref[...]
    be = be_ref[...]
    w = w_ref[...]
    z = jnp.full_like(o_ref, -jnp.inf)
    for half in range(2):
        h = h_ref[:, half * F:(half + 1) * F]
        hn = ((h - m) / jnp.sqrt(v + 1e-5)) * g + be
        z = jnp.maximum(z, _dot(jnp.maximum(hn, 0.0), w))

    @pl.when(kk == 0)
    def _():
        o_ref[...] = z

    @pl.when(kk > 0)
    def _():
        o_ref[...] = jnp.maximum(o_ref[...], z)

    @pl.when(kk == K // 2 - 1)
    def _():
        o_ref[...] += b_ref[...]


def _edge2(h2, m, v, g, be, w1, b1, bm=512):
    vec = pl.BlockSpec((1, F), lambda i, kk: (0, 0))
    return pl.pallas_call(
        _edge2_body,
        grid=(N // bm, K // 2),
        in_specs=[
            pl.BlockSpec((bm, 2 * F), lambda i, kk: (i, kk)),
            vec, vec, vec, vec,
            pl.BlockSpec((F, F), lambda i, kk: (0, 0)),
            vec,
        ],
        out_specs=pl.BlockSpec((bm, F), lambda i, kk: (i, 0)),
        out_shape=jax.ShapeDtypeStruct((N, F), jnp.float32),
    )(h2, m, v, g, be, w1, b1)



def _pool_body(x_ref, w_ref, b_ref, bat_ref, o_ref):
    i = pl.program_id(0)
    o = _dot(x_ref[...], w_ref[...]) + b_ref[...]
    bat = bat_ref[...]
    ninf = jnp.float32(-jnp.inf)

    @pl.when(i == 0)
    def _():
        o_ref[...] = jnp.full_like(o_ref, ninf)

    for bid in range(NSEG):
        mx = jnp.max(jnp.where(bat == jnp.float32(bid), o, ninf),
                     axis=0, keepdims=True)
        o_ref[bid:bid + 1, :] = jnp.maximum(o_ref[bid:bid + 1, :], mx)


def _pool(cat, w, b, batf_row, bm=1024):
    din = cat.shape[1]
    dout = w.shape[1]
    return pl.pallas_call(
        _pool_body,
        grid=(N // bm,),
        in_specs=[
            pl.BlockSpec((bm, din), lambda i: (i, 0)),
            pl.BlockSpec((din, dout), lambda i: (0, 0)),
            pl.BlockSpec((1, dout), lambda i: (0, 0)),
            pl.BlockSpec((bm, 1), lambda i: (i, 0)),
        ],
        out_specs=pl.BlockSpec((NSEG, dout), lambda i: (0, 0)),
        out_shape=jax.ShapeDtypeStruct((NSEG, dout), jnp.float32),
    )(cat, w, b, batf_row)



def _head_body(x_ref, w1_ref, b1_ref, g_ref, be_ref, w2_ref, b2_ref, o_ref):
    h = _dot(x_ref[...], w1_ref[...]) + b1_ref[...]
    m = jnp.mean(h, axis=0, keepdims=True)
    d = h - m
    v = jnp.mean(d * d, axis=0, keepdims=True)
    hn = d / jnp.sqrt(v + 1e-5) * g_ref[...] + be_ref[...]
    o_ref[...] = _dot(jnp.maximum(hn, 0.0), w2_ref[...]) + b2_ref[...]


def _head(x, w1, b1, g, be, w2, b2):
    d2 = w2.shape[1]
    return pl.pallas_call(
        _head_body,
        in_specs=[pl.BlockSpec(p.shape, lambda: (0,) * p.ndim)
                  for p in (x, w1, b1, g, be, w2, b2)],
        out_specs=pl.BlockSpec((NSEG, d2), lambda: (0, 0)),
        out_shape=jax.ShapeDtypeStruct((NSEG, d2), jnp.float32),
    )(x, w1, b1, g, be, w2, b2)



def kernel(pos, edge_index, batch, params):
    del edge_index
    batch32 = batch.astype(jnp.int32)
    batf_row = batch32.astype(jnp.float32)[:, None]
    batf_col = batf_row.T
    starts = jnp.searchsorted(batch32, jnp.arange(NSEG + 1, dtype=jnp.int32))
    rb = jnp.arange(NRB)
    blo = batch32[rb * R]
    bhi = batch32[rb * R + R - 1]
    t0 = starts[blo] // CT
    t1 = (starts[bhi + 1] + CT - 1) // CT
    t1 = jnp.maximum(t1, t0 + 1)
    tw = jnp.stack([t0, t1], axis=1).astype(jnp.int32)

    x = pos
    feats = []
    for layers in params["blocks"]:
        d = x.shape[1]
        xpad = x if d == F else jnp.pad(x, ((0, 0), (0, F - d)))
        idx = _knn(tw, xpad, batf_row, batf_col)
        l0, l1 = layers
        w0 = jnp.concatenate([l0["W"][:d], jnp.zeros((F - d, F), jnp.float32),
                              l0["W"][d:], jnp.zeros((F - d, F), jnp.float32)]
                             ) if d != F else l0["W"]
        idx3 = idx.T.reshape(NW, -1, GCH)
        e3 = _gather_rows(xpad, idx3).reshape(K, N, F)
        h2 = _edge1(e3, xpad, w0, l0["b"][None])
        h_nk = h2.reshape(N, K, F)
        m = h_nk.mean(axis=(0, 1))
        v = h_nk.var(axis=(0, 1))
        x = _edge2(h2, m[None], v[None], l0["g"][None], l0["be"][None],
                   l1["W"], l1["b"][None])
        feats.append(x)

    cat = jnp.concatenate(feats, axis=1)
    pooled = _pool(cat, params["aggr_W"], params["aggr_b"][None], batf_row)
    h0, h1 = params["head"]
    return _head(pooled, h0["W"], h0["b"][None], h0["g"][None], h0["be"][None],
                 h1["W"], h1["b"][None])

# --- scband reference (transcript-rebuilt; emitter-appended) ---
"""Pipeline reference for scband-dgcnn-12438225289671 (READ-ONLY COPY).

The authoritative reference and input builder live on the scoring server;
editing this copy changes nothing except your own understanding.
"""

import jax, jax.numpy as jnp
import numpy as np

N = 8192
B = 8
K = 20
BLOCKS_MLP = [[6, 64, 64], [128, 64, 64], [128, 64, 64]]
AGGR_MLP = [192, 256]
HEAD_MLP = [256, 128, 40]


def _make_mlp(channels, key):
    layers = []
    for i in range(len(channels) - 1):
        key, k1 = jax.random.split(key)
        cin, cout = channels[i], channels[i + 1]
        W = jax.random.normal(k1, (cin, cout), jnp.float32) / np.sqrt(cin)
        b = jnp.zeros((cout,), jnp.float32)
        if i < len(channels) - 2:
            g = jnp.ones((cout,), jnp.float32)
            be = jnp.zeros((cout,), jnp.float32)
        else:
            g = None
            be = None
        layers.append({"W": W, "b": b, "g": g, "be": be})
    return layers, key


def setup_inputs(seed: int = 0):
    key = jax.random.key(seed)
    key, k1, k2, k3 = jax.random.split(key, 4)
    pos = jax.random.normal(k1, (N, 3), jnp.float32)
    edge_index = jax.random.randint(k2, (2, N * K), 0, N).astype(jnp.int64)
    batch = jnp.sort(jax.random.randint(k3, (N,), 0, B)).astype(jnp.int64)
    params = {}
    blocks = []
    for ch in BLOCKS_MLP:
        mlp, key = _make_mlp(ch, key)
        blocks.append(mlp)
    params["blocks"] = blocks
    key, ka = jax.random.split(key)
    params["aggr_W"] = jax.random.normal(ka, (AGGR_MLP[0], AGGR_MLP[1]), jnp.float32) / np.sqrt(AGGR_MLP[0])
    params["aggr_b"] = jnp.zeros((AGGR_MLP[1],), jnp.float32)
    head, key = _make_mlp(HEAD_MLP, key)
    params["head"] = head
    return {"pos": pos, "edge_index": edge_index, "batch": batch, "params": params}


def _bn(h, g, be):
    # BatchNorm in training mode (batch statistics), matching PyG MLP default norm='batch_norm'
    ax = tuple(range(h.ndim - 1))
    m = h.mean(axis=ax, keepdims=True)
    v = h.var(axis=ax, keepdims=True)
    return (h - m) / jnp.sqrt(v + 1e-5) * g + be


def _mlp_apply(layers, h):
    # PyG MLP with plain_last=True: Linear -> BN -> ReLU for all but last layer; last layer is plain Linear.
    for l in layers:
        h = h @ l["W"] + l["b"]
        if l["g"] is not None:
            h = _bn(h, l["g"], l["be"])
            h = jax.nn.relu(h)
    return h


def _knn_idx(x, batch):
    # Dynamic kNN graph in feature space, restricted to the same cloud (batch id).
    # Indices are non-differentiable (as in torch_cluster.knn), hence stop_gradient.
    xs = jax.lax.stop_gradient(x)
    d2 = jnp.sum(xs * xs, axis=1)
    dist = d2[:, None] + d2[None, :] - 2.0 * (xs @ xs.T)
    mask = batch[:, None] != batch[None, :]
    dist = jnp.where(mask, jnp.inf, dist)
    _, idx = jax.lax.top_k(-dist, K)
    return idx


def _edge_conv(x, batch, layers):
    idx = _knn_idx(x, batch)          # [N, K] neighbor gather
    xj = x[idx]                        # [N, K, d]
    xi = jnp.broadcast_to(x[:, None, :], xj.shape)
    h = jnp.concatenate([xi, xj - xi], axis=-1)  # EdgeConv message [x_i, x_j - x_i]
    h = _mlp_apply(layers, h)
    return h.max(axis=1)               # max aggregation over K neighbors


def _forward(pos, batch, params):
    xs = [pos]
    for layers in params["blocks"]:
        xs.append(_edge_conv(xs[-1], batch, layers))
    out = jnp.concatenate(xs[1:], axis=1) @ params["aggr_W"] + params["aggr_b"]
    pooled = jax.ops.segment_max(out, batch, num_segments=B)  # global_max_pool
    return _mlp_apply(params["head"], pooled)  # dropout is identity at inference


def reference(pos, edge_index, batch, params):
    # edge_index is accepted but unused: DynamicEdgeConv rebuilds the kNN graph each block,
    # exactly as in the torch module's forward.
    return _forward(pos, batch, params)

if __name__ == "__main__":
    import jax
    _d = setup_inputs()
    print(jax.jit(kernel)(*tuple(_d.values())))

</pallas_src>

<mosaic_0001>
#map = affine_map<(d0, d1) -> (0, 0)>
#map1 = affine_map<(d0, d1) -> (0, 0, 0)>
module attributes {stable_mosaic.version = 14 : i64} {
  func.func @gk(%arg0: i32, %arg1: i32, %arg2: memref<8192x64xf32, #tpu.memory_space<hbm>>, %arg3: memref<32x40x128xi32, #tpu.memory_space<hbm>>, %arg4: memref<163840x64xf32, #tpu.memory_space<hbm>>, %arg5: memref<40x128xi32, #tpu.memory_space<vmem>>, %arg6: memref<1024x64xf32, #tpu.memory_space<vmem>>, %arg7: memref<!tpu.dma_semaphore, #tpu.memory_space<semaphore_mem>>) attributes {dimension_semantics = [#tpu.dimension_semantics<core_parallel>, #tpu.dimension_semantics<subcore_parallel>], iteration_bounds = array<i64: 2, 16>, scalar_prefetch = 0 : i64, scratch_operands = 3 : i64, tpu.core_type = #tpu.core_type<sc_vector_subcore>, window_params = [{transform_indices = #map}, {transform_indices = #map1}, {transform_indices = #map}]} {
    %mul3A = arith.constant 2 : i32
    %mul3A_0 = arith.muli %arg1, %mul3A : i32
    %add3A = arith.addi %mul3A_0, %arg0 : i32
    %mul3A_1 = arith.constant 5120 : i32
    %mul3A_2 = arith.muli %add3A, %mul3A_1 : i32
    "tpu.region"() ({
      %run_scoped3A = tpu.sem_alloc : memref<!tpu.dma_semaphore, #tpu.memory_space<semaphore_mem>>
      %dma_start3A = arith.constant 0 : i32
      %dma_start3A_8 = arith.constant 0 : i32
      %dma_start3A_9 = tpu.memref_slice %arg3[%add3A, %dma_start3A, %dma_start3A_8] : memref<32x40x128xi32, #tpu.memory_space<hbm>> -> memref<1x40x128xi32, #tpu.memory_space<hbm>>
      %dma_start3A_10 = tpu.memref_squeeze %dma_start3A_9 : memref<1x40x128xi32, #tpu.memory_space<hbm>> -> memref<40x128xi32, #tpu.memory_space<hbm>>
      %dma_start3A_11 = arith.constant 0 : i32
      %dma_start3A_12 = arith.constant 0 : i32
      %dma_start3A_13 = tpu.memref_slice %arg3[%add3A, %dma_start3A_11, %dma_start3A_12] : memref<32x40x128xi32, #tpu.memory_space<hbm>> -> memref<1x40x128xi32, #tpu.memory_space<hbm>>
      %dma_start3A_14 = tpu.memref_squeeze %dma_start3A_13 : memref<1x40x128xi32, #tpu.memory_space<hbm>> -> memref<40x128xi32, #tpu.memory_space<hbm>>
      tpu.enqueue_dma source(%dma_start3A_14 : memref<40x128xi32, #tpu.memory_space<hbm>>) target(%arg5 : memref<40x128xi32, #tpu.memory_space<vmem>>) target_semaphore(%run_scoped3A : memref<!tpu.dma_semaphore, #tpu.memory_space<semaphore_mem>>)
      %dma_wait3A = arith.constant 0 : i32
      %dma_wait3A_15 = arith.constant 0 : i32
      %dma_wait3A_16 = tpu.memref_slice %arg3[%add3A, %dma_wait3A, %dma_wait3A_15] : memref<32x40x128xi32, #tpu.memory_space<hbm>> -> memref<1x40x128xi32, #tpu.memory_space<hbm>>
      %dma_wait3A_17 = tpu.memref_squeeze %dma_wait3A_16 : memref<1x40x128xi32, #tpu.memory_space<hbm>> -> memref<40x128xi32, #tpu.memory_space<hbm>>
      %dma_wait3A_18 = arith.constant 0 : i32
      %dma_wait3A_19 = arith.constant 0 : i32
      %dma_wait3A_20 = tpu.memref_slice %arg3[%add3A, %dma_wait3A_18, %dma_wait3A_19] : memref<32x40x128xi32, #tpu.memory_space<hbm>> -> memref<1x40x128xi32, #tpu.memory_space<hbm>>
      %dma_wait3A_21 = tpu.memref_squeeze %dma_wait3A_20 : memref<1x40x128xi32, #tpu.memory_space<hbm>> -> memref<40x128xi32, #tpu.memory_space<hbm>>
      tpu.wait_dma2 semaphore(%run_scoped3A : memref<!tpu.dma_semaphore, #tpu.memory_space<semaphore_mem>>) src(%dma_wait3A_21 : memref<40x128xi32, #tpu.memory_space<hbm>>) dst(%arg5 : memref<40x128xi32, #tpu.memory_space<vmem>>)
      tpu.yield
    }) : () -> ()
    %scan3A = arith.constant 0 : i32
    %scan3A_3 = arith.constant 0 : i32
    %scan3A_4 = arith.constant 5 : i32
    %scan3A_5 = arith.addi %scan3A_3, %scan3A_4 : i32
    %scan3A_6 = arith.constant 1 : i32
    scf.for %scan3A_8 = %scan3A_3 to %scan3A_5 step %scan3A_6  : i32 {
      %mul3A_9 = arith.constant 8 : i32
      %mul3A_10 = arith.muli %scan3A_8, %mul3A_9 : i32
      %add3A_11 = arith.constant 0 : i32
      %add3A_12 = arith.addi %mul3A_10, %add3A_11 : i32
      %dma_start3A = arith.constant 0 : i32
      %dma_start3A_13 = arith.constant 0 : i32
      %dma_start3A_14 = tpu.memref_slice %arg6[%dma_start3A, %dma_start3A_13] : memref<1024x64xf32, #tpu.memory_space<vmem>> -> memref<128x64xf32, #tpu.memory_space<vmem>>
      %dma_start3A_15 = arith.constant 0 : i32
      %dma_start3A_16 = tpu.memref_slice %arg5[%add3A_12, %dma_start3A_15] : memref<40x128xi32, #tpu.memory_space<vmem>> -> memref<1x128xi32, #tpu.memory_space<vmem>>
      %dma_start3A_17 = tpu.memref_squeeze %dma_start3A_16 : memref<1x128xi32, #tpu.memory_space<vmem>> -> memref<128xi32, #tpu.memory_space<vmem>>
      %dma_start3A_18 = arith.constant 0 : i32
      %dma_start3A_19 = arith.constant 0 : i32
      %dma_start3A_20 = tpu.memref_slice %arg2[%dma_start3A_18, %dma_start3A_19] : memref<8192x64xf32, #tpu.memory_space<hbm>> -> memref<8192x64xf32, #tpu.memory_space<hbm>>
      tpu.enqueue_indirect_dma source(%dma_start3A_20 : memref<8192x64xf32, #tpu.memory_space<hbm>>) target(%dma_start3A_14 : memref<128x64xf32, #tpu.memory_space<vmem>>) offsets(%dma_start3A_17 : memref<128xi32, #tpu.memory_space<vmem>>) semaphore(%arg7 : memref<!tpu.dma_semaphore, #tpu.memory_space<semaphore_mem>>)
      %mul3A_21 = arith.constant 8 : i32
      %mul3A_22 = arith.muli %scan3A_8, %mul3A_21 : i32
      %add3A_23 = arith.constant 1 : i32
      %add3A_24 = arith.addi %mul3A_22, %add3A_23 : i32
      %dma_start3A_25 = arith.constant 128 : i32
      %dma_start3A_26 = arith.constant 0 : i32
      %dma_start3A_27 = tpu.memref_slice %arg6[%dma_start3A_25, %dma_start3A_26] : memref<1024x64xf32, #tpu.memory_space<vmem>> -> memref<128x64xf32, #tpu.memory_space<vmem>>
      %dma_start3A_28 = arith.constant 0 : i32
      %dma_start3A_29 = tpu.memref_slice %arg5[%add3A_24, %dma_start3A_28] : memref<40x128xi32, #tpu.memory_space<vmem>> -> memref<1x128xi32, #tpu.memory_space<vmem>>
      %dma_start3A_30 = tpu.memref_squeeze %dma_start3A_29 : memref<1x128xi32, #tpu.memory_space<vmem>> -> memref<128xi32, #tpu.memory_space<vmem>>
      %dma_start3A_31 = arith.constant 0 : i32
      %dma_start3A_32 = arith.constant 0 : i32
      %dma_start3A_33 = tpu.memref_slice %arg2[%dma_start3A_31, %dma_start3A_32] : memref<8192x64xf32, #tpu.memory_space<hbm>> -> memref<8192x64xf32, #tpu.memory_space<hbm>>
      tpu.enqueue_indirect_dma source(%dma_start3A_33 : memref<8192x64xf32, #tpu.memory_space<hbm>>) target(%dma_start3A_27 : memref<128x64xf32, #tpu.memory_space<vmem>>) offsets(%dma_start3A_30 : memref<128xi32, #tpu.memory_space<vmem>>) semaphore(%arg7 : memref<!tpu.dma_semaphore, #tpu.memory_space<semaphore_mem>>)
      %mul3A_34 = arith.constant 8 : i32
      %mul3A_35 = arith.muli %scan3A_8, %mul3A_34 : i32
      %add3A_36 = arith.constant 2 : i32
      %add3A_37 = arith.addi %mul3A_35, %add3A_36 : i32
      %dma_start3A_38 = arith.constant 256 : i32
      %dma_start3A_39 = arith.constant 0 : i32
      %dma_start3A_40 = tpu.memref_slice %arg6[%dma_start3A_38, %dma_start3A_39] : memref<1024x64xf32, #tpu.memory_space<vmem>> -> memref<128x64xf32, #tpu.memory_space<vmem>>
      %dma_start3A_41 = arith.constant 0 : i32
      %dma_start3A_42 = tpu.memref_slice %arg5[%add3A_37, %dma_start3A_41] : memref<40x128xi32, #tpu.memory_space<vmem>> -> memref<1x128xi32, #tpu.memory_space<vmem>>
      %dma_start3A_43 = tpu.memref_squeeze %dma_start3A_42 : memref<1x128xi32, #tpu.memory_space<vmem>> -> memref<128xi32, #tpu.memory_space<vmem>>
      %dma_start3A_44 = arith.constant 0 : i32
      %dma_start3A_45 = arith.constant 0 : i32
      %dma_start3A_46 = tpu.memref_slice %arg2[%dma_start3A_44, %dma_start3A_45] : memref<8192x64xf32, #tpu.memory_space<hbm>> -> memref<8192x64xf32, #tpu.memory_space<hbm>>
      tpu.enqueue_indirect_dma source(%dma_start3A_46 : memref<8192x64xf32, #tpu.memory_space<hbm>>) target(%dma_start3A_40 : memref<128x64xf32, #tpu.memory_space<vmem>>) offsets(%dma_start3A_43 : memref<128xi32, #tpu.memory_space<vmem>>) semaphore(%arg7 : memref<!tpu.dma_semaphore, #tpu.memory_space<semaphore_mem>>)
      %mul3A_47 = arith.constant 8 : i32
      %mul3A_48 = arith.muli %scan3A_8, %mul3A_47 : i32
      %add3A_49 = arith.constant 3 : i32
      %add3A_50 = arith.addi %mul3A_48, %add3A_49 : i32
      %dma_start3A_51 = arith.constant 384 : i32
      %dma_start3A_52 = arith.constant 0 : i32
      %dma_start3A_53 = tpu.memref_slice %arg6[%dma_start3A_51, %dma_start3A_52] : memref<1024x64xf32, #tpu.memory_space<vmem>> -> memref<128x64xf32, #tpu.memory_space<vmem>>
      %dma_start3A_54 = arith.constant 0 : i32
      %dma_start3A_55 = tpu.memref_slice %arg5[%add3A_50, %dma_start3A_54] : memref<40x128xi32, #tpu.memory_space<vmem>> -> memref<1x128xi32, #tpu.memory_space<vmem>>
      %dma_start3A_56 = tpu.memref_squeeze %dma_start3A_55 : memref<1x128xi32, #tpu.memory_space<vmem>> -> memref<128xi32, #tpu.memory_space<vmem>>
      %dma_start3A_57 = arith.constant 0 : i32
      %dma_start3A_58 = arith.constant 0 : i32
      %dma_start3A_59 = tpu.memref_slice %arg2[%dma_start3A_57, %dma_start3A_58] : memref<8192x64xf32, #tpu.memory_space<hbm>> -> memref<8192x64xf32, #tpu.memory_space<hbm>>
      tpu.enqueue_indirect_dma source(%dma_start3A_59 : memref<8192x64xf32, #tpu.memory_space<hbm>>) target(%dma_start3A_53 : memref<128x64xf32, #tpu.memory_space<vmem>>) offsets(%dma_start3A_56 : memref<128xi32, #tpu.memory_space<vmem>>) semaphore(%arg7 : memref<!tpu.dma_semaphore, #tpu.memory_space<semaphore_mem>>)
      %mul3A_60 = arith.constant 8 : i32
      %mul3A_61 = arith.muli %scan3A_8, %mul3A_60 : i32
      %add3A_62 = arith.constant 4 : i32
      %add3A_63 = arith.addi %mul3A_61, %add3A_62 : i32
      %dma_start3A_64 = arith.constant 512 : i32
      %dma_start3A_65 = arith.constant 0 : i32
      %dma_start3A_66 = tpu.memref_slice %arg6[%dma_start3A_64, %dma_start3A_65] : memref<1024x64xf32, #tpu.memory_space<vmem>> -> memref<128x64xf32, #tpu.memory_space<vmem>>
      %dma_start3A_67 = arith.constant 0 : i32
      %dma_start3A_68 = tpu.memref_slice %arg5[%add3A_63, %dma_start3A_67] : memref<40x128xi32, #tpu.memory_space<vmem>> -> memref<1x128xi32, #tpu.memory_space<vmem>>
      %dma_start3A_69 = tpu.memref_squeeze %dma_start3A_68 : memref<1x128xi32, #tpu.memory_space<vmem>> -> memref<128xi32, #tpu.memory_space<vmem>>
      %dma_start3A_70 = arith.constant 0 : i32
      %dma_start3A_71 = arith.constant 0 : i32
      %dma_start3A_72 = tpu.memref_slice %arg2[%dma_start3A_70, %dma_start3A_71] : memref<8192x64xf32, #tpu.memory_space<hbm>> -> memref<8192x64xf32, #tpu.memory_space<hbm>>
      tpu.enqueue_indirect_dma source(%dma_start3A_72 : memref<8192x64xf32, #tpu.memory_space<hbm>>) target(%dma_start3A_66 : memref<128x64xf32, #tpu.memory_space<vmem>>) offsets(%dma_start3A_69 : memref<128xi32, #tpu.memory_space<vmem>>) semaphore(%arg7 : memref<!tpu.dma_semaphore, #tpu.memory_space<semaphore_mem>>)
      %mul3A_73 = arith.constant 8 : i32
      %mul3A_74 = arith.muli %scan3A_8, %mul3A_73 : i32
      %add3A_75 = arith.constant 5 : i32
      %add3A_76 = arith.addi %mul3A_74, %add3A_75 : i32
      %dma_start3A_77 = arith.constant 640 : i32
      %dma_start3A_78 = arith.constant 0 : i32
      %dma_start3A_79 = tpu.memref_slice %arg6[%dma_start3A_77, %dma_start3A_78] : memref<1024x64xf32, #tpu.memory_space<vmem>> -> memref<128x64xf32, #tpu.memory_space<vmem>>
      %dma_start3A_80 = arith.constant 0 : i32
      %dma_start3A_81 = tpu.memref_slice %arg5[%add3A_76, %dma_start3A_80] : memref<40x128xi32, #tpu.memory_space<vmem>> -> memref<1x128xi32, #tpu.memory_space<vmem>>
      %dma_start3A_82 = tpu.memref_squeeze %dma_start3A_81 : memref<1x128xi32, #tpu.memory_space<vmem>> -> memref<128xi32, #tpu.memory_space<vmem>>
      %dma_start3A_83 = arith.constant 0 : i32
      %dma_start3A_84 = arith.constant 0 : i32
      %dma_start3A_85 = tpu.memref_slice %arg2[%dma_start3A_83, %dma_start3A_84] : memref<8192x64xf32, #tpu.memory_space<hbm>> -> memref<8192x64xf32, #tpu.memory_space<hbm>>
      tpu.enqueue_indirect_dma source(%dma_start3A_85 : memref<8192x64xf32, #tpu.memory_space<hbm>>) target(%dma_start3A_79 : memref<128x64xf32, #tpu.memory_space<vmem>>) offsets(%dma_start3A_82 : memref<128xi32, #tpu.memory_space<vmem>>) semaphore(%arg7 : memref<!tpu.dma_semaphore, #tpu.memory_space<semaphore_mem>>)
      %mul3A_86 = arith.constant 8 : i32
      %mul3A_87 = arith.muli %scan3A_8, %mul3A_86 : i32
      %add3A_88 = arith.constant 6 : i32
      %add3A_89 = arith.addi %mul3A_87, %add3A_88 : i32
      %dma_start3A_90 = arith.constant 768 : i32
      %dma_start3A_91 = arith.constant 0 : i32
      %dma_start3A_92 = tpu.memref_slice %arg6[%dma_start3A_90, %dma_start3A_91] : memref<1024x64xf32, #tpu.memory_space<vmem>> -> memref<128x64xf32, #tpu.memory_space<vmem>>
      %dma_start3A_93 = arith.constant 0 : i32
      %dma_start3A_94 = tpu.memref_slice %arg5[%add3A_89, %dma_start3A_93] : memref<40x128xi32, #tpu.memory_space<vmem>> -> memref<1x128xi32, #tpu.memory_space<vmem>>
      %dma_start3A_95 = tpu.memref_squeeze %dma_start3A_94 : memref<1x128xi32, #tpu.memory_space<vmem>> -> memref<128xi32, #tpu.memory_space<vmem>>
      %dma_start3A_96 = arith.constant 0 : i32
      %dma_start3A_97 = arith.constant 0 : i32
      %dma_start3A_98 = tpu.memref_slice %arg2[%dma_start3A_96, %dma_start3A_97] : memref<8192x64xf32, #tpu.memory_space<hbm>> -> memref<8192x64xf32, #tpu.memory_space<hbm>>
      tpu.enqueue_indirect_dma source(%dma_start3A_98 : memref<8192x64xf32, #tpu.memory_space<hbm>>) target(%dma_start3A_92 : memref<128x64xf32, #tpu.memory_space<vmem>>) offsets(%dma_start3A_95 : memref<128xi32, #tpu.memory_space<vmem>>) semaphore(%arg7 : memref<!tpu.dma_semaphore, #tpu.memory_space<semaphore_mem>>)
      %mul3A_99 = arith.constant 8 : i32
      %mul3A_100 = arith.muli %scan3A_8, %mul3A_99 : i32
      %add3A_101 = arith.constant 7 : i32
      %add3A_102 = arith.addi %mul3A_100, %add3A_101 : i32
      %dma_start3A_103 = arith.constant 896 : i32
      %dma_start3A_104 = arith.constant 0 : i32
      %dma_start3A_105 = tpu.memref_slice %arg6[%dma_start3A_103, %dma_start3A_104] : memref<1024x64xf32, #tpu.memory_space<vmem>> -> memref<128x64xf32, #tpu.memory_space<vmem>>
      %dma_start3A_106 = arith.constant 0 : i32
      %dma_start3A_107 = tpu.memref_slice %arg5[%add3A_102, %dma_start3A_106] : memref<40x128xi32, #tpu.memory_space<vmem>> -> memref<1x128xi32, #tpu.memory_space<vmem>>
      %dma_start3A_108 = tpu.memref_squeeze %dma_start3A_107 : memref<1x128xi32, #tpu.memory_space<vmem>> -> memref<128xi32, #tpu.memory_space<vmem>>
      %dma_start3A_109 = arith.constant 0 : i32
      %dma_start3A_110 = arith.constant 0 : i32
      %dma_start3A_111 = tpu.memref_slice %arg2[%dma_start3A_109, %dma_start3A_110] : memref<8192x64xf32, #tpu.memory_space<hbm>> -> memref<8192x64xf32, #tpu.memory_space<hbm>>
      tpu.enqueue_indirect_dma source(%dma_start3A_111 : memref<8192x64xf32, #tpu.memory_space<hbm>>) target(%dma_start3A_105 : memref<128x64xf32, #tpu.memory_space<vmem>>) offsets(%dma_start3A_108 : memref<128xi32, #tpu.memory_space<vmem>>) semaphore(%arg7 : memref<!tpu.dma_semaphore, #tpu.memory_space<semaphore_mem>>)
      %dma_wait3A = arith.constant 0 : i32
      %dma_wait3A_112 = arith.constant 0 : i32
      %dma_wait3A_113 = tpu.memref_slice %arg6[%dma_wait3A, %dma_wait3A_112] : memref<1024x64xf32, #tpu.memory_space<vmem>> -> memref<128x64xf32, #tpu.memory_space<vmem>>
      %dma_wait3A_114 = arith.constant 0 : i32
      %dma_wait3A_115 = tpu.memref_slice %arg5[%add3A_12, %dma_wait3A_114] : memref<40x128xi32, #tpu.memory_space<vmem>> -> memref<1x128xi32, #tpu.memory_space<vmem>>
      %dma_wait3A_116 = tpu.memref_squeeze %dma_wait3A_115 : memref<1x128xi32, #tpu.memory_space<vmem>> -> memref<128xi32, #tpu.memory_space<vmem>>
      %dma_wait3A_117 = arith.constant 0 : i32
      %dma_wait3A_118 = arith.constant 0 : i32
      %dma_wait3A_119 = tpu.memref_slice %arg2[%dma_wait3A_117, %dma_wait3A_118] : memref<8192x64xf32, #tpu.memory_space<hbm>> -> memref<8192x64xf32, #tpu.memory_space<hbm>>
      tpu.wait_indirect_dma semaphore(%arg7 : memref<!tpu.dma_semaphore, #tpu.memory_space<semaphore_mem>>) src(%dma_wait3A_119 : memref<8192x64xf32, #tpu.memory_space<hbm>>) dst(%dma_wait3A_113 : memref<128x64xf32, #tpu.memory_space<vmem>>)
      %dma_wait3A_120 = arith.constant 128 : i32
      %dma_wait3A_121 = arith.constant 0 : i32
      %dma_wait3A_122 = tpu.memref_slice %arg6[%dma_wait3A_120, %dma_wait3A_121] : memref<1024x64xf32, #tpu.memory_space<vmem>> -> memref<128x64xf32, #tpu.memory_space<vmem>>
      %dma_wait3A_123 = arith.constant 0 : i32
      %dma_wait3A_124 = tpu.memref_slice %arg5[%add3A_24, %dma_wait3A_123] : memref<40x128xi32, #tpu.memory_space<vmem>> -> memref<1x128xi32, #tpu.memory_space<vmem>>
      %dma_wait3A_125 = tpu.memref_squeeze %dma_wait3A_124 : memref<1x128xi32, #tpu.memory_space<vmem>> -> memref<128xi32, #tpu.memory_space<vmem>>
      %dma_wait3A_126 = arith.constant 0 : i32
      %dma_wait3A_127 = arith.constant 0 : i32
      %dma_wait3A_128 = tpu.memref_slice %arg2[%dma_wait3A_126, %dma_wait3A_127] : memref<8192x64xf32, #tpu.memory_space<hbm>> -> memref<8192x64xf32, #tpu.memory_space<hbm>>
      tpu.wait_indirect_dma semaphore(%arg7 : memref<!tpu.dma_semaphore, #tpu.memory_space<semaphore_mem>>) src(%dma_wait3A_128 : memref<8192x64xf32, #tpu.memory_space<hbm>>) dst(%dma_wait3A_122 : memref<128x64xf32, #tpu.memory_space<vmem>>)
      %dma_wait3A_129 = arith.constant 256 : i32
      %dma_wait3A_130 = arith.constant 0 : i32
      %dma_wait3A_131 = tpu.memref_slice %arg6[%dma_wait3A_129, %dma_wait3A_130] : memref<1024x64xf32, #tpu.memory_space<vmem>> -> memref<128x64xf32, #tpu.memory_space<vmem>>
      %dma_wait3A_132 = arith.constant 0 : i32
      %dma_wait3A_133 = tpu.memref_slice %arg5[%add3A_37, %dma_wait3A_132] : memref<40x128xi32, #tpu.memory_space<vmem>> -> memref<1x128xi32, #tpu.memory_space<vmem>>
      %dma_wait3A_134 = tpu.memref_squeeze %dma_wait3A_133 : memref<1x128xi32, #tpu.memory_space<vmem>> -> memref<128xi32, #tpu.memory_space<vmem>>
      %dma_wait3A_135 = arith.constant 0 : i32
      %dma_wait3A_136 = arith.constant 0 : i32
      %dma_wait3A_137 = tpu.memref_slice %arg2[%dma_wait3A_135, %dma_wait3A_136] : memref<8192x64xf32, #tpu.memory_space<hbm>> -> memref<8192x64xf32, #tpu.memory_space<hbm>>
      tpu.wait_indirect_dma semaphore(%arg7 : memref<!tpu.dma_semaphore, #tpu.memory_space<semaphore_mem>>) src(%dma_wait3A_137 : memref<8192x64xf32, #tpu.memory_space<hbm>>) dst(%dma_wait3A_131 : memref<128x64xf32, #tpu.memory_space<vmem>>)
      %dma_wait3A_138 = arith.constant 384 : i32
      %dma_wait3A_139 = arith.constant 0 : i32
      %dma_wait3A_140 = tpu.memref_slice %arg6[%dma_wait3A_138, %dma_wait3A_139] : memref<1024x64xf32, #tpu.memory_space<vmem>> -> memref<128x64xf32, #tpu.memory_space<vmem>>
      %dma_wait3A_141 = arith.constant 0 : i32
      %dma_wait3A_142 = tpu.memref_slice %arg5[%add3A_50, %dma_wait3A_141] : memref<40x128xi32, #tpu.memory_space<vmem>> -> memref<1x128xi32, #tpu.memory_space<vmem>>
      %dma_wait3A_143 = tpu.memref_squeeze %dma_wait3A_142 : memref<1x128xi32, #tpu.memory_space<vmem>> -> memref<128xi32, #tpu.memory_space<vmem>>
      %dma_wait3A_144 = arith.constant 0 : i32
      %dma_wait3A_145 = arith.constant 0 : i32
      %dma_wait3A_146 = tpu.memref_slice %arg2[%dma_wait3A_144, %dma_wait3A_145] : memref<8192x64xf32, #tpu.memory_space<hbm>> -> memref<8192x64xf32, #tpu.memory_space<hbm>>
      tpu.wait_indirect_dma semaphore(%arg7 : memref<!tpu.dma_semaphore, #tpu.memory_space<semaphore_mem>>) src(%dma_wait3A_146 : memref<8192x64xf32, #tpu.memory_space<hbm>>) dst(%dma_wait3A_140 : memref<128x64xf32, #tpu.memory_space<vmem>>)
      %dma_wait3A_147 = arith.constant 512 : i32
      %dma_wait3A_148 = arith.constant 0 : i32
      %dma_wait3A_149 = tpu.memref_slice %arg6[%dma_wait3A_147, %dma_wait3A_148] : memref<1024x64xf32, #tpu.memory_space<vmem>> -> memref<128x64xf32, #tpu.memory_space<vmem>>
      %dma_wait3A_150 = arith.constant 0 : i32
      %dma_wait3A_151 = tpu.memref_slice %arg5[%add3A_63, %dma_wait3A_150] : memref<40x128xi32, #tpu.memory_space<vmem>> -> memref<1x128xi32, #tpu.memory_space<vmem>>
      %dma_wait3A_152 = tpu.memref_squeeze %dma_wait3A_151 : memref<1x128xi32, #tpu.memory_space<vmem>> -> memref<128xi32, #tpu.memory_space<vmem>>
      %dma_wait3A_153 = arith.constant 0 : i32
      %dma_wait3A_154 = arith.constant 0 : i32
      %dma_wait3A_155 = tpu.memref_slice %arg2[%dma_wait3A_153, %dma_wait3A_154] : memref<8192x64xf32, #tpu.memory_space<hbm>> -> memref<8192x64xf32, #tpu.memory_space<hbm>>
      tpu.wait_indirect_dma semaphore(%arg7 : memref<!tpu.dma_semaphore, #tpu.memory_space<semaphore_mem>>) src(%dma_wait3A_155 : memref<8192x64xf32, #tpu.memory_space<hbm>>) dst(%dma_wait3A_149 : memref<128x64xf32, #tpu.memory_space<vmem>>)
      %dma_wait3A_156 = arith.constant 640 : i32
      %dma_wait3A_157 = arith.constant 0 : i32
      %dma_wait3A_158 = tpu.memref_slice %arg6[%dma_wait3A_156, %dma_wait3A_157] : memref<1024x64xf32, #tpu.memory_space<vmem>> -> memref<128x64xf32, #tpu.memory_space<vmem>>
      %dma_wait3A_159 = arith.constant 0 : i32
      %dma_wait3A_160 = tpu.memref_slice %arg5[%add3A_76, %dma_wait3A_159] : memref<40x128xi32, #tpu.memory_space<vmem>> -> memref<1x128xi32, #tpu.memory_space<vmem>>
      %dma_wait3A_161 = tpu.memref_squeeze %dma_wait3A_160 : memref<1x128xi32, #tpu.memory_space<vmem>> -> memref<128xi32, #tpu.memory_space<vmem>>
      %dma_wait3A_162 = arith.constant 0 : i32
      %dma_wait3A_163 = arith.constant 0 : i32
      %dma_wait3A_164 = tpu.memref_slice %arg2[%dma_wait3A_162, %dma_wait3A_163] : memref<8192x64xf32, #tpu.memory_space<hbm>> -> memref<8192x64xf32, #tpu.memory_space<hbm>>
      tpu.wait_indirect_dma semaphore(%arg7 : memref<!tpu.dma_semaphore, #tpu.memory_space<semaphore_mem>>) src(%dma_wait3A_164 : memref<8192x64xf32, #tpu.memory_space<hbm>>) dst(%dma_wait3A_158 : memref<128x64xf32, #tpu.memory_space<vmem>>)
      %dma_wait3A_165 = arith.constant 768 : i32
      %dma_wait3A_166 = arith.constant 0 : i32
      %dma_wait3A_167 = tpu.memref_slice %arg6[%dma_wait3A_165, %dma_wait3A_166] : memref<1024x64xf32, #tpu.memory_space<vmem>> -> memref<128x64xf32, #tpu.memory_space<vmem>>
      %dma_wait3A_168 = arith.constant 0 : i32
      %dma_wait3A_169 = tpu.memref_slice %arg5[%add3A_89, %dma_wait3A_168] : memref<40x128xi32, #tpu.memory_space<vmem>> -> memref<1x128xi32, #tpu.memory_space<vmem>>
      %dma_wait3A_170 = tpu.memref_squeeze %dma_wait3A_169 : memref<1x128xi32, #tpu.memory_space<vmem>> -> memref<128xi32, #tpu.memory_space<vmem>>
      %dma_wait3A_171 = arith.constant 0 : i32
      %dma_wait3A_172 = arith.constant 0 : i32
      %dma_wait3A_173 = tpu.memref_slice %arg2[%dma_wait3A_171, %dma_wait3A_172] : memref<8192x64xf32, #tpu.memory_space<hbm>> -> memref<8192x64xf32, #tpu.memory_space<hbm>>
      tpu.wait_indirect_dma semaphore(%arg7 : memref<!tpu.dma_semaphore, #tpu.memory_space<semaphore_mem>>) src(%dma_wait3A_173 : memref<8192x64xf32, #tpu.memory_space<hbm>>) dst(%dma_wait3A_167 : memref<128x64xf32, #tpu.memory_space<vmem>>)
      %dma_wait3A_174 = arith.constant 896 : i32
      %dma_wait3A_175 = arith.constant 0 : i32
      %dma_wait3A_176 = tpu.memref_slice %arg6[%dma_wait3A_174, %dma_wait3A_175] : memref<1024x64xf32, #tpu.memory_space<vmem>> -> memref<128x64xf32, #tpu.memory_space<vmem>>
      %dma_wait3A_177 = arith.constant 0 : i32
      %dma_wait3A_178 = tpu.memref_slice %arg5[%add3A_102, %dma_wait3A_177] : memref<40x128xi32, #tpu.memory_space<vmem>> -> memref<1x128xi32, #tpu.memory_space<vmem>>
      %dma_wait3A_179 = tpu.memref_squeeze %dma_wait3A_178 : memref<1x128xi32, #tpu.memory_space<vmem>> -> memref<128xi32, #tpu.memory_space<vmem>>
      %dma_wait3A_180 = arith.constant 0 : i32
      %dma_wait3A_181 = arith.constant 0 : i32
      %dma_wait3A_182 = tpu.memref_slice %arg2[%dma_wait3A_180, %dma_wait3A_181] : memref<8192x64xf32, #tpu.memory_space<hbm>> -> memref<8192x64xf32, #tpu.memory_space<hbm>>
      tpu.wait_indirect_dma semaphore(%arg7 : memref<!tpu.dma_semaphore, #tpu.memory_space<semaphore_mem>>) src(%dma_wait3A_182 : memref<8192x64xf32, #tpu.memory_space<hbm>>) dst(%dma_wait3A_176 : memref<128x64xf32, #tpu.memory_space<vmem>>)
      %mul3A_183 = arith.constant 1024 : i32
      %mul3A_184 = arith.muli %scan3A_8, %mul3A_183 : i32
      %add3A_185 = arith.addi %mul3A_2, %mul3A_184 : i32
      "tpu.region"() ({
        %run_scoped3A = tpu.sem_alloc : memref<!tpu.dma_semaphore, #tpu.memory_space<semaphore_mem>>
        %dma_start3A_186 = arith.constant 0 : i32
        %dma_start3A_187 = tpu.memref_slice %arg4[%add3A_185, %dma_start3A_186] : memref<163840x64xf32, #tpu.memory_space<hbm>> -> memref<1024x64xf32, #tpu.memory_space<hbm>>
        %dma_start3A_188 = arith.constant 0 : i32
        %dma_start3A_189 = tpu.memref_slice %arg4[%add3A_185, %dma_start3A_188] : memref<163840x64xf32, #tpu.memory_space<hbm>> -> memref<1024x64xf32, #tpu.memory_space<hbm>>
        tpu.enqueue_dma source(%arg6 : memref<1024x64xf32, #tpu.memory_space<vmem>>) target(%dma_start3A_189 : memref<1024x64xf32, #tpu.memory_space<hbm>>) target_semaphore(%run_scoped3A : memref<!tpu.dma_semaphore, #tpu.memory_space<semaphore_mem>>)
        %dma_wait3A_190 = arith.constant 0 : i32
        %dma_wait3A_191 = tpu.memref_slice %arg4[%add3A_185, %dma_wait3A_190] : memref<163840x64xf32, #tpu.memory_space<hbm>> -> memref<1024x64xf32, #tpu.memory_space<hbm>>
        %dma_wait3A_192 = arith.constant 0 : i32
        %dma_wait3A_193 = tpu.memref_slice %arg4[%add3A_185, %dma_wait3A_192] : memref<163840x64xf32, #tpu.memory_space<hbm>> -> memref<1024x64xf32, #tpu.memory_space<hbm>>
        tpu.wait_dma2 semaphore(%run_scoped3A : memref<!tpu.dma_semaphore, #tpu.memory_space<semaphore_mem>>) src(%arg6 : memref<1024x64xf32, #tpu.memory_space<vmem>>) dst(%dma_wait3A_193 : memref<1024x64xf32, #tpu.memory_space<hbm>>)
        tpu.yield
      }) : () -> ()
    }
    %scan3A_7 = arith.constant 5 : i32
    return
  }
}

#map = affine_map<(d0, d1) -> (0, 0)>
#map1 = affine_map<(d0, d1) -> (0, 0, 0)>
module attributes {stable_mosaic.version = 14 : i64} {
  func.func @gk(%arg0: i32, %arg1: i32, %arg2: memref<8192x64xf32, #tpu.memory_space<hbm>>, %arg3: memref<32x40x128xi32, #tpu.memory_space<hbm>>, %arg4: memref<163840x64xf32, #tpu.memory_space<hbm>>, %arg5: memref<40x128xi32, #tpu.memory_space<vmem>>, %arg6: memref<1024x64xf32, #tpu.memory_space<vmem>>, %arg7: memref<!tpu.dma_semaphore, #tpu.memory_space<semaphore_mem>>) attributes {dimension_semantics = [#tpu.dimension_semantics<core_parallel>, #tpu.dimension_semantics<subcore_parallel>], iteration_bounds = array<i64: 2, 16>, scalar_prefetch = 0 : i64, scratch_operands = 3 : i64, tpu.core_type = #tpu.core_type<sc_vector_subcore>, window_params = [{transform_indices = #map}, {transform_indices = #map1}, {transform_indices = #map}]} {
    %mul3A = arith.constant 2 : i32
    %mul3A_0 = arith.muli %arg1, %mul3A : i32
    %add3A = arith.addi %mul3A_0, %arg0 : i32
    %mul3A_1 = arith.constant 5120 : i32
    %mul3A_2 = arith.muli %add3A, %mul3A_1 : i32
    "tpu.region"() ({
      %run_scoped3A = tpu.sem_alloc : memref<!tpu.dma_semaphore, #tpu.memory_space<semaphore_mem>>
      %dma_start3A = arith.constant 0 : i32
      %dma_start3A_8 = arith.constant 0 : i32
      %dma_start3A_9 = tpu.memref_slice %arg3[%add3A, %dma_start3A, %dma_start3A_8] : memref<32x40x128xi32, #tpu.memory_space<hbm>> -> memref<1x40x128xi32, #tpu.memory_space<hbm>>
      %dma_start3A_10 = tpu.memref_squeeze %dma_start3A_9 : memref<1x40x128xi32, #tpu.memory_space<hbm>> -> memref<40x128xi32, #tpu.memory_space<hbm>>
      %dma_start3A_11 = arith.constant 0 : i32
      %dma_start3A_12 = arith.constant 0 : i32
      %dma_start3A_13 = tpu.memref_slice %arg3[%add3A, %dma_start3A_11, %dma_start3A_12] : memref<32x40x128xi32, #tpu.memory_space<hbm>> -> memref<1x40x128xi32, #tpu.memory_space<hbm>>
      %dma_start3A_14 = tpu.memref_squeeze %dma_start3A_13 : memref<1x40x128xi32, #tpu.memory_space<hbm>> -> memref<40x128xi32, #tpu.memory_space<hbm>>
      tpu.enqueue_dma source(%dma_start3A_14 : memref<40x128xi32, #tpu.memory_space<hbm>>) target(%arg5 : memref<40x128xi32, #tpu.memory_space<vmem>>) target_semaphore(%run_scoped3A : memref<!tpu.dma_semaphore, #tpu.memory_space<semaphore_mem>>)
      %dma_wait3A = arith.constant 0 : i32
      %dma_wait3A_15 = arith.constant 0 : i32
      %dma_wait3A_16 = tpu.memref_slice %arg3[%add3A, %dma_wait3A, %dma_wait3A_15] : memref<32x40x128xi32, #tpu.memory_space<hbm>> -> memref<1x40x128xi32, #tpu.memory_space<hbm>>
      %dma_wait3A_17 = tpu.memref_squeeze %dma_wait3A_16 : memref<1x40x128xi32, #tpu.memory_space<hbm>> -> memref<40x128xi32, #tpu.memory_space<hbm>>
      %dma_wait3A_18 = arith.constant 0 : i32
      %dma_wait3A_19 = arith.constant 0 : i32
      %dma_wait3A_20 = tpu.memref_slice %arg3[%add3A, %dma_wait3A_18, %dma_wait3A_19] : memref<32x40x128xi32, #tpu.memory_space<hbm>> -> memref<1x40x128xi32, #tpu.memory_space<hbm>>
      %dma_wait3A_21 = tpu.memref_squeeze %dma_wait3A_20 : memref<1x40x128xi32, #tpu.memory_space<hbm>> -> memref<40x128xi32, #tpu.memory_space<hbm>>
      tpu.wait_dma2 semaphore(%run_scoped3A : memref<!tpu.dma_semaphore, #tpu.memory_space<semaphore_mem>>) src(%dma_wait3A_21 : memref<40x128xi32, #tpu.memory_space<hbm>>) dst(%arg5 : memref<40x128xi32, #tpu.memory_space<vmem>>)
      tpu.yield
    }) : () -> ()
    %scan3A = arith.constant 0 : i32
    %scan3A_3 = arith.constant 0 : i32
    %scan3A_4 = arith.constant 5 : i32
    %scan3A_5 = arith.addi %scan3A_3, %scan3A_4 : i32
    %scan3A_6 = arith.constant 1 : i32
    scf.for %scan3A_8 = %scan3A_3 to %scan3A_5 step %scan3A_6  : i32 {
      %mul3A_9 = arith.constant 8 : i32
      %mul3A_10 = arith.muli %scan3A_8, %mul3A_9 : i32
      %add3A_11 = arith.constant 0 : i32
      %add3A_12 = arith.addi %mul3A_10, %add3A_11 : i32
      %dma_start3A = arith.constant 0 : i32
      %dma_start3A_13 = arith.constant 0 : i32
      %dma_start3A_14 = tpu.memref_slice %arg6[%dma_start3A, %dma_start3A_13] : memref<1024x64xf32, #tpu.memory_space<vmem>> -> memref<128x64xf32, #tpu.memory_space<vmem>>
      %dma_start3A_15 = arith.constant 0 : i32
      %dma_start3A_16 = tpu.memref_slice %arg5[%add3A_12, %dma_start3A_15] : memref<40x128xi32, #tpu.memory_space<vmem>> -> memref<1x128xi32, #tpu.memory_space<vmem>>
      %dma_start3A_17 = tpu.memref_squeeze %dma_start3A_16 : memref<1x128xi32, #tpu.memory_space<vmem>> -> memref<128xi32, #tpu.memory_space<vmem>>
      %dma_start3A_18 = arith.constant 0 : i32
      %dma_start3A_19 = arith.constant 0 : i32
      %dma_start3A_20 = tpu.memref_slice %arg2[%dma_start3A_18, %dma_start3A_19] : memref<8192x64xf32, #tpu.memory_space<hbm>> -> memref<8192x64xf32, #tpu.memory_space<hbm>>
      tpu.enqueue_indirect_dma source(%dma_start3A_20 : memref<8192x64xf32, #tpu.memory_space<hbm>>) target(%dma_start3A_14 : memref<128x64xf32, #tpu.memory_space<vmem>>) offsets(%dma_start3A_17 : memref<128xi32, #tpu.memory_space<vmem>>) semaphore(%arg7 : memref<!tpu.dma_semaphore, #tpu.memory_space<semaphore_mem>>)
      %mul3A_21 = arith.constant 8 : i32
      %mul3A_22 = arith.muli %scan3A_8, %mul3A_21 : i32
      %add3A_23 = arith.constant 1 : i32
      %add3A_24 = arith.addi %mul3A_22, %add3A_23 : i32
      %dma_start3A_25 = arith.constant 128 : i32
      %dma_start3A_26 = arith.constant 0 : i32
      %dma_start3A_27 = tpu.memref_slice %arg6[%dma_start3A_25, %dma_start3A_26] : memref<1024x64xf32, #tpu.memory_space<vmem>> -> memref<128x64xf32, #tpu.memory_space<vmem>>
      %dma_start3A_28 = arith.constant 0 : i32
      %dma_start3A_29 = tpu.memref_slice %arg5[%add3A_24, %dma_start3A_28] : memref<40x128xi32, #tpu.memory_space<vmem>> -> memref<1x128xi32, #tpu.memory_space<vmem>>
      %dma_start3A_30 = tpu.memref_squeeze %dma_start3A_29 : memref<1x128xi32, #tpu.memory_space<vmem>> -> memref<128xi32, #tpu.memory_space<vmem>>
      %dma_start3A_31 = arith.constant 0 : i32
      %dma_start3A_32 = arith.constant 0 : i32
      %dma_start3A_33 = tpu.memref_slice %arg2[%dma_start3A_31, %dma_start3A_32] : memref<8192x64xf32, #tpu.memory_space<hbm>> -> memref<8192x64xf32, #tpu.memory_space<hbm>>
      tpu.enqueue_indirect_dma source(%dma_start3A_33 : memref<8192x64xf32, #tpu.memory_space<hbm>>) target(%dma_start3A_27 : memref<128x64xf32, #tpu.memory_space<vmem>>) offsets(%dma_start3A_30 : memref<128xi32, #tpu.memory_space<vmem>>) semaphore(%arg7 : memref<!tpu.dma_semaphore, #tpu.memory_space<semaphore_mem>>)
      %mul3A_34 = arith.constant 8 : i32
      %mul3A_35 = arith.muli %scan3A_8, %mul3A_34 : i32
      %add3A_36 = arith.constant 2 : i32
      %add3A_37 = arith.addi %mul3A_35, %add3A_36 : i32
      %dma_start3A_38 = arith.constant 256 : i32
      %dma_start3A_39 = arith.constant 0 : i32
      %dma_start3A_40 = tpu.memref_slice %arg6[%dma_start3A_38, %dma_start3A_39] : memref<1024x64xf32, #tpu.memory_space<vmem>> -> memref<128x64xf32, #tpu.memory_space<vmem>>
      %dma_start3A_41 = arith.constant 0 : i32
      %dma_start3A_42 = tpu.memref_slice %arg5[%add3A_37, %dma_start3A_41] : memref<40x128xi32, #tpu.memory_space<vmem>> -> memref<1x128xi32, #tpu.memory_space<vmem>>
      %dma_start3A_43 = tpu.memref_squeeze %dma_start3A_42 : memref<1x128xi32, #tpu.memory_space<vmem>> -> memref<128xi32, #tpu.memory_space<vmem>>
      %dma_start3A_44 = arith.constant 0 : i32
      %dma_start3A_45 = arith.constant 0 : i32
      %dma_start3A_46 = tpu.memref_slice %arg2[%dma_start3A_44, %dma_start3A_45] : memref<8192x64xf32, #tpu.memory_space<hbm>> -> memref<8192x64xf32, #tpu.memory_space<hbm>>
      tpu.enqueue_indirect_dma source(%dma_start3A_46 : memref<8192x64xf32, #tpu.memory_space<hbm>>) target(%dma_start3A_40 : memref<128x64xf32, #tpu.memory_space<vmem>>) offsets(%dma_start3A_43 : memref<128xi32, #tpu.memory_space<vmem>>) semaphore(%arg7 : memref<!tpu.dma_semaphore, #tpu.memory_space<semaphore_mem>>)
      %mul3A_47 = arith.constant 8 : i32
      %mul3A_48 = arith.muli %scan3A_8, %mul3A_47 : i32
      %add3A_49 = arith.constant 3 : i32
      %add3A_50 = arith.addi %mul3A_48, %add3A_49 : i32
      %dma_start3A_51 = arith.constant 384 : i32
      %dma_start3A_52 = arith.constant 0 : i32
      %dma_start3A_53 = tpu.memref_slice %arg6[%dma_start3A_51, %dma_start3A_52] : memref<1024x64xf32, #tpu.memory_space<vmem>> -> memref<128x64xf32, #tpu.memory_space<vmem>>
      %dma_start3A_54 = arith.constant 0 : i32
      %dma_start3A_55 = tpu.memref_slice %arg5[%add3A_50, %dma_start3A_54] : memref<40x128xi32, #tpu.memory_space<vmem>> -> memref<1x128xi32, #tpu.memory_space<vmem>>
      %dma_start3A_56 = tpu.memref_squeeze %dma_start3A_55 : memref<1x128xi32, #tpu.memory_space<vmem>> -> memref<128xi32, #tpu.memory_space<vmem>>
      %dma_start3A_57 = arith.constant 0 : i32
      %dma_start3A_58 = arith.constant 0 : i32
      %dma_start3A_59 = tpu.memref_slice %arg2[%dma_start3A_57, %dma_start3A_58] : memref<8192x64xf32, #tpu.memory_space<hbm>> -> memref<8192x64xf32, #tpu.memory_space<hbm>>
      tpu.enqueue_indirect_dma source(%dma_start3A_59 : memref<8192x64xf32, #tpu.memory_space<hbm>>) target(%dma_start3A_53 : memref<128x64xf32, #tpu.memory_space<vmem>>) offsets(%dma_start3A_56 : memref<128xi32, #tpu.memory_space<vmem>>) semaphore(%arg7 : memref<!tpu.dma_semaphore, #tpu.memory_space<semaphore_mem>>)
      %mul3A_60 = arith.constant 8 : i32
      %mul3A_61 = arith.muli %scan3A_8, %mul3A_60 : i32
      %add3A_62 = arith.constant 4 : i32
      %add3A_63 = arith.addi %mul3A_61, %add3A_62 : i32
      %dma_start3A_64 = arith.constant 512 : i32
      %dma_start3A_65 = arith.constant 0 : i32
      %dma_start3A_66 = tpu.memref_slice %arg6[%dma_start3A_64, %dma_start3A_65] : memref<1024x64xf32, #tpu.memory_space<vmem>> -> memref<128x64xf32, #tpu.memory_space<vmem>>
      %dma_start3A_67 = arith.constant 0 : i32
      %dma_start3A_68 = tpu.memref_slice %arg5[%add3A_63, %dma_start3A_67] : memref<40x128xi32, #tpu.memory_space<vmem>> -> memref<1x128xi32, #tpu.memory_space<vmem>>
      %dma_start3A_69 = tpu.memref_squeeze %dma_start3A_68 : memref<1x128xi32, #tpu.memory_space<vmem>> -> memref<128xi32, #tpu.memory_space<vmem>>
      %dma_start3A_70 = arith.constant 0 : i32
      %dma_start3A_71 = arith.constant 0 : i32
      %dma_start3A_72 = tpu.memref_slice %arg2[%dma_start3A_70, %dma_start3A_71] : memref<8192x64xf32, #tpu.memory_space<hbm>> -> memref<8192x64xf32, #tpu.memory_space<hbm>>
      tpu.enqueue_indirect_dma source(%dma_start3A_72 : memref<8192x64xf32, #tpu.memory_space<hbm>>) target(%dma_start3A_66 : memref<128x64xf32, #tpu.memory_space<vmem>>) offsets(%dma_start3A_69 : memref<128xi32, #tpu.memory_space<vmem>>) semaphore(%arg7 : memref<!tpu.dma_semaphore, #tpu.memory_space<semaphore_mem>>)
      %mul3A_73 = arith.constant 8 : i32
      %mul3A_74 = arith.muli %scan3A_8, %mul3A_73 : i32
      %add3A_75 = arith.constant 5 : i32
      %add3A_76 = arith.addi %mul3A_74, %add3A_75 : i32
      %dma_start3A_77 = arith.constant 640 : i32
      %dma_start3A_78 = arith.constant 0 : i32
      %dma_start3A_79 = tpu.memref_slice %arg6[%dma_start3A_77, %dma_start3A_78] : memref<1024x64xf32, #tpu.memory_space<vmem>> -> memref<128x64xf32, #tpu.memory_space<vmem>>
      %dma_start3A_80 = arith.constant 0 : i32
      %dma_start3A_81 = tpu.memref_slice %arg5[%add3A_76, %dma_start3A_80] : memref<40x128xi32, #tpu.memory_space<vmem>> -> memref<1x128xi32, #tpu.memory_space<vmem>>
      %dma_start3A_82 = tpu.memref_squeeze %dma_start3A_81 : memref<1x128xi32, #tpu.memory_space<vmem>> -> memref<128xi32, #tpu.memory_space<vmem>>
      %dma_start3A_83 = arith.constant 0 : i32
      %dma_start3A_84 = arith.constant 0 : i32
      %dma_start3A_85 = tpu.memref_slice %arg2[%dma_start3A_83, %dma_start3A_84] : memref<8192x64xf32, #tpu.memory_space<hbm>> -> memref<8192x64xf32, #tpu.memory_space<hbm>>
      tpu.enqueue_indirect_dma source(%dma_start3A_85 : memref<8192x64xf32, #tpu.memory_space<hbm>>) target(%dma_start3A_79 : memref<128x64xf32, #tpu.memory_space<vmem>>) offsets(%dma_start3A_82 : memref<128xi32, #tpu.memory_space<vmem>>) semaphore(%arg7 : memref<!tpu.dma_semaphore, #tpu.memory_space<semaphore_mem>>)
      %mul3A_86 = arith.constant 8 : i32
      %mul3A_87 = arith.muli %scan3A_8, %mul3A_86 : i32
      %add3A_88 = arith.constant 6 : i32
      %add3A_89 = arith.addi %mul3A_87, %add3A_88 : i32
      %dma_start3A_90 = arith.constant 768 : i32
      %dma_start3A_91 = arith.constant 0 : i32
      %dma_start3A_92 = tpu.memref_slice %arg6[%dma_start3A_90, %dma_start3A_91] : memref<1024x64xf32, #tpu.memory_space<vmem>> -> memref<128x64xf32, #tpu.memory_space<vmem>>
      %dma_start3A_93 = arith.constant 0 : i32
      %dma_start3A_94 = tpu.memref_slice %arg5[%add3A_89, %dma_start3A_93] : memref<40x128xi32, #tpu.memory_space<vmem>> -> memref<1x128xi32, #tpu.memory_space<vmem>>
      %dma_start3A_95 = tpu.memref_squeeze %dma_start3A_94 : memref<1x128xi32, #tpu.memory_space<vmem>> -> memref<128xi32, #tpu.memory_space<vmem>>
      %dma_start3A_96 = arith.constant 0 : i32
      %dma_start3A_97 = arith.constant 0 : i32
      %dma_start3A_98 = tpu.memref_slice %arg2[%dma_start3A_96, %dma_start3A_97] : memref<8192x64xf32, #tpu.memory_space<hbm>> -> memref<8192x64xf32, #tpu.memory_space<hbm>>
      tpu.enqueue_indirect_dma source(%dma_start3A_98 : memref<8192x64xf32, #tpu.memory_space<hbm>>) target(%dma_start3A_92 : memref<128x64xf32, #tpu.memory_space<vmem>>) offsets(%dma_start3A_95 : memref<128xi32, #tpu.memory_space<vmem>>) semaphore(%arg7 : memref<!tpu.dma_semaphore, #tpu.memory_space<semaphore_mem>>)
      %mul3A_99 = arith.constant 8 : i32
      %mul3A_100 = arith.muli %scan3A_8, %mul3A_99 : i32
      %add3A_101 = arith.constant 7 : i32
      %add3A_102 = arith.addi %mul3A_100, %add3A_101 : i32
      %dma_start3A_103 = arith.constant 896 : i32
      %dma_start3A_104 = arith.constant 0 : i32
      %dma_start3A_105 = tpu.memref_slice %arg6[%dma_start3A_103, %dma_start3A_104] : memref<1024x64xf32, #tpu.memory_space<vmem>> -> memref<128x64xf32, #tpu.memory_space<vmem>>
      %dma_start3A_106 = arith.constant 0 : i32
      %dma_start3A_107 = tpu.memref_slice %arg5[%add3A_102, %dma_start3A_106] : memref<40x128xi32, #tpu.memory_space<vmem>> -> memref<1x128xi32, #tpu.memory_space<vmem>>
      %dma_start3A_108 = tpu.memref_squeeze %dma_start3A_107 : memref<1x128xi32, #tpu.memory_space<vmem>> -> memref<128xi32, #tpu.memory_space<vmem>>
      %dma_start3A_109 = arith.constant 0 : i32
      %dma_start3A_110 = arith.constant 0 : i32
      %dma_start3A_111 = tpu.memref_slice %arg2[%dma_start3A_109, %dma_start3A_110] : memref<8192x64xf32, #tpu.memory_space<hbm>> -> memref<8192x64xf32, #tpu.memory_space<hbm>>
      tpu.enqueue_indirect_dma source(%dma_start3A_111 : memref<8192x64xf32, #tpu.memory_space<hbm>>) target(%dma_start3A_105 : memref<128x64xf32, #tpu.memory_space<vmem>>) offsets(%dma_start3A_108 : memref<128xi32, #tpu.memory_space<vmem>>) semaphore(%arg7 : memref<!tpu.dma_semaphore, #tpu.memory_space<semaphore_mem>>)
      %dma_wait3A = arith.constant 0 : i32
      %dma_wait3A_112 = arith.constant 0 : i32
      %dma_wait3A_113 = tpu.memref_slice %arg6[%dma_wait3A, %dma_wait3A_112] : memref<1024x64xf32, #tpu.memory_space<vmem>> -> memref<128x64xf32, #tpu.memory_space<vmem>>
      %dma_wait3A_114 = arith.constant 0 : i32
      %dma_wait3A_115 = tpu.memref_slice %arg5[%add3A_12, %dma_wait3A_114] : memref<40x128xi32, #tpu.memory_space<vmem>> -> memref<1x128xi32, #tpu.memory_space<vmem>>
      %dma_wait3A_116 = tpu.memref_squeeze %dma_wait3A_115 : memref<1x128xi32, #tpu.memory_space<vmem>> -> memref<128xi32, #tpu.memory_space<vmem>>
      %dma_wait3A_117 = arith.constant 0 : i32
      %dma_wait3A_118 = arith.constant 0 : i32
      %dma_wait3A_119 = tpu.memref_slice %arg2[%dma_wait3A_117, %dma_wait3A_118] : memref<8192x64xf32, #tpu.memory_space<hbm>> -> memref<8192x64xf32, #tpu.memory_space<hbm>>
      tpu.wait_indirect_dma semaphore(%arg7 : memref<!tpu.dma_semaphore, #tpu.memory_space<semaphore_mem>>) src(%dma_wait3A_119 : memref<8192x64xf32, #tpu.memory_space<hbm>>) dst(%dma_wait3A_113 : memref<128x64xf32, #tpu.memory_space<vmem>>)
      %dma_wait3A_120 = arith.constant 128 : i32
      %dma_wait3A_121 = arith.constant 0 : i32
      %dma_wait3A_122 = tpu.memref_slice %arg6[%dma_wait3A_120, %dma_wait3A_121] : memref<1024x64xf32, #tpu.memory_space<vmem>> -> memref<128x64xf32, #tpu.memory_space<vmem>>
      %dma_wait3A_123 = arith.constant 0 : i32
      %dma_wait3A_124 = tpu.memref_slice %arg5[%add3A_24, %dma_wait3A_123] : memref<40x128xi32, #tpu.memory_space<vmem>> -> memref<1x128xi32, #tpu.memory_space<vmem>>
      %dma_wait3A_125 = tpu.memref_squeeze %dma_wait3A_124 : memref<1x128xi32, #tpu.memory_space<vmem>> -> memref<128xi32, #tpu.memory_space<vmem>>
      %dma_wait3A_126 = arith.constant 0 : i32
      %dma_wait3A_127 = arith.constant 0 : i32
      %dma_wait3A_128 = tpu.memref_slice %arg2[%dma_wait3A_126, %dma_wait3A_127] : memref<8192x64xf32, #tpu.memory_space<hbm>> -> memref<8192x64xf32, #tpu.memory_space<hbm>>
      tpu.wait_indirect_dma semaphore(%arg7 : memref<!tpu.dma_semaphore, #tpu.memory_space<semaphore_mem>>) src(%dma_wait3A_128 : memref<8192x64xf32, #tpu.memory_space<hbm>>) dst(%dma_wait3A_122 : memref<128x64xf32, #tpu.memory_space<vmem>>)
      %dma_wait3A_129 = arith.constant 256 : i32
      %dma_wait3A_130 = arith.constant 0 : i32
      %dma_wait3A_131 = tpu.memref_slice %arg6[%dma_wait3A_129, %dma_wait3A_130] : memref<1024x64xf32, #tpu.memory_space<vmem>> -> memref<128x64xf32, #tpu.memory_space<vmem>>
      %dma_wait3A_132 = arith.constant 0 : i32
      %dma_wait3A_133 = tpu.memref_slice %arg5[%add3A_37, %dma_wait3A_132] : memref<40x128xi32, #tpu.memory_space<vmem>> -> memref<1x128xi32, #tpu.memory_space<vmem>>
      %dma_wait3A_134 = tpu.memref_squeeze %dma_wait3A_133 : memref<1x128xi32, #tpu.memory_space<vmem>> -> memref<128xi32, #tpu.memory_space<vmem>>
      %dma_wait3A_135 = arith.constant 0 : i32
      %dma_wait3A_136 = arith.constant 0 : i32
      %dma_wait3A_137 = tpu.memref_slice %arg2[%dma_wait3A_135, %dma_wait3A_136] : memref<8192x64xf32, #tpu.memory_space<hbm>> -> memref<8192x64xf32, #tpu.memory_space<hbm>>
      tpu.wait_indirect_dma semaphore(%arg7 : memref<!tpu.dma_semaphore, #tpu.memory_space<semaphore_mem>>) src(%dma_wait3A_137 : memref<8192x64xf32, #tpu.memory_space<hbm>>) dst(%dma_wait3A_131 : memref<128x64xf32, #tpu.memory_space<vmem>>)
      %dma_wait3A_138 = arith.constant 384 : i32
      %dma_wait3A_139 = arith.constant 0 : i32
      %dma_wait3A_140 = tpu.memref_slice %arg6[%dma_wait3A_138, %dma_wait3A_139] : memref<1024x64xf32, #tpu.memory_space<vmem>> -> memref<128x64xf32, #tpu.memory_space<vmem>>
      %dma_wait3A_141 = arith.constant 0 : i32
      %dma_wait3A_142 = tpu.memref_slice %arg5[%add3A_50, %dma_wait3A_141] : memref<40x128xi32, #tpu.memory_space<vmem>> -> memref<1x128xi32, #tpu.memory_space<vmem>>
      %dma_wait3A_143 = tpu.memref_squeeze %dma_wait3A_142 : memref<1x128xi32, #tpu.memory_space<vmem>> -> memref<128xi32, #tpu.memory_space<vmem>>
      %dma_wait3A_144 = arith.constant 0 : i32
      %dma_wait3A_145 = arith.constant 0 : i32
      %dma_wait3A_146 = tpu.memref_slice %arg2[%dma_wait3A_144, %dma_wait3A_145] : memref<8192x64xf32, #tpu.memory_space<hbm>> -> memref<8192x64xf32, #tpu.memory_space<hbm>>
      tpu.wait_indirect_dma semaphore(%arg7 : memref<!tpu.dma_semaphore, #tpu.memory_space<semaphore_mem>>) src(%dma_wait3A_146 : memref<8192x64xf32, #tpu.memory_space<hbm>>) dst(%dma_wait3A_140 : memref<128x64xf32, #tpu.memory_space<vmem>>)
      %dma_wait3A_147 = arith.constant 512 : i32
      %dma_wait3A_148 = arith.constant 0 : i32
      %dma_wait3A_149 = tpu.memref_slice %arg6[%dma_wait3A_147, %dma_wait3A_148] : memref<1024x64xf32, #tpu.memory_space<vmem>> -> memref<128x64xf32, #tpu.memory_space<vmem>>
      %dma_wait3A_150 = arith.constant 0 : i32
      %dma_wait3A_151 = tpu.memref_slice %arg5[%add3A_63, %dma_wait3A_150] : memref<40x128xi32, #tpu.memory_space<vmem>> -> memref<1x128xi32, #tpu.memory_space<vmem>>
      %dma_wait3A_152 = tpu.memref_squeeze %dma_wait3A_151 : memref<1x128xi32, #tpu.memory_space<vmem>> -> memref<128xi32, #tpu.memory_space<vmem>>
      %dma_wait3A_153 = arith.constant 0 : i32
      %dma_wait3A_154 = arith.constant 0 : i32
      %dma_wait3A_155 = tpu.memref_slice %arg2[%dma_wait3A_153, %dma_wait3A_154] : memref<8192x64xf32, #tpu.memory_space<hbm>> -> memref<8192x64xf32, #tpu.memory_space<hbm>>
      tpu.wait_indirect_dma semaphore(%arg7 : memref<!tpu.dma_semaphore, #tpu.memory_space<semaphore_mem>>) src(%dma_wait3A_155 : memref<8192x64xf32, #tpu.memory_space<hbm>>) dst(%dma_wait3A_149 : memref<128x64xf32, #tpu.memory_space<vmem>>)
      %dma_wait3A_156 = arith.constant 640 : i32
      %dma_wait3A_157 = arith.constant 0 : i32
      %dma_wait3A_158 = tpu.memref_slice %arg6[%dma_wait3A_156, %dma_wait3A_157] : memref<1024x64xf32, #tpu.memory_space<vmem>> -> memref<128x64xf32, #tpu.memory_space<vmem>>
      %dma_wait3A_159 = arith.constant 0 : i32
      %dma_wait3A_160 = tpu.memref_slice %arg5[%add3A_76, %dma_wait3A_159] : memref<40x128xi32, #tpu.memory_space<vmem>> -> memref<1x128xi32, #tpu.memory_space<vmem>>
      %dma_wait3A_161 = tpu.memref_squeeze %dma_wait3A_160 : memref<1x128xi32, #tpu.memory_space<vmem>> -> memref<128xi32, #tpu.memory_space<vmem>>
      %dma_wait3A_162 = arith.constant 0 : i32
      %dma_wait3A_163 = arith.constant 0 : i32
      %dma_wait3A_164 = tpu.memref_slice %arg2[%dma_wait3A_162, %dma_wait3A_163] : memref<8192x64xf32, #tpu.memory_space<hbm>> -> memref<8192x64xf32, #tpu.memory_space<hbm>>
      tpu.wait_indirect_dma semaphore(%arg7 : memref<!tpu.dma_semaphore, #tpu.memory_space<semaphore_mem>>) src(%dma_wait3A_164 : memref<8192x64xf32, #tpu.memory_space<hbm>>) dst(%dma_wait3A_158 : memref<128x64xf32, #tpu.memory_space<vmem>>)
      %dma_wait3A_165 = arith.constant 768 : i32
      %dma_wait3A_166 = arith.constant 0 : i32
      %dma_wait3A_167 = tpu.memref_slice %arg6[%dma_wait3A_165, %dma_wait3A_166] : memref<1024x64xf32, #tpu.memory_space<vmem>> -> memref<128x64xf32, #tpu.memory_space<vmem>>
      %dma_wait3A_168 = arith.constant 0 : i32
      %dma_wait3A_169 = tpu.memref_slice %arg5[%add3A_89, %dma_wait3A_168] : memref<40x128xi32, #tpu.memory_space<vmem>> -> memref<1x128xi32, #tpu.memory_space<vmem>>
      %dma_wait3A_170 = tpu.memref_squeeze %dma_wait3A_169 : memref<1x128xi32, #tpu.memory_space<vmem>> -> memref<128xi32, #tpu.memory_space<vmem>>
      %dma_wait3A_171 = arith.constant 0 : i32
      %dma_wait3A_172 = arith.constant 0 : i32
      %dma_wait3A_173 = tpu.memref_slice %arg2[%dma_wait3A_171, %dma_wait3A_172] : memref<8192x64xf32, #tpu.memory_space<hbm>> -> memref<8192x64xf32, #tpu.memory_space<hbm>>
      tpu.wait_indirect_dma semaphore(%arg7 : memref<!tpu.dma_semaphore, #tpu.memory_space<semaphore_mem>>) src(%dma_wait3A_173 : memref<8192x64xf32, #tpu.memory_space<hbm>>) dst(%dma_wait3A_167 : memref<128x64xf32, #tpu.memory_space<vmem>>)
      %dma_wait3A_174 = arith.constant 896 : i32
      %dma_wait3A_175 = arith.constant 0 : i32
      %dma_wait3A_176 = tpu.memref_slice %arg6[%dma_wait3A_174, %dma_wait3A_175] : memref<1024x64xf32, #tpu.memory_space<vmem>> -> memref<128x64xf32, #tpu.memory_space<vmem>>
      %dma_wait3A_177 = arith.constant 0 : i32
      %dma_wait3A_178 = tpu.memref_slice %arg5[%add3A_102, %dma_wait3A_177] : memref<40x128xi32, #tpu.memory_space<vmem>> -> memref<1x128xi32, #tpu.memory_space<vmem>>
      %dma_wait3A_179 = tpu.memref_squeeze %dma_wait3A_178 : memref<1x128xi32, #tpu.memory_space<vmem>> -> memref<128xi32, #tpu.memory_space<vmem>>
      %dma_wait3A_180 = arith.constant 0 : i32
      %dma_wait3A_181 = arith.constant 0 : i32
      %dma_wait3A_182 = tpu.memref_slice %arg2[%dma_wait3A_180, %dma_wait3A_181] : memref<8192x64xf32, #tpu.memory_space<hbm>> -> memref<8192x64xf32, #tpu.memory_space<hbm>>
      tpu.wait_indirect_dma semaphore(%arg7 : memref<!tpu.dma_semaphore, #tpu.memory_space<semaphore_mem>>) src(%dma_wait3A_182 : memref<8192x64xf32, #tpu.memory_space<hbm>>) dst(%dma_wait3A_176 : memref<128x64xf32, #tpu.memory_space<vmem>>)
      %mul3A_183 = arith.constant 1024 : i32
      %mul3A_184 = arith.muli %scan3A_8, %mul3A_183 : i32
      %add3A_185 = arith.addi %mul3A_2, %mul3A_184 : i32
      "tpu.region"() ({
        %run_scoped3A = tpu.sem_alloc : memref<!tpu.dma_semaphore, #tpu.memory_space<semaphore_mem>>
        %dma_start3A_186 = arith.constant 0 : i32
        %dma_start3A_187 = tpu.memref_slice %arg4[%add3A_185, %dma_start3A_186] : memref<163840x64xf32, #tpu.memory_space<hbm>> -> memref<1024x64xf32, #tpu.memory_space<hbm>>
        %dma_start3A_188 = arith.constant 0 : i32
        %dma_start3A_189 = tpu.memref_slice %arg4[%add3A_185, %dma_start3A_188] : memref<163840x64xf32, #tpu.memory_space<hbm>> -> memref<1024x64xf32, #tpu.memory_space<hbm>>
        tpu.enqueue_dma source(%arg6 : memref<1024x64xf32, #tpu.memory_space<vmem>>) target(%dma_start3A_189 : memref<1024x64xf32, #tpu.memory_space<hbm>>) target_semaphore(%run_scoped3A : memref<!tpu.dma_semaphore, #tpu.memory_space<semaphore_mem>>)
        %dma_wait3A_190 = arith.constant 0 : i32
        %dma_wait3A_191 = tpu.memref_slice %arg4[%add3A_185, %dma_wait3A_190] : memref<163840x64xf32, #tpu.memory_space<hbm>> -> memref<1024x64xf32, #tpu.memory_space<hbm>>
        %dma_wait3A_192 = arith.constant 0 : i32
        %dma_wait3A_193 = tpu.memref_slice %arg4[%add3A_185, %dma_wait3A_192] : memref<163840x64xf32, #tpu.memory_space<hbm>> -> memref<1024x64xf32, #tpu.memory_space<hbm>>
        tpu.wait_dma2 semaphore(%run_scoped3A : memref<!tpu.dma_semaphore, #tpu.memory_space<semaphore_mem>>) src(%arg6 : memref<1024x64xf32, #tpu.memory_space<vmem>>) dst(%dma_wait3A_193 : memref<1024x64xf32, #tpu.memory_space<hbm>>)
        tpu.yield
      }) : () -> ()
    }
    %scan3A_7 = arith.constant 5 : i32
    return
  }
}

#map = affine_map<(d0, d1) -> (0, 0)>
#map1 = affine_map<(d0, d1) -> (0, 0, 0)>
module attributes {stable_mosaic.version = 14 : i64} {
  func.func @gk(%arg0: i32, %arg1: i32, %arg2: memref<8192x64xf32, #tpu.memory_space<hbm>>, %arg3: memref<32x40x128xi32, #tpu.memory_space<hbm>>, %arg4: memref<163840x64xf32, #tpu.memory_space<hbm>>, %arg5: memref<40x128xi32, #tpu.memory_space<vmem>>, %arg6: memref<1024x64xf32, #tpu.memory_space<vmem>>, %arg7: memref<!tpu.dma_semaphore, #tpu.memory_space<semaphore_mem>>) attributes {dimension_semantics = [#tpu.dimension_semantics<core_parallel>, #tpu.dimension_semantics<subcore_parallel>], iteration_bounds = array<i64: 2, 16>, scalar_prefetch = 0 : i64, scratch_operands = 3 : i64, tpu.core_type = #tpu.core_type<sc_vector_subcore>, window_params = [{transform_indices = #map}, {transform_indices = #map1}, {transform_indices = #map}]} {
    %mul3A = arith.constant 2 : i32
    %mul3A_0 = arith.muli %arg1, %mul3A : i32
    %add3A = arith.addi %mul3A_0, %arg0 : i32
    %mul3A_1 = arith.constant 5120 : i32
    %mul3A_2 = arith.muli %add3A, %mul3A_1 : i32
    "tpu.region"() ({
      %run_scoped3A = tpu.sem_alloc : memref<!tpu.dma_semaphore, #tpu.memory_space<semaphore_mem>>
      %dma_start3A = arith.constant 0 : i32
      %dma_start3A_8 = arith.constant 0 : i32
      %dma_start3A_9 = tpu.memref_slice %arg3[%add3A, %dma_start3A, %dma_start3A_8] : memref<32x40x128xi32, #tpu.memory_space<hbm>> -> memref<1x40x128xi32, #tpu.memory_space<hbm>>
      %dma_start3A_10 = tpu.memref_squeeze %dma_start3A_9 : memref<1x40x128xi32, #tpu.memory_space<hbm>> -> memref<40x128xi32, #tpu.memory_space<hbm>>
      %dma_start3A_11 = arith.constant 0 : i32
      %dma_start3A_12 = arith.constant 0 : i32
      %dma_start3A_13 = tpu.memref_slice %arg3[%add3A, %dma_start3A_11, %dma_start3A_12] : memref<32x40x128xi32, #tpu.memory_space<hbm>> -> memref<1x40x128xi32, #tpu.memory_space<hbm>>
      %dma_start3A_14 = tpu.memref_squeeze %dma_start3A_13 : memref<1x40x128xi32, #tpu.memory_space<hbm>> -> memref<40x128xi32, #tpu.memory_space<hbm>>
      tpu.enqueue_dma source(%dma_start3A_14 : memref<40x128xi32, #tpu.memory_space<hbm>>) target(%arg5 : memref<40x128xi32, #tpu.memory_space<vmem>>) target_semaphore(%run_scoped3A : memref<!tpu.dma_semaphore, #tpu.memory_space<semaphore_mem>>)
      %dma_wait3A = arith.constant 0 : i32
      %dma_wait3A_15 = arith.constant 0 : i32
      %dma_wait3A_16 = tpu.memref_slice %arg3[%add3A, %dma_wait3A, %dma_wait3A_15] : memref<32x40x128xi32, #tpu.memory_space<hbm>> -> memref<1x40x128xi32, #tpu.memory_space<hbm>>
      %dma_wait3A_17 = tpu.memref_squeeze %dma_wait3A_16 : memref<1x40x128xi32, #tpu.memory_space<hbm>> -> memref<40x128xi32, #tpu.memory_space<hbm>>
      %dma_wait3A_18 = arith.constant 0 : i32
      %dma_wait3A_19 = arith.constant 0 : i32
      %dma_wait3A_20 = tpu.memref_slice %arg3[%add3A, %dma_wait3A_18, %dma_wait3A_19] : memref<32x40x128xi32, #tpu.memory_space<hbm>> -> memref<1x40x128xi32, #tpu.memory_space<hbm>>
      %dma_wait3A_21 = tpu.memref_squeeze %dma_wait3A_20 : memref<1x40x128xi32, #tpu.memory_space<hbm>> -> memref<40x128xi32, #tpu.memory_space<hbm>>
      tpu.wait_dma2 semaphore(%run_scoped3A : memref<!tpu.dma_semaphore, #tpu.memory_space<semaphore_mem>>) src(%dma_wait3A_21 : memref<40x128xi32, #tpu.memory_space<hbm>>) dst(%arg5 : memref<40x128xi32, #tpu.memory_space<vmem>>)
      tpu.yield
    }) : () -> ()
    %scan3A = arith.constant 0 : i32
    %scan3A_3 = arith.constant 0 : i32
    %scan3A_4 = arith.constant 5 : i32
    %scan3A_5 = arith.addi %scan3A_3, %scan3A_4 : i32
    %scan3A_6 = arith.constant 1 : i32
    scf.for %scan3A_8 = %scan3A_3 to %scan3A_5 step %scan3A_6  : i32 {
      %mul3A_9 = arith.constant 8 : i32
      %mul3A_10 = arith.muli %scan3A_8, %mul3A_9 : i32
      %add3A_11 = arith.constant 0 : i32
      %add3A_12 = arith.addi %mul3A_10, %add3A_11 : i32
      %dma_start3A = arith.constant 0 : i32
      %dma_start3A_13 = arith.constant 0 : i32
      %dma_start3A_14 = tpu.memref_slice %arg6[%dma_start3A, %dma_start3A_13] : memref<1024x64xf32, #tpu.memory_space<vmem>> -> memref<128x64xf32, #tpu.memory_space<vmem>>
      %dma_start3A_15 = arith.constant 0 : i32
      %dma_start3A_16 = tpu.memref_slice %arg5[%add3A_12, %dma_start3A_15] : memref<40x128xi32, #tpu.memory_space<vmem>> -> memref<1x128xi32, #tpu.memory_space<vmem>>
      %dma_start3A_17 = tpu.memref_squeeze %dma_start3A_16 : memref<1x128xi32, #tpu.memory_space<vmem>> -> memref<128xi32, #tpu.memory_space<vmem>>
      %dma_start3A_18 = arith.constant 0 : i32
      %dma_start3A_19 = arith.constant 0 : i32
      %dma_start3A_20 = tpu.memref_slice %arg2[%dma_start3A_18, %dma_start3A_19] : memref<8192x64xf32, #tpu.memory_space<hbm>> -> memref<8192x64xf32, #tpu.memory_space<hbm>>
      tpu.enqueue_indirect_dma source(%dma_start3A_20 : memref<8192x64xf32, #tpu.memory_space<hbm>>) target(%dma_start3A_14 : memref<128x64xf32, #tpu.memory_space<vmem>>) offsets(%dma_start3A_17 : memref<128xi32, #tpu.memory_space<vmem>>) semaphore(%arg7 : memref<!tpu.dma_semaphore, #tpu.memory_space<semaphore_mem>>)
      %mul3A_21 = arith.constant 8 : i32
      %mul3A_22 = arith.muli %scan3A_8, %mul3A_21 : i32
      %add3A_23 = arith.constant 1 : i32
      %add3A_24 = arith.addi %mul3A_22, %add3A_23 : i32
      %dma_start3A_25 = arith.constant 128 : i32
      %dma_start3A_26 = arith.constant 0 : i32
      %dma_start3A_27 = tpu.memref_slice %arg6[%dma_start3A_25, %dma_start3A_26] : memref<1024x64xf32, #tpu.memory_space<vmem>> -> memref<128x64xf32, #tpu.memory_space<vmem>>
      %dma_start3A_28 = arith.constant 0 : i32
      %dma_start3A_29 = tpu.memref_slice %arg5[%add3A_24, %dma_start3A_28] : memref<40x128xi32, #tpu.memory_space<vmem>> -> memref<1x128xi32, #tpu.memory_space<vmem>>
      %dma_start3A_30 = tpu.memref_squeeze %dma_start3A_29 : memref<1x128xi32, #tpu.memory_space<vmem>> -> memref<128xi32, #tpu.memory_space<vmem>>
      %dma_start3A_31 = arith.constant 0 : i32
      %dma_start3A_32 = arith.constant 0 : i32
      %dma_start3A_33 = tpu.memref_slice %arg2[%dma_start3A_31, %dma_start3A_32] : memref<8192x64xf32, #tpu.memory_space<hbm>> -> memref<8192x64xf32, #tpu.memory_space<hbm>>
      tpu.enqueue_indirect_dma source(%dma_start3A_33 : memref<8192x64xf32, #tpu.memory_space<hbm>>) target(%dma_start3A_27 : memref<128x64xf32, #tpu.memory_space<vmem>>) offsets(%dma_start3A_30 : memref<128xi32, #tpu.memory_space<vmem>>) semaphore(%arg7 : memref<!tpu.dma_semaphore, #tpu.memory_space<semaphore_mem>>)
      %mul3A_34 = arith.constant 8 : i32
      %mul3A_35 = arith.muli %scan3A_8, %mul3A_34 : i32
      %add3A_36 = arith.constant 2 : i32
      %add3A_37 = arith.addi %mul3A_35, %add3A_36 : i32
      %dma_start3A_38 = arith.constant 256 : i32
      %dma_start3A_39 = arith.constant 0 : i32
      %dma_start3A_40 = tpu.memref_slice %arg6[%dma_start3A_38, %dma_start3A_39] : memref<1024x64xf32, #tpu.memory_space<vmem>> -> memref<128x64xf32, #tpu.memory_space<vmem>>
      %dma_start3A_41 = arith.constant 0 : i32
      %dma_start3A_42 = tpu.memref_slice %arg5[%add3A_37, %dma_start3A_41] : memref<40x128xi32, #tpu.memory_space<vmem>> -> memref<1x128xi32, #tpu.memory_space<vmem>>
      %dma_start3A_43 = tpu.memref_squeeze %dma_start3A_42 : memref<1x128xi32, #tpu.memory_space<vmem>> -> memref<128xi32, #tpu.memory_space<vmem>>
      %dma_start3A_44 = arith.constant 0 : i32
      %dma_start3A_45 = arith.constant 0 : i32
      %dma_start3A_46 = tpu.memref_slice %arg2[%dma_start3A_44, %dma_start3A_45] : memref<8192x64xf32, #tpu.memory_space<hbm>> -> memref<8192x64xf32, #tpu.memory_space<hbm>>
      tpu.enqueue_indirect_dma source(%dma_start3A_46 : memref<8192x64xf32, #tpu.memory_space<hbm>>) target(%dma_start3A_40 : memref<128x64xf32, #tpu.memory_space<vmem>>) offsets(%dma_start3A_43 : memref<128xi32, #tpu.memory_space<vmem>>) semaphore(%arg7 : memref<!tpu.dma_semaphore, #tpu.memory_space<semaphore_mem>>)
      %mul3A_47 = arith.constant 8 : i32
      %mul3A_48 = arith.muli %scan3A_8, %mul3A_47 : i32
      %add3A_49 = arith.constant 3 : i32
      %add3A_50 = arith.addi %mul3A_48, %add3A_49 : i32
      %dma_start3A_51 = arith.constant 384 : i32
      %dma_start3A_52 = arith.constant 0 : i32
      %dma_start3A_53 = tpu.memref_slice %arg6[%dma_start3A_51, %dma_start3A_52] : memref<1024x64xf32, #tpu.memory_space<vmem>> -> memref<128x64xf32, #tpu.memory_space<vmem>>
      %dma_start3A_54 = arith.constant 0 : i32
      %dma_start3A_55 = tpu.memref_slice %arg5[%add3A_50, %dma_start3A_54] : memref<40x128xi32, #tpu.memory_space<vmem>> -> memref<1x128xi32, #tpu.memory_space<vmem>>
      %dma_start3A_56 = tpu.memref_squeeze %dma_start3A_55 : memref<1x128xi32, #tpu.memory_space<vmem>> -> memref<128xi32, #tpu.memory_space<vmem>>
      %dma_start3A_57 = arith.constant 0 : i32
      %dma_start3A_58 = arith.constant 0 : i32
      %dma_start3A_59 = tpu.memref_slice %arg2[%dma_start3A_57, %dma_start3A_58] : memref<8192x64xf32, #tpu.memory_space<hbm>> -> memref<8192x64xf32, #tpu.memory_space<hbm>>
      tpu.enqueue_indirect_dma source(%dma_start3A_59 : memref<8192x64xf32, #tpu.memory_space<hbm>>) target(%dma_start3A_53 : memref<128x64xf32, #tpu.memory_space<vmem>>) offsets(%dma_start3A_56 : memref<128xi32, #tpu.memory_space<vmem>>) semaphore(%arg7 : memref<!tpu.dma_semaphore, #tpu.memory_space<semaphore_mem>>)
      %mul3A_60 = arith.constant 8 : i32
      %mul3A_61 = arith.muli %scan3A_8, %mul3A_60 : i32
      %add3A_62 = arith.constant 4 : i32
      %add3A_63 = arith.addi %mul3A_61, %add3A_62 : i32
      %dma_start3A_64 = arith.constant 512 : i32
      %dma_start3A_65 = arith.constant 0 : i32
      %dma_start3A_66 = tpu.memref_slice %arg6[%dma_start3A_64, %dma_start3A_65] : memref<1024x64xf32, #tpu.memory_space<vmem>> -> memref<128x64xf32, #tpu.memory_space<vmem>>
      %dma_start3A_67 = arith.constant 0 : i32
      %dma_start3A_68 = tpu.memref_slice %arg5[%add3A_63, %dma_start3A_67] : memref<40x128xi32, #tpu.memory_space<vmem>> -> memref<1x128xi32, #tpu.memory_space<vmem>>
      %dma_start3A_69 = tpu.memref_squeeze %dma_start3A_68 : memref<1x128xi32, #tpu.memory_space<vmem>> -> memref<128xi32, #tpu.memory_space<vmem>>
      %dma_start3A_70 = arith.constant 0 : i32
      %dma_start3A_71 = arith.constant 0 : i32
      %dma_start3A_72 = tpu.memref_slice %arg2[%dma_start3A_70, %dma_start3A_71] : memref<8192x64xf32, #tpu.memory_space<hbm>> -> memref<8192x64xf32, #tpu.memory_space<hbm>>
      tpu.enqueue_indirect_dma source(%dma_start3A_72 : memref<8192x64xf32, #tpu.memory_space<hbm>>) target(%dma_start3A_66 : memref<128x64xf32, #tpu.memory_space<vmem>>) offsets(%dma_start3A_69 : memref<128xi32, #tpu.memory_space<vmem>>) semaphore(%arg7 : memref<!tpu.dma_semaphore, #tpu.memory_space<semaphore_mem>>)
      %mul3A_73 = arith.constant 8 : i32
      %mul3A_74 = arith.muli %scan3A_8, %mul3A_73 : i32
      %add3A_75 = arith.constant 5 : i32
      %add3A_76 = arith.addi %mul3A_74, %add3A_75 : i32
      %dma_start3A_77 = arith.constant 640 : i32
      %dma_start3A_78 = arith.constant 0 : i32
      %dma_start3A_79 = tpu.memref_slice %arg6[%dma_start3A_77, %dma_start3A_78] : memref<1024x64xf32, #tpu.memory_space<vmem>> -> memref<128x64xf32, #tpu.memory_space<vmem>>
      %dma_start3A_80 = arith.constant 0 : i32
      %dma_start3A_81 = tpu.memref_slice %arg5[%add3A_76, %dma_start3A_80] : memref<40x128xi32, #tpu.memory_space<vmem>> -> memref<1x128xi32, #tpu.memory_space<vmem>>
      %dma_start3A_82 = tpu.memref_squeeze %dma_start3A_81 : memref<1x128xi32, #tpu.memory_space<vmem>> -> memref<128xi32, #tpu.memory_space<vmem>>
      %dma_start3A_83 = arith.constant 0 : i32
      %dma_start3A_84 = arith.constant 0 : i32
      %dma_start3A_85 = tpu.memref_slice %arg2[%dma_start3A_83, %dma_start3A_84] : memref<8192x64xf32, #tpu.memory_space<hbm>> -> memref<8192x64xf32, #tpu.memory_space<hbm>>
      tpu.enqueue_indirect_dma source(%dma_start3A_85 : memref<8192x64xf32, #tpu.memory_space<hbm>>) target(%dma_start3A_79 : memref<128x64xf32, #tpu.memory_space<vmem>>) offsets(%dma_start3A_82 : memref<128xi32, #tpu.memory_space<vmem>>) semaphore(%arg7 : memref<!tpu.dma_semaphore, #tpu.memory_space<semaphore_mem>>)
      %mul3A_86 = arith.constant 8 : i32
      %mul3A_87 = arith.muli %scan3A_8, %mul3A_86 : i32
      %add3A_88 = arith.constant 6 : i32
      %add3A_89 = arith.addi %mul3A_87, %add3A_88 : i32
      %dma_start3A_90 = arith.constant 768 : i32
      %dma_start3A_91 = arith.constant 0 : i32
      %dma_start3A_92 = tpu.memref_slice %arg6[%dma_start3A_90, %dma_start3A_91] : memref<1024x64xf32, #tpu.memory_space<vmem>> -> memref<128x64xf32, #tpu.memory_space<vmem>>
      %dma_start3A_93 = arith.constant 0 : i32
      %dma_start3A_94 = tpu.memref_slice %arg5[%add3A_89, %dma_start3A_93] : memref<40x128xi32, #tpu.memory_space<vmem>> -> memref<1x128xi32, #tpu.memory_space<vmem>>
      %dma_start3A_95 = tpu.memref_squeeze %dma_start3A_94 : memref<1x128xi32, #tpu.memory_space<vmem>> -> memref<128xi32, #tpu.memory_space<vmem>>
      %dma_start3A_96 = arith.constant 0 : i32
      %dma_start3A_97 = arith.constant 0 : i32
      %dma_start3A_98 = tpu.memref_slice %arg2[%dma_start3A_96, %dma_start3A_97] : memref<8192x64xf32, #tpu.memory_space<hbm>> -> memref<8192x64xf32, #tpu.memory_space<hbm>>
      tpu.enqueue_indirect_dma source(%dma_start3A_98 : memref<8192x64xf32, #tpu.memory_space<hbm>>) target(%dma_start3A_92 : memref<128x64xf32, #tpu.memory_space<vmem>>) offsets(%dma_start3A_95 : memref<128xi32, #tpu.memory_space<vmem>>) semaphore(%arg7 : memref<!tpu.dma_semaphore, #tpu.memory_space<semaphore_mem>>)
      %mul3A_99 = arith.constant 8 : i32
      %mul3A_100 = arith.muli %scan3A_8, %mul3A_99 : i32
      %add3A_101 = arith.constant 7 : i32
      %add3A_102 = arith.addi %mul3A_100, %add3A_101 : i32
      %dma_start3A_103 = arith.constant 896 : i32
      %dma_start3A_104 = arith.constant 0 : i32
      %dma_start3A_105 = tpu.memref_slice %arg6[%dma_start3A_103, %dma_start3A_104] : memref<1024x64xf32, #tpu.memory_space<vmem>> -> memref<128x64xf32, #tpu.memory_space<vmem>>
      %dma_start3A_106 = arith.constant 0 : i32
      %dma_start3A_107 = tpu.memref_slice %arg5[%add3A_102, %dma_start3A_106] : memref<40x128xi32, #tpu.memory_space<vmem>> -> memref<1x128xi32, #tpu.memory_space<vmem>>
      %dma_start3A_108 = tpu.memref_squeeze %dma_start3A_107 : memref<1x128xi32, #tpu.memory_space<vmem>> -> memref<128xi32, #tpu.memory_space<vmem>>
      %dma_start3A_109 = arith.constant 0 : i32
      %dma_start3A_110 = arith.constant 0 : i32
      %dma_start3A_111 = tpu.memref_slice %arg2[%dma_start3A_109, %dma_start3A_110] : memref<8192x64xf32, #tpu.memory_space<hbm>> -> memref<8192x64xf32, #tpu.memory_space<hbm>>
      tpu.enqueue_indirect_dma source(%dma_start3A_111 : memref<8192x64xf32, #tpu.memory_space<hbm>>) target(%dma_start3A_105 : memref<128x64xf32, #tpu.memory_space<vmem>>) offsets(%dma_start3A_108 : memref<128xi32, #tpu.memory_space<vmem>>) semaphore(%arg7 : memref<!tpu.dma_semaphore, #tpu.memory_space<semaphore_mem>>)
      %dma_wait3A = arith.constant 0 : i32
      %dma_wait3A_112 = arith.constant 0 : i32
      %dma_wait3A_113 = tpu.memref_slice %arg6[%dma_wait3A, %dma_wait3A_112] : memref<1024x64xf32, #tpu.memory_space<vmem>> -> memref<128x64xf32, #tpu.memory_space<vmem>>
      %dma_wait3A_114 = arith.constant 0 : i32
      %dma_wait3A_115 = tpu.memref_slice %arg5[%add3A_12, %dma_wait3A_114] : memref<40x128xi32, #tpu.memory_space<vmem>> -> memref<1x128xi32, #tpu.memory_space<vmem>>
      %dma_wait3A_116 = tpu.memref_squeeze %dma_wait3A_115 : memref<1x128xi32, #tpu.memory_space<vmem>> -> memref<128xi32, #tpu.memory_space<vmem>>
      %dma_wait3A_117 = arith.constant 0 : i32
      %dma_wait3A_118 = arith.constant 0 : i32
      %dma_wait3A_119 = tpu.memref_slice %arg2[%dma_wait3A_117, %dma_wait3A_118] : memref<8192x64xf32, #tpu.memory_space<hbm>> -> memref<8192x64xf32, #tpu.memory_space<hbm>>
      tpu.wait_indirect_dma semaphore(%arg7 : memref<!tpu.dma_semaphore, #tpu.memory_space<semaphore_mem>>) src(%dma_wait3A_119 : memref<8192x64xf32, #tpu.memory_space<hbm>>) dst(%dma_wait3A_113 : memref<128x64xf32, #tpu.memory_space<vmem>>)
      %dma_wait3A_120 = arith.constant 128 : i32
      %dma_wait3A_121 = arith.constant 0 : i32
      %dma_wait3A_122 = tpu.memref_slice %arg6[%dma_wait3A_120, %dma_wait3A_121] : memref<1024x64xf32, #tpu.memory_space<vmem>> -> memref<128x64xf32, #tpu.memory_space<vmem>>
      %dma_wait3A_123 = arith.constant 0 : i32
      %dma_wait3A_124 = tpu.memref_slice %arg5[%add3A_24, %dma_wait3A_123] : memref<40x128xi32, #tpu.memory_space<vmem>> -> memref<1x128xi32, #tpu.memory_space<vmem>>
      %dma_wait3A_125 = tpu.memref_squeeze %dma_wait3A_124 : memref<1x128xi32, #tpu.memory_space<vmem>> -> memref<128xi32, #tpu.memory_space<vmem>>
      %dma_wait3A_126 = arith.constant 0 : i32
      %dma_wait3A_127 = arith.constant 0 : i32
      %dma_wait3A_128 = tpu.memref_slice %arg2[%dma_wait3A_126, %dma_wait3A_127] : memref<8192x64xf32, #tpu.memory_space<hbm>> -> memref<8192x64xf32, #tpu.memory_space<hbm>>
      tpu.wait_indirect_dma semaphore(%arg7 : memref<!tpu.dma_semaphore, #tpu.memory_space<semaphore_mem>>) src(%dma_wait3A_128 : memref<8192x64xf32, #tpu.memory_space<hbm>>) dst(%dma_wait3A_122 : memref<128x64xf32, #tpu.memory_space<vmem>>)
      %dma_wait3A_129 = arith.constant 256 : i32
      %dma_wait3A_130 = arith.constant 0 : i32
      %dma_wait3A_131 = tpu.memref_slice %arg6[%dma_wait3A_129, %dma_wait3A_130] : memref<1024x64xf32, #tpu.memory_space<vmem>> -> memref<128x64xf32, #tpu.memory_space<vmem>>
      %dma_wait3A_132 = arith.constant 0 : i32
      %dma_wait3A_133 = tpu.memref_slice %arg5[%add3A_37, %dma_wait3A_132] : memref<40x128xi32, #tpu.memory_space<vmem>> -> memref<1x128xi32, #tpu.memory_space<vmem>>
      %dma_wait3A_134 = tpu.memref_squeeze %dma_wait3A_133 : memref<1x128xi32, #tpu.memory_space<vmem>> -> memref<128xi32, #tpu.memory_space<vmem>>
      %dma_wait3A_135 = arith.constant 0 : i32
      %dma_wait3A_136 = arith.constant 0 : i32
      %dma_wait3A_137 = tpu.memref_slice %arg2[%dma_wait3A_135, %dma_wait3A_136] : memref<8192x64xf32, #tpu.memory_space<hbm>> -> memref<8192x64xf32, #tpu.memory_space<hbm>>
      tpu.wait_indirect_dma semaphore(%arg7 : memref<!tpu.dma_semaphore, #tpu.memory_space<semaphore_mem>>) src(%dma_wait3A_137 : memref<8192x64xf32, #tpu.memory_space<hbm>>) dst(%dma_wait3A_131 : memref<128x64xf32, #tpu.memory_space<vmem>>)
      %dma_wait3A_138 = arith.constant 384 : i32
      %dma_wait3A_139 = arith.constant 0 : i32
      %dma_wait3A_140 = tpu.memref_slice %arg6[%dma_wait3A_138, %dma_wait3A_139] : memref<1024x64xf32, #tpu.memory_space<vmem>> -> memref<128x64xf32, #tpu.memory_space<vmem>>
      %dma_wait3A_141 = arith.constant 0 : i32
      %dma_wait3A_142 = tpu.memref_slice %arg5[%add3A_50, %dma_wait3A_141] : memref<40x128xi32, #tpu.memory_space<vmem>> -> memref<1x128xi32, #tpu.memory_space<vmem>>
      %dma_wait3A_143 = tpu.memref_squeeze %dma_wait3A_142 : memref<1x128xi32, #tpu.memory_space<vmem>> -> memref<128xi32, #tpu.memory_space<vmem>>
      %dma_wait3A_144 = arith.constant 0 : i32
      %dma_wait3A_145 = arith.constant 0 : i32
      %dma_wait3A_146 = tpu.memref_slice %arg2[%dma_wait3A_144, %dma_wait3A_145] : memref<8192x64xf32, #tpu.memory_space<hbm>> -> memref<8192x64xf32, #tpu.memory_space<hbm>>
      tpu.wait_indirect_dma semaphore(%arg7 : memref<!tpu.dma_semaphore, #tpu.memory_space<semaphore_mem>>) src(%dma_wait3A_146 : memref<8192x64xf32, #tpu.memory_space<hbm>>) dst(%dma_wait3A_140 : memref<128x64xf32, #tpu.memory_space<vmem>>)
      %dma_wait3A_147 = arith.constant 512 : i32
      %dma_wait3A_148 = arith.constant 0 : i32
      %dma_wait3A_149 = tpu.memref_slice %arg6[%dma_wait3A_147, %dma_wait3A_148] : memref<1024x64xf32, #tpu.memory_space<vmem>> -> memref<128x64xf32, #tpu.memory_space<vmem>>
      %dma_wait3A_150 = arith.constant 0 : i32
      %dma_wait3A_151 = tpu.memref_slice %arg5[%add3A_63, %dma_wait3A_150] : memref<40x128xi32, #tpu.memory_space<vmem>> -> memref<1x128xi32, #tpu.memory_space<vmem>>
      %dma_wait3A_152 = tpu.memref_squeeze %dma_wait3A_151 : memref<1x128xi32, #tpu.memory_space<vmem>> -> memref<128xi32, #tpu.memory_space<vmem>>
      %dma_wait3A_153 = arith.constant 0 : i32
      %dma_wait3A_154 = arith.constant 0 : i32
      %dma_wait3A_155 = tpu.memref_slice %arg2[%dma_wait3A_153, %dma_wait3A_154] : memref<8192x64xf32, #tpu.memory_space<hbm>> -> memref<8192x64xf32, #tpu.memory_space<hbm>>
      tpu.wait_indirect_dma semaphore(%arg7 : memref<!tpu.dma_semaphore, #tpu.memory_space<semaphore_mem>>) src(%dma_wait3A_155 : memref<8192x64xf32, #tpu.memory_space<hbm>>) dst(%dma_wait3A_149 : memref<128x64xf32, #tpu.memory_space<vmem>>)
      %dma_wait3A_156 = arith.constant 640 : i32
      %dma_wait3A_157 = arith.constant 0 : i32
      %dma_wait3A_158 = tpu.memref_slice %arg6[%dma_wait3A_156, %dma_wait3A_157] : memref<1024x64xf32, #tpu.memory_space<vmem>> -> memref<128x64xf32, #tpu.memory_space<vmem>>
      %dma_wait3A_159 = arith.constant 0 : i32
      %dma_wait3A_160 = tpu.memref_slice %arg5[%add3A_76, %dma_wait3A_159] : memref<40x128xi32, #tpu.memory_space<vmem>> -> memref<1x128xi32, #tpu.memory_space<vmem>>
      %dma_wait3A_161 = tpu.memref_squeeze %dma_wait3A_160 : memref<1x128xi32, #tpu.memory_space<vmem>> -> memref<128xi32, #tpu.memory_space<vmem>>
      %dma_wait3A_162 = arith.constant 0 : i32
      %dma_wait3A_163 = arith.constant 0 : i32
      %dma_wait3A_164 = tpu.memref_slice %arg2[%dma_wait3A_162, %dma_wait3A_163] : memref<8192x64xf32, #tpu.memory_space<hbm>> -> memref<8192x64xf32, #tpu.memory_space<hbm>>
      tpu.wait_indirect_dma semaphore(%arg7 : memref<!tpu.dma_semaphore, #tpu.memory_space<semaphore_mem>>) src(%dma_wait3A_164 : memref<8192x64xf32, #tpu.memory_space<hbm>>) dst(%dma_wait3A_158 : memref<128x64xf32, #tpu.memory_space<vmem>>)
      %dma_wait3A_165 = arith.constant 768 : i32
      %dma_wait3A_166 = arith.constant 0 : i32
      %dma_wait3A_167 = tpu.memref_slice %arg6[%dma_wait3A_165, %dma_wait3A_166] : memref<1024x64xf32, #tpu.memory_space<vmem>> -> memref<128x64xf32, #tpu.memory_space<vmem>>
      %dma_wait3A_168 = arith.constant 0 : i32
      %dma_wait3A_169 = tpu.memref_slice %arg5[%add3A_89, %dma_wait3A_168] : memref<40x128xi32, #tpu.memory_space<vmem>> -> memref<1x128xi32, #tpu.memory_space<vmem>>
      %dma_wait3A_170 = tpu.memref_squeeze %dma_wait3A_169 : memref<1x128xi32, #tpu.memory_space<vmem>> -> memref<128xi32, #tpu.memory_space<vmem>>
      %dma_wait3A_171 = arith.constant 0 : i32
      %dma_wait3A_172 = arith.constant 0 : i32
      %dma_wait3A_173 = tpu.memref_slice %arg2[%dma_wait3A_171, %dma_wait3A_172] : memref<8192x64xf32, #tpu.memory_space<hbm>> -> memref<8192x64xf32, #tpu.memory_space<hbm>>
      tpu.wait_indirect_dma semaphore(%arg7 : memref<!tpu.dma_semaphore, #tpu.memory_space<semaphore_mem>>) src(%dma_wait3A_173 : memref<8192x64xf32, #tpu.memory_space<hbm>>) dst(%dma_wait3A_167 : memref<128x64xf32, #tpu.memory_space<vmem>>)
      %dma_wait3A_174 = arith.constant 896 : i32
      %dma_wait3A_175 = arith.constant 0 : i32
      %dma_wait3A_176 = tpu.memref_slice %arg6[%dma_wait3A_174, %dma_wait3A_175] : memref<1024x64xf32, #tpu.memory_space<vmem>> -> memref<128x64xf32, #tpu.memory_space<vmem>>
      %dma_wait3A_177 = arith.constant 0 : i32
      %dma_wait3A_178 = tpu.memref_slice %arg5[%add3A_102, %dma_wait3A_177] : memref<40x128xi32, #tpu.memory_space<vmem>> -> memref<1x128xi32, #tpu.memory_space<vmem>>
      %dma_wait3A_179 = tpu.memref_squeeze %dma_wait3A_178 : memref<1x128xi32, #tpu.memory_space<vmem>> -> memref<128xi32, #tpu.memory_space<vmem>>
      %dma_wait3A_180 = arith.constant 0 : i32
      %dma_wait3A_181 = arith.constant 0 : i32
      %dma_wait3A_182 = tpu.memref_slice %arg2[%dma_wait3A_180, %dma_wait3A_181] : memref<8192x64xf32, #tpu.memory_space<hbm>> -> memref<8192x64xf32, #tpu.memory_space<hbm>>
      tpu.wait_indirect_dma semaphore(%arg7 : memref<!tpu.dma_semaphore, #tpu.memory_space<semaphore_mem>>) src(%dma_wait3A_182 : memref<8192x64xf32, #tpu.memory_space<hbm>>) dst(%dma_wait3A_176 : memref<128x64xf32, #tpu.memory_space<vmem>>)
      %mul3A_183 = arith.constant 1024 : i32
      %mul3A_184 = arith.muli %scan3A_8, %mul3A_183 : i32
      %add3A_185 = arith.addi %mul3A_2, %mul3A_184 : i32
      "tpu.region"() ({
        %run_scoped3A = tpu.sem_alloc : memref<!tpu.dma_semaphore, #tpu.memory_space<semaphore_mem>>
        %dma_start3A_186 = arith.constant 0 : i32
        %dma_start3A_187 = tpu.memref_slice %arg4[%add3A_185, %dma_start3A_186] : memref<163840x64xf32, #tpu.memory_space<hbm>> -> memref<1024x64xf32, #tpu.memory_space<hbm>>
        %dma_start3A_188 = arith.constant 0 : i32
        %dma_start3A_189 = tpu.memref_slice %arg4[%add3A_185, %dma_start3A_188] : memref<163840x64xf32, #tpu.memory_space<hbm>> -> memref<1024x64xf32, #tpu.memory_space<hbm>>
        tpu.enqueue_dma source(%arg6 : memref<1024x64xf32, #tpu.memory_space<vmem>>) target(%dma_start3A_189 : memref<1024x64xf32, #tpu.memory_space<hbm>>) target_semaphore(%run_scoped3A : memref<!tpu.dma_semaphore, #tpu.memory_space<semaphore_mem>>)
        %dma_wait3A_190 = arith.constant 0 : i32
        %dma_wait3A_191 = tpu.memref_slice %arg4[%add3A_185, %dma_wait3A_190] : memref<163840x64xf32, #tpu.memory_space<hbm>> -> memref<1024x64xf32, #tpu.memory_space<hbm>>
        %dma_wait3A_192 = arith.constant 0 : i32
        %dma_wait3A_193 = tpu.memref_slice %arg4[%add3A_185, %dma_wait3A_192] : memref<163840x64xf32, #tpu.memory_space<hbm>> -> memref<1024x64xf32, #tpu.memory_space<hbm>>
        tpu.wait_dma2 semaphore(%run_scoped3A : memref<!tpu.dma_semaphore, #tpu.memory_space<semaphore_mem>>) src(%arg6 : memref<1024x64xf32, #tpu.memory_space<vmem>>) dst(%dma_wait3A_193 : memref<1024x64xf32, #tpu.memory_space<hbm>>)
        tpu.yield
      }) : () -> ()
    }
    %scan3A_7 = arith.constant 5 : i32
    return
  }
}

module attributes {stable_mosaic.version = 14 : i64} {
  func.func @_knn_body(%arg0: i32, %arg1: memref<32x2xi32, #tpu.memory_space<smem>>, %arg2: memref<256x64xf32, #tpu.memory_space<vmem>>, %arg3: memref<16x64x512xf32, #tpu.memory_space<vmem>>, %arg4: memref<256x1xf32, #tpu.memory_space<vmem>>, %arg5: memref<16x1x512xf32, #tpu.memory_space<vmem>>, %arg6: memref<256x20xi32, #tpu.memory_space<vmem>>, %arg7: memref<16x256x512xf32, #tpu.memory_space<vmem>>) attributes {dimension_semantics = [#tpu.dimension_semantics<arbitrary>], iteration_bounds = array<i64: 32>, scalar_prefetch = 0 : i64, scratch_operands = 1 : i64, tpu.core_type = #tpu.core_type<tc>, window_params = [{transform_indices = @transform_0, window_bounds = array<i64: 32, 2>}, {transform_indices = @transform_1, window_bounds = array<i64: 256, 64>}, {pipeline_mode = #tpu.pipeline_mode<synchronous>, transform_indices = @transform_2, window_bounds = array<i64: 16, 64, 512>}, {transform_indices = @transform_3, window_bounds = array<i64: 256, 1>}, {pipeline_mode = #tpu.pipeline_mode<synchronous>, transform_indices = @transform_4, window_bounds = array<i64: 16, 1, 512>}, {transform_indices = @transform_5, window_bounds = array<i64: 256, 20>}]} {
    %get3A = arith.index_cast %arg0 : i32 to index
    %get3A_0 = arith.constant 0 : index
    %get3A_1 = memref.load %arg1[%get3A, %get3A_0] : memref<32x2xi32, #tpu.memory_space<smem>>
    %get3A_2 = arith.index_cast %arg0 : i32 to index
    %get3A_3 = arith.constant 1 : index
    %get3A_4 = memref.load %arg1[%get3A_2, %get3A_3] : memref<32x2xi32, #tpu.memory_space<smem>>
    %get3A_5 = arith.constant 0 : index
    %get3A_6 = arith.constant 0 : index
    %get3A_7 = vector.load %arg2[%get3A_5, %get3A_6] : memref<256x64xf32, #tpu.memory_space<vmem>>, vector<256x64xf32>
    %mul3A = arith.mulf %get3A_7, %get3A_7 : vector<256x64xf32>
    %reduce_sum3A = arith.constant dense<0.000000e+00> : vector<256xf32>
    %reduce_sum3A_8 = vector.multi_reduction <add>, %mul3A, %reduce_sum3A [1] : vector<256x64xf32> to vector<256xf32>
    %broadcast_in_dim3A = vector.shape_cast %reduce_sum3A_8 : vector<256xf32> to vector<256x1xf32>
    %get3A_9 = arith.constant 0 : index
    %get3A_10 = arith.constant 0 : index
    %get3A_11 = vector.load %arg4[%get3A_9, %get3A_10] : memref<256x1xf32, #tpu.memory_space<vmem>>, vector<256x1xf32>
    %while3A = arith.constant 0 : i32
    %while3A_12 = arith.constant 0x7F800000 : f32
    %while3A_13 = arith.subi %get3A_4, %get3A_1 : i32
    %while3A_14 = arith.addi %get3A_1, %while3A_13 : i32
    %while3A_15 = arith.constant 1 : i32
    %while3A_16 = arith.divsi %while3A_13, %while3A_15 : i32
    %while3A_17 = arith.muli %while3A_16, %while3A_15 : i32
    %while3A_18 = arith.addi %get3A_1, %while3A_17 : i32
    %while3A_19 = arith.constant 1 : i32
    scf.for %while3A_441 = %get3A_1 to %while3A_18 step %while3A_19  : i32 {
      %get3A_442 = arith.index_cast %while3A_441 : i32 to index
      %get3A_443 = arith.constant 0 : index
      %get3A_444 = arith.constant 0 : index
      %get3A_445 = vector.load %arg3[%get3A_442, %get3A_443, %get3A_444] : memref<16x64x512xf32, #tpu.memory_space<vmem>>, vector<1x64x512xf32>
      %get3A_446 = vector.shape_cast %get3A_445 : vector<1x64x512xf32> to vector<64x512xf32>
      %dot_general3A = arith.constant dense<0.000000e+00> : vector<256x512xf32>
      %dot_general3A_447 = tpu.matmul %get3A_7, %get3A_446, %dot_general3A {dimension_numbers = #tpu.dot_dimension_numbers<[1], [0], [0], [1], [0, 0, 1, 1], [], []>, transpose_lhs_hint = false} : vector<256x64xf32>, vector<64x512xf32>, vector<256x512xf32> -> vector<256x512xf32>
      %mul3A_448 = arith.mulf %get3A_446, %get3A_446 : vector<64x512xf32>
      %reduce_sum3A_449 = arith.constant dense<0.000000e+00> : vector<512xf32>
      %reduce_sum3A_450 = vector.multi_reduction <add>, %mul3A_448, %reduce_sum3A_449 [0] : vector<64x512xf32> to vector<512xf32>
      %broadcast_in_dim3A_451 = vector.shape_cast %reduce_sum3A_450 : vector<512xf32> to vector<1x512xf32>
      %add3A = vector.broadcast %broadcast_in_dim3A : vector<256x1xf32> to vector<256x512xf32>
      %add3A_452 = vector.broadcast %broadcast_in_dim3A_451 : vector<1x512xf32> to vector<256x512xf32>
      %add3A_453 = arith.addf %add3A, %add3A_452 : vector<256x512xf32>
      %mul3A_454 = arith.constant 2.000000e+00 : f32
      %mul3A_455 = vector.broadcast %mul3A_454 : f32 to vector<256x512xf32>
      %mul3A_456 = arith.mulf %mul3A_455, %dot_general3A_447 : vector<256x512xf32>
      %sub3A = arith.subf %add3A_453, %mul3A_456 : vector<256x512xf32>
      %get3A_457 = arith.index_cast %while3A_441 : i32 to index
      %get3A_458 = arith.constant 0 : index
      %get3A_459 = arith.constant 0 : index
      %get3A_460 = vector.load %arg5[%get3A_457, %get3A_458, %get3A_459] : memref<16x1x512xf32, #tpu.memory_space<vmem>>, vector<1x1x512xf32>
      %get3A_461 = vector.shape_cast %get3A_460 : vector<1x1x512xf32> to vector<1x512xf32>
      %ne3A = vector.broadcast %get3A_11 : vector<256x1xf32> to vector<256x512xf32>
      %ne3A_462 = vector.broadcast %get3A_461 : vector<1x512xf32> to vector<256x512xf32>
      %ne3A_463 = arith.cmpf one, %ne3A, %ne3A_462 : vector<256x512xf32>
      %broadcast_in_dim3A_464 = vector.broadcast %while3A_12 : f32 to vector<256x512xf32>
      %select_n3A = arith.select %ne3A_463, %broadcast_in_dim3A_464, %sub3A : vector<256x512xi1>, vector<256x512xf32>
      %swap3A_465 = arith.index_cast %while3A_441 : i32 to index
      %swap3A_466 = arith.constant 0 : index
      %swap3A_467 = arith.constant 0 : index
      %swap3A_468 = vector.load %arg7[%swap3A_465, %swap3A_466, %swap3A_467] : memref<16x256x512xf32, #tpu.memory_space<vmem>>, vector<1x256x512xf32>
      %swap3A_469 = vector.shape_cast %swap3A_468 : vector<1x256x512xf32> to vector<256x512xf32>
      %swap3A_470 = vector.shape_cast %select_n3A : vector<256x512xf32> to vector<1x256x512xf32>
      tpu.vector_store %arg7[%swap3A_465, %swap3A_466, %swap3A_467], %swap3A_470 {strides = array<i32>} : memref<16x256x512xf32, #tpu.memory_space<vmem>>, vector<1x256x512xf32>,
    }
    %while3A_20 = arith.constant 1 : i32
    scf.for %while3A_441 = %while3A_18 to %while3A_14 step %while3A_20  : i32 {
      %get3A_442 = arith.index_cast %while3A_441 : i32 to index
      %get3A_443 = arith.constant 0 : index
      %get3A_444 = arith.constant 0 : index
      %get3A_445 = vector.load %arg3[%get3A_442, %get3A_443, %get3A_444] : memref<16x64x512xf32, #tpu.memory_space<vmem>>, vector<1x64x512xf32>
      %get3A_446 = vector.shape_cast %get3A_445 : vector<1x64x512xf32> to vector<64x512xf32>
      %dot_general3A = arith.constant dense<0.000000e+00> : vector<256x512xf32>
      %dot_general3A_447 = tpu.matmul %get3A_7, %get3A_446, %dot_general3A {dimension_numbers = #tpu.dot_dimension_numbers<[1], [0], [0], [1], [0, 0, 1, 1], [], []>, transpose_lhs_hint = false} : vector<256x64xf32>, vector<64x512xf32>, vector<256x512xf32> -> vector<256x512xf32>
      %mul3A_448 = arith.mulf %get3A_446, %get3A_446 : vector<64x512xf32>
      %reduce_sum3A_449 = arith.constant dense<0.000000e+00> : vector<512xf32>
      %reduce_sum3A_450 = vector.multi_reduction <add>, %mul3A_448, %reduce_sum3A_449 [0] : vector<64x512xf32> to vector<512xf32>
      %broadcast_in_dim3A_451 = vector.shape_cast %reduce_sum3A_450 : vector<512xf32> to vector<1x512xf32>
      %add3A = vector.broadcast %broadcast_in_dim3A : vector<256x1xf32> to vector<256x512xf32>
      %add3A_452 = vector.broadcast %broadcast_in_dim3A_451 : vector<1x512xf32> to vector<256x512xf32>
      %add3A_453 = arith.addf %add3A, %add3A_452 : vector<256x512xf32>
      %mul3A_454 = arith.constant 2.000000e+00 : f32
      %mul3A_455 = vector.broadcast %mul3A_454 : f32 to vector<256x512xf32>
      %mul3A_456 = arith.mulf %mul3A_455, %dot_general3A_447 : vector<256x512xf32>
      %sub3A = arith.subf %add3A_453, %mul3A_456 : vector<256x512xf32>
      %get3A_457 = arith.index_cast %while3A_441 : i32 to index
      %get3A_458 = arith.constant 0 : index
      %get3A_459 = arith.constant 0 : index
      %get3A_460 = vector.load %arg5[%get3A_457, %get3A_458, %get3A_459] : memref<16x1x512xf32, #tpu.memory_space<vmem>>, vector<1x1x512xf32>
      %get3A_461 = vector.shape_cast %get3A_460 : vector<1x1x512xf32> to vector<1x512xf32>
      %ne3A = vector.broadcast %get3A_11 : vector<256x1xf32> to vector<256x512xf32>
      %ne3A_462 = vector.broadcast %get3A_461 : vector<1x512xf32> to vector<256x512xf32>
      %ne3A_463 = arith.cmpf one, %ne3A, %ne3A_462 : vector<256x512xf32>
      %broadcast_in_dim3A_464 = vector.broadcast %while3A_12 : f32 to vector<256x512xf32>
      %select_n3A = arith.select %ne3A_463, %broadcast_in_dim3A_464, %sub3A : vector<256x512xi1>, vector<256x512xf32>
      %swap3A_465 = arith.index_cast %while3A_441 : i32 to index
      %swap3A_466 = arith.constant 0 : index
      %swap3A_467 = arith.constant 0 : index
      %swap3A_468 = vector.load %arg7[%swap3A_465, %swap3A_466, %swap3A_467] : memref<16x256x512xf32, #tpu.memory_space<vmem>>, vector<1x256x512xf32>
      %swap3A_469 = vector.shape_cast %swap3A_468 : vector<1x256x512xf32> to vector<256x512xf32>
      %swap3A_470 = vector.shape_cast %select_n3A : vector<256x512xf32> to vector<1x256x512xf32>
      tpu.vector_store %arg7[%swap3A_465, %swap3A_466, %swap3A_467], %swap3A_470 {strides = array<i32>} : memref<16x256x512xf32, #tpu.memory_space<vmem>>, vector<1x256x512xf32>,
    }
    %broadcast_in_dim3A_21 = arith.constant -1 : i32
    %broadcast_in_dim3A_22 = vector.broadcast %broadcast_in_dim3A_21 : i32 to vector<256x1xi32>
    %broadcast_in_dim3A_23 = arith.constant 0x7F800000 : f32
    %broadcast_in_dim3A_24 = vector.broadcast %broadcast_in_dim3A_23 : f32 to vector<256x1xf32>
    %broadcast_in_dim3A_25 = arith.constant 0 : i32
    %broadcast_in_dim3A_26 = vector.broadcast %broadcast_in_dim3A_25 : i32 to vector<256x1xi32>
    %while3A_27 = arith.constant 0x7F800000 : f32
    %while3A_28 = arith.subi %get3A_4, %get3A_1 : i32
    %while3A_29 = arith.addi %get3A_1, %while3A_28 : i32
    %while3A_30 = arith.constant 1 : i32
    %while3A_31 = arith.divsi %while3A_28, %while3A_30 : i32
    %while3A_32 = arith.muli %while3A_31, %while3A_30 : i32
    %while3A_33 = arith.addi %get3A_1, %while3A_32 : i32
    %while3A_34 = arith.constant 1 : i32
    %while3A_35:2 = scf.for %while3A_441 = %get3A_1 to %while3A_33 step %while3A_34 iter_args(%while3A_442 = %broadcast_in_dim3A_24, %while3A_443 = %broadcast_in_dim3A_26) -> (vector<256x1xf32>, vector<256x1xi32>)  : i32 {
      %get3A_444 = arith.index_cast %while3A_441 : i32 to index
      %get3A_445 = arith.constant 0 : index
      %get3A_446 = arith.constant 0 : index
      %get3A_447 = vector.load %arg7[%get3A_444, %get3A_445, %get3A_446] : memref<16x256x512xf32, #tpu.memory_space<vmem>>, vector<1x256x512xf32>
      %get3A_448 = vector.shape_cast %get3A_447 : vector<1x256x512xf32> to vector<256x512xf32>
      %iota3A = tpu.iota {dimensions = array<i32: 1>} : vector<256x512xi32>
      %mul3A_449 = arith.constant 512 : i32
      %mul3A_450 = arith.muli %while3A_441, %mul3A_449 : i32
      %add3A = vector.broadcast %mul3A_450 : i32 to vector<256x512xi32>
      %add3A_451 = arith.addi %iota3A, %add3A : vector<256x512xi32>
      %eq3A = vector.broadcast %broadcast_in_dim3A_22 : vector<256x1xi32> to vector<256x512xi32>
      %eq3A_452 = arith.cmpi eq, %add3A_451, %eq3A : vector<256x512xi32>
      %broadcast_in_dim3A_453 = vector.broadcast %while3A_27 : f32 to vector<256x512xf32>
      %select_n3A = arith.select %eq3A_452, %broadcast_in_dim3A_453, %get3A_448 : vector<256x512xi1>, vector<256x512xf32>
      %swap3A_454 = arith.index_cast %while3A_441 : i32 to index
      %swap3A_455 = arith.constant 0 : index
      %swap3A_456 = arith.constant 0 : index
      %swap3A_457 = vector.load %arg7[%swap3A_454, %swap3A_455, %swap3A_456] : memref<16x256x512xf32, #tpu.memory_space<vmem>>, vector<1x256x512xf32>
      %swap3A_458 = vector.shape_cast %swap3A_457 : vector<1x256x512xf32> to vector<256x512xf32>
      %swap3A_459 = vector.shape_cast %select_n3A : vector<256x512xf32> to vector<1x256x512xf32>
      tpu.vector_store %arg7[%swap3A_454, %swap3A_455, %swap3A_456], %swap3A_459 {strides = array<i32>} : memref<16x256x512xf32, #tpu.memory_space<vmem>>, vector<1x256x512xf32>,
      %reduce_min3A = arith.constant dense<0x7F800000> : vector<256xf32>
      %reduce_min3A_460 = vector.multi_reduction <minimumf>, %select_n3A, %reduce_min3A [1] : vector<256x512xf32> to vector<256xf32>
      %broadcast_in_dim3A_461 = vector.shape_cast %reduce_min3A_460 : vector<256xf32> to vector<256x1xf32>
      %eq3A_462 = vector.broadcast %broadcast_in_dim3A_461 : vector<256x1xf32> to vector<256x512xf32>
      %eq3A_463 = arith.cmpf oeq, %select_n3A, %eq3A_462 : vector<256x512xf32>
      %jit3A = arith.constant 8192 : i32
      %broadcast_in_dim3A_464 = vector.broadcast %jit3A : i32 to vector<256x512xi32>
      %select_n3A_465 = arith.select %eq3A_463, %add3A_451, %broadcast_in_dim3A_464 : vector<256x512xi1>, vector<256x512xi32>
      %reduce_min3A_466 = arith.constant dense<2147483647> : vector<256xi32>
      %reduce_min3A_467 = vector.multi_reduction <minsi>, %select_n3A_465, %reduce_min3A_466 [1] : vector<256x512xi32> to vector<256xi32>
      %broadcast_in_dim3A_468 = vector.shape_cast %reduce_min3A_467 : vector<256xi32> to vector<256x1xi32>
      %lt3A = arith.cmpf olt, %broadcast_in_dim3A_461, %while3A_442 : vector<256x1xf32>
      %select_n3A_469 = arith.select %lt3A, %broadcast_in_dim3A_461, %while3A_442 : vector<256x1xi1>, vector<256x1xf32>
      %select_n3A_470 = arith.select %lt3A, %broadcast_in_dim3A_468, %while3A_443 : vector<256x1xi1>, vector<256x1xi32>
      scf.yield %select_n3A_469, %select_n3A_470 : vector<256x1xf32>, vector<256x1xi32>
    }
    %while3A_36 = arith.constant 1 : i32
    %while3A_37:2 = scf.for %while3A_441 = %while3A_33 to %while3A_29 step %while3A_36 iter_args(%while3A_442 = %while3A_35#0, %while3A_443 = %while3A_35#1) -> (vector<256x1xf32>, vector<256x1xi32>)  : i32 {
      %get3A_444 = arith.index_cast %while3A_441 : i32 to index
      %get3A_445 = arith.constant 0 : index
      %get3A_446 = arith.constant 0 : index
      %get3A_447 = vector.load %arg7[%get3A_444, %get3A_445, %get3A_446] : memref<16x256x512xf32, #tpu.memory_space<vmem>>, vector<1x256x512xf32>
      %get3A_448 = vector.shape_cast %get3A_447 : vector<1x256x512xf32> to vector<256x512xf32>
      %iota3A = tpu.iota {dimensions = array<i32: 1>} : vector<256x512xi32>
      %mul3A_449 = arith.constant 512 : i32
      %mul3A_450 = arith.muli %while3A_441, %mul3A_449 : i32
      %add3A = vector.broadcast %mul3A_450 : i32 to vector<256x512xi32>
      %add3A_451 = arith.addi %iota3A, %add3A : vector<256x512xi32>
      %eq3A = vector.broadcast %broadcast_in_dim3A_22 : vector<256x1xi32> to vector<256x512xi32>
      %eq3A_452 = arith.cmpi eq, %add3A_451, %eq3A : vector<256x512xi32>
      %broadcast_in_dim3A_453 = vector.broadcast %while3A_27 : f32 to vector<256x512xf32>
      %select_n3A = arith.select %eq3A_452, %broadcast_in_dim3A_453, %get3A_448 : vector<256x512xi1>, vector<256x512xf32>
      %swap3A_454 = arith.index_cast %while3A_441 : i32 to index
      %swap3A_455 = arith.constant 0 : index
      %swap3A_456 = arith.constant 0 : index
      %swap3A_457 = vector.load %arg7[%swap3A_454, %swap3A_455, %swap3A_456] : memref<16x256x512xf32, #tpu.memory_space<vmem>>, vector<1x256x512xf32>
      %swap3A_458 = vector.shape_cast %swap3A_457 : vector<1x256x512xf32> to vector<256x512xf32>
      %swap3A_459 = vector.shape_cast %select_n3A : vector<256x512xf32> to vector<1x256x512xf32>
      tpu.vector_store %arg7[%swap3A_454, %swap3A_455, %swap3A_456], %swap3A_459 {strides = array<i32>} : memref<16x256x512xf32, #tpu.memory_space<vmem>>, vector<1x256x512xf32>,
      %reduce_min3A = arith.constant dense<0x7F800000> : vector<256xf32>
      %reduce_min3A_460 = vector.multi_reduction <minimumf>, %select_n3A, %reduce_min3A [1] : vector<256x512xf32> to vector<256xf32>
      %broadcast_in_dim3A_461 = vector.shape_cast %reduce_min3A_460 : vector<256xf32> to vector<256x1xf32>
      %eq3A_462 = vector.broadcast %broadcast_in_dim3A_461 : vector<256x1xf32> to vector<256x512xf32>
      %eq3A_463 = arith.cmpf oeq, %select_n3A, %eq3A_462 : vector<256x512xf32>
      %jit3A = arith.constant 8192 : i32
      %broadcast_in_dim3A_464 = vector.broadcast %jit3A : i32 to vector<256x512xi32>
      %select_n3A_465 = arith.select %eq3A_463, %add3A_451, %broadcast_in_dim3A_464 : vector<256x512xi1>, vector<256x512xi32>
      %reduce_min3A_466 = arith.constant dense<2147483647> : vector<256xi32>
      %reduce_min3A_467 = vector.multi_reduction <minsi>, %select_n3A_465, %reduce_min3A_466 [1] : vector<256x512xi32> to vector<256xi32>
      %broadcast_in_dim3A_468 = vector.shape_cast %reduce_min3A_467 : vector<256xi32> to vector<256x1xi32>
      %lt3A = arith.cmpf olt, %broadcast_in_dim3A_461, %while3A_442 : vector<256x1xf32>
      %select_n3A_469 = arith.select %lt3A, %broadcast_in_dim3A_461, %while3A_442 : vector<256x1xi1>, vector<256x1xf32>
      %select_n3A_470 = arith.select %lt3A, %broadcast_in_dim3A_468, %while3A_443 : vector<256x1xi1>, vector<256x1xi32>
      scf.yield %select_n3A_469, %select_n3A_470 : vector<256x1xf32>, vector<256x1xi32>
    }
    %squeeze3A = vector.shape_cast %while3A_37#1 : vector<256x1xi32> to vector<256xi32>
    %swap3A = arith.constant 0 : index
    %swap3A_38 = arith.constant 0 : index
    %swap3A_39 = vector.load %arg6[%swap3A, %swap3A_38] : memref<256x20xi32, #tpu.memory_space<vmem>>, vector<256x1xi32>
    %swap3A_40 = vector.shape_cast %swap3A_39 : vector<256x1xi32> to vector<256xi32>
    %swap3A_41 = vector.shape_cast %squeeze3A : vector<256xi32> to vector<256x1xi32>
    tpu.vector_store %arg6[%swap3A, %swap3A_38], %swap3A_41 {strides = array<i32>} : memref<256x20xi32, #tpu.memory_space<vmem>>, vector<256x1xi32>,
    %broadcast_in_dim3A_42 = arith.constant 0x7F800000 : f32
    %broadcast_in_dim3A_43 = vector.broadcast %broadcast_in_dim3A_42 : f32 to vector<256x1xf32>
    %broadcast_in_dim3A_44 = arith.constant 0 : i32
    %broadcast_in_dim3A_45 = vector.broadcast %broadcast_in_dim3A_44 : i32 to vector<256x1xi32>
    %while3A_46 = arith.constant 0x7F800000 : f32
    %while3A_47 = arith.subi %get3A_4, %get3A_1 : i32
    %while3A_48 = arith.addi %get3A_1, %while3A_47 : i32
    %while3A_49 = arith.constant 1 : i32
    %while3A_50 = arith.divsi %while3A_47, %while3A_49 : i32
    %while3A_51 = arith.muli %while3A_50, %while3A_49 : i32
    %while3A_52 = arith.addi %get3A_1, %while3A_51 : i32
    %while3A_53 = arith.constant 1 : i32
    %while3A_54:2 = scf.for %while3A_441 = %get3A_1 to %while3A_52 step %while3A_53 iter_args(%while3A_442 = %broadcast_in_dim3A_43, %while3A_443 = %broadcast_in_dim3A_45) -> (vector<256x1xf32>, vector<256x1xi32>)  : i32 {
      %get3A_444 = arith.index_cast %while3A_441 : i32 to index
      %get3A_445 = arith.constant 0 : index
      %get3A_446 = arith.constant 0 : index
      %get3A_447 = vector.load %arg7[%get3A_444, %get3A_445, %get3A_446] : memref<16x256x512xf32, #tpu.memory_space<vmem>>, vector<1x256x512xf32>
      %get3A_448 = vector.shape_cast %get3A_447 : vector<1x256x512xf32> to vector<256x512xf32>
      %iota3A = tpu.iota {dimensions = array<i32: 1>} : vector<256x512xi32>
      %mul3A_449 = arith.constant 512 : i32
      %mul3A_450 = arith.muli %while3A_441, %mul3A_449 : i32
      %add3A = vector.broadcast %mul3A_450 : i32 to vector<256x512xi32>
      %add3A_451 = arith.addi %iota3A, %add3A : vector<256x512xi32>
      %eq3A = vector.broadcast %while3A_37#1 : vector<256x1xi32> to vector<256x512xi32>
      %eq3A_452 = arith.cmpi eq, %add3A_451, %eq3A : vector<256x512xi32>
      %broadcast_in_dim3A_453 = vector.broadcast %while3A_46 : f32 to vector<256x512xf32>
      %select_n3A = arith.select %eq3A_452, %broadcast_in_dim3A_453, %get3A_448 : vector<256x512xi1>, vector<256x512xf32>
      %swap3A_454 = arith.index_cast %while3A_441 : i32 to index
      %swap3A_455 = arith.constant 0 : index
      %swap3A_456 = arith.constant 0 : index
      %swap3A_457 = vector.load %arg7[%swap3A_454, %swap3A_455, %swap3A_456] : memref<16x256x512xf32, #tpu.memory_space<vmem>>, vector<1x256x512xf32>
      %swap3A_458 = vector.shape_cast %swap3A_457 : vector<1x256x512xf32> to vector<256x512xf32>
      %swap3A_459 = vector.shape_cast %select_n3A : vector<256x512xf32> to vector<1x256x512xf32>
      tpu.vector_store %arg7[%swap3A_454, %swap3A_455, %swap3A_456], %swap3A_459 {strides = array<i32>} : memref<16x256x512xf32, #tpu.memory_space<vmem>>, vector<1x256x512xf32>,
      %reduce_min3A = arith.constant dense<0x7F800000> : vector<256xf32>
      %reduce_min3A_460 = vector.multi_reduction <minimumf>, %select_n3A, %reduce_min3A [1] : vector<256x512xf32> to vector<256xf32>
      %broadcast_in_dim3A_461 = vector.shape_cast %reduce_min3A_460 : vector<256xf32> to vector<256x1xf32>
      %eq3A_462 = vector.broadcast %broadcast_in_dim3A_461 : vector<256x1xf32> to vector<256x512xf32>
      %eq3A_463 = arith.cmpf oeq, %select_n3A, %eq3A_462 : vector<256x512xf32>
      %jit3A = arith.constant 8192 : i32
      %broadcast_in_dim3A_464 = vector.broadcast %jit3A : i32 to vector<256x512xi32>
      %select_n3A_465 = arith.select %eq3A_463, %add3A_451, %broadcast_in_dim3A_464 : vector<256x512xi1>, vector<256x512xi32>
      %reduce_min3A_466 = arith.constant dense<2147483647> : vector<256xi32>
      %reduce_min3A_467 = vector.multi_reduction <minsi>, %select_n3A_465, %reduce_min3A_466 [1] : vector<256x512xi32> to vector<256xi32>
      %broadcast_in_dim3A_468 = vector.shape_cast %reduce_min3A_467 : vector<256xi32> to vector<256x1xi32>
      %lt3A = arith.cmpf olt, %broadcast_in_dim3A_461, %while3A_442 : vector<256x1xf32>
      %select_n3A_469 = arith.select %lt3A, %broadcast_in_dim3A_461, %while3A_442 : vector<256x1xi1>, vector<256x1xf32>
      %select_n3A_470 = arith.select %lt3A, %broadcast_in_dim3A_468, %while3A_443 : vector<256x1xi1>, vector<256x1xi32>
      scf.yield %select_n3A_469, %select_n3A_470 : vector<256x1xf32>, vector<256x1xi32>
    }
    %while3A_55 = arith.constant 1 : i32
    %while3A_56:2 = scf.for %while3A_441 = %while3A_52 to %while3A_48 step %while3A_55 iter_args(%while3A_442 = %while3A_54#0, %while3A_443 = %while3A_54#1) -> (vector<256x1xf32>, vector<256x1xi32>)  : i32 {
      %get3A_444 = arith.index_cast %while3A_441 : i32 to index
      %get3A_445 = arith.constant 0 : index
      %get3A_446 = arith.constant 0 : index
      %get3A_447 = vector.load %arg7[%get3A_444, %get3A_445, %get3A_446] : memref<16x256x512xf32, #tpu.memory_space<vmem>>, vector<1x256x512xf32>
      %get3A_448 = vector.shape_cast %get3A_447 : vector<1x256x512xf32> to vector<256x512xf32>
      %iota3A = tpu.iota {dimensions = array<i32: 1>} : vector<256x512xi32>
      %mul3A_449 = arith.constant 512 : i32
      %mul3A_450 = arith.muli %while3A_441, %mul3A_449 : i32
      %add3A = vector.broadcast %mul3A_450 : i32 to vector<256x512xi32>
      %add3A_451 = arith.addi %iota3A, %add3A : vector<256x512xi32>
      %eq3A = vector.broadcast %while3A_37#1 : vector<256x1xi32> to vector<256x512xi32>
      %eq3A_452 = arith.cmpi eq, %add3A_451, %eq3A : vector<256x512xi32>
      %broadcast_in_dim3A_453 = vector.broadcast %while3A_46 : f32 to vector<256x512xf32>
      %select_n3A = arith.select %eq3A_452, %broadcast_in_dim3A_453, %get3A_448 : vector<256x512xi1>, vector<256x512xf32>
      %swap3A_454 = arith.index_cast %while3A_441 : i32 to index
      %swap3A_455 = arith.constant 0 : index
      %swap3A_456 = arith.constant 0 : index
      %swap3A_457 = vector.load %arg7[%swap3A_454, %swap3A_455, %swap3A_456] : memref<16x256x512xf32, #tpu.memory_space<vmem>>, vector<1x256x512xf32>
      %swap3A_458 = vector.shape_cast %swap3A_457 : vector<1x256x512xf32> to vector<256x512xf32>
      %swap3A_459 = vector.shape_cast %select_n3A : vector<256x512xf32> to vector<1x256x512xf32>
      tpu.vector_store %arg7[%swap3A_454, %swap3A_455, %swap3A_456], %swap3A_459 {strides = array<i32>} : memref<16x256x512xf32, #tpu.memory_space<vmem>>, vector<1x256x512xf32>,
      %reduce_min3A = arith.constant dense<0x7F800000> : vector<256xf32>
      %reduce_min3A_460 = vector.multi_reduction <minimumf>, %select_n3A, %reduce_min3A [1] : vector<256x512xf32> to vector<256xf32>
      %broadcast_in_dim3A_461 = vector.shape_cast %reduce_min3A_460 : vector<256xf32> to vector<256x1xf32>
      %eq3A_462 = vector.broadcast %broadcast_in_dim3A_461 : vector<256x1xf32> to vector<256x512xf32>
      %eq3A_463 = arith.cmpf oeq, %select_n3A, %eq3A_462 : vector<256x512xf32>
      %jit3A = arith.constant 8192 : i32
      %broadcast_in_dim3A_464 = vector.broadcast %jit3A : i32 to vector<256x512xi32>
      %select_n3A_465 = arith.select %eq3A_463, %add3A_451, %broadcast_in_dim3A_464 : vector<256x512xi1>, vector<256x512xi32>
      %reduce_min3A_466 = arith.constant dense<2147483647> : vector<256xi32>
      %reduce_min3A_467 = vector.multi_reduction <minsi>, %select_n3A_465, %reduce_min3A_466 [1] : vector<256x512xi32> to vector<256xi32>
      %broadcast_in_dim3A_468 = vector.shape_cast %reduce_min3A_467 : vector<256xi32> to vector<256x1xi32>
      %lt3A = arith.cmpf olt, %broadcast_in_dim3A_461, %while3A_442 : vector<256x1xf32>
      %select_n3A_469 = arith.select %lt3A, %broadcast_in_dim3A_461, %while3A_442 : vector<256x1xi1>, vector<256x1xf32>
      %select_n3A_470 = arith.select %lt3A, %broadcast_in_dim3A_468, %while3A_443 : vector<256x1xi1>, vector<256x1xi32>
      scf.yield %select_n3A_469, %select_n3A_470 : vector<256x1xf32>, vector<256x1xi32>
    }
    %squeeze3A_57 = vector.shape_cast %while3A_56#1 : vector<256x1xi32> to vector<256xi32>
    %swap3A_58 = arith.constant 0 : index
    %swap3A_59 = arith.constant 1 : index
    %swap3A_60 = vector.load %arg6[%swap3A_58, %swap3A_59] : memref<256x20xi32, #tpu.memory_space<vmem>>, vector<256x1xi32>
    %swap3A_61 = vector.shape_cast %swap3A_60 : vector<256x1xi32> to vector<256xi32>
    %swap3A_62 = vector.shape_cast %squeeze3A_57 : vector<256xi32> to vector<256x1xi32>
    tpu.vector_store %arg6[%swap3A_58, %swap3A_59], %swap3A_62 {strides = array<i32>} : memref<256x20xi32, #tpu.memory_space<vmem>>, vector<256x1xi32>,
    %broadcast_in_dim3A_63 = arith.constant 0x7F800000 : f32
    %broadcast_in_dim3A_64 = vector.broadcast %broadcast_in_dim3A_63 : f32 to vector<256x1xf32>
    %broadcast_in_dim3A_65 = arith.constant 0 : i32
    %broadcast_in_dim3A_66 = vector.broadcast %broadcast_in_dim3A_65 : i32 to vector<256x1xi32>
    %while3A_67 = arith.constant 0x7F800000 : f32
    %while3A_68 = arith.subi %get3A_4, %get3A_1 : i32
    %while3A_69 = arith.addi %get3A_1, %while3A_68 : i32
    %while3A_70 = arith.constant 1 : i32
    %while3A_71 = arith.divsi %while3A_68, %while3A_70 : i32
    %while3A_72 = arith.muli %while3A_71, %while3A_70 : i32
    %while3A_73 = arith.addi %get3A_1, %while3A_72 : i32
    %while3A_74 = arith.constant 1 : i32
    %while3A_75:2 = scf.for %while3A_441 = %get3A_1 to %while3A_73 step %while3A_74 iter_args(%while3A_442 = %broadcast_in_dim3A_64, %while3A_443 = %broadcast_in_dim3A_66) -> (vector<256x1xf32>, vector<256x1xi32>)  : i32 {
      %get3A_444 = arith.index_cast %while3A_441 : i32 to index
      %get3A_445 = arith.constant 0 : index
      %get3A_446 = arith.constant 0 : index
      %get3A_447 = vector.load %arg7[%get3A_444, %get3A_445, %get3A_446] : memref<16x256x512xf32, #tpu.memory_space<vmem>>, vector<1x256x512xf32>
      %get3A_448 = vector.shape_cast %get3A_447 : vector<1x256x512xf32> to vector<256x512xf32>
      %iota3A = tpu.iota {dimensions = array<i32: 1>} : vector<256x512xi32>
      %mul3A_449 = arith.constant 512 : i32
      %mul3A_450 = arith.muli %while3A_441, %mul3A_449 : i32
      %add3A = vector.broadcast %mul3A_450 : i32 to vector<256x512xi32>
      %add3A_451 = arith.addi %iota3A, %add3A : vector<256x512xi32>
      %eq3A = vector.broadcast %while3A_56#1 : vector<256x1xi32> to vector<256x512xi32>
      %eq3A_452 = arith.cmpi eq, %add3A_451, %eq3A : vector<256x512xi32>
      %broadcast_in_dim3A_453 = vector.broadcast %while3A_67 : f32 to vector<256x512xf32>
      %select_n3A = arith.select %eq3A_452, %broadcast_in_dim3A_453, %get3A_448 : vector<256x512xi1>, vector<256x512xf32>
      %swap3A_454 = arith.index_cast %while3A_441 : i32 to index
      %swap3A_455 = arith.constant 0 : index
      %swap3A_456 = arith.constant 0 : index
      %swap3A_457 = vector.load %arg7[%swap3A_454, %swap3A_455, %swap3A_456] : memref<16x256x512xf32, #tpu.memory_space<vmem>>, vector<1x256x512xf32>
      %swap3A_458 = vector.shape_cast %swap3A_457 : vector<1x256x512xf32> to vector<256x512xf32>
      %swap3A_459 = vector.shape_cast %select_n3A : vector<256x512xf32> to vector<1x256x512xf32>
      tpu.vector_store %arg7[%swap3A_454, %swap3A_455, %swap3A_456], %swap3A_459 {strides = array<i32>} : memref<16x256x512xf32, #tpu.memory_space<vmem>>, vector<1x256x512xf32>,
      %reduce_min3A = arith.constant dense<0x7F800000> : vector<256xf32>
      %reduce_min3A_460 = vector.multi_reduction <minimumf>, %select_n3A, %reduce_min3A [1] : vector<256x512xf32> to vector<256xf32>
      %broadcast_in_dim3A_461 = vector.shape_cast %reduce_min3A_460 : vector<256xf32> to vector<256x1xf32>
      %eq3A_462 = vector.broadcast %broadcast_in_dim3A_461 : vector<256x1xf32> to vector<256x512xf32>
      %eq3A_463 = arith.cmpf oeq, %select_n3A, %eq3A_462 : vector<256x512xf32>
      %jit3A = arith.constant 8192 : i32
      %broadcast_in_dim3A_464 = vector.broadcast %jit3A : i32 to vector<256x512xi32>
      %select_n3A_465 = arith.select %eq3A_463, %add3A_451, %broadcast_in_dim3A_464 : vector<256x512xi1>, vector<256x512xi32>
      %reduce_min3A_466 = arith.constant dense<2147483647> : vector<256xi32>
      %reduce_min3A_467 = vector.multi_reduction <minsi>, %select_n3A_465, %reduce_min3A_466 [1] : vector<256x512xi32> to vector<256xi32>
      %broadcast_in_dim3A_468 = vector.shape_cast %reduce_min3A_467 : vector<256xi32> to vector<256x1xi32>
      %lt3A = arith.cmpf olt, %broadcast_in_dim3A_461, %while3A_442 : vector<256x1xf32>
      %select_n3A_469 = arith.select %lt3A, %broadcast_in_dim3A_461, %while3A_442 : vector<256x1xi1>, vector<256x1xf32>
      %select_n3A_470 = arith.select %lt3A, %broadcast_in_dim3A_468, %while3A_443 : vector<256x1xi1>, vector<256x1xi32>
      scf.yield %select_n3A_469, %select_n3A_470 : vector<256x1xf32>, vector<256x1xi32>
    }
    %while3A_76 = arith.constant 1 : i32
    %while3A_77:2 = scf.for %while3A_441 = %while3A_73 to %while3A_69 step %while3A_76 iter_args(%while3A_442 = %while3A_75#0, %while3A_443 = %while3A_75#1) -> (vector<256x1xf32>, vector<256x1xi32>)  : i32 {
      %get3A_444 = arith.index_cast %while3A_441 : i32 to index
      %get3A_445 = arith.constant 0 : index
      %get3A_446 = arith.constant 0 : index
      %get3A_447 = vector.load %arg7[%get3A_444, %get3A_445, %get3A_446] : memref<16x256x512xf32, #tpu.memory_space<vmem>>, vector<1x256x512xf32>
      %get3A_448 = vector.shape_cast %get3A_447 : vector<1x256x512xf32> to vector<256x512xf32>
      %iota3A = tpu.iota {dimensions = array<i32: 1>} : vector<256x512xi32>
      %mul3A_449 = arith.constant 512 : i32
      %mul3A_450 = arith.muli %while3A_441, %mul3A_449 : i32
      %add3A = vector.broadcast %mul3A_450 : i32 to vector<256x512xi32>
      %add3A_451 = arith.addi %iota3A, %add3A : vector<256x512xi32>
      %eq3A = vector.broadcast %while3A_56#1 : vector<256x1xi32> to vector<256x512xi32>
      %eq3A_452 = arith.cmpi eq, %add3A_451, %eq3A : vector<256x512xi32>
      %broadcast_in_dim3A_453 = vector.broadcast %while3A_67 : f32 to vector<256x512xf32>
      %select_n3A = arith.select %eq3A_452, %broadcast_in_dim3A_453, %get3A_448 : vector<256x512xi1>, vector<256x512xf32>
      %swap3A_454 = arith.index_cast %while3A_441 : i32 to index
      %swap3A_455 = arith.constant 0 : index
      %swap3A_456 = arith.constant 0 : index
      %swap3A_457 = vector.load %arg7[%swap3A_454, %swap3A_455, %swap3A_456] : memref<16x256x512xf32, #tpu.memory_space<vmem>>, vector<1x256x512xf32>
      %swap3A_458 = vector.shape_cast %swap3A_457 : vector<1x256x512xf32> to vector<256x512xf32>
      %swap3A_459 = vector.shape_cast %select_n3A : vector<256x512xf32> to vector<1x256x512xf32>
      tpu.vector_store %arg7[%swap3A_454, %swap3A_455, %swap3A_456], %swap3A_459 {strides = array<i32>} : memref<16x256x512xf32, #tpu.memory_space<vmem>>, vector<1x256x512xf32>,
      %reduce_min3A = arith.constant dense<0x7F800000> : vector<256xf32>
      %reduce_min3A_460 = vector.multi_reduction <minimumf>, %select_n3A, %reduce_min3A [1] : vector<256x512xf32> to vector<256xf32>
      %broadcast_in_dim3A_461 = vector.shape_cast %reduce_min3A_460 : vector<256xf32> to vector<256x1xf32>
      %eq3A_462 = vector.broadcast %broadcast_in_dim3A_461 : vector<256x1xf32> to vector<256x512xf32>
      %eq3A_463 = arith.cmpf oeq, %select_n3A, %eq3A_462 : vector<256x512xf32>
      %jit3A = arith.constant 8192 : i32
      %broadcast_in_dim3A_464 = vector.broadcast %jit3A : i32 to vector<256x512xi32>
      %select_n3A_465 = arith.select %eq3A_463, %add3A_451, %broadcast_in_dim3A_464 : vector<256x512xi1>, vector<256x512xi32>
      %reduce_min3A_466 = arith.constant dense<2147483647> : vector<256xi32>
      %reduce_min3A_467 = vector.multi_reduction <minsi>, %select_n3A_465, %reduce_min3A_466 [1] : vector<256x512xi32> to vector<256xi32>
      %broadcast_in_dim3A_468 = vector.shape_cast %reduce_min3A_467 : vector<256xi32> to vector<256x1xi32>
      %lt3A = arith.cmpf olt, %broadcast_in_dim3A_461, %while3A_442 : vector<256x1xf32>
      %select_n3A_469 = arith.select %lt3A, %broadcast_in_dim3A_461, %while3A_442 : vector<256x1xi1>, vector<256x1xf32>
      %select_n3A_470 = arith.select %lt3A, %broadcast_in_dim3A_468, %while3A_443 : vector<256x1xi1>, vector<256x1xi32>
      scf.yield %select_n3A_469, %select_n3A_470 : vector<256x1xf32>, vector<256x1xi32>
    }
    %squeeze3A_78 = vector.shape_cast %while3A_77#1 : vector<256x1xi32> to vector<256xi32>
    %swap3A_79 = arith.constant 0 : index
    %swap3A_80 = arith.constant 2 : index
    %swap3A_81 = vector.load %arg6[%swap3A_79, %swap3A_80] : memref<256x20xi32, #tpu.memory_space<vmem>>, vector<256x1xi32>
    %swap3A_82 = vector.shape_cast %swap3A_81 : vector<256x1xi32> to vector<256xi32>
    %swap3A_83 = vector.shape_cast %squeeze3A_78 : vector<256xi32> to vector<256x1xi32>
    tpu.vector_store %arg6[%swap3A_79, %swap3A_80], %swap3A_83 {strides = array<i32>} : memref<256x20xi32, #tpu.memory_space<vmem>>, vector<256x1xi32>,
    %broadcast_in_dim3A_84 = arith.constant 0x7F800000 : f32
    %broadcast_in_dim3A_85 = vector.broadcast %broadcast_in_dim3A_84 : f32 to vector<256x1xf32>
    %broadcast_in_dim3A_86 = arith.constant 0 : i32
    %broadcast_in_dim3A_87 = vector.broadcast %broadcast_in_dim3A_86 : i32 to vector<256x1xi32>
    %while3A_88 = arith.constant 0x7F800000 : f32
    %while3A_89 = arith.subi %get3A_4, %get3A_1 : i32
    %while3A_90 = arith.addi %get3A_1, %while3A_89 : i32
    %while3A_91 = arith.constant 1 : i32
    %while3A_92 = arith.divsi %while3A_89, %while3A_91 : i32
    %while3A_93 = arith.muli %while3A_92, %while3A_91 : i32
    %while3A_94 = arith.addi %get3A_1, %while3A_93 : i32
    %while3A_95 = arith.constant 1 : i32
    %while3A_96:2 = scf.for %while3A_441 = %get3A_1 to %while3A_94 step %while3A_95 iter_args(%while3A_442 = %broadcast_in_dim3A_85, %while3A_443 = %broadcast_in_dim3A_87) -> (vector<256x1xf32>, vector<256x1xi32>)  : i32 {
      %get3A_444 = arith.index_cast %while3A_441 : i32 to index
      %get3A_445 = arith.constant 0 : index
      %get3A_446 = arith.constant 0 : index
      %get3A_447 = vector.load %arg7[%get3A_444, %get3A_445, %get3A_446] : memref<16x256x512xf32, #tpu.memory_space<vmem>>, vector<1x256x512xf32>
      %get3A_448 = vector.shape_cast %get3A_447 : vector<1x256x512xf32> to vector<256x512xf32>
      %iota3A = tpu.iota {dimensions = array<i32: 1>} : vector<256x512xi32>
      %mul3A_449 = arith.constant 512 : i32
      %mul3A_450 = arith.muli %while3A_441, %mul3A_449 : i32
      %add3A = vector.broadcast %mul3A_450 : i32 to vector<256x512xi32>
      %add3A_451 = arith.addi %iota3A, %add3A : vector<256x512xi32>
      %eq3A = vector.broadcast %while3A_77#1 : vector<256x1xi32> to vector<256x512xi32>
      %eq3A_452 = arith.cmpi eq, %add3A_451, %eq3A : vector<256x512xi32>
      %broadcast_in_dim3A_453 = vector.broadcast %while3A_88 : f32 to vector<256x512xf32>
      %select_n3A = arith.select %eq3A_452, %broadcast_in_dim3A_453, %get3A_448 : vector<256x512xi1>, vector<256x512xf32>
      %swap3A_454 = arith.index_cast %while3A_441 : i32 to index
      %swap3A_455 = arith.constant 0 : index
      %swap3A_456 = arith.constant 0 : index
      %swap3A_457 = vector.load %arg7[%swap3A_454, %swap3A_455, %swap3A_456] : memref<16x256x512xf32, #tpu.memory_space<vmem>>, vector<1x256x512xf32>
      %swap3A_458 = vector.shape_cast %swap3A_457 : vector<1x256x512xf32> to vector<256x512xf32>
      %swap3A_459 = vector.shape_cast %select_n3A : vector<256x512xf32> to vector<1x256x512xf32>
      tpu.vector_store %arg7[%swap3A_454, %swap3A_455, %swap3A_456], %swap3A_459 {strides = array<i32>} : memref<16x256x512xf32, #tpu.memory_space<vmem>>, vector<1x256x512xf32>,
      %reduce_min3A = arith.constant dense<0x7F800000> : vector<256xf32>
      %reduce_min3A_460 = vector.multi_reduction <minimumf>, %select_n3A, %reduce_min3A [1] : vector<256x512xf32> to vector<256xf32>
      %broadcast_in_dim3A_461 = vector.shape_cast %reduce_min3A_460 : vector<256xf32> to vector<256x1xf32>
      %eq3A_462 = vector.broadcast %broadcast_in_dim3A_461 : vector<256x1xf32> to vector<256x512xf32>
      %eq3A_463 = arith.cmpf oeq, %select_n3A, %eq3A_462 : vector<256x512xf32>
      %jit3A = arith.constant 8192 : i32
      %broadcast_in_dim3A_464 = vector.broadcast %jit3A : i32 to vector<256x512xi32>
      %select_n3A_465 = arith.select %eq3A_463, %add3A_451, %broadcast_in_dim3A_464 : vector<256x512xi1>, vector<256x512xi32>
      %reduce_min3A_466 = arith.constant dense<2147483647> : vector<256xi32>
      %reduce_min3A_467 = vector.multi_reduction <minsi>, %select_n3A_465, %reduce_min3A_466 [1] : vector<256x512xi32> to vector<256xi32>
      %broadcast_in_dim3A_468 = vector.shape_cast %reduce_min3A_467 : vector<256xi32> to vector<256x1xi32>
      %lt3A = arith.cmpf olt, %broadcast_in_dim3A_461, %while3A_442 : vector<256x1xf32>
      %select_n3A_469 = arith.select %lt3A, %broadcast_in_dim3A_461, %while3A_442 : vector<256x1xi1>, vector<256x1xf32>
      %select_n3A_470 = arith.select %lt3A, %broadcast_in_dim3A_468, %while3A_443 : vector<256x1xi1>, vector<256x1xi32>
      scf.yield %select_n3A_469, %select_n3A_470 : vector<256x1xf32>, vector<256x1xi32>
    }
    %while3A_97 = arith.constant 1 : i32
    %while3A_98:2 = scf.for %while3A_441 = %while3A_94 to %while3A_90 step %while3A_97 iter_args(%while3A_442 = %while3A_96#0, %while3A_443 = %while3A_96#1) -> (vector<256x1xf32>, vector<256x1xi32>)  : i32 {
      %get3A_444 = arith.index_cast %while3A_441 : i32 to index
      %get3A_445 = arith.constant 0 : index
      %get3A_446 = arith.constant 0 : index
      %get3A_447 = vector.load %arg7[%get3A_444, %get3A_445, %get3A_446] : memref<16x256x512xf32, #tpu.memory_space<vmem>>, vector<1x256x512xf32>
      %get3A_448 = vector.shape_cast %get3A_447 : vector<1x256x512xf32> to vector<256x512xf32>
      %iota3A = tpu.iota {dimensions = array<i32: 1>} : vector<256x512xi32>
      %mul3A_449 = arith.constant 512 : i32
      %mul3A_450 = arith.muli %while3A_441, %mul3A_449 : i32
      %add3A = vector.broadcast %mul3A_450 : i32 to vector<256x512xi32>
      %add3A_451 = arith.addi %iota3A, %add3A : vector<256x512xi32>
      %eq3A = vector.broadcast %while3A_77#1 : vector<256x1xi32> to vector<256x512xi32>
      %eq3A_452 = arith.cmpi eq, %add3A_451, %eq3A : vector<256x512xi32>
      %broadcast_in_dim3A_453 = vector.broadcast %while3A_88 : f32 to vector<256x512xf32>
      %select_n3A = arith.select %eq3A_452, %broadcast_in_dim3A_453, %get3A_448 : vector<256x512xi1>, vector<256x512xf32>
      %swap3A_454 = arith.index_cast %while3A_441 : i32 to index
      %swap3A_455 = arith.constant 0 : index
      %swap3A_456 = arith.constant 0 : index
      %swap3A_457 = vector.load %arg7[%swap3A_454, %swap3A_455, %swap3A_456] : memref<16x256x512xf32, #tpu.memory_space<vmem>>, vector<1x256x512xf32>
      %swap3A_458 = vector.shape_cast %swap3A_457 : vector<1x256x512xf32> to vector<256x512xf32>
      %swap3A_459 = vector.shape_cast %select_n3A : vector<256x512xf32> to vector<1x256x512xf32>
      tpu.vector_store %arg7[%swap3A_454, %swap3A_455, %swap3A_456], %swap3A_459 {strides = array<i32>} : memref<16x256x512xf32, #tpu.memory_space<vmem>>, vector<1x256x512xf32>,
      %reduce_min3A = arith.constant dense<0x7F800000> : vector<256xf32>
      %reduce_min3A_460 = vector.multi_reduction <minimumf>, %select_n3A, %reduce_min3A [1] : vector<256x512xf32> to vector<256xf32>
      %broadcast_in_dim3A_461 = vector.shape_cast %reduce_min3A_460 : vector<256xf32> to vector<256x1xf32>
      %eq3A_462 = vector.broadcast %broadcast_in_dim3A_461 : vector<256x1xf32> to vector<256x512xf32>
      %eq3A_463 = arith.cmpf oeq, %select_n3A, %eq3A_462 : vector<256x512xf32>
      %jit3A = arith.constant 8192 : i32
      %broadcast_in_dim3A_464 = vector.broadcast %jit3A : i32 to vector<256x512xi32>
      %select_n3A_465 = arith.select %eq3A_463, %add3A_451, %broadcast_in_dim3A_464 : vector<256x512xi1>, vector<256x512xi32>
      %reduce_min3A_466 = arith.constant dense<2147483647> : vector<256xi32>
      %reduce_min3A_467 = vector.multi_reduction <minsi>, %select_n3A_465, %reduce_min3A_466 [1] : vector<256x512xi32> to vector<256xi32>
      %broadcast_in_dim3A_468 = vector.shape_cast %reduce_min3A_467 : vector<256xi32> to vector<256x1xi32>
      %lt3A = arith.cmpf olt, %broadcast_in_dim3A_461, %while3A_442 : vector<256x1xf32>
      %select_n3A_469 = arith.select %lt3A, %broadcast_in_dim3A_461, %while3A_442 : vector<256x1xi1>, vector<256x1xf32>
      %select_n3A_470 = arith.select %lt3A, %broadcast_in_dim3A_468, %while3A_443 : vector<256x1xi1>, vector<256x1xi32>
      scf.yield %select_n3A_469, %select_n3A_470 : vector<256x1xf32>, vector<256x1xi32>
    }
    %squeeze3A_99 = vector.shape_cast %while3A_98#1 : vector<256x1xi32> to vector<256xi32>
    %swap3A_100 = arith.constant 0 : index
    %swap3A_101 = arith.constant 3 : index
    %swap3A_102 = vector.load %arg6[%swap3A_100, %swap3A_101] : memref<256x20xi32, #tpu.memory_space<vmem>>, vector<256x1xi32>
    %swap3A_103 = vector.shape_cast %swap3A_102 : vector<256x1xi32> to vector<256xi32>
    %swap3A_104 = vector.shape_cast %squeeze3A_99 : vector<256xi32> to vector<256x1xi32>
    tpu.vector_store %arg6[%swap3A_100, %swap3A_101], %swap3A_104 {strides = array<i32>} : memref<256x20xi32, #tpu.memory_space<vmem>>, vector<256x1xi32>,
    %broadcast_in_dim3A_105 = arith.constant 0x7F800000 : f32
    %broadcast_in_dim3A_106 = vector.broadcast %broadcast_in_dim3A_105 : f32 to vector<256x1xf32>
    %broadcast_in_dim3A_107 = arith.constant 0 : i32
    %broadcast_in_dim3A_108 = vector.broadcast %broadcast_in_dim3A_107 : i32 to vector<256x1xi32>
    %while3A_109 = arith.constant 0x7F800000 : f32
    %while3A_110 = arith.subi %get3A_4, %get3A_1 : i32
    %while3A_111 = arith.addi %get3A_1, %while3A_110 : i32
    %while3A_112 = arith.constant 1 : i32
    %while3A_113 = arith.divsi %while3A_110, %while3A_112 : i32
    %while3A_114 = arith.muli %while3A_113, %while3A_112 : i32
    %while3A_115 = arith.addi %get3A_1, %while3A_114 : i32
    %while3A_116 = arith.constant 1 : i32
    %while3A_117:2 = scf.for %while3A_441 = %get3A_1 to %while3A_115 step %while3A_116 iter_args(%while3A_442 = %broadcast_in_dim3A_106, %while3A_443 = %broadcast_in_dim3A_108) -> (vector<256x1xf32>, vector<256x1xi32>)  : i32 {
      %get3A_444 = arith.index_cast %while3A_441 : i32 to index
      %get3A_445 = arith.constant 0 : index
      %get3A_446 = arith.constant 0 : index
      %get3A_447 = vector.load %arg7[%get3A_444, %get3A_445, %get3A_446] : memref<16x256x512xf32, #tpu.memory_space<vmem>>, vector<1x256x512xf32>
      %get3A_448 = vector.shape_cast %get3A_447 : vector<1x256x512xf32> to vector<256x512xf32>
      %iota3A = tpu.iota {dimensions = array<i32: 1>} : vector<256x512xi32>
      %mul3A_449 = arith.constant 512 : i32
      %mul3A_450 = arith.muli %while3A_441, %mul3A_449 : i32
      %add3A = vector.broadcast %mul3A_450 : i32 to vector<256x512xi32>
      %add3A_451 = arith.addi %iota3A, %add3A : vector<256x512xi32>
      %eq3A = vector.broadcast %while3A_98#1 : vector<256x1xi32> to vector<256x512xi32>
      %eq3A_452 = arith.cmpi eq, %add3A_451, %eq3A : vector<256x512xi32>
      %broadcast_in_dim3A_453 = vector.broadcast %while3A_109 : f32 to vector<256x512xf32>
      %select_n3A = arith.select %eq3A_452, %broadcast_in_dim3A_453, %get3A_448 : vector<256x512xi1>, vector<256x512xf32>
      %swap3A_454 = arith.index_cast %while3A_441 : i32 to index
      %swap3A_455 = arith.constant 0 : index
      %swap3A_456 = arith.constant 0 : index
      %swap3A_457 = vector.load %arg7[%swap3A_454, %swap3A_455, %swap3A_456] : memref<16x256x512xf32, #tpu.memory_space<vmem>>, vector<1x256x512xf32>
      %swap3A_458 = vector.shape_cast %swap3A_457 : vector<1x256x512xf32> to vector<256x512xf32>
      %swap3A_459 = vector.shape_cast %select_n3A : vector<256x512xf32> to vector<1x256x512xf32>
      tpu.vector_store %arg7[%swap3A_454, %swap3A_455, %swap3A_456], %swap3A_459 {strides = array<i32>} : memref<16x256x512xf32, #tpu.memory_space<vmem>>, vector<1x256x512xf32>,
      %reduce_min3A = arith.constant dense<0x7F800000> : vector<256xf32>
      %reduce_min3A_460 = vector.multi_reduction <minimumf>, %select_n3A, %reduce_min3A [1] : vector<256x512xf32> to vector<256xf32>
      %broadcast_in_dim3A_461 = vector.shape_cast %reduce_min3A_460 : vector<256xf32> to vector<256x1xf32>
      %eq3A_462 = vector.broadcast %broadcast_in_dim3A_461 : vector<256x1xf32> to vector<256x512xf32>
      %eq3A_463 = arith.cmpf oeq, %select_n3A, %eq3A_462 : vector<256x512xf32>
      %jit3A = arith.constant 8192 : i32
      %broadcast_in_dim3A_464 = vector.broadcast %jit3A : i32 to vector<256x512xi32>
      %select_n3A_465 = arith.select %eq3A_463, %add3A_451, %broadcast_in_dim3A_464 : vector<256x512xi1>, vector<256x512xi32>
      %reduce_min3A_466 = arith.constant dense<2147483647> : vector<256xi32>
      %reduce_min3A_467 = vector.multi_reduction <minsi>, %select_n3A_465, %reduce_min3A_466 [1] : vector<256x512xi32> to vector<256xi32>
      %broadcast_in_dim3A_468 = vector.shape_cast %reduce_min3A_467 : vector<256xi32> to vector<256x1xi32>
      %lt3A = arith.cmpf olt, %broadcast_in_dim3A_461, %while3A_442 : vector<256x1xf32>
      %select_n3A_469 = arith.select %lt3A, %broadcast_in_dim3A_461, %while3A_442 : vector<256x1xi1>, vector<256x1xf32>
      %select_n3A_470 = arith.select %lt3A, %broadcast_in_dim3A_468, %while3A_443 : vector<256x1xi1>, vector<256x1xi32>
      scf.yield %select_n3A_469, %select_n3A_470 : vector<256x1xf32>, vector<256x1xi32>
    }
    %while3A_118 = arith.constant 1 : i32
    %while3A_119:2 = scf.for %while3A_441 = %while3A_115 to %while3A_111 step %while3A_118 iter_args(%while3A_442 = %while3A_117#0, %while3A_443 = %while3A_117#1) -> (vector<256x1xf32>, vector<256x1xi32>)  : i32 {
      %get3A_444 = arith.index_cast %while3A_441 : i32 to index
      %get3A_445 = arith.constant 0 : index
      %get3A_446 = arith.constant 0 : index
      %get3A_447 = vector.load %arg7[%get3A_444, %get3A_445, %get3A_446] : memref<16x256x512xf32, #tpu.memory_space<vmem>>, vector<1x256x512xf32>
      %get3A_448 = vector.shape_cast %get3A_447 : vector<1x256x512xf32> to vector<256x512xf32>
      %iota3A = tpu.iota {dimensions = array<i32: 1>} : vector<256x512xi32>
      %mul3A_449 = arith.constant 512 : i32
      %mul3A_450 = arith.muli %while3A_441, %mul3A_449 : i32
      %add3A = vector.broadcast %mul3A_450 : i32 to vector<256x512xi32>
      %add3A_451 = arith.addi %iota3A, %add3A : vector<256x512xi32>
      %eq3A = vector.broadcast %while3A_98#1 : vector<256x1xi32> to vector<256x512xi32>
      %eq3A_452 = arith.cmpi eq, %add3A_451, %eq3A : vector<256x512xi32>
      %broadcast_in_dim3A_453 = vector.broadcast %while3A_109 : f32 to vector<256x512xf32>
      %select_n3A = arith.select %eq3A_452, %broadcast_in_dim3A_453, %get3A_448 : vector<256x512xi1>, vector<256x512xf32>
      %swap3A_454 = arith.index_cast %while3A_441 : i32 to index
      %swap3A_455 = arith.constant 0 : index
      %swap3A_456 = arith.constant 0 : index
      %swap3A_457 = vector.load %arg7[%swap3A_454, %swap3A_455, %swap3A_456] : memref<16x256x512xf32, #tpu.memory_space<vmem>>, vector<1x256x512xf32>
      %swap3A_458 = vector.shape_cast %swap3A_457 : vector<1x256x512xf32> to vector<256x512xf32>
      %swap3A_459 = vector.shape_cast %select_n3A : vector<256x512xf32> to vector<1x256x512xf32>
      tpu.vector_store %arg7[%swap3A_454, %swap3A_455, %swap3A_456], %swap3A_459 {strides = array<i32>} : memref<16x256x512xf32, #tpu.memory_space<vmem>>, vector<1x256x512xf32>,
      %reduce_min3A = arith.constant dense<0x7F800000> : vector<256xf32>
      %reduce_min3A_460 = vector.multi_reduction <minimumf>, %select_n3A, %reduce_min3A [1] : vector<256x512xf32> to vector<256xf32>
      %broadcast_in_dim3A_461 = vector.shape_cast %reduce_min3A_460 : vector<256xf32> to vector<256x1xf32>
      %eq3A_462 = vector.broadcast %broadcast_in_dim3A_461 : vector<256x1xf32> to vector<256x512xf32>
      %eq3A_463 = arith.cmpf oeq, %select_n3A, %eq3A_462 : vector<256x512xf32>
      %jit3A = arith.constant 8192 : i32
      %broadcast_in_dim3A_464 = vector.broadcast %jit3A : i32 to vector<256x512xi32>
      %select_n3A_465 = arith.select %eq3A_463, %add3A_451, %broadcast_in_dim3A_464 : vector<256x512xi1>, vector<256x512xi32>
      %reduce_min3A_466 = arith.constant dense<2147483647> : vector<256xi32>
      %reduce_min3A_467 = vector.multi_reduction <minsi>, %select_n3A_465, %reduce_min3A_466 [1] : vector<256x512xi32> to vector<256xi32>
      %broadcast_in_dim3A_468 = vector.shape_cast %reduce_min3A_467 : vector<256xi32> to vector<256x1xi32>
      %lt3A = arith.cmpf olt, %broadcast_in_dim3A_461, %while3A_442 : vector<256x1xf32>
      %select_n3A_469 = arith.select %lt3A, %broadcast_in_dim3A_461, %while3A_442 : vector<256x1xi1>, vector<256x1xf32>
      %select_n3A_470 = arith.select %lt3A, %broadcast_in_dim3A_468, %while3A_443 : vector<256x1xi1>, vector<256x1xi32>
      scf.yield %select_n3A_469, %select_n3A_470 : vector<256x1xf32>, vector<256x1xi32>
    }
    %squeeze3A_120 = vector.shape_cast %while3A_119#1 : vector<256x1xi32> to vector<256xi32>
    %swap3A_121 = arith.constant 0 : index
    %swap3A_122 = arith.constant 4 : index
    %swap3A_123 = vector.load %arg6[%swap3A_121, %swap3A_122] : memref<256x20xi32, #tpu.memory_space<vmem>>, vector<256x1xi32>
    %swap3A_124 = vector.shape_cast %swap3A_123 : vector<256x1xi32> to vector<256xi32>
    %swap3A_125 = vector.shape_cast %squeeze3A_120 : vector<256xi32> to vector<256x1xi32>
    tpu.vector_store %arg6[%swap3A_121, %swap3A_122], %swap3A_125 {strides = array<i32>} : memref<256x20xi32, #tpu.memory_space<vmem>>, vector<256x1xi32>,
    %broadcast_in_dim3A_126 = arith.constant 0x7F800000 : f32
    %broadcast_in_dim3A_127 = vector.broadcast %broadcast_in_dim3A_126 : f32 to vector<256x1xf32>
    %broadcast_in_dim3A_128 = arith.constant 0 : i32
    %broadcast_in_dim3A_129 = vector.broadcast %broadcast_in_dim3A_128 : i32 to vector<256x1xi32>
    %while3A_130 = arith.constant 0x7F800000 : f32
    %while3A_131 = arith.subi %get3A_4, %get3A_1 : i32
    %while3A_132 = arith.addi %get3A_1, %while3A_131 : i32
    %while3A_133 = arith.constant 1 : i32
    %while3A_134 = arith.divsi %while3A_131, %while3A_133 : i32
    %while3A_135 = arith.muli %while3A_134, %while3A_133 : i32
    %while3A_136 = arith.addi %get3A_1, %while3A_135 : i32
    %while3A_137 = arith.constant 1 : i32
    %while3A_138:2 = scf.for %while3A_441 = %get3A_1 to %while3A_136 step %while3A_137 iter_args(%while3A_442 = %broadcast_in_dim3A_127, %while3A_443 = %broadcast_in_dim3A_129) -> (vector<256x1xf32>, vector<256x1xi32>)  : i32 {
      %get3A_444 = arith.index_cast %while3A_441 : i32 to index
      %get3A_445 = arith.constant 0 : index
      %get3A_446 = arith.constant 0 : index
      %get3A_447 = vector.load %arg7[%get3A_444, %get3A_445, %get3A_446] : memref<16x256x512xf32, #tpu.memory_space<vmem>>, vector<1x256x512xf32>
      %get3A_448 = vector.shape_cast %get3A_447 : vector<1x256x512xf32> to vector<256x512xf32>
      %iota3A = tpu.iota {dimensions = array<i32: 1>} : vector<256x512xi32>
      %mul3A_449 = arith.constant 512 : i32
      %mul3A_450 = arith.muli %while3A_441, %mul3A_449 : i32
      %add3A = vector.broadcast %mul3A_450 : i32 to vector<256x512xi32>
      %add3A_451 = arith.addi %iota3A, %add3A : vector<256x512xi32>
      %eq3A = vector.broadcast %while3A_119#1 : vector<256x1xi32> to vector<256x512xi32>
      %eq3A_452 = arith.cmpi eq, %add3A_451, %eq3A : vector<256x512xi32>
      %broadcast_in_dim3A_453 = vector.broadcast %while3A_130 : f32 to vector<256x512xf32>
      %select_n3A = arith.select %eq3A_452, %broadcast_in_dim3A_453, %get3A_448 : vector<256x512xi1>, vector<256x512xf32>
      %swap3A_454 = arith.index_cast %while3A_441 : i32 to index
      %swap3A_455 = arith.constant 0 : index
      %swap3A_456 = arith.constant 0 : index
      %swap3A_457 = vector.load %arg7[%swap3A_454, %swap3A_455, %swap3A_456] : memref<16x256x512xf32, #tpu.memory_space<vmem>>, vector<1x256x512xf32>
      %swap3A_458 = vector.shape_cast %swap3A_457 : vector<1x256x512xf32> to vector<256x512xf32>
      %swap3A_459 = vector.shape_cast %select_n3A : vector<256x512xf32> to vector<1x256x512xf32>
      tpu.vector_store %arg7[%swap3A_454, %swap3A_455, %swap3A_456], %swap3A_459 {strides = array<i32>} : memref<16x256x512xf32, #tpu.memory_space<vmem>>, vector<1x256x512xf32>,
      %reduce_min3A = arith.constant dense<0x7F800000> : vector<256xf32>
      %reduce_min3A_460 = vector.multi_reduction <minimumf>, %select_n3A, %reduce_min3A [1] : vector<256x512xf32> to vector<256xf32>
      %broadcast_in_dim3A_461 = vector.shape_cast %reduce_min3A_460 : vector<256xf32> to vector<256x1xf32>
      %eq3A_462 = vector.broadcast %broadcast_in_dim3A_461 : vector<256x1xf32> to vector<256x512xf32>
      %eq3A_463 = arith.cmpf oeq, %select_n3A, %eq3A_462 : vector<256x512xf32>
      %jit3A = arith.constant 8192 : i32
      %broadcast_in_dim3A_464 = vector.broadcast %jit3A : i32 to vector<256x512xi32>
      %select_n3A_465 = arith.select %eq3A_463, %add3A_451, %broadcast_in_dim3A_464 : vector<256x512xi1>, vector<256x512xi32>
      %reduce_min3A_466 = arith.constant dense<2147483647> : vector<256xi32>
      %reduce_min3A_467 = vector.multi_reduction <minsi>, %select_n3A_465, %reduce_min3A_466 [1] : vector<256x512xi32> to vector<256xi32>
      %broadcast_in_dim3A_468 = vector.shape_cast %reduce_min3A_467 : vector<256xi32> to vector<256x1xi32>
      %lt3A = arith.cmpf olt, %broadcast_in_dim3A_461, %while3A_442 : vector<256x1xf32>
      %select_n3A_469 = arith.select %lt3A, %broadcast_in_dim3A_461, %while3A_442 : vector<256x1xi1>, vector<256x1xf32>
      %select_n3A_470 = arith.select %lt3A, %broadcast_in_dim3A_468, %while3A_443 : vector<256x1xi1>, vector<256x1xi32>
      scf.yield %select_n3A_469, %select_n3A_470 : vector<256x1xf32>, vector<256x1xi32>
    }
    %while3A_139 = arith.constant 1 : i32
    %while3A_140:2 = scf.for %while3A_441 = %while3A_136 to %while3A_132 step %while3A_139 iter_args(%while3A_442 = %while3A_138#0, %while3A_443 = %while3A_138#1) -> (vector<256x1xf32>, vector<256x1xi32>)  : i32 {
      %get3A_444 = arith.index_cast %while3A_441 : i32 to index
      %get3A_445 = arith.constant 0 : index
      %get3A_446 = arith.constant 0 : index
      %get3A_447 = vector.load %arg7[%get3A_444, %get3A_445, %get3A_446] : memref<16x256x512xf32, #tpu.memory_space<vmem>>, vector<1x256x512xf32>
      %get3A_448 = vector.shape_cast %get3A_447 : vector<1x256x512xf32> to vector<256x512xf32>
      %iota3A = tpu.iota {dimensions = array<i32: 1>} : vector<256x512xi32>
      %mul3A_449 = arith.constant 512 : i32
      %mul3A_450 = arith.muli %while3A_441, %mul3A_449 : i32
      %add3A = vector.broadcast %mul3A_450 : i32 to vector<256x512xi32>
      %add3A_451 = arith.addi %iota3A, %add3A : vector<256x512xi32>
      %eq3A = vector.broadcast %while3A_119#1 : vector<256x1xi32> to vector<256x512xi32>
      %eq3A_452 = arith.cmpi eq, %add3A_451, %eq3A : vector<256x512xi32>
      %broadcast_in_dim3A_453 = vector.broadcast %while3A_130 : f32 to vector<256x512xf32>
      %select_n3A = arith.select %eq3A_452, %broadcast_in_dim3A_453, %get3A_448 : vector<256x512xi1>, vector<256x512xf32>
      %swap3A_454 = arith.index_cast %while3A_441 : i32 to index
      %swap3A_455 = arith.constant 0 : index
      %swap3A_456 = arith.constant 0 : index
      %swap3A_457 = vector.load %arg7[%swap3A_454, %swap3A_455, %swap3A_456] : memref<16x256x512xf32, #tpu.memory_space<vmem>>, vector<1x256x512xf32>
      %swap3A_458 = vector.shape_cast %swap3A_457 : vector<1x256x512xf32> to vector<256x512xf32>
      %swap3A_459 = vector.shape_cast %select_n3A : vector<256x512xf32> to vector<1x256x512xf32>
      tpu.vector_store %arg7[%swap3A_454, %swap3A_455, %swap3A_456], %swap3A_459 {strides = array<i32>} : memref<16x256x512xf32, #tpu.memory_space<vmem>>, vector<1x256x512xf32>,
      %reduce_min3A = arith.constant dense<0x7F800000> : vector<256xf32>
      %reduce_min3A_460 = vector.multi_reduction <minimumf>, %select_n3A, %reduce_min3A [1] : vector<256x512xf32> to vector<256xf32>
      %broadcast_in_dim3A_461 = vector.shape_cast %reduce_min3A_460 : vector<256xf32> to vector<256x1xf32>
      %eq3A_462 = vector.broadcast %broadcast_in_dim3A_461 : vector<256x1xf32> to vector<256x512xf32>
      %eq3A_463 = arith.cmpf oeq, %select_n3A, %eq3A_462 : vector<256x512xf32>
      %jit3A = arith.constant 8192 : i32
      %broadcast_in_dim3A_464 = vector.broadcast %jit3A : i32 to vector<256x512xi32>
      %select_n3A_465 = arith.select %eq3A_463, %add3A_451, %broadcast_in_dim3A_464 : vector<256x512xi1>, vector<256x512xi32>
      %reduce_min3A_466 = arith.constant dense<2147483647> : vector<256xi32>
      %reduce_min3A_467 = vector.multi_reduction <minsi>, %select_n3A_465, %reduce_min3A_466 [1] : vector<256x512xi32> to vector<256xi32>
      %broadcast_in_dim3A_468 = vector.shape_cast %reduce_min3A_467 : vector<256xi32> to vector<256x1xi32>
      %lt3A = arith.cmpf olt, %broadcast_in_dim3A_461, %while3A_442 : vector<256x1xf32>
      %select_n3A_469 = arith.select %lt3A, %broadcast_in_dim3A_461, %while3A_442 : vector<256x1xi1>, vector<256x1xf32>
      %select_n3A_470 = arith.select %lt3A, %broadcast_in_dim3A_468, %while3A_443 : vector<256x1xi1>, vector<256x1xi32>
      scf.yield %select_n3A_469, %select_n3A_470 : vector<256x1xf32>, vector<256x1xi32>
    }
    %squeeze3A_141 = vector.shape_cast %while3A_140#1 : vector<256x1xi32> to vector<256xi32>
    %swap3A_142 = arith.constant 0 : index
    %swap3A_143 = arith.constant 5 : index
    %swap3A_144 = vector.load %arg6[%swap3A_142, %swap3A_143] : memref<256x20xi32, #tpu.memory_space<vmem>>, vector<256x1xi32>
    %swap3A_145 = vector.shape_cast %swap3A_144 : vector<256x1xi32> to vector<256xi32>
    %swap3A_146 = vector.shape_cast %squeeze3A_141 : vector<256xi32> to vector<256x1xi32>
    tpu.vector_store %arg6[%swap3A_142, %swap3A_143], %swap3A_146 {strides = array<i32>} : memref<256x20xi32, #tpu.memory_space<vmem>>, vector<256x1xi32>,
    %broadcast_in_dim3A_147 = arith.constant 0x7F800000 : f32
    %broadcast_in_dim3A_148 = vector.broadcast %broadcast_in_dim3A_147 : f32 to vector<256x1xf32>
    %broadcast_in_dim3A_149 = arith.constant 0 : i32
    %broadcast_in_dim3A_150 = vector.broadcast %broadcast_in_dim3A_149 : i32 to vector<256x1xi32>
    %while3A_151 = arith.constant 0x7F800000 : f32
    %while3A_152 = arith.subi %get3A_4, %get3A_1 : i32
    %while3A_153 = arith.addi %get3A_1, %while3A_152 : i32
    %while3A_154 = arith.constant 1 : i32
    %while3A_155 = arith.divsi %while3A_152, %while3A_154 : i32
    %while3A_156 = arith.muli %while3A_155, %while3A_154 : i32
    %while3A_157 = arith.addi %get3A_1, %while3A_156 : i32
    %while3A_158 = arith.constant 1 : i32
    %while3A_159:2 = scf.for %while3A_441 = %get3A_1 to %while3A_157 step %while3A_158 iter_args(%while3A_442 = %broadcast_in_dim3A_148, %while3A_443 = %broadcast_in_dim3A_150) -> (vector<256x1xf32>, vector<256x1xi32>)  : i32 {
      %get3A_444 = arith.index_cast %while3A_441 : i32 to index
      %get3A_445 = arith.constant 0 : index
      %get3A_446 = arith.constant 0 : index
      %get3A_447 = vector.load %arg7[%get3A_444, %get3A_445, %get3A_446] : memref<16x256x512xf32, #tpu.memory_space<vmem>>, vector<1x256x512xf32>
      %get3A_448 = vector.shape_cast %get3A_447 : vector<1x256x512xf32> to vector<256x512xf32>
      %iota3A = tpu.iota {dimensions = array<i32: 1>} : vector<256x512xi32>
      %mul3A_449 = arith.constant 512 : i32
      %mul3A_450 = arith.muli %while3A_441, %mul3A_449 : i32
      %add3A = vector.broadcast %mul3A_450 : i32 to vector<256x512xi32>
      %add3A_451 = arith.addi %iota3A, %add3A : vector<256x512xi32>
      %eq3A = vector.broadcast %while3A_140#1 : vector<256x1xi32> to vector<256x512xi32>
      %eq3A_452 = arith.cmpi eq, %add3A_451, %eq3A : vector<256x512xi32>
      %broadcast_in_dim3A_453 = vector.broadcast %while3A_151 : f32 to vector<256x512xf32>
      %select_n3A = arith.select %eq3A_452, %broadcast_in_dim3A_453, %get3A_448 : vector<256x512xi1>, vector<256x512xf32>
      %swap3A_454 = arith.index_cast %while3A_441 : i32 to index
      %swap3A_455 = arith.constant 0 : index
      %swap3A_456 = arith.constant 0 : index
      %swap3A_457 = vector.load %arg7[%swap3A_454, %swap3A_455, %swap3A_456] : memref<16x256x512xf32, #tpu.memory_space<vmem>>, vector<1x256x512xf32>
      %swap3A_458 = vector.shape_cast %swap3A_457 : vector<1x256x512xf32> to vector<256x512xf32>
      %swap3A_459 = vector.shape_cast %select_n3A : vector<256x512xf32> to vector<1x256x512xf32>
      tpu.vector_store %arg7[%swap3A_454, %swap3A_455, %swap3A_456], %swap3A_459 {strides = array<i32>} : memref<16x256x512xf32, #tpu.memory_space<vmem>>, vector<1x256x512xf32>,
      %reduce_min3A = arith.constant dense<0x7F800000> : vector<256xf32>
      %reduce_min3A_460 = vector.multi_reduction <minimumf>, %select_n3A, %reduce_min3A [1] : vector<256x512xf32> to vector<256xf32>
      %broadcast_in_dim3A_461 = vector.shape_cast %reduce_min3A_460 : vector<256xf32> to vector<256x1xf32>
      %eq3A_462 = vector.broadcast %broadcast_in_dim3A_461 : vector<256x1xf32> to vector<256x512xf32>
      %eq3A_463 = arith.cmpf oeq, %select_n3A, %eq3A_462 : vector<256x512xf32>
      %jit3A = arith.constant 8192 : i32
      %broadcast_in_dim3A_464 = vector.broadcast %jit3A : i32 to vector<256x512xi32>
      %select_n3A_465 = arith.select %eq3A_463, %add3A_451, %broadcast_in_dim3A_464 : vector<256x512xi1>, vector<256x512xi32>
      %reduce_min3A_466 = arith.constant dense<2147483647> : vector<256xi32>
      %reduce_min3A_467 = vector.multi_reduction <minsi>, %select_n3A_465, %reduce_min3A_466 [1] : vector<256x512xi32> to vector<256xi32>
      %broadcast_in_dim3A_468 = vector.shape_cast %reduce_min3A_467 : vector<256xi32> to vector<256x1xi32>
      %lt3A = arith.cmpf olt, %broadcast_in_dim3A_461, %while3A_442 : vector<256x1xf32>
      %select_n3A_469 = arith.select %lt3A, %broadcast_in_dim3A_461, %while3A_442 : vector<256x1xi1>, vector<256x1xf32>
      %select_n3A_470 = arith.select %lt3A, %broadcast_in_dim3A_468, %while3A_443 : vector<256x1xi1>, vector<256x1xi32>
      scf.yield %select_n3A_469, %select_n3A_470 : vector<256x1xf32>, vector<256x1xi32>
    }
    %while3A_160 = arith.constant 1 : i32
    %while3A_161:2 = scf.for %while3A_441 = %while3A_157 to %while3A_153 step %while3A_160 iter_args(%while3A_442 = %while3A_159#0, %while3A_443 = %while3A_159#1) -> (vector<256x1xf32>, vector<256x1xi32>)  : i32 {
      %get3A_444 = arith.index_cast %while3A_441 : i32 to index
      %get3A_445 = arith.constant 0 : index
      %get3A_446 = arith.constant 0 : index
      %get3A_447 = vector.load %arg7[%get3A_444, %get3A_445, %get3A_446] : memref<16x256x512xf32, #tpu.memory_space<vmem>>, vector<1x256x512xf32>
      %get3A_448 = vector.shape_cast %get3A_447 : vector<1x256x512xf32> to vector<256x512xf32>
      %iota3A = tpu.iota {dimensions = array<i32: 1>} : vector<256x512xi32>
      %mul3A_449 = arith.constant 512 : i32
      %mul3A_450 = arith.muli %while3A_441, %mul3A_449 : i32
      %add3A = vector.broadcast %mul3A_450 : i32 to vector<256x512xi32>
      %add3A_451 = arith.addi %iota3A, %add3A : vector<256x512xi32>
      %eq3A = vector.broadcast %while3A_140#1 : vector<256x1xi32> to vector<256x512xi32>
      %eq3A_452 = arith.cmpi eq, %add3A_451, %eq3A : vector<256x512xi32>
      %broadcast_in_dim3A_453 = vector.broadcast %while3A_151 : f32 to vector<256x512xf32>
      %select_n3A = arith.select %eq3A_452, %broadcast_in_dim3A_453, %get3A_448 : vector<256x512xi1>, vector<256x512xf32>
      %swap3A_454 = arith.index_cast %while3A_441 : i32 to index
      %swap3A_455 = arith.constant 0 : index
      %swap3A_456 = arith.constant 0 : index
      %swap3A_457 = vector.load %arg7[%swap3A_454, %swap3A_455, %swap3A_456] : memref<16x256x512xf32, #tpu.memory_space<vmem>>, vector<1x256x512xf32>
      %swap3A_458 = vector.shape_cast %swap3A_457 : vector<1x256x512xf32> to vector<256x512xf32>
      %swap3A_459 = vector.shape_cast %select_n3A : vector<256x512xf32> to vector<1x256x512xf32>
      tpu.vector_store %arg7[%swap3A_454, %swap3A_455, %swap3A_456], %swap3A_459 {strides = array<i32>} : memref<16x256x512xf32, #tpu.memory_space<vmem>>, vector<1x256x512xf32>,
      %reduce_min3A = arith.constant dense<0x7F800000> : vector<256xf32>
      %reduce_min3A_460 = vector.multi_reduction <minimumf>, %select_n3A, %reduce_min3A [1] : vector<256x512xf32> to vector<256xf32>
      %broadcast_in_dim3A_461 = vector.shape_cast %reduce_min3A_460 : vector<256xf32> to vector<256x1xf32>
      %eq3A_462 = vector.broadcast %broadcast_in_dim3A_461 : vector<256x1xf32> to vector<256x512xf32>
      %eq3A_463 = arith.cmpf oeq, %select_n3A, %eq3A_462 : vector<256x512xf32>
      %jit3A = arith.constant 8192 : i32
      %broadcast_in_dim3A_464 = vector.broadcast %jit3A : i32 to vector<256x512xi32>
      %select_n3A_465 = arith.select %eq3A_463, %add3A_451, %broadcast_in_dim3A_464 : vector<256x512xi1>, vector<256x512xi32>
      %reduce_min3A_466 = arith.constant dense<2147483647> : vector<256xi32>
      %reduce_min3A_467 = vector.multi_reduction <minsi>, %select_n3A_465, %reduce_min3A_466 [1] : vector<256x512xi32> to vector<256xi32>
      %broadcast_in_dim3A_468 = vector.shape_cast %reduce_min3A_467 : vector<256xi32> to vector<256x1xi32>
      %lt3A = arith.cmpf olt, %broadcast_in_dim3A_461, %while3A_442 : vector<256x1xf32>
      %select_n3A_469 = arith.select %lt3A, %broadcast_in_dim3A_461, %while3A_442 : vector<256x1xi1>, vector<256x1xf32>
      %select_n3A_470 = arith.select %lt3A, %broadcast_in_dim3A_468, %while3A_443 : vector<256x1xi1>, vector<256x1xi32>
      scf.yield %select_n3A_469, %select_n3A_470 : vector<256x1xf32>, vector<256x1xi32>
    }
    %squeeze3A_162 = vector.shape_cast %while3A_161#1 : vector<256x1xi32> to vector<256xi32>
    %swap3A_163 = arith.constant 0 : index
    %swap3A_164 = arith.constant 6 : index
    %swap3A_165 = vector.load %arg6[%swap3A_163, %swap3A_164] : memref<256x20xi32, #tpu.memory_space<vmem>>, vector<256x1xi32>
    %swap3A_166 = vector.shape_cast %swap3A_165 : vector<256x1xi32> to vector<256xi32>
    %swap3A_167 = vector.shape_cast %squeeze3A_162 : vector<256xi32> to vector<256x1xi32>
    tpu.vector_store %arg6[%swap3A_163, %swap3A_164], %swap3A_167 {strides = array<i32>} : memref<256x20xi32, #tpu.memory_space<vmem>>, vector<256x1xi32>,
    %broadcast_in_dim3A_168 = arith.constant 0x7F800000 : f32
    %broadcast_in_dim3A_169 = vector.broadcast %broadcast_in_dim3A_168 : f32 to vector<256x1xf32>
    %broadcast_in_dim3A_170 = arith.constant 0 : i32
    %broadcast_in_dim3A_171 = vector.broadcast %broadcast_in_dim3A_170 : i32 to vector<256x1xi32>
    %while3A_172 = arith.constant 0x7F800000 : f32
    %while3A_173 = arith.subi %get3A_4, %get3A_1 : i32
    %while3A_174 = arith.addi %get3A_1, %while3A_173 : i32
    %while3A_175 = arith.constant 1 : i32
    %while3A_176 = arith.divsi %while3A_173, %while3A_175 : i32
    %while3A_177 = arith.muli %while3A_176, %while3A_175 : i32
    %while3A_178 = arith.addi %get3A_1, %while3A_177 : i32
    %while3A_179 = arith.constant 1 : i32
    %while3A_180:2 = scf.for %while3A_441 = %get3A_1 to %while3A_178 step %while3A_179 iter_args(%while3A_442 = %broadcast_in_dim3A_169, %while3A_443 = %broadcast_in_dim3A_171) -> (vector<256x1xf32>, vector<256x1xi32>)  : i32 {
      %get3A_444 = arith.index_cast %while3A_441 : i32 to index
      %get3A_445 = arith.constant 0 : index
      %get3A_446 = arith.constant 0 : index
      %get3A_447 = vector.load %arg7[%get3A_444, %get3A_445, %get3A_446] : memref<16x256x512xf32, #tpu.memory_space<vmem>>, vector<1x256x512xf32>
      %get3A_448 = vector.shape_cast %get3A_447 : vector<1x256x512xf32> to vector<256x512xf32>
      %iota3A = tpu.iota {dimensions = array<i32: 1>} : vector<256x512xi32>
      %mul3A_449 = arith.constant 512 : i32
      %mul3A_450 = arith.muli %while3A_441, %mul3A_449 : i32
      %add3A = vector.broadcast %mul3A_450 : i32 to vector<256x512xi32>
      %add3A_451 = arith.addi %iota3A, %add3A : vector<256x512xi32>
      %eq3A = vector.broadcast %while3A_161#1 : vector<256x1xi32> to vector<256x512xi32>
      %eq3A_452 = arith.cmpi eq, %add3A_451, %eq3A : vector<256x512xi32>
      %broadcast_in_dim3A_453 = vector.broadcast %while3A_172 : f32 to vector<256x512xf32>
      %select_n3A = arith.select %eq3A_452, %broadcast_in_dim3A_453, %get3A_448 : vector<256x512xi1>, vector<256x512xf32>
      %swap3A_454 = arith.index_cast %while3A_441 : i32 to index
      %swap3A_455 = arith.constant 0 : index
      %swap3A_456 = arith.constant 0 : index
      %swap3A_457 = vector.load %arg7[%swap3A_454, %swap3A_455, %swap3A_456] : memref<16x256x512xf32, #tpu.memory_space<vmem>>, vector<1x256x512xf32>
      %swap3A_458 = vector.shape_cast %swap3A_457 : vector<1x256x512xf32> to vector<256x512xf32>
      %swap3A_459 = vector.shape_cast %select_n3A : vector<256x512xf32> to vector<1x256x512xf32>
      tpu.vector_store %arg7[%swap3A_454, %swap3A_455, %swap3A_456], %swap3A_459 {strides = array<i32>} : memref<16x256x512xf32, #tpu.memory_space<vmem>>, vector<1x256x512xf32>,
      %reduce_min3A = arith.constant dense<0x7F800000> : vector<256xf32>
      %reduce_min3A_460 = vector.multi_reduction <minimumf>, %select_n3A, %reduce_min3A [1] : vector<256x512xf32> to vector<256xf32>
      %broadcast_in_dim3A_461 = vector.shape_cast %reduce_min3A_460 : vector<256xf32> to vector<256x1xf32>
      %eq3A_462 = vector.broadcast %broadcast_in_dim3A_461 : vector<256x1xf32> to vector<256x512xf32>
      %eq3A_463 = arith.cmpf oeq, %select_n3A, %eq3A_462 : vector<256x512xf32>
      %jit3A = arith.constant 8192 : i32
      %broadcast_in_dim3A_464 = vector.broadcast %jit3A : i32 to vector<256x512xi32>
      %select_n3A_465 = arith.select %eq3A_463, %add3A_451, %broadcast_in_dim3A_464 : vector<256x512xi1>, vector<256x512xi32>
      %reduce_min3A_466 = arith.constant dense<2147483647> : vector<256xi32>
      %reduce_min3A_467 = vector.multi_reduction <minsi>, %select_n3A_465, %reduce_min3A_466 [1] : vector<256x512xi32> to vector<256xi32>
      %broadcast_in_dim3A_468 = vector.shape_cast %reduce_min3A_467 : vector<256xi32> to vector<256x1xi32>
      %lt3A = arith.cmpf olt, %broadcast_in_dim3A_461, %while3A_442 : vector<256x1xf32>
      %select_n3A_469 = arith.select %lt3A, %broadcast_in_dim3A_461, %while3A_442 : vector<256x1xi1>, vector<256x1xf32>
      %select_n3A_470 = arith.select %lt3A, %broadcast_in_dim3A_468, %while3A_443 : vector<256x1xi1>, vector<256x1xi32>
      scf.yield %select_n3A_469, %select_n3A_470 : vector<256x1xf32>, vector<256x1xi32>
    }
    %while3A_181 = arith.constant 1 : i32
    %while3A_182:2 = scf.for %while3A_441 = %while3A_178 to %while3A_174 step %while3A_181 iter_args(%while3A_442 = %while3A_180#0, %while3A_443 = %while3A_180#1) -> (vector<256x1xf32>, vector<256x1xi32>)  : i32 {
      %get3A_444 = arith.index_cast %while3A_441 : i32 to index
      %get3A_445 = arith.constant 0 : index
      %get3A_446 = arith.constant 0 : index
      %get3A_447 = vector.load %arg7[%get3A_444, %get3A_445, %get3A_446] : memref<16x256x512xf32, #tpu.memory_space<vmem>>, vector<1x256x512xf32>
      %get3A_448 = vector.shape_cast %get3A_447 : vector<1x256x512xf32> to vector<256x512xf32>
      %iota3A = tpu.iota {dimensions = array<i32: 1>} : vector<256x512xi32>
      %mul3A_449 = arith.constant 512 : i32
      %mul3A_450 = arith.muli %while3A_441, %mul3A_449 : i32
      %add3A = vector.broadcast %mul3A_450 : i32 to vector<256x512xi32>
      %add3A_451 = arith.addi %iota3A, %add3A : vector<256x512xi32>
      %eq3A = vector.broadcast %while3A_161#1 : vector<256x1xi32> to vector<256x512xi32>
      %eq3A_452 = arith.cmpi eq, %add3A_451, %eq3A : vector<256x512xi32>
      %broadcast_in_dim3A_453 = vector.broadcast %while3A_172 : f32 to vector<256x512xf32>
      %select_n3A = arith.select %eq3A_452, %broadcast_in_dim3A_453, %get3A_448 : vector<256x512xi1>, vector<256x512xf32>
      %swap3A_454 = arith.index_cast %while3A_441 : i32 to index
      %swap3A_455 = arith.constant 0 : index
      %swap3A_456 = arith.constant 0 : index
      %swap3A_457 = vector.load %arg7[%swap3A_454, %swap3A_455, %swap3A_456] : memref<16x256x512xf32, #tpu.memory_space<vmem>>, vector<1x256x512xf32>
      %swap3A_458 = vector.shape_cast %swap3A_457 : vector<1x256x512xf32> to vector<256x512xf32>
      %swap3A_459 = vector.shape_cast %select_n3A : vector<256x512xf32> to vector<1x256x512xf32>
      tpu.vector_store %arg7[%swap3A_454, %swap3A_455, %swap3A_456], %swap3A_459 {strides = array<i32>} : memref<16x256x512xf32, #tpu.memory_space<vmem>>, vector<1x256x512xf32>,
      %reduce_min3A = arith.constant dense<0x7F800000> : vector<256xf32>
      %reduce_min3A_460 = vector.multi_reduction <minimumf>, %select_n3A, %reduce_min3A [1] : vector<256x512xf32> to vector<256xf32>
      %broadcast_in_dim3A_461 = vector.shape_cast %reduce_min3A_460 : vector<256xf32> to vector<256x1xf32>
      %eq3A_462 = vector.broadcast %broadcast_in_dim3A_461 : vector<256x1xf32> to vector<256x512xf32>
      %eq3A_463 = arith.cmpf oeq, %select_n3A, %eq3A_462 : vector<256x512xf32>
      %jit3A = arith.constant 8192 : i32
      %broadcast_in_dim3A_464 = vector.broadcast %jit3A : i32 to vector<256x512xi32>
      %select_n3A_465 = arith.select %eq3A_463, %add3A_451, %broadcast_in_dim3A_464 : vector<256x512xi1>, vector<256x512xi32>
      %reduce_min3A_466 = arith.constant dense<2147483647> : vector<256xi32>
      %reduce_min3A_467 = vector.multi_reduction <minsi>, %select_n3A_465, %reduce_min3A_466 [1] : vector<256x512xi32> to vector<256xi32>
      %broadcast_in_dim3A_468 = vector.shape_cast %reduce_min3A_467 : vector<256xi32> to vector<256x1xi32>
      %lt3A = arith.cmpf olt, %broadcast_in_dim3A_461, %while3A_442 : vector<256x1xf32>
      %select_n3A_469 = arith.select %lt3A, %broadcast_in_dim3A_461, %while3A_442 : vector<256x1xi1>, vector<256x1xf32>
      %select_n3A_470 = arith.select %lt3A, %broadcast_in_dim3A_468, %while3A_443 : vector<256x1xi1>, vector<256x1xi32>
      scf.yield %select_n3A_469, %select_n3A_470 : vector<256x1xf32>, vector<256x1xi32>
    }
    %squeeze3A_183 = vector.shape_cast %while3A_182#1 : vector<256x1xi32> to vector<256xi32>
    %swap3A_184 = arith.constant 0 : index
    %swap3A_185 = arith.constant 7 : index
    %swap3A_186 = vector.load %arg6[%swap3A_184, %swap3A_185] : memref<256x20xi32, #tpu.memory_space<vmem>>, vector<256x1xi32>
    %swap3A_187 = vector.shape_cast %swap3A_186 : vector<256x1xi32> to vector<256xi32>
    %swap3A_188 = vector.shape_cast %squeeze3A_183 : vector<256xi32> to vector<256x1xi32>
    tpu.vector_store %arg6[%swap3A_184, %swap3A_185], %swap3A_188 {strides = array<i32>} : memref<256x20xi32, #tpu.memory_space<vmem>>, vector<256x1xi32>,
    %broadcast_in_dim3A_189 = arith.constant 0x7F800000 : f32
    %broadcast_in_dim3A_190 = vector.broadcast %broadcast_in_dim3A_189 : f32 to vector<256x1xf32>
    %broadcast_in_dim3A_191 = arith.constant 0 : i32
    %broadcast_in_dim3A_192 = vector.broadcast %broadcast_in_dim3A_191 : i32 to vector<256x1xi32>
    %while3A_193 = arith.constant 0x7F800000 : f32
    %while3A_194 = arith.subi %get3A_4, %get3A_1 : i32
    %while3A_195 = arith.addi %get3A_1, %while3A_194 : i32
    %while3A_196 = arith.constant 1 : i32
    %while3A_197 = arith.divsi %while3A_194, %while3A_196 : i32
    %while3A_198 = arith.muli %while3A_197, %while3A_196 : i32
    %while3A_199 = arith.addi %get3A_1, %while3A_198 : i32
    %while3A_200 = arith.constant 1 : i32
    %while3A_201:2 = scf.for %while3A_441 = %get3A_1 to %while3A_199 step %while3A_200 iter_args(%while3A_442 = %broadcast_in_dim3A_190, %while3A_443 = %broadcast_in_dim3A_192) -> (vector<256x1xf32>, vector<256x1xi32>)  : i32 {
      %get3A_444 = arith.index_cast %while3A_441 : i32 to index
      %get3A_445 = arith.constant 0 : index
      %get3A_446 = arith.constant 0 : index
      %get3A_447 = vector.load %arg7[%get3A_444, %get3A_445, %get3A_446] : memref<16x256x512xf32, #tpu.memory_space<vmem>>, vector<1x256x512xf32>
      %get3A_448 = vector.shape_cast %get3A_447 : vector<1x256x512xf32> to vector<256x512xf32>
      %iota3A = tpu.iota {dimensions = array<i32: 1>} : vector<256x512xi32>
      %mul3A_449 = arith.constant 512 : i32
      %mul3A_450 = arith.muli %while3A_441, %mul3A_449 : i32
      %add3A = vector.broadcast %mul3A_450 : i32 to vector<256x512xi32>
      %add3A_451 = arith.addi %iota3A, %add3A : vector<256x512xi32>
      %eq3A = vector.broadcast %while3A_182#1 : vector<256x1xi32> to vector<256x512xi32>
      %eq3A_452 = arith.cmpi eq, %add3A_451, %eq3A : vector<256x512xi32>
      %broadcast_in_dim3A_453 = vector.broadcast %while3A_193 : f32 to vector<256x512xf32>
      %select_n3A = arith.select %eq3A_452, %broadcast_in_dim3A_453, %get3A_448 : vector<256x512xi1>, vector<256x512xf32>
      %swap3A_454 = arith.index_cast %while3A_441 : i32 to index
      %swap3A_455 = arith.constant 0 : index
      %swap3A_456 = arith.constant 0 : index
      %swap3A_457 = vector.load %arg7[%swap3A_454, %swap3A_455, %swap3A_456] : memref<16x256x512xf32, #tpu.memory_space<vmem>>, vector<1x256x512xf32>
      %swap3A_458 = vector.shape_cast %swap3A_457 : vector<1x256x512xf32> to vector<256x512xf32>
      %swap3A_459 = vector.shape_cast %select_n3A : vector<256x512xf32> to vector<1x256x512xf32>
      tpu.vector_store %arg7[%swap3A_454, %swap3A_455, %swap3A_456], %swap3A_459 {strides = array<i32>} : memref<16x256x512xf32, #tpu.memory_space<vmem>>, vector<1x256x512xf32>,
      %reduce_min3A = arith.constant dense<0x7F800000> : vector<256xf32>
      %reduce_min3A_460 = vector.multi_reduction <minimumf>, %select_n3A, %reduce_min3A [1] : vector<256x512xf32> to vector<256xf32>
      %broadcast_in_dim3A_461 = vector.shape_cast %reduce_min3A_460 : vector<256xf32> to vector<256x1xf32>
      %eq3A_462 = vector.broadcast %broadcast_in_dim3A_461 : vector<256x1xf32> to vector<256x512xf32>
      %eq3A_463 = arith.cmpf oeq, %select_n3A, %eq3A_462 : vector<256x512xf32>
      %jit3A = arith.constant 8192 : i32
      %broadcast_in_dim3A_464 = vector.broadcast %jit3A : i32 to vector<256x512xi32>
      %select_n3A_465 = arith.select %eq3A_463, %add3A_451, %broadcast_in_dim3A_464 : vector<256x512xi1>, vector<256x512xi32>
      %reduce_min3A_466 = arith.constant dense<2147483647> : vector<256xi32>
      %reduce_min3A_467 = vector.multi_reduction <minsi>, %select_n3A_465, %reduce_min3A_466 [1] : vector<256x512xi32> to vector<256xi32>
      %broadcast_in_dim3A_468 = vector.shape_cast %reduce_min3A_467 : vector<256xi32> to vector<256x1xi32>
      %lt3A = arith.cmpf olt, %broadcast_in_dim3A_461, %while3A_442 : vector<256x1xf32>
      %select_n3A_469 = arith.select %lt3A, %broadcast_in_dim3A_461, %while3A_442 : vector<256x1xi1>, vector<256x1xf32>
      %select_n3A_470 = arith.select %lt3A, %broadcast_in_dim3A_468, %while3A_443 : vector<256x1xi1>, vector<256x1xi32>
      scf.yield %select_n3A_469, %select_n3A_470 : vector<256x1xf32>, vector<256x1xi32>
    }
    %while3A_202 = arith.constant 1 : i32
    %while3A_203:2 = scf.for %while3A_441 = %while3A_199 to %while3A_195 step %while3A_202 iter_args(%while3A_442 = %while3A_201#0, %while3A_443 = %while3A_201#1) -> (vector<256x1xf32>, vector<256x1xi32>)  : i32 {
      %get3A_444 = arith.index_cast %while3A_441 : i32 to index
      %get3A_445 = arith.constant 0 : index
      %get3A_446 = arith.constant 0 : index
      %get3A_447 = vector.load %arg7[%get3A_444, %get3A_445, %get3A_446] : memref<16x256x512xf32, #tpu.memory_space<vmem>>, vector<1x256x512xf32>
      %get3A_448 = vector.shape_cast %get3A_447 : vector<1x256x512xf32> to vector<256x512xf32>
      %iota3A = tpu.iota {dimensions = array<i32: 1>} : vector<256x512xi32>
      %mul3A_449 = arith.constant 512 : i32
      %mul3A_450 = arith.muli %while3A_441, %mul3A_449 : i32
      %add3A = vector.broadcast %mul3A_450 : i32 to vector<256x512xi32>
      %add3A_451 = arith.addi %iota3A, %add3A : vector<256x512xi32>
      %eq3A = vector.broadcast %while3A_182#1 : vector<256x1xi32> to vector<256x512xi32>
      %eq3A_452 = arith.cmpi eq, %add3A_451, %eq3A : vector<256x512xi32>
      %broadcast_in_dim3A_453 = vector.broadcast %while3A_193 : f32 to vector<256x512xf32>
      %select_n3A = arith.select %eq3A_452, %broadcast_in_dim3A_453, %get3A_448 : vector<256x512xi1>, vector<256x512xf32>
      %swap3A_454 = arith.index_cast %while3A_441 : i32 to index
      %swap3A_455 = arith.constant 0 : index
      %swap3A_456 = arith.constant 0 : index
      %swap3A_457 = vector.load %arg7[%swap3A_454, %swap3A_455, %swap3A_456] : memref<16x256x512xf32, #tpu.memory_space<vmem>>, vector<1x256x512xf32>
      %swap3A_458 = vector.shape_cast %swap3A_457 : vector<1x256x512xf32> to vector<256x512xf32>
      %swap3A_459 = vector.shape_cast %select_n3A : vector<256x512xf32> to vector<1x256x512xf32>
      tpu.vector_store %arg7[%swap3A_454, %swap3A_455, %swap3A_456], %swap3A_459 {strides = array<i32>} : memref<16x256x512xf32, #tpu.memory_space<vmem>>, vector<1x256x512xf32>,
      %reduce_min3A = arith.constant dense<0x7F800000> : vector<256xf32>
      %reduce_min3A_460 = vector.multi_reduction <minimumf>, %select_n3A, %reduce_min3A [1] : vector<256x512xf32> to vector<256xf32>
      %broadcast_in_dim3A_461 = vector.shape_cast %reduce_min3A_460 : vector<256xf32> to vector<256x1xf32>
      %eq3A_462 = vector.broadcast %broadcast_in_dim3A_461 : vector<256x1xf32> to vector<256x512xf32>
      %eq3A_463 = arith.cmpf oeq, %select_n3A, %eq3A_462 : vector<256x512xf32>
      %jit3A = arith.constant 8192 : i32
      %broadcast_in_dim3A_464 = vector.broadcast %jit3A : i32 to vector<256x512xi32>
      %select_n3A_465 = arith.select %eq3A_463, %add3A_451, %broadcast_in_dim3A_464 : vector<256x512xi1>, vector<256x512xi32>
      %reduce_min3A_466 = arith.constant dense<2147483647> : vector<256xi32>
      %reduce_min3A_467 = vector.multi_reduction <minsi>, %select_n3A_465, %reduce_min3A_466 [1] : vector<256x512xi32> to vector<256xi32>
      %broadcast_in_dim3A_468 = vector.shape_cast %reduce_min3A_467 : vector<256xi32> to vector<256x1xi32>
      %lt3A = arith.cmpf olt, %broadcast_in_dim3A_461, %while3A_442 : vector<256x1xf32>
      %select_n3A_469 = arith.select %lt3A, %broadcast_in_dim3A_461, %while3A_442 : vector<256x1xi1>, vector<256x1xf32>
      %select_n3A_470 = arith.select %lt3A, %broadcast_in_dim3A_468, %while3A_443 : vector<256x1xi1>, vector<256x1xi32>
      scf.yield %select_n3A_469, %select_n3A_470 : vector<256x1xf32>, vector<256x1xi32>
    }
    %squeeze3A_204 = vector.shape_cast %while3A_203#1 : vector<256x1xi32> to vector<256xi32>
    %swap3A_205 = arith.constant 0 : index
    %swap3A_206 = arith.constant 8 : index
    %swap3A_207 = vector.load %arg6[%swap3A_205, %swap3A_206] : memref<256x20xi32, #tpu.memory_space<vmem>>, vector<256x1xi32>
    %swap3A_208 = vector.shape_cast %swap3A_207 : vector<256x1xi32> to vector<256xi32>
    %swap3A_209 = vector.shape_cast %squeeze3A_204 : vector<256xi32> to vector<256x1xi32>
    tpu.vector_store %arg6[%swap3A_205, %swap3A_206], %swap3A_209 {strides = array<i32>} : memref<256x20xi32, #tpu.memory_space<vmem>>, vector<256x1xi32>,
    %broadcast_in_dim3A_210 = arith.constant 0x7F800000 : f32
    %broadcast_in_dim3A_211 = vector.broadcast %broadcast_in_dim3A_210 : f32 to vector<256x1xf32>
    %broadcast_in_dim3A_212 = arith.constant 0 : i32
    %broadcast_in_dim3A_213 = vector.broadcast %broadcast_in_dim3A_212 : i32 to vector<256x1xi32>
    %while3A_214 = arith.constant 0x7F800000 : f32
    %while3A_215 = arith.subi %get3A_4, %get3A_1 : i32
    %while3A_216 = arith.addi %get3A_1, %while3A_215 : i32
    %while3A_217 = arith.constant 1 : i32
    %while3A_218 = arith.divsi %while3A_215, %while3A_217 : i32
    %while3A_219 = arith.muli %while3A_218, %while3A_217 : i32
    %while3A_220 = arith.addi %get3A_1, %while3A_219 : i32
    %while3A_221 = arith.constant 1 : i32
    %while3A_222:2 = scf.for %while3A_441 = %get3A_1 to %while3A_220 step %while3A_221 iter_args(%while3A_442 = %broadcast_in_dim3A_211, %while3A_443 = %broadcast_in_dim3A_213) -> (vector<256x1xf32>, vector<256x1xi32>)  : i32 {
      %get3A_444 = arith.index_cast %while3A_441 : i32 to index
      %get3A_445 = arith.constant 0 : index
      %get3A_446 = arith.constant 0 : index
      %get3A_447 = vector.load %arg7[%get3A_444, %get3A_445, %get3A_446] : memref<16x256x512xf32, #tpu.memory_space<vmem>>, vector<1x256x512xf32>
      %get3A_448 = vector.shape_cast %get3A_447 : vector<1x256x512xf32> to vector<256x512xf32>
      %iota3A = tpu.iota {dimensions = array<i32: 1>} : vector<256x512xi32>
      %mul3A_449 = arith.constant 512 : i32
      %mul3A_450 = arith.muli %while3A_441, %mul3A_449 : i32
      %add3A = vector.broadcast %mul3A_450 : i32 to vector<256x512xi32>
      %add3A_451 = arith.addi %iota3A, %add3A : vector<256x512xi32>
      %eq3A = vector.broadcast %while3A_203#1 : vector<256x1xi32> to vector<256x512xi32>
      %eq3A_452 = arith.cmpi eq, %add3A_451, %eq3A : vector<256x512xi32>
      %broadcast_in_dim3A_453 = vector.broadcast %while3A_214 : f32 to vector<256x512xf32>
      %select_n3A = arith.select %eq3A_452, %broadcast_in_dim3A_453, %get3A_448 : vector<256x512xi1>, vector<256x512xf32>
      %swap3A_454 = arith.index_cast %while3A_441 : i32 to index
      %swap3A_455 = arith.constant 0 : index
      %swap3A_456 = arith.constant 0 : index
      %swap3A_457 = vector.load %arg7[%swap3A_454, %swap3A_455, %swap3A_456] : memref<16x256x512xf32, #tpu.memory_space<vmem>>, vector<1x256x512xf32>
      %swap3A_458 = vector.shape_cast %swap3A_457 : vector<1x256x512xf32> to vector<256x512xf32>
      %swap3A_459 = vector.shape_cast %select_n3A : vector<256x512xf32> to vector<1x256x512xf32>
      tpu.vector_store %arg7[%swap3A_454, %swap3A_455, %swap3A_456], %swap3A_459 {strides = array<i32>} : memref<16x256x512xf32, #tpu.memory_space<vmem>>, vector<1x256x512xf32>,
      %reduce_min3A = arith.constant dense<0x7F800000> : vector<256xf32>
      %reduce_min3A_460 = vector.multi_reduction <minimumf>, %select_n3A, %reduce_min3A [1] : vector<256x512xf32> to vector<256xf32>
      %broadcast_in_dim3A_461 = vector.shape_cast %reduce_min3A_460 : vector<256xf32> to vector<256x1xf32>
      %eq3A_462 = vector.broadcast %broadcast_in_dim3A_461 : vector<256x1xf32> to vector<256x512xf32>
      %eq3A_463 = arith.cmpf oeq, %select_n3A, %eq3A_462 : vector<256x512xf32>
      %jit3A = arith.constant 8192 : i32
      %broadcast_in_dim3A_464 = vector.broadcast %jit3A : i32 to vector<256x512xi32>
      %select_n3A_465 = arith.select %eq3A_463, %add3A_451, %broadcast_in_dim3A_464 : vector<256x512xi1>, vector<256x512xi32>
      %reduce_min3A_466 = arith.constant dense<2147483647> : vector<256xi32>
      %reduce_min3A_467 = vector.multi_reduction <minsi>, %select_n3A_465, %reduce_min3A_466 [1] : vector<256x512xi32> to vector<256xi32>
      %broadcast_in_dim3A_468 = vector.shape_cast %reduce_min3A_467 : vector<256xi32> to vector<256x1xi32>
      %lt3A = arith.cmpf olt, %broadcast_in_dim3A_461, %while3A_442 : vector<256x1xf32>
      %select_n3A_469 = arith.select %lt3A, %broadcast_in_dim3A_461, %while3A_442 : vector<256x1xi1>, vector<256x1xf32>
      %select_n3A_470 = arith.select %lt3A, %broadcast_in_dim3A_468, %while3A_443 : vector<256x1xi1>, vector<256x1xi32>
      scf.yield %select_n3A_469, %select_n3A_470 : vector<256x1xf32>, vector<256x1xi32>
    }
    %while3A_223 = arith.constant 1 : i32
    %while3A_224:2 = scf.for %while3A_441 = %while3A_220 to %while3A_216 step %while3A_223 iter_args(%while3A_442 = %while3A_222#0, %while3A_443 = %while3A_222#1) -> (vector<256x1xf32>, vector<256x1xi32>)  : i32 {
      %get3A_444 = arith.index_cast %while3A_441 : i32 to index
      %get3A_445 = arith.constant 0 : index
      %get3A_446 = arith.constant 0 : index
      %get3A_447 = vector.load %arg7[%get3A_444, %get3A_445, %get3A_446] : memref<16x256x512xf32, #tpu.memory_space<vmem>>, vector<1x256x512xf32>
      %get3A_448 = vector.shape_cast %get3A_447 : vector<1x256x512xf32> to vector<256x512xf32>
      %iota3A = tpu.iota {dimensions = array<i32: 1>} : vector<256x512xi32>
      %mul3A_449 = arith.constant 512 : i32
      %mul3A_450 = arith.muli %while3A_441, %mul3A_449 : i32
      %add3A = vector.broadcast %mul3A_450 : i32 to vector<256x512xi32>
      %add3A_451 = arith.addi %iota3A, %add3A : vector<256x512xi32>
      %eq3A = vector.broadcast %while3A_203#1 : vector<256x1xi32> to vector<256x512xi32>
      %eq3A_452 = arith.cmpi eq, %add3A_451, %eq3A : vector<256x512xi32>
      %broadcast_in_dim3A_453 = vector.broadcast %while3A_214 : f32 to vector<256x512xf32>
      %select_n3A = arith.select %eq3A_452, %broadcast_in_dim3A_453, %get3A_448 : vector<256x512xi1>, vector<256x512xf32>
      %swap3A_454 = arith.index_cast %while3A_441 : i32 to index
      %swap3A_455 = arith.constant 0 : index
      %swap3A_456 = arith.constant 0 : index
      %swap3A_457 = vector.load %arg7[%swap3A_454, %swap3A_455, %swap3A_456] : memref<16x256x512xf32, #tpu.memory_space<vmem>>, vector<1x256x512xf32>
      %swap3A_458 = vector.shape_cast %swap3A_457 : vector<1x256x512xf32> to vector<256x512xf32>
      %swap3A_459 = vector.shape_cast %select_n3A : vector<256x512xf32> to vector<1x256x512xf32>
      tpu.vector_store %arg7[%swap3A_454, %swap3A_455, %swap3A_456], %swap3A_459 {strides = array<i32>} : memref<16x256x512xf32, #tpu.memory_space<vmem>>, vector<1x256x512xf32>,
      %reduce_min3A = arith.constant dense<0x7F800000> : vector<256xf32>
      %reduce_min3A_460 = vector.multi_reduction <minimumf>, %select_n3A, %reduce_min3A [1] : vector<256x512xf32> to vector<256xf32>
      %broadcast_in_dim3A_461 = vector.shape_cast %reduce_min3A_460 : vector<256xf32> to vector<256x1xf32>
      %eq3A_462 = vector.broadcast %broadcast_in_dim3A_461 : vector<256x1xf32> to vector<256x512xf32>
      %eq3A_463 = arith.cmpf oeq, %select_n3A, %eq3A_462 : vector<256x512xf32>
      %jit3A = arith.constant 8192 : i32
      %broadcast_in_dim3A_464 = vector.broadcast %jit3A : i32 to vector<256x512xi32>
      %select_n3A_465 = arith.select %eq3A_463, %add3A_451, %broadcast_in_dim3A_464 : vector<256x512xi1>, vector<256x512xi32>
      %reduce_min3A_466 = arith.constant dense<2147483647> : vector<256xi32>
      %reduce_min3A_467 = vector.multi_reduction <minsi>, %select_n3A_465, %reduce_min3A_466 [1] : vector<256x512xi32> to vector<256xi32>
      %broadcast_in_dim3A_468 = vector.shape_cast %reduce_min3A_467 : vector<256xi32> to vector<256x1xi32>
      %lt3A = arith.cmpf olt, %broadcast_in_dim3A_461, %while3A_442 : vector<256x1xf32>
      %select_n3A_469 = arith.select %lt3A, %broadcast_in_dim3A_461, %while3A_442 : vector<256x1xi1>, vector<256x1xf32>
      %select_n3A_470 = arith.select %lt3A, %broadcast_in_dim3A_468, %while3A_443 : vector<256x1xi1>, vector<256x1xi32>
      scf.yield %select_n3A_469, %select_n3A_470 : vector<256x1xf32>, vector<256x1xi32>
    }
    %squeeze3A_225 = vector.shape_cast %while3A_224#1 : vector<256x1xi32> to vector<256xi32>
    %swap3A_226 = arith.constant 0 : index
    %swap3A_227 = arith.constant 9 : index
    %swap3A_228 = vector.load %arg6[%swap3A_226, %swap3A_227] : memref<256x20xi32, #tpu.memory_space<vmem>>, vector<256x1xi32>
    %swap3A_229 = vector.shape_cast %swap3A_228 : vector<256x1xi32> to vector<256xi32>
    %swap3A_230 = vector.shape_cast %squeeze3A_225 : vector<256xi32> to vector<256x1xi32>
    tpu.vector_store %arg6[%swap3A_226, %swap3A_227], %swap3A_230 {strides = array<i32>} : memref<256x20xi32, #tpu.memory_space<vmem>>, vector<256x1xi32>,
    %broadcast_in_dim3A_231 = arith.constant 0x7F800000 : f32
    %broadcast_in_dim3A_232 = vector.broadcast %broadcast_in_dim3A_231 : f32 to vector<256x1xf32>
    %broadcast_in_dim3A_233 = arith.constant 0 : i32
    %broadcast_in_dim3A_234 = vector.broadcast %broadcast_in_dim3A_233 : i32 to vector<256x1xi32>
    %while3A_235 = arith.constant 0x7F800000 : f32
    %while3A_236 = arith.subi %get3A_4, %get3A_1 : i32
    %while3A_237 = arith.addi %get3A_1, %while3A_236 : i32
    %while3A_238 = arith.constant 1 : i32
    %while3A_239 = arith.divsi %while3A_236, %while3A_238 : i32
    %while3A_240 = arith.muli %while3A_239, %while3A_238 : i32
    %while3A_241 = arith.addi %get3A_1, %while3A_240 : i32
    %while3A_242 = arith.constant 1 : i32
    %while3A_243:2 = scf.for %while3A_441 = %get3A_1 to %while3A_241 step %while3A_242 iter_args(%while3A_442 = %broadcast_in_dim3A_232, %while3A_443 = %broadcast_in_dim3A_234) -> (vector<256x1xf32>, vector<256x1xi32>)  : i32 {
      %get3A_444 = arith.index_cast %while3A_441 : i32 to index
      %get3A_445 = arith.constant 0 : index
      %get3A_446 = arith.constant 0 : index
      %get3A_447 = vector.load %arg7[%get3A_444, %get3A_445, %get3A_446] : memref<16x256x512xf32, #tpu.memory_space<vmem>>, vector<1x256x512xf32>
      %get3A_448 = vector.shape_cast %get3A_447 : vector<1x256x512xf32> to vector<256x512xf32>
      %iota3A = tpu.iota {dimensions = array<i32: 1>} : vector<256x512xi32>
      %mul3A_449 = arith.constant 512 : i32
      %mul3A_450 = arith.muli %while3A_441, %mul3A_449 : i32
      %add3A = vector.broadcast %mul3A_450 : i32 to vector<256x512xi32>
      %add3A_451 = arith.addi %iota3A, %add3A : vector<256x512xi32>
      %eq3A = vector.broadcast %while3A_224#1 : vector<256x1xi32> to vector<256x512xi32>
      %eq3A_452 = arith.cmpi eq, %add3A_451, %eq3A : vector<256x512xi32>
      %broadcast_in_dim3A_453 = vector.broadcast %while3A_235 : f32 to vector<256x512xf32>
      %select_n3A = arith.select %eq3A_452, %broadcast_in_dim3A_453, %get3A_448 : vector<256x512xi1>, vector<256x512xf32>
      %swap3A_454 = arith.index_cast %while3A_441 : i32 to index
      %swap3A_455 = arith.constant 0 : index
      %swap3A_456 = arith.constant 0 : index
      %swap3A_457 = vector.load %arg7[%swap3A_454, %swap3A_455, %swap3A_456] : memref<16x256x512xf32, #tpu.memory_space<vmem>>, vector<1x256x512xf32>
      %swap3A_458 = vector.shape_cast %swap3A_457 : vector<1x256x512xf32> to vector<256x512xf32>
      %swap3A_459 = vector.shape_cast %select_n3A : vector<256x512xf32> to vector<1x256x512xf32>
      tpu.vector_store %arg7[%swap3A_454, %swap3A_455, %swap3A_456], %swap3A_459 {strides = array<i32>} : memref<16x256x512xf32, #tpu.memory_space<vmem>>, vector<1x256x512xf32>,
      %reduce_min3A = arith.constant dense<0x7F800000> : vector<256xf32>
      %reduce_min3A_460 = vector.multi_reduction <minimumf>, %select_n3A, %reduce_min3A [1] : vector<256x512xf32> to vector<256xf32>
      %broadcast_in_dim3A_461 = vector.shape_cast %reduce_min3A_460 : vector<256xf32> to vector<256x1xf32>
      %eq3A_462 = vector.broadcast %broadcast_in_dim3A_461 : vector<256x1xf32> to vector<256x512xf32>
      %eq3A_463 = arith.cmpf oeq, %select_n3A, %eq3A_462 : vector<256x512xf32>
      %jit3A = arith.constant 8192 : i32
      %broadcast_in_dim3A_464 = vector.broadcast %jit3A : i32 to vector<256x512xi32>
      %select_n3A_465 = arith.select %eq3A_463, %add3A_451, %broadcast_in_dim3A_464 : vector<256x512xi1>, vector<256x512xi32>
      %reduce_min3A_466 = arith.constant dense<2147483647> : vector<256xi32>
      %reduce_min3A_467 = vector.multi_reduction <minsi>, %select_n3A_465, %reduce_min3A_466 [1] : vector<256x512xi32> to vector<256xi32>
      %broadcast_in_dim3A_468 = vector.shape_cast %reduce_min3A_467 : vector<256xi32> to vector<256x1xi32>
      %lt3A = arith.cmpf olt, %broadcast_in_dim3A_461, %while3A_442 : vector<256x1xf32>
      %select_n3A_469 = arith.select %lt3A, %broadcast_in_dim3A_461, %while3A_442 : vector<256x1xi1>, vector<256x1xf32>
      %select_n3A_470 = arith.select %lt3A, %broadcast_in_dim3A_468, %while3A_443 : vector<256x1xi1>, vector<256x1xi32>
      scf.yield %select_n3A_469, %select_n3A_470 : vector<256x1xf32>, vector<256x1xi32>
    }
    %while3A_244 = arith.constant 1 : i32
    %while3A_245:2 = scf.for %while3A_441 = %while3A_241 to %while3A_237 step %while3A_244 iter_args(%while3A_442 = %while3A_243#0, %while3A_443 = %while3A_243#1) -> (vector<256x1xf32>, vector<256x1xi32>)  : i32 {
      %get3A_444 = arith.index_cast %while3A_441 : i32 to index
      %get3A_445 = arith.constant 0 : index
      %get3A_446 = arith.constant 0 : index
      %get3A_447 = vector.load %arg7[%get3A_444, %get3A_445, %get3A_446] : memref<16x256x512xf32, #tpu.memory_space<vmem>>, vector<1x256x512xf32>
      %get3A_448 = vector.shape_cast %get3A_447 : vector<1x256x512xf32> to vector<256x512xf32>
      %iota3A = tpu.iota {dimensions = array<i32: 1>} : vector<256x512xi32>
      %mul3A_449 = arith.constant 512 : i32
      %mul3A_450 = arith.muli %while3A_441, %mul3A_449 : i32
      %add3A = vector.broadcast %mul3A_450 : i32 to vector<256x512xi32>
      %add3A_451 = arith.addi %iota3A, %add3A : vector<256x512xi32>
      %eq3A = vector.broadcast %while3A_224#1 : vector<256x1xi32> to vector<256x512xi32>
      %eq3A_452 = arith.cmpi eq, %add3A_451, %eq3A : vector<256x512xi32>
      %broadcast_in_dim3A_453 = vector.broadcast %while3A_235 : f32 to vector<256x512xf32>
      %select_n3A = arith.select %eq3A_452, %broadcast_in_dim3A_453, %get3A_448 : vector<256x512xi1>, vector<256x512xf32>
      %swap3A_454 = arith.index_cast %while3A_441 : i32 to index
      %swap3A_455 = arith.constant 0 : index
      %swap3A_456 = arith.constant 0 : index
      %swap3A_457 = vector.load %arg7[%swap3A_454, %swap3A_455, %swap3A_456] : memref<16x256x512xf32, #tpu.memory_space<vmem>>, vector<1x256x512xf32>
      %swap3A_458 = vector.shape_cast %swap3A_457 : vector<1x256x512xf32> to vector<256x512xf32>
      %swap3A_459 = vector.shape_cast %select_n3A : vector<256x512xf32> to vector<1x256x512xf32>
      tpu.vector_store %arg7[%swap3A_454, %swap3A_455, %swap3A_456], %swap3A_459 {strides = array<i32>} : memref<16x256x512xf32, #tpu.memory_space<vmem>>, vector<1x256x512xf32>,
      %reduce_min3A = arith.constant dense<0x7F800000> : vector<256xf32>
      %reduce_min3A_460 = vector.multi_reduction <minimumf>, %select_n3A, %reduce_min3A [1] : vector<256x512xf32> to vector<256xf32>
      %broadcast_in_dim3A_461 = vector.shape_cast %reduce_min3A_460 : vector<256xf32> to vector<256x1xf32>
      %eq3A_462 = vector.broadcast %broadcast_in_dim3A_461 : vector<256x1xf32> to vector<256x512xf32>
      %eq3A_463 = arith.cmpf oeq, %select_n3A, %eq3A_462 : vector<256x512xf32>
      %jit3A = arith.constant 8192 : i32
      %broadcast_in_dim3A_464 = vector.broadcast %jit3A : i32 to vector<256x512xi32>
      %select_n3A_465 = arith.select %eq3A_463, %add3A_451, %broadcast_in_dim3A_464 : vector<256x512xi1>, vector<256x512xi32>
      %reduce_min3A_466 = arith.constant dense<2147483647> : vector<256xi32>
      %reduce_min3A_467 = vector.multi_reduction <minsi>, %select_n3A_465, %reduce_min3A_466 [1] : vector<256x512xi32> to vector<256xi32>
      %broadcast_in_dim3A_468 = vector.shape_cast %reduce_min3A_467 : vector<256xi32> to vector<256x1xi32>
      %lt3A = arith.cmpf olt, %broadcast_in_dim3A_461, %while3A_442 : vector<256x1xf32>
      %select_n3A_469 = arith.select %lt3A, %broadcast_in_dim3A_461, %while3A_442 : vector<256x1xi1>, vector<256x1xf32>
      %select_n3A_470 = arith.select %lt3A, %broadcast_in_dim3A_468, %while3A_443 : vector<256x1xi1>, vector<256x1xi32>
      scf.yield %select_n3A_469, %select_n3A_470 : vector<256x1xf32>, vector<256x1xi32>
    }
    %squeeze3A_246 = vector.shape_cast %while3A_245#1 : vector<256x1xi32> to vector<256xi32>
    %swap3A_247 = arith.constant 0 : index
    %swap3A_248 = arith.constant 10 : index
    %swap3A_249 = vector.load %arg6[%swap3A_247, %swap3A_248] : memref<256x20xi32, #tpu.memory_space<vmem>>, vector<256x1xi32>
    %swap3A_250 = vector.shape_cast %swap3A_249 : vector<256x1xi32> to vector<256xi32>
    %swap3A_251 = vector.shape_cast %squeeze3A_246 : vector<256xi32> to vector<256x1xi32>
    tpu.vector_store %arg6[%swap3A_247, %swap3A_248], %swap3A_251 {strides = array<i32>} : memref<256x20xi32, #tpu.memory_space<vmem>>, vector<256x1xi32>,
    %broadcast_in_dim3A_252 = arith.constant 0x7F800000 : f32
    %broadcast_in_dim3A_253 = vector.broadcast %broadcast_in_dim3A_252 : f32 to vector<256x1xf32>
    %broadcast_in_dim3A_254 = arith.constant 0 : i32
    %broadcast_in_dim3A_255 = vector.broadcast %broadcast_in_dim3A_254 : i32 to vector<256x1xi32>
    %while3A_256 = arith.constant 0x7F800000 : f32
    %while3A_257 = arith.subi %get3A_4, %get3A_1 : i32
    %while3A_258 = arith.addi %get3A_1, %while3A_257 : i32
    %while3A_259 = arith.constant 1 : i32
    %while3A_260 = arith.divsi %while3A_257, %while3A_259 : i32
    %while3A_261 = arith.muli %while3A_260, %while3A_259 : i32
    %while3A_262 = arith.addi %get3A_1, %while3A_261 : i32
    %while3A_263 = arith.constant 1 : i32
    %while3A_264:2 = scf.for %while3A_441 = %get3A_1 to %while3A_262 step %while3A_263 iter_args(%while3A_442 = %broadcast_in_dim3A_253, %while3A_443 = %broadcast_in_dim3A_255) -> (vector<256x1xf32>, vector<256x1xi32>)  : i32 {
      %get3A_444 = arith.index_cast %while3A_441 : i32 to index
      %get3A_445 = arith.constant 0 : index
      %get3A_446 = arith.constant 0 : index
      %get3A_447 = vector.load %arg7[%get3A_444, %get3A_445, %get3A_446] : memref<16x256x512xf32, #tpu.memory_space<vmem>>, vector<1x256x512xf32>
      %get3A_448 = vector.shape_cast %get3A_447 : vector<1x256x512xf32> to vector<256x512xf32>
      %iota3A = tpu.iota {dimensions = array<i32: 1>} : vector<256x512xi32>
      %mul3A_449 = arith.constant 512 : i32
      %mul3A_450 = arith.muli %while3A_441, %mul3A_449 : i32
      %add3A = vector.broadcast %mul3A_450 : i32 to vector<256x512xi32>
      %add3A_451 = arith.addi %iota3A, %add3A : vector<256x512xi32>
      %eq3A = vector.broadcast %while3A_245#1 : vector<256x1xi32> to vector<256x512xi32>
      %eq3A_452 = arith.cmpi eq, %add3A_451, %eq3A : vector<256x512xi32>
      %broadcast_in_dim3A_453 = vector.broadcast %while3A_256 : f32 to vector<256x512xf32>
      %select_n3A = arith.select %eq3A_452, %broadcast_in_dim3A_453, %get3A_448 : vector<256x512xi1>, vector<256x512xf32>
      %swap3A_454 = arith.index_cast %while3A_441 : i32 to index
      %swap3A_455 = arith.constant 0 : index
      %swap3A_456 = arith.constant 0 : index
      %swap3A_457 = vector.load %arg7[%swap3A_454, %swap3A_455, %swap3A_456] : memref<16x256x512xf32, #tpu.memory_space<vmem>>, vector<1x256x512xf32>
      %swap3A_458 = vector.shape_cast %swap3A_457 : vector<1x256x512xf32> to vector<256x512xf32>
      %swap3A_459 = vector.shape_cast %select_n3A : vector<256x512xf32> to vector<1x256x512xf32>
      tpu.vector_store %arg7[%swap3A_454, %swap3A_455, %swap3A_456], %swap3A_459 {strides = array<i32>} : memref<16x256x512xf32, #tpu.memory_space<vmem>>, vector<1x256x512xf32>,
      %reduce_min3A = arith.constant dense<0x7F800000> : vector<256xf32>
      %reduce_min3A_460 = vector.multi_reduction <minimumf>, %select_n3A, %reduce_min3A [1] : vector<256x512xf32> to vector<256xf32>
      %broadcast_in_dim3A_461 = vector.shape_cast %reduce_min3A_460 : vector<256xf32> to vector<256x1xf32>
      %eq3A_462 = vector.broadcast %broadcast_in_dim3A_461 : vector<256x1xf32> to vector<256x512xf32>
      %eq3A_463 = arith.cmpf oeq, %select_n3A, %eq3A_462 : vector<256x512xf32>
      %jit3A = arith.constant 8192 : i32
      %broadcast_in_dim3A_464 = vector.broadcast %jit3A : i32 to vector<256x512xi32>
      %select_n3A_465 = arith.select %eq3A_463, %add3A_451, %broadcast_in_dim3A_464 : vector<256x512xi1>, vector<256x512xi32>
      %reduce_min3A_466 = arith.constant dense<2147483647> : vector<256xi32>
      %reduce_min3A_467 = vector.multi_reduction <minsi>, %select_n3A_465, %reduce_min3A_466 [1] : vector<256x512xi32> to vector<256xi32>
      %broadcast_in_dim3A_468 = vector.shape_cast %reduce_min3A_467 : vector<256xi32> to vector<256x1xi32>
      %lt3A = arith.cmpf olt, %broadcast_in_dim3A_461, %while3A_442 : vector<256x1xf32>
      %select_n3A_469 = arith.select %lt3A, %broadcast_in_dim3A_461, %while3A_442 : vector<256x1xi1>, vector<256x1xf32>
      %select_n3A_470 = arith.select %lt3A, %broadcast_in_dim3A_468, %while3A_443 : vector<256x1xi1>, vector<256x1xi32>
      scf.yield %select_n3A_469, %select_n3A_470 : vector<256x1xf32>, vector<256x1xi32>
    }
    %while3A_265 = arith.constant 1 : i32
    %while3A_266:2 = scf.for %while3A_441 = %while3A_262 to %while3A_258 step %while3A_265 iter_args(%while3A_442 = %while3A_264#0, %while3A_443 = %while3A_264#1) -> (vector<256x1xf32>, vector<256x1xi32>)  : i32 {
      %get3A_444 = arith.index_cast %while3A_441 : i32 to index
      %get3A_445 = arith.constant 0 : index
      %get3A_446 = arith.constant 0 : index
      %get3A_447 = vector.load %arg7[%get3A_444, %get3A_445, %get3A_446] : memref<16x256x512xf32, #tpu.memory_space<vmem>>, vector<1x256x512xf32>
      %get3A_448 = vector.shape_cast %get3A_447 : vector<1x256x512xf32> to vector<256x512xf32>
      %iota3A = tpu.iota {dimensions = array<i32: 1>} : vector<256x512xi32>
      %mul3A_449 = arith.constant 512 : i32
      %mul3A_450 = arith.muli %while3A_441, %mul3A_449 : i32
      %add3A = vector.broadcast %mul3A_450 : i32 to vector<256x512xi32>
      %add3A_451 = arith.addi %iota3A, %add3A : vector<256x512xi32>
      %eq3A = vector.broadcast %while3A_245#1 : vector<256x1xi32> to vector<256x512xi32>
      %eq3A_452 = arith.cmpi eq, %add3A_451, %eq3A : vector<256x512xi32>
      %broadcast_in_dim3A_453 = vector.broadcast %while3A_256 : f32 to vector<256x512xf32>
      %select_n3A = arith.select %eq3A_452, %broadcast_in_dim3A_453, %get3A_448 : vector<256x512xi1>, vector<256x512xf32>
      %swap3A_454 = arith.index_cast %while3A_441 : i32 to index
      %swap3A_455 = arith.constant 0 : index
      %swap3A_456 = arith.constant 0 : index
      %swap3A_457 = vector.load %arg7[%swap3A_454, %swap3A_455, %swap3A_456] : memref<16x256x512xf32, #tpu.memory_space<vmem>>, vector<1x256x512xf32>
      %swap3A_458 = vector.shape_cast %swap3A_457 : vector<1x256x512xf32> to vector<256x512xf32>
      %swap3A_459 = vector.shape_cast %select_n3A : vector<256x512xf32> to vector<1x256x512xf32>
      tpu.vector_store %arg7[%swap3A_454, %swap3A_455, %swap3A_456], %swap3A_459 {strides = array<i32>} : memref<16x256x512xf32, #tpu.memory_space<vmem>>, vector<1x256x512xf32>,
      %reduce_min3A = arith.constant dense<0x7F800000> : vector<256xf32>
      %reduce_min3A_460 = vector.multi_reduction <minimumf>, %select_n3A, %reduce_min3A [1] : vector<256x512xf32> to vector<256xf32>
      %broadcast_in_dim3A_461 = vector.shape_cast %reduce_min3A_460 : vector<256xf32> to vector<256x1xf32>
      %eq3A_462 = vector.broadcast %broadcast_in_dim3A_461 : vector<256x1xf32> to vector<256x512xf32>
      %eq3A_463 = arith.cmpf oeq, %select_n3A, %eq3A_462 : vector<256x512xf32>
      %jit3A = arith.constant 8192 : i32
      %broadcast_in_dim3A_464 = vector.broadcast %jit3A : i32 to vector<256x512xi32>
      %select_n3A_465 = arith.select %eq3A_463, %add3A_451, %broadcast_in_dim3A_464 : vector<256x512xi1>, vector<256x512xi32>
      %reduce_min3A_466 = arith.constant dense<2147483647> : vector<256xi32>
      %reduce_min3A_467 = vector.multi_reduction <minsi>, %select_n3A_465, %reduce_min3A_466 [1] : vector<256x512xi32> to vector<256xi32>
      %broadcast_in_dim3A_468 = vector.shape_cast %reduce_min3A_467 : vector<256xi32> to vector<256x1xi32>
      %lt3A = arith.cmpf olt, %broadcast_in_dim3A_461, %while3A_442 : vector<256x1xf32>
      %select_n3A_469 = arith.select %lt3A, %broadcast_in_dim3A_461, %while3A_442 : vector<256x1xi1>, vector<256x1xf32>
      %select_n3A_470 = arith.select %lt3A, %broadcast_in_dim3A_468, %while3A_443 : vector<256x1xi1>, vector<256x1xi32>
      scf.yield %select_n3A_469, %select_n3A_470 : vector<256x1xf32>, vector<256x1xi32>
    }
    %squeeze3A_267 = vector.shape_cast %while3A_266#1 : vector<256x1xi32> to vector<256xi32>
    %swap3A_268 = arith.constant 0 : index
    %swap3A_269 = arith.constant 11 : index
    %swap3A_270 = vector.load %arg6[%swap3A_268, %swap3A_269] : memref<256x20xi32, #tpu.memory_space<vmem>>, vector<256x1xi32>
    %swap3A_271 = vector.shape_cast %swap3A_270 : vector<256x1xi32> to vector<256xi32>
    %swap3A_272 = vector.shape_cast %squeeze3A_267 : vector<256xi32> to vector<256x1xi32>
    tpu.vector_store %arg6[%swap3A_268, %swap3A_269], %swap3A_272 {strides = array<i32>} : memref<256x20xi32, #tpu.memory_space<vmem>>, vector<256x1xi32>,
    %broadcast_in_dim3A_273 = arith.constant 0x7F800000 : f32
    %broadcast_in_dim3A_274 = vector.broadcast %broadcast_in_dim3A_273 : f32 to vector<256x1xf32>
    %broadcast_in_dim3A_275 = arith.constant 0 : i32
    %broadcast_in_dim3A_276 = vector.broadcast %broadcast_in_dim3A_275 : i32 to vector<256x1xi32>
    %while3A_277 = arith.constant 0x7F800000 : f32
    %while3A_278 = arith.subi %get3A_4, %get3A_1 : i32
    %while3A_279 = arith.addi %get3A_1, %while3A_278 : i32
    %while3A_280 = arith.constant 1 : i32
    %while3A_281 = arith.divsi %while3A_278, %while3A_280 : i32
    %while3A_282 = arith.muli %while3A_281, %while3A_280 : i32
    %while3A_283 = arith.addi %get3A_1, %while3A_282 : i32
    %while3A_284 = arith.constant 1 : i32
    %while3A_285:2 = scf.for %while3A_441 = %get3A_1 to %while3A_283 step %while3A_284 iter_args(%while3A_442 = %broadcast_in_dim3A_274, %while3A_443 = %broadcast_in_dim3A_276) -> (vector<256x1xf32>, vector<256x1xi32>)  : i32 {
      %get3A_444 = arith.index_cast %while3A_441 : i32 to index
      %get3A_445 = arith.constant 0 : index
      %get3A_446 = arith.constant 0 : index
      %get3A_447 = vector.load %arg7[%get3A_444, %get3A_445, %get3A_446] : memref<16x256x512xf32, #tpu.memory_space<vmem>>, vector<1x256x512xf32>
      %get3A_448 = vector.shape_cast %get3A_447 : vector<1x256x512xf32> to vector<256x512xf32>
      %iota3A = tpu.iota {dimensions = array<i32: 1>} : vector<256x512xi32>
      %mul3A_449 = arith.constant 512 : i32
      %mul3A_450 = arith.muli %while3A_441, %mul3A_449 : i32
      %add3A = vector.broadcast %mul3A_450 : i32 to vector<256x512xi32>
      %add3A_451 = arith.addi %iota3A, %add3A : vector<256x512xi32>
      %eq3A = vector.broadcast %while3A_266#1 : vector<256x1xi32> to vector<256x512xi32>
      %eq3A_452 = arith.cmpi eq, %add3A_451, %eq3A : vector<256x512xi32>
      %broadcast_in_dim3A_453 = vector.broadcast %while3A_277 : f32 to vector<256x512xf32>
      %select_n3A = arith.select %eq3A_452, %broadcast_in_dim3A_453, %get3A_448 : vector<256x512xi1>, vector<256x512xf32>
      %swap3A_454 = arith.index_cast %while3A_441 : i32 to index
      %swap3A_455 = arith.constant 0 : index
      %swap3A_456 = arith.constant 0 : index
      %swap3A_457 = vector.load %arg7[%swap3A_454, %swap3A_455, %swap3A_456] : memref<16x256x512xf32, #tpu.memory_space<vmem>>, vector<1x256x512xf32>
      %swap3A_458 = vector.shape_cast %swap3A_457 : vector<1x256x512xf32> to vector<256x512xf32>
      %swap3A_459 = vector.shape_cast %select_n3A : vector<256x512xf32> to vector<1x256x512xf32>
      tpu.vector_store %arg7[%swap3A_454, %swap3A_455, %swap3A_456], %swap3A_459 {strides = array<i32>} : memref<16x256x512xf32, #tpu.memory_space<vmem>>, vector<1x256x512xf32>,
      %reduce_min3A = arith.constant dense<0x7F800000> : vector<256xf32>
      %reduce_min3A_460 = vector.multi_reduction <minimumf>, %select_n3A, %reduce_min3A [1] : vector<256x512xf32> to vector<256xf32>
      %broadcast_in_dim3A_461 = vector.shape_cast %reduce_min3A_460 : vector<256xf32> to vector<256x1xf32>
      %eq3A_462 = vector.broadcast %broadcast_in_dim3A_461 : vector<256x1xf32> to vector<256x512xf32>
      %eq3A_463 = arith.cmpf oeq, %select_n3A, %eq3A_462 : vector<256x512xf32>
      %jit3A = arith.constant 8192 : i32
      %broadcast_in_dim3A_464 = vector.broadcast %jit3A : i32 to vector<256x512xi32>
      %select_n3A_465 = arith.select %eq3A_463, %add3A_451, %broadcast_in_dim3A_464 : vector<256x512xi1>, vector<256x512xi32>
      %reduce_min3A_466 = arith.constant dense<2147483647> : vector<256xi32>
      %reduce_min3A_467 = vector.multi_reduction <minsi>, %select_n3A_465, %reduce_min3A_466 [1] : vector<256x512xi32> to vector<256xi32>
      %broadcast_in_dim3A_468 = vector.shape_cast %reduce_min3A_467 : vector<256xi32> to vector<256x1xi32>
      %lt3A = arith.cmpf olt, %broadcast_in_dim3A_461, %while3A_442 : vector<256x1xf32>
      %select_n3A_469 = arith.select %lt3A, %broadcast_in_dim3A_461, %while3A_442 : vector<256x1xi1>, vector<256x1xf32>
      %select_n3A_470 = arith.select %lt3A, %broadcast_in_dim3A_468, %while3A_443 : vector<256x1xi1>, vector<256x1xi32>
      scf.yield %select_n3A_469, %select_n3A_470 : vector<256x1xf32>, vector<256x1xi32>
    }
    %while3A_286 = arith.constant 1 : i32
    %while3A_287:2 = scf.for %while3A_441 = %while3A_283 to %while3A_279 step %while3A_286 iter_args(%while3A_442 = %while3A_285#0, %while3A_443 = %while3A_285#1) -> (vector<256x1xf32>, vector<256x1xi32>)  : i32 {
      %get3A_444 = arith.index_cast %while3A_441 : i32 to index
      %get3A_445 = arith.constant 0 : index
      %get3A_446 = arith.constant 0 : index
      %get3A_447 = vector.load %arg7[%get3A_444, %get3A_445, %get3A_446] : memref<16x256x512xf32, #tpu.memory_space<vmem>>, vector<1x256x512xf32>
      %get3A_448 = vector.shape_cast %get3A_447 : vector<1x256x512xf32> to vector<256x512xf32>
      %iota3A = tpu.iota {dimensions = array<i32: 1>} : vector<256x512xi32>
      %mul3A_449 = arith.constant 512 : i32
      %mul3A_450 = arith.muli %while3A_441, %mul3A_449 : i32
      %add3A = vector.broadcast %mul3A_450 : i32 to vector<256x512xi32>
      %add3A_451 = arith.addi %iota3A, %add3A : vector<256x512xi32>
      %eq3A = vector.broadcast %while3A_266#1 : vector<256x1xi32> to vector<256x512xi32>
      %eq3A_452 = arith.cmpi eq, %add3A_451, %eq3A : vector<256x512xi32>
      %broadcast_in_dim3A_453 = vector.broadcast %while3A_277 : f32 to vector<256x512xf32>
      %select_n3A = arith.select %eq3A_452, %broadcast_in_dim3A_453, %get3A_448 : vector<256x512xi1>, vector<256x512xf32>
      %swap3A_454 = arith.index_cast %while3A_441 : i32 to index
      %swap3A_455 = arith.constant 0 : index
      %swap3A_456 = arith.constant 0 : index
      %swap3A_457 = vector.load %arg7[%swap3A_454, %swap3A_455, %swap3A_456] : memref<16x256x512xf32, #tpu.memory_space<vmem>>, vector<1x256x512xf32>
      %swap3A_458 = vector.shape_cast %swap3A_457 : vector<1x256x512xf32> to vector<256x512xf32>
      %swap3A_459 = vector.shape_cast %select_n3A : vector<256x512xf32> to vector<1x256x512xf32>
      tpu.vector_store %arg7[%swap3A_454, %swap3A_455, %swap3A_456], %swap3A_459 {strides = array<i32>} : memref<16x256x512xf32, #tpu.memory_space<vmem>>, vector<1x256x512xf32>,
      %reduce_min3A = arith.constant dense<0x7F800000> : vector<256xf32>
      %reduce_min3A_460 = vector.multi_reduction <minimumf>, %select_n3A, %reduce_min3A [1] : vector<256x512xf32> to vector<256xf32>
      %broadcast_in_dim3A_461 = vector.shape_cast %reduce_min3A_460 : vector<256xf32> to vector<256x1xf32>
      %eq3A_462 = vector.broadcast %broadcast_in_dim3A_461 : vector<256x1xf32> to vector<256x512xf32>
      %eq3A_463 = arith.cmpf oeq, %select_n3A, %eq3A_462 : vector<256x512xf32>
      %jit3A = arith.constant 8192 : i32
      %broadcast_in_dim3A_464 = vector.broadcast %jit3A : i32 to vector<256x512xi32>
      %select_n3A_465 = arith.select %eq3A_463, %add3A_451, %broadcast_in_dim3A_464 : vector<256x512xi1>, vector<256x512xi32>
      %reduce_min3A_466 = arith.constant dense<2147483647> : vector<256xi32>
      %reduce_min3A_467 = vector.multi_reduction <minsi>, %select_n3A_465, %reduce_min3A_466 [1] : vector<256x512xi32> to vector<256xi32>
      %broadcast_in_dim3A_468 = vector.shape_cast %reduce_min3A_467 : vector<256xi32> to vector<256x1xi32>
      %lt3A = arith.cmpf olt, %broadcast_in_dim3A_461, %while3A_442 : vector<256x1xf32>
      %select_n3A_469 = arith.select %lt3A, %broadcast_in_dim3A_461, %while3A_442 : vector<256x1xi1>, vector<256x1xf32>
      %select_n3A_470 = arith.select %lt3A, %broadcast_in_dim3A_468, %while3A_443 : vector<256x1xi1>, vector<256x1xi32>
      scf.yield %select_n3A_469, %select_n3A_470 : vector<256x1xf32>, vector<256x1xi32>
    }
    %squeeze3A_288 = vector.shape_cast %while3A_287#1 : vector<256x1xi32> to vector<256xi32>
    %swap3A_289 = arith.constant 0 : index
    %swap3A_290 = arith.constant 12 : index
    %swap3A_291 = vector.load %arg6[%swap3A_289, %swap3A_290] : memref<256x20xi32, #tpu.memory_space<vmem>>, vector<256x1xi32>
    %swap3A_292 = vector.shape_cast %swap3A_291 : vector<256x1xi32> to vector<256xi32>
    %swap3A_293 = vector.shape_cast %squeeze3A_288 : vector<256xi32> to vector<256x1xi32>
    tpu.vector_store %arg6[%swap3A_289, %swap3A_290], %swap3A_293 {strides = array<i32>} : memref<256x20xi32, #tpu.memory_space<vmem>>, vector<256x1xi32>,
    %broadcast_in_dim3A_294 = arith.constant 0x7F800000 : f32
    %broadcast_in_dim3A_295 = vector.broadcast %broadcast_in_dim3A_294 : f32 to vector<256x1xf32>
    %broadcast_in_dim3A_296 = arith.constant 0 : i32
    %broadcast_in_dim3A_297 = vector.broadcast %broadcast_in_dim3A_296 : i32 to vector<256x1xi32>
    %while3A_298 = arith.constant 0x7F800000 : f32
    %while3A_299 = arith.subi %get3A_4, %get3A_1 : i32
    %while3A_300 = arith.addi %get3A_1, %while3A_299 : i32
    %while3A_301 = arith.constant 1 : i32
    %while3A_302 = arith.divsi %while3A_299, %while3A_301 : i32
    %while3A_303 = arith.muli %while3A_302, %while3A_301 : i32
    %while3A_304 = arith.addi %get3A_1, %while3A_303 : i32
    %while3A_305 = arith.constant 1 : i32
    %while3A_306:2 = scf.for %while3A_441 = %get3A_1 to %while3A_304 step %while3A_305 iter_args(%while3A_442 = %broadcast_in_dim3A_295, %while3A_443 = %broadcast_in_dim3A_297) -> (vector<256x1xf32>, vector<256x1xi32>)  : i32 {
      %get3A_444 = arith.index_cast %while3A_441 : i32 to index
      %get3A_445 = arith.constant 0 : index
      %get3A_446 = arith.constant 0 : index
      %get3A_447 = vector.load %arg7[%get3A_444, %get3A_445, %get3A_446] : memref<16x256x512xf32, #tpu.memory_space<vmem>>, vector<1x256x512xf32>
      %get3A_448 = vector.shape_cast %get3A_447 : vector<1x256x512xf32> to vector<256x512xf32>
      %iota3A = tpu.iota {dimensions = array<i32: 1>} : vector<256x512xi32>
      %mul3A_449 = arith.constant 512 : i32
      %mul3A_450 = arith.muli %while3A_441, %mul3A_449 : i32
      %add3A = vector.broadcast %mul3A_450 : i32 to vector<256x512xi32>
      %add3A_451 = arith.addi %iota3A, %add3A : vector<256x512xi32>
      %eq3A = vector.broadcast %while3A_287#1 : vector<256x1xi32> to vector<256x512xi32>
      %eq3A_452 = arith.cmpi eq, %add3A_451, %eq3A : vector<256x512xi32>
      %broadcast_in_dim3A_453 = vector.broadcast %while3A_298 : f32 to vector<256x512xf32>
      %select_n3A = arith.select %eq3A_452, %broadcast_in_dim3A_453, %get3A_448 : vector<256x512xi1>, vector<256x512xf32>
      %swap3A_454 = arith.index_cast %while3A_441 : i32 to index
      %swap3A_455 = arith.constant 0 : index
      %swap3A_456 = arith.constant 0 : index
      %swap3A_457 = vector.load %arg7[%swap3A_454, %swap3A_455, %swap3A_456] : memref<16x256x512xf32, #tpu.memory_space<vmem>>, vector<1x256x512xf32>
      %swap3A_458 = vector.shape_cast %swap3A_457 : vector<1x256x512xf32> to vector<256x512xf32>
      %swap3A_459 = vector.shape_cast %select_n3A : vector<256x512xf32> to vector<1x256x512xf32>
      tpu.vector_store %arg7[%swap3A_454, %swap3A_455, %swap3A_456], %swap3A_459 {strides = array<i32>} : memref<16x256x512xf32, #tpu.memory_space<vmem>>, vector<1x256x512xf32>,
      %reduce_min3A = arith.constant dense<0x7F800000> : vector<256xf32>
      %reduce_min3A_460 = vector.multi_reduction <minimumf>, %select_n3A, %reduce_min3A [1] : vector<256x512xf32> to vector<256xf32>
      %broadcast_in_dim3A_461 = vector.shape_cast %reduce_min3A_460 : vector<256xf32> to vector<256x1xf32>
      %eq3A_462 = vector.broadcast %broadcast_in_dim3A_461 : vector<256x1xf32> to vector<256x512xf32>
      %eq3A_463 = arith.cmpf oeq, %select_n3A, %eq3A_462 : vector<256x512xf32>
      %jit3A = arith.constant 8192 : i32
      %broadcast_in_dim3A_464 = vector.broadcast %jit3A : i32 to vector<256x512xi32>
      %select_n3A_465 = arith.select %eq3A_463, %add3A_451, %broadcast_in_dim3A_464 : vector<256x512xi1>, vector<256x512xi32>
      %reduce_min3A_466 = arith.constant dense<2147483647> : vector<256xi32>
      %reduce_min3A_467 = vector.multi_reduction <minsi>, %select_n3A_465, %reduce_min3A_466 [1] : vector<256x512xi32> to vector<256xi32>
      %broadcast_in_dim3A_468 = vector.shape_cast %reduce_min3A_467 : vector<256xi32> to vector<256x1xi32>
      %lt3A = arith.cmpf olt, %broadcast_in_dim3A_461, %while3A_442 : vector<256x1xf32>
      %select_n3A_469 = arith.select %lt3A, %broadcast_in_dim3A_461, %while3A_442 : vector<256x1xi1>, vector<256x1xf32>
      %select_n3A_470 = arith.select %lt3A, %broadcast_in_dim3A_468, %while3A_443 : vector<256x1xi1>, vector<256x1xi32>
      scf.yield %select_n3A_469, %select_n3A_470 : vector<256x1xf32>, vector<256x1xi32>
    }
    %while3A_307 = arith.constant 1 : i32
    %while3A_308:2 = scf.for %while3A_441 = %while3A_304 to %while3A_300 step %while3A_307 iter_args(%while3A_442 = %while3A_306#0, %while3A_443 = %while3A_306#1) -> (vector<256x1xf32>, vector<256x1xi32>)  : i32 {
      %get3A_444 = arith.index_cast %while3A_441 : i32 to index
      %get3A_445 = arith.constant 0 : index
      %get3A_446 = arith.constant 0 : index
      %get3A_447 = vector.load %arg7[%get3A_444, %get3A_445, %get3A_446] : memref<16x256x512xf32, #tpu.memory_space<vmem>>, vector<1x256x512xf32>
      %get3A_448 = vector.shape_cast %get3A_447 : vector<1x256x512xf32> to vector<256x512xf32>
      %iota3A = tpu.iota {dimensions = array<i32: 1>} : vector<256x512xi32>
      %mul3A_449 = arith.constant 512 : i32
      %mul3A_450 = arith.muli %while3A_441, %mul3A_449 : i32
      %add3A = vector.broadcast %mul3A_450 : i32 to vector<256x512xi32>
      %add3A_451 = arith.addi %iota3A, %add3A : vector<256x512xi32>
      %eq3A = vector.broadcast %while3A_287#1 : vector<256x1xi32> to vector<256x512xi32>
      %eq3A_452 = arith.cmpi eq, %add3A_451, %eq3A : vector<256x512xi32>
      %broadcast_in_dim3A_453 = vector.broadcast %while3A_298 : f32 to vector<256x512xf32>
      %select_n3A = arith.select %eq3A_452, %broadcast_in_dim3A_453, %get3A_448 : vector<256x512xi1>, vector<256x512xf32>
      %swap3A_454 = arith.index_cast %while3A_441 : i32 to index
      %swap3A_455 = arith.constant 0 : index
      %swap3A_456 = arith.constant 0 : index
      %swap3A_457 = vector.load %arg7[%swap3A_454, %swap3A_455, %swap3A_456] : memref<16x256x512xf32, #tpu.memory_space<vmem>>, vector<1x256x512xf32>
      %swap3A_458 = vector.shape_cast %swap3A_457 : vector<1x256x512xf32> to vector<256x512xf32>
      %swap3A_459 = vector.shape_cast %select_n3A : vector<256x512xf32> to vector<1x256x512xf32>
      tpu.vector_store %arg7[%swap3A_454, %swap3A_455, %swap3A_456], %swap3A_459 {strides = array<i32>} : memref<16x256x512xf32, #tpu.memory_space<vmem>>, vector<1x256x512xf32>,
      %reduce_min3A = arith.constant dense<0x7F800000> : vector<256xf32>
      %reduce_min3A_460 = vector.multi_reduction <minimumf>, %select_n3A, %reduce_min3A [1] : vector<256x512xf32> to vector<256xf32>
      %broadcast_in_dim3A_461 = vector.shape_cast %reduce_min3A_460 : vector<256xf32> to vector<256x1xf32>
      %eq3A_462 = vector.broadcast %broadcast_in_dim3A_461 : vector<256x1xf32> to vector<256x512xf32>
      %eq3A_463 = arith.cmpf oeq, %select_n3A, %eq3A_462 : vector<256x512xf32>
      %jit3A = arith.constant 8192 : i32
      %broadcast_in_dim3A_464 = vector.broadcast %jit3A : i32 to vector<256x512xi32>
      %select_n3A_465 = arith.select %eq3A_463, %add3A_451, %broadcast_in_dim3A_464 : vector<256x512xi1>, vector<256x512xi32>
      %reduce_min3A_466 = arith.constant dense<2147483647> : vector<256xi32>
      %reduce_min3A_467 = vector.multi_reduction <minsi>, %select_n3A_465, %reduce_min3A_466 [1] : vector<256x512xi32> to vector<256xi32>
      %broadcast_in_dim3A_468 = vector.shape_cast %reduce_min3A_467 : vector<256xi32> to vector<256x1xi32>
      %lt3A = arith.cmpf olt, %broadcast_in_dim3A_461, %while3A_442 : vector<256x1xf32>
      %select_n3A_469 = arith.select %lt3A, %broadcast_in_dim3A_461, %while3A_442 : vector<256x1xi1>, vector<256x1xf32>
      %select_n3A_470 = arith.select %lt3A, %broadcast_in_dim3A_468, %while3A_443 : vector<256x1xi1>, vector<256x1xi32>
      scf.yield %select_n3A_469, %select_n3A_470 : vector<256x1xf32>, vector<256x1xi32>
    }
    %squeeze3A_309 = vector.shape_cast %while3A_308#1 : vector<256x1xi32> to vector<256xi32>
    %swap3A_310 = arith.constant 0 : index
    %swap3A_311 = arith.constant 13 : index
    %swap3A_312 = vector.load %arg6[%swap3A_310, %swap3A_311] : memref<256x20xi32, #tpu.memory_space<vmem>>, vector<256x1xi32>
    %swap3A_313 = vector.shape_cast %swap3A_312 : vector<256x1xi32> to vector<256xi32>
    %swap3A_314 = vector.shape_cast %squeeze3A_309 : vector<256xi32> to vector<256x1xi32>
    tpu.vector_store %arg6[%swap3A_310, %swap3A_311], %swap3A_314 {strides = array<i32>} : memref<256x20xi32, #tpu.memory_space<vmem>>, vector<256x1xi32>,
    %broadcast_in_dim3A_315 = arith.constant 0x7F800000 : f32
    %broadcast_in_dim3A_316 = vector.broadcast %broadcast_in_dim3A_315 : f32 to vector<256x1xf32>
    %broadcast_in_dim3A_317 = arith.constant 0 : i32
    %broadcast_in_dim3A_318 = vector.broadcast %broadcast_in_dim3A_317 : i32 to vector<256x1xi32>
    %while3A_319 = arith.constant 0x7F800000 : f32
    %while3A_320 = arith.subi %get3A_4, %get3A_1 : i32
    %while3A_321 = arith.addi %get3A_1, %while3A_320 : i32
    %while3A_322 = arith.constant 1 : i32
    %while3A_323 = arith.divsi %while3A_320, %while3A_322 : i32
    %while3A_324 = arith.muli %while3A_323, %while3A_322 : i32
    %while3A_325 = arith.addi %get3A_1, %while3A_324 : i32
    %while3A_326 = arith.constant 1 : i32
    %while3A_327:2 = scf.for %while3A_441 = %get3A_1 to %while3A_325 step %while3A_326 iter_args(%while3A_442 = %broadcast_in_dim3A_316, %while3A_443 = %broadcast_in_dim3A_318) -> (vector<256x1xf32>, vector<256x1xi32>)  : i32 {
      %get3A_444 = arith.index_cast %while3A_441 : i32 to index
      %get3A_445 = arith.constant 0 : index
      %get3A_446 = arith.constant 0 : index
      %get3A_447 = vector.load %arg7[%get3A_444, %get3A_445, %get3A_446] : memref<16x256x512xf32, #tpu.memory_space<vmem>>, vector<1x256x512xf32>
      %get3A_448 = vector.shape_cast %get3A_447 : vector<1x256x512xf32> to vector<256x512xf32>
      %iota3A = tpu.iota {dimensions = array<i32: 1>} : vector<256x512xi32>
      %mul3A_449 = arith.constant 512 : i32
      %mul3A_450 = arith.muli %while3A_441, %mul3A_449 : i32
      %add3A = vector.broadcast %mul3A_450 : i32 to vector<256x512xi32>
      %add3A_451 = arith.addi %iota3A, %add3A : vector<256x512xi32>
      %eq3A = vector.broadcast %while3A_308#1 : vector<256x1xi32> to vector<256x512xi32>
      %eq3A_452 = arith.cmpi eq, %add3A_451, %eq3A : vector<256x512xi32>
      %broadcast_in_dim3A_453 = vector.broadcast %while3A_319 : f32 to vector<256x512xf32>
      %select_n3A = arith.select %eq3A_452, %broadcast_in_dim3A_453, %get3A_448 : vector<256x512xi1>, vector<256x512xf32>
      %swap3A_454 = arith.index_cast %while3A_441 : i32 to index
      %swap3A_455 = arith.constant 0 : index
      %swap3A_456 = arith.constant 0 : index
      %swap3A_457 = vector.load %arg7[%swap3A_454, %swap3A_455, %swap3A_456] : memref<16x256x512xf32, #tpu.memory_space<vmem>>, vector<1x256x512xf32>
      %swap3A_458 = vector.shape_cast %swap3A_457 : vector<1x256x512xf32> to vector<256x512xf32>
      %swap3A_459 = vector.shape_cast %select_n3A : vector<256x512xf32> to vector<1x256x512xf32>
      tpu.vector_store %arg7[%swap3A_454, %swap3A_455, %swap3A_456], %swap3A_459 {strides = array<i32>} : memref<16x256x512xf32, #tpu.memory_space<vmem>>, vector<1x256x512xf32>,
      %reduce_min3A = arith.constant dense<0x7F800000> : vector<256xf32>
      %reduce_min3A_460 = vector.multi_reduction <minimumf>, %select_n3A, %reduce_min3A [1] : vector<256x512xf32> to vector<256xf32>
      %broadcast_in_dim3A_461 = vector.shape_cast %reduce_min3A_460 : vector<256xf32> to vector<256x1xf32>
      %eq3A_462 = vector.broadcast %broadcast_in_dim3A_461 : vector<256x1xf32> to vector<256x512xf32>
      %eq3A_463 = arith.cmpf oeq, %select_n3A, %eq3A_462 : vector<256x512xf32>
      %jit3A = arith.constant 8192 : i32
      %broadcast_in_dim3A_464 = vector.broadcast %jit3A : i32 to vector<256x512xi32>
      %select_n3A_465 = arith.select %eq3A_463, %add3A_451, %broadcast_in_dim3A_464 : vector<256x512xi1>, vector<256x512xi32>
      %reduce_min3A_466 = arith.constant dense<2147483647> : vector<256xi32>
      %reduce_min3A_467 = vector.multi_reduction <minsi>, %select_n3A_465, %reduce_min3A_466 [1] : vector<256x512xi32> to vector<256xi32>
      %broadcast_in_dim3A_468 = vector.shape_cast %reduce_min3A_467 : vector<256xi32> to vector<256x1xi32>
      %lt3A = arith.cmpf olt, %broadcast_in_dim3A_461, %while3A_442 : vector<256x1xf32>
      %select_n3A_469 = arith.select %lt3A, %broadcast_in_dim3A_461, %while3A_442 : vector<256x1xi1>, vector<256x1xf32>
      %select_n3A_470 = arith.select %lt3A, %broadcast_in_dim3A_468, %while3A_443 : vector<256x1xi1>, vector<256x1xi32>
      scf.yield %select_n3A_469, %select_n3A_470 : vector<256x1xf32>, vector<256x1xi32>
    }
    %while3A_328 = arith.constant 1 : i32
    %while3A_329:2 = scf.for %while3A_441 = %while3A_325 to %while3A_321 step %while3A_328 iter_args(%while3A_442 = %while3A_327#0, %while3A_443 = %while3A_327#1) -> (vector<256x1xf32>, vector<256x1xi32>)  : i32 {
      %get3A_444 = arith.index_cast %while3A_441 : i32 to index
      %get3A_445 = arith.constant 0 : index
      %get3A_446 = arith.constant 0 : index
      %get3A_447 = vector.load %arg7[%get3A_444, %get3A_445, %get3A_446] : memref<16x256x512xf32, #tpu.memory_space<vmem>>, vector<1x256x512xf32>
      %get3A_448 = vector.shape_cast %get3A_447 : vector<1x256x512xf32> to vector<256x512xf32>
      %iota3A = tpu.iota {dimensions = array<i32: 1>} : vector<256x512xi32>
      %mul3A_449 = arith.constant 512 : i32
      %mul3A_450 = arith.muli %while3A_441, %mul3A_449 : i32
      %add3A = vector.broadcast %mul3A_450 : i32 to vector<256x512xi32>
      %add3A_451 = arith.addi %iota3A, %add3A : vector<256x512xi32>
      %eq3A = vector.broadcast %while3A_308#1 : vector<256x1xi32> to vector<256x512xi32>
      %eq3A_452 = arith.cmpi eq, %add3A_451, %eq3A : vector<256x512xi32>
      %broadcast_in_dim3A_453 = vector.broadcast %while3A_319 : f32 to vector<256x512xf32>
      %select_n3A = arith.select %eq3A_452, %broadcast_in_dim3A_453, %get3A_448 : vector<256x512xi1>, vector<256x512xf32>
      %swap3A_454 = arith.index_cast %while3A_441 : i32 to index
      %swap3A_455 = arith.constant 0 : index
      %swap3A_456 = arith.constant 0 : index
      %swap3A_457 = vector.load %arg7[%swap3A_454, %swap3A_455, %swap3A_456] : memref<16x256x512xf32, #tpu.memory_space<vmem>>, vector<1x256x512xf32>
      %swap3A_458 = vector.shape_cast %swap3A_457 : vector<1x256x512xf32> to vector<256x512xf32>
      %swap3A_459 = vector.shape_cast %select_n3A : vector<256x512xf32> to vector<1x256x512xf32>
      tpu.vector_store %arg7[%swap3A_454, %swap3A_455, %swap3A_456], %swap3A_459 {strides = array<i32>} : memref<16x256x512xf32, #tpu.memory_space<vmem>>, vector<1x256x512xf32>,
      %reduce_min3A = arith.constant dense<0x7F800000> : vector<256xf32>
      %reduce_min3A_460 = vector.multi_reduction <minimumf>, %select_n3A, %reduce_min3A [1] : vector<256x512xf32> to vector<256xf32>
      %broadcast_in_dim3A_461 = vector.shape_cast %reduce_min3A_460 : vector<256xf32> to vector<256x1xf32>
      %eq3A_462 = vector.broadcast %broadcast_in_dim3A_461 : vector<256x1xf32> to vector<256x512xf32>
      %eq3A_463 = arith.cmpf oeq, %select_n3A, %eq3A_462 : vector<256x512xf32>
      %jit3A = arith.constant 8192 : i32
      %broadcast_in_dim3A_464 = vector.broadcast %jit3A : i32 to vector<256x512xi32>
      %select_n3A_465 = arith.select %eq3A_463, %add3A_451, %broadcast_in_dim3A_464 : vector<256x512xi1>, vector<256x512xi32>
      %reduce_min3A_466 = arith.constant dense<2147483647> : vector<256xi32>
      %reduce_min3A_467 = vector.multi_reduction <minsi>, %select_n3A_465, %reduce_min3A_466 [1] : vector<256x512xi32> to vector<256xi32>
      %broadcast_in_dim3A_468 = vector.shape_cast %reduce_min3A_467 : vector<256xi32> to vector<256x1xi32>
      %lt3A = arith.cmpf olt, %broadcast_in_dim3A_461, %while3A_442 : vector<256x1xf32>
      %select_n3A_469 = arith.select %lt3A, %broadcast_in_dim3A_461, %while3A_442 : vector<256x1xi1>, vector<256x1xf32>
      %select_n3A_470 = arith.select %lt3A, %broadcast_in_dim3A_468, %while3A_443 : vector<256x1xi1>, vector<256x1xi32>
      scf.yield %select_n3A_469, %select_n3A_470 : vector<256x1xf32>, vector<256x1xi32>
    }
    %squeeze3A_330 = vector.shape_cast %while3A_329#1 : vector<256x1xi32> to vector<256xi32>
    %swap3A_331 = arith.constant 0 : index
    %swap3A_332 = arith.constant 14 : index
    %swap3A_333 = vector.load %arg6[%swap3A_331, %swap3A_332] : memref<256x20xi32, #tpu.memory_space<vmem>>, vector<256x1xi32>
    %swap3A_334 = vector.shape_cast %swap3A_333 : vector<256x1xi32> to vector<256xi32>
    %swap3A_335 = vector.shape_cast %squeeze3A_330 : vector<256xi32> to vector<256x1xi32>
    tpu.vector_store %arg6[%swap3A_331, %swap3A_332], %swap3A_335 {strides = array<i32>} : memref<256x20xi32, #tpu.memory_space<vmem>>, vector<256x1xi32>,
    %broadcast_in_dim3A_336 = arith.constant 0x7F800000 : f32
    %broadcast_in_dim3A_337 = vector.broadcast %broadcast_in_dim3A_336 : f32 to vector<256x1xf32>
    %broadcast_in_dim3A_338 = arith.constant 0 : i32
    %broadcast_in_dim3A_339 = vector.broadcast %broadcast_in_dim3A_338 : i32 to vector<256x1xi32>
    %while3A_340 = arith.constant 0x7F800000 : f32
    %while3A_341 = arith.subi %get3A_4, %get3A_1 : i32
    %while3A_342 = arith.addi %get3A_1, %while3A_341 : i32
    %while3A_343 = arith.constant 1 : i32
    %while3A_344 = arith.divsi %while3A_341, %while3A_343 : i32
    %while3A_345 = arith.muli %while3A_344, %while3A_343 : i32
    %while3A_346 = arith.addi %get3A_1, %while3A_345 : i32
    %while3A_347 = arith.constant 1 : i32
    %while3A_348:2 = scf.for %while3A_441 = %get3A_1 to %while3A_346 step %while3A_347 iter_args(%while3A_442 = %broadcast_in_dim3A_337, %while3A_443 = %broadcast_in_dim3A_339) -> (vector<256x1xf32>, vector<256x1xi32>)  : i32 {
      %get3A_444 = arith.index_cast %while3A_441 : i32 to index
      %get3A_445 = arith.constant 0 : index
      %get3A_446 = arith.constant 0 : index
      %get3A_447 = vector.load %arg7[%get3A_444, %get3A_445, %get3A_446] : memref<16x256x512xf32, #tpu.memory_space<vmem>>, vector<1x256x512xf32>
      %get3A_448 = vector.shape_cast %get3A_447 : vector<1x256x512xf32> to vector<256x512xf32>
      %iota3A = tpu.iota {dimensions = array<i32: 1>} : vector<256x512xi32>
      %mul3A_449 = arith.constant 512 : i32
      %mul3A_450 = arith.muli %while3A_441, %mul3A_449 : i32
      %add3A = vector.broadcast %mul3A_450 : i32 to vector<256x512xi32>
      %add3A_451 = arith.addi %iota3A, %add3A : vector<256x512xi32>
      %eq3A = vector.broadcast %while3A_329#1 : vector<256x1xi32> to vector<256x512xi32>
      %eq3A_452 = arith.cmpi eq, %add3A_451, %eq3A : vector<256x512xi32>
      %broadcast_in_dim3A_453 = vector.broadcast %while3A_340 : f32 to vector<256x512xf32>
      %select_n3A = arith.select %eq3A_452, %broadcast_in_dim3A_453, %get3A_448 : vector<256x512xi1>, vector<256x512xf32>
      %swap3A_454 = arith.index_cast %while3A_441 : i32 to index
      %swap3A_455 = arith.constant 0 : index
      %swap3A_456 = arith.constant 0 : index
      %swap3A_457 = vector.load %arg7[%swap3A_454, %swap3A_455, %swap3A_456] : memref<16x256x512xf32, #tpu.memory_space<vmem>>, vector<1x256x512xf32>
      %swap3A_458 = vector.shape_cast %swap3A_457 : vector<1x256x512xf32> to vector<256x512xf32>
      %swap3A_459 = vector.shape_cast %select_n3A : vector<256x512xf32> to vector<1x256x512xf32>
      tpu.vector_store %arg7[%swap3A_454, %swap3A_455, %swap3A_456], %swap3A_459 {strides = array<i32>} : memref<16x256x512xf32, #tpu.memory_space<vmem>>, vector<1x256x512xf32>,
      %reduce_min3A = arith.constant dense<0x7F800000> : vector<256xf32>
      %reduce_min3A_460 = vector.multi_reduction <minimumf>, %select_n3A, %reduce_min3A [1] : vector<256x512xf32> to vector<256xf32>
      %broadcast_in_dim3A_461 = vector.shape_cast %reduce_min3A_460 : vector<256xf32> to vector<256x1xf32>
      %eq3A_462 = vector.broadcast %broadcast_in_dim3A_461 : vector<256x1xf32> to vector<256x512xf32>
      %eq3A_463 = arith.cmpf oeq, %select_n3A, %eq3A_462 : vector<256x512xf32>
      %jit3A = arith.constant 8192 : i32
      %broadcast_in_dim3A_464 = vector.broadcast %jit3A : i32 to vector<256x512xi32>
      %select_n3A_465 = arith.select %eq3A_463, %add3A_451, %broadcast_in_dim3A_464 : vector<256x512xi1>, vector<256x512xi32>
      %reduce_min3A_466 = arith.constant dense<2147483647> : vector<256xi32>
      %reduce_min3A_467 = vector.multi_reduction <minsi>, %select_n3A_465, %reduce_min3A_466 [1] : vector<256x512xi32> to vector<256xi32>
      %broadcast_in_dim3A_468 = vector.shape_cast %reduce_min3A_467 : vector<256xi32> to vector<256x1xi32>
      %lt3A = arith.cmpf olt, %broadcast_in_dim3A_461, %while3A_442 : vector<256x1xf32>
      %select_n3A_469 = arith.select %lt3A, %broadcast_in_dim3A_461, %while3A_442 : vector<256x1xi1>, vector<256x1xf32>
      %select_n3A_470 = arith.select %lt3A, %broadcast_in_dim3A_468, %while3A_443 : vector<256x1xi1>, vector<256x1xi32>
      scf.yield %select_n3A_469, %select_n3A_470 : vector<256x1xf32>, vector<256x1xi32>
    }
    %while3A_349 = arith.constant 1 : i32
    %while3A_350:2 = scf.for %while3A_441 = %while3A_346 to %while3A_342 step %while3A_349 iter_args(%while3A_442 = %while3A_348#0, %while3A_443 = %while3A_348#1) -> (vector<256x1xf32>, vector<256x1xi32>)  : i32 {
      %get3A_444 = arith.index_cast %while3A_441 : i32 to index
      %get3A_445 = arith.constant 0 : index
      %get3A_446 = arith.constant 0 : index
      %get3A_447 = vector.load %arg7[%get3A_444, %get3A_445, %get3A_446] : memref<16x256x512xf32, #tpu.memory_space<vmem>>, vector<1x256x512xf32>
      %get3A_448 = vector.shape_cast %get3A_447 : vector<1x256x512xf32> to vector<256x512xf32>
      %iota3A = tpu.iota {dimensions = array<i32: 1>} : vector<256x512xi32>
      %mul3A_449 = arith.constant 512 : i32
      %mul3A_450 = arith.muli %while3A_441, %mul3A_449 : i32
      %add3A = vector.broadcast %mul3A_450 : i32 to vector<256x512xi32>
      %add3A_451 = arith.addi %iota3A, %add3A : vector<256x512xi32>
      %eq3A = vector.broadcast %while3A_329#1 : vector<256x1xi32> to vector<256x512xi32>
      %eq3A_452 = arith.cmpi eq, %add3A_451, %eq3A : vector<256x512xi32>
      %broadcast_in_dim3A_453 = vector.broadcast %while3A_340 : f32 to vector<256x512xf32>
      %select_n3A = arith.select %eq3A_452, %broadcast_in_dim3A_453, %get3A_448 : vector<256x512xi1>, vector<256x512xf32>
      %swap3A_454 = arith.index_cast %while3A_441 : i32 to index
      %swap3A_455 = arith.constant 0 : index
      %swap3A_456 = arith.constant 0 : index
      %swap3A_457 = vector.load %arg7[%swap3A_454, %swap3A_455, %swap3A_456] : memref<16x256x512xf32, #tpu.memory_space<vmem>>, vector<1x256x512xf32>
      %swap3A_458 = vector.shape_cast %swap3A_457 : vector<1x256x512xf32> to vector<256x512xf32>
      %swap3A_459 = vector.shape_cast %select_n3A : vector<256x512xf32> to vector<1x256x512xf32>
      tpu.vector_store %arg7[%swap3A_454, %swap3A_455, %swap3A_456], %swap3A_459 {strides = array<i32>} : memref<16x256x512xf32, #tpu.memory_space<vmem>>, vector<1x256x512xf32>,
      %reduce_min3A = arith.constant dense<0x7F800000> : vector<256xf32>
      %reduce_min3A_460 = vector.multi_reduction <minimumf>, %select_n3A, %reduce_min3A [1] : vector<256x512xf32> to vector<256xf32>
      %broadcast_in_dim3A_461 = vector.shape_cast %reduce_min3A_460 : vector<256xf32> to vector<256x1xf32>
      %eq3A_462 = vector.broadcast %broadcast_in_dim3A_461 : vector<256x1xf32> to vector<256x512xf32>
      %eq3A_463 = arith.cmpf oeq, %select_n3A, %eq3A_462 : vector<256x512xf32>
      %jit3A = arith.constant 8192 : i32
      %broadcast_in_dim3A_464 = vector.broadcast %jit3A : i32 to vector<256x512xi32>
      %select_n3A_465 = arith.select %eq3A_463, %add3A_451, %broadcast_in_dim3A_464 : vector<256x512xi1>, vector<256x512xi32>
      %reduce_min3A_466 = arith.constant dense<2147483647> : vector<256xi32>
      %reduce_min3A_467 = vector.multi_reduction <minsi>, %select_n3A_465, %reduce_min3A_466 [1] : vector<256x512xi32> to vector<256xi32>
      %broadcast_in_dim3A_468 = vector.shape_cast %reduce_min3A_467 : vector<256xi32> to vector<256x1xi32>
      %lt3A = arith.cmpf olt, %broadcast_in_dim3A_461, %while3A_442 : vector<256x1xf32>
      %select_n3A_469 = arith.select %lt3A, %broadcast_in_dim3A_461, %while3A_442 : vector<256x1xi1>, vector<256x1xf32>
      %select_n3A_470 = arith.select %lt3A, %broadcast_in_dim3A_468, %while3A_443 : vector<256x1xi1>, vector<256x1xi32>
      scf.yield %select_n3A_469, %select_n3A_470 : vector<256x1xf32>, vector<256x1xi32>
    }
    %squeeze3A_351 = vector.shape_cast %while3A_350#1 : vector<256x1xi32> to vector<256xi32>
    %swap3A_352 = arith.constant 0 : index
    %swap3A_353 = arith.constant 15 : index
    %swap3A_354 = vector.load %arg6[%swap3A_352, %swap3A_353] : memref<256x20xi32, #tpu.memory_space<vmem>>, vector<256x1xi32>
    %swap3A_355 = vector.shape_cast %swap3A_354 : vector<256x1xi32> to vector<256xi32>
    %swap3A_356 = vector.shape_cast %squeeze3A_351 : vector<256xi32> to vector<256x1xi32>
    tpu.vector_store %arg6[%swap3A_352, %swap3A_353], %swap3A_356 {strides = array<i32>} : memref<256x20xi32, #tpu.memory_space<vmem>>, vector<256x1xi32>,
    %broadcast_in_dim3A_357 = arith.constant 0x7F800000 : f32
    %broadcast_in_dim3A_358 = vector.broadcast %broadcast_in_dim3A_357 : f32 to vector<256x1xf32>
    %broadcast_in_dim3A_359 = arith.constant 0 : i32
    %broadcast_in_dim3A_360 = vector.broadcast %broadcast_in_dim3A_359 : i32 to vector<256x1xi32>
    %while3A_361 = arith.constant 0x7F800000 : f32
    %while3A_362 = arith.subi %get3A_4, %get3A_1 : i32
    %while3A_363 = arith.addi %get3A_1, %while3A_362 : i32
    %while3A_364 = arith.constant 1 : i32
    %while3A_365 = arith.divsi %while3A_362, %while3A_364 : i32
    %while3A_366 = arith.muli %while3A_365, %while3A_364 : i32
    %while3A_367 = arith.addi %get3A_1, %while3A_366 : i32
    %while3A_368 = arith.constant 1 : i32
    %while3A_369:2 = scf.for %while3A_441 = %get3A_1 to %while3A_367 step %while3A_368 iter_args(%while3A_442 = %broadcast_in_dim3A_358, %while3A_443 = %broadcast_in_dim3A_360) -> (vector<256x1xf32>, vector<256x1xi32>)  : i32 {
      %get3A_444 = arith.index_cast %while3A_441 : i32 to index
      %get3A_445 = arith.constant 0 : index
      %get3A_446 = arith.constant 0 : index
      %get3A_447 = vector.load %arg7[%get3A_444, %get3A_445, %get3A_446] : memref<16x256x512xf32, #tpu.memory_space<vmem>>, vector<1x256x512xf32>
      %get3A_448 = vector.shape_cast %get3A_447 : vector<1x256x512xf32> to vector<256x512xf32>
      %iota3A = tpu.iota {dimensions = array<i32: 1>} : vector<256x512xi32>
      %mul3A_449 = arith.constant 512 : i32
      %mul3A_450 = arith.muli %while3A_441, %mul3A_449 : i32
      %add3A = vector.broadcast %mul3A_450 : i32 to vector<256x512xi32>
      %add3A_451 = arith.addi %iota3A, %add3A : vector<256x512xi32>
      %eq3A = vector.broadcast %while3A_350#1 : vector<256x1xi32> to vector<256x512xi32>
      %eq3A_452 = arith.cmpi eq, %add3A_451, %eq3A : vector<256x512xi32>
      %broadcast_in_dim3A_453 = vector.broadcast %while3A_361 : f32 to vector<256x512xf32>
      %select_n3A = arith.select %eq3A_452, %broadcast_in_dim3A_453, %get3A_448 : vector<256x512xi1>, vector<256x512xf32>
      %swap3A_454 = arith.index_cast %while3A_441 : i32 to index
      %swap3A_455 = arith.constant 0 : index
      %swap3A_456 = arith.constant 0 : index
      %swap3A_457 = vector.load %arg7[%swap3A_454, %swap3A_455, %swap3A_456] : memref<16x256x512xf32, #tpu.memory_space<vmem>>, vector<1x256x512xf32>
      %swap3A_458 = vector.shape_cast %swap3A_457 : vector<1x256x512xf32> to vector<256x512xf32>
      %swap3A_459 = vector.shape_cast %select_n3A : vector<256x512xf32> to vector<1x256x512xf32>
      tpu.vector_store %arg7[%swap3A_454, %swap3A_455, %swap3A_456], %swap3A_459 {strides = array<i32>} : memref<16x256x512xf32, #tpu.memory_space<vmem>>, vector<1x256x512xf32>,
      %reduce_min3A = arith.constant dense<0x7F800000> : vector<256xf32>
      %reduce_min3A_460 = vector.multi_reduction <minimumf>, %select_n3A, %reduce_min3A [1] : vector<256x512xf32> to vector<256xf32>
      %broadcast_in_dim3A_461 = vector.shape_cast %reduce_min3A_460 : vector<256xf32> to vector<256x1xf32>
      %eq3A_462 = vector.broadcast %broadcast_in_dim3A_461 : vector<256x1xf32> to vector<256x512xf32>
      %eq3A_463 = arith.cmpf oeq, %select_n3A, %eq3A_462 : vector<256x512xf32>
      %jit3A = arith.constant 8192 : i32
      %broadcast_in_dim3A_464 = vector.broadcast %jit3A : i32 to vector<256x512xi32>
      %select_n3A_465 = arith.select %eq3A_463, %add3A_451, %broadcast_in_dim3A_464 : vector<256x512xi1>, vector<256x512xi32>
      %reduce_min3A_466 = arith.constant dense<2147483647> : vector<256xi32>
      %reduce_min3A_467 = vector.multi_reduction <minsi>, %select_n3A_465, %reduce_min3A_466 [1] : vector<256x512xi32> to vector<256xi32>
      %broadcast_in_dim3A_468 = vector.shape_cast %reduce_min3A_467 : vector<256xi32> to vector<256x1xi32>
      %lt3A = arith.cmpf olt, %broadcast_in_dim3A_461, %while3A_442 : vector<256x1xf32>
      %select_n3A_469 = arith.select %lt3A, %broadcast_in_dim3A_461, %while3A_442 : vector<256x1xi1>, vector<256x1xf32>
      %select_n3A_470 = arith.select %lt3A, %broadcast_in_dim3A_468, %while3A_443 : vector<256x1xi1>, vector<256x1xi32>
      scf.yield %select_n3A_469, %select_n3A_470 : vector<256x1xf32>, vector<256x1xi32>
    }
    %while3A_370 = arith.constant 1 : i32
    %while3A_371:2 = scf.for %while3A_441 = %while3A_367 to %while3A_363 step %while3A_370 iter_args(%while3A_442 = %while3A_369#0, %while3A_443 = %while3A_369#1) -> (vector<256x1xf32>, vector<256x1xi32>)  : i32 {
      %get3A_444 = arith.index_cast %while3A_441 : i32 to index
      %get3A_445 = arith.constant 0 : index
      %get3A_446 = arith.constant 0 : index
      %get3A_447 = vector.load %arg7[%get3A_444, %get3A_445, %get3A_446] : memref<16x256x512xf32, #tpu.memory_space<vmem>>, vector<1x256x512xf32>
      %get3A_448 = vector.shape_cast %get3A_447 : vector<1x256x512xf32> to vector<256x512xf32>
      %iota3A = tpu.iota {dimensions = array<i32: 1>} : vector<256x512xi32>
      %mul3A_449 = arith.constant 512 : i32
      %mul3A_450 = arith.muli %while3A_441, %mul3A_449 : i32
      %add3A = vector.broadcast %mul3A_450 : i32 to vector<256x512xi32>
      %add3A_451 = arith.addi %iota3A, %add3A : vector<256x512xi32>
      %eq3A = vector.broadcast %while3A_350#1 : vector<256x1xi32> to vector<256x512xi32>
      %eq3A_452 = arith.cmpi eq, %add3A_451, %eq3A : vector<256x512xi32>
      %broadcast_in_dim3A_453 = vector.broadcast %while3A_361 : f32 to vector<256x512xf32>
      %select_n3A = arith.select %eq3A_452, %broadcast_in_dim3A_453, %get3A_448 : vector<256x512xi1>, vector<256x512xf32>
      %swap3A_454 = arith.index_cast %while3A_441 : i32 to index
      %swap3A_455 = arith.constant 0 : index
      %swap3A_456 = arith.constant 0 : index
      %swap3A_457 = vector.load %arg7[%swap3A_454, %swap3A_455, %swap3A_456] : memref<16x256x512xf32, #tpu.memory_space<vmem>>, vector<1x256x512xf32>
      %swap3A_458 = vector.shape_cast %swap3A_457 : vector<1x256x512xf32> to vector<256x512xf32>
      %swap3A_459 = vector.shape_cast %select_n3A : vector<256x512xf32> to vector<1x256x512xf32>
      tpu.vector_store %arg7[%swap3A_454, %swap3A_455, %swap3A_456], %swap3A_459 {strides = array<i32>} : memref<16x256x512xf32, #tpu.memory_space<vmem>>, vector<1x256x512xf32>,
      %reduce_min3A = arith.constant dense<0x7F800000> : vector<256xf32>
      %reduce_min3A_460 = vector.multi_reduction <minimumf>, %select_n3A, %reduce_min3A [1] : vector<256x512xf32> to vector<256xf32>
      %broadcast_in_dim3A_461 = vector.shape_cast %reduce_min3A_460 : vector<256xf32> to vector<256x1xf32>
      %eq3A_462 = vector.broadcast %broadcast_in_dim3A_461 : vector<256x1xf32> to vector<256x512xf32>
      %eq3A_463 = arith.cmpf oeq, %select_n3A, %eq3A_462 : vector<256x512xf32>
      %jit3A = arith.constant 8192 : i32
      %broadcast_in_dim3A_464 = vector.broadcast %jit3A : i32 to vector<256x512xi32>
      %select_n3A_465 = arith.select %eq3A_463, %add3A_451, %broadcast_in_dim3A_464 : vector<256x512xi1>, vector<256x512xi32>
      %reduce_min3A_466 = arith.constant dense<2147483647> : vector<256xi32>
      %reduce_min3A_467 = vector.multi_reduction <minsi>, %select_n3A_465, %reduce_min3A_466 [1] : vector<256x512xi32> to vector<256xi32>
      %broadcast_in_dim3A_468 = vector.shape_cast %reduce_min3A_467 : vector<256xi32> to vector<256x1xi32>
      %lt3A = arith.cmpf olt, %broadcast_in_dim3A_461, %while3A_442 : vector<256x1xf32>
      %select_n3A_469 = arith.select %lt3A, %broadcast_in_dim3A_461, %while3A_442 : vector<256x1xi1>, vector<256x1xf32>
      %select_n3A_470 = arith.select %lt3A, %broadcast_in_dim3A_468, %while3A_443 : vector<256x1xi1>, vector<256x1xi32>
      scf.yield %select_n3A_469, %select_n3A_470 : vector<256x1xf32>, vector<256x1xi32>
    }
    %squeeze3A_372 = vector.shape_cast %while3A_371#1 : vector<256x1xi32> to vector<256xi32>
    %swap3A_373 = arith.constant 0 : index
    %swap3A_374 = arith.constant 16 : index
    %swap3A_375 = vector.load %arg6[%swap3A_373, %swap3A_374] : memref<256x20xi32, #tpu.memory_space<vmem>>, vector<256x1xi32>
    %swap3A_376 = vector.shape_cast %swap3A_375 : vector<256x1xi32> to vector<256xi32>
    %swap3A_377 = vector.shape_cast %squeeze3A_372 : vector<256xi32> to vector<256x1xi32>
    tpu.vector_store %arg6[%swap3A_373, %swap3A_374], %swap3A_377 {strides = array<i32>} : memref<256x20xi32, #tpu.memory_space<vmem>>, vector<256x1xi32>,
    %broadcast_in_dim3A_378 = arith.constant 0x7F800000 : f32
    %broadcast_in_dim3A_379 = vector.broadcast %broadcast_in_dim3A_378 : f32 to vector<256x1xf32>
    %broadcast_in_dim3A_380 = arith.constant 0 : i32
    %broadcast_in_dim3A_381 = vector.broadcast %broadcast_in_dim3A_380 : i32 to vector<256x1xi32>
    %while3A_382 = arith.constant 0x7F800000 : f32
    %while3A_383 = arith.subi %get3A_4, %get3A_1 : i32
    %while3A_384 = arith.addi %get3A_1, %while3A_383 : i32
    %while3A_385 = arith.constant 1 : i32
    %while3A_386 = arith.divsi %while3A_383, %while3A_385 : i32
    %while3A_387 = arith.muli %while3A_386, %while3A_385 : i32
    %while3A_388 = arith.addi %get3A_1, %while3A_387 : i32
    %while3A_389 = arith.constant 1 : i32
    %while3A_390:2 = scf.for %while3A_441 = %get3A_1 to %while3A_388 step %while3A_389 iter_args(%while3A_442 = %broadcast_in_dim3A_379, %while3A_443 = %broadcast_in_dim3A_381) -> (vector<256x1xf32>, vector<256x1xi32>)  : i32 {
      %get3A_444 = arith.index_cast %while3A_441 : i32 to index
      %get3A_445 = arith.constant 0 : index
      %get3A_446 = arith.constant 0 : index
      %get3A_447 = vector.load %arg7[%get3A_444, %get3A_445, %get3A_446] : memref<16x256x512xf32, #tpu.memory_space<vmem>>, vector<1x256x512xf32>
      %get3A_448 = vector.shape_cast %get3A_447 : vector<1x256x512xf32> to vector<256x512xf32>
      %iota3A = tpu.iota {dimensions = array<i32: 1>} : vector<256x512xi32>
      %mul3A_449 = arith.constant 512 : i32
      %mul3A_450 = arith.muli %while3A_441, %mul3A_449 : i32
      %add3A = vector.broadcast %mul3A_450 : i32 to vector<256x512xi32>
      %add3A_451 = arith.addi %iota3A, %add3A : vector<256x512xi32>
      %eq3A = vector.broadcast %while3A_371#1 : vector<256x1xi32> to vector<256x512xi32>
      %eq3A_452 = arith.cmpi eq, %add3A_451, %eq3A : vector<256x512xi32>
      %broadcast_in_dim3A_453 = vector.broadcast %while3A_382 : f32 to vector<256x512xf32>
      %select_n3A = arith.select %eq3A_452, %broadcast_in_dim3A_453, %get3A_448 : vector<256x512xi1>, vector<256x512xf32>
      %swap3A_454 = arith.index_cast %while3A_441 : i32 to index
      %swap3A_455 = arith.constant 0 : index
      %swap3A_456 = arith.constant 0 : index
      %swap3A_457 = vector.load %arg7[%swap3A_454, %swap3A_455, %swap3A_456] : memref<16x256x512xf32, #tpu.memory_space<vmem>>, vector<1x256x512xf32>
      %swap3A_458 = vector.shape_cast %swap3A_457 : vector<1x256x512xf32> to vector<256x512xf32>
      %swap3A_459 = vector.shape_cast %select_n3A : vector<256x512xf32> to vector<1x256x512xf32>
      tpu.vector_store %arg7[%swap3A_454, %swap3A_455, %swap3A_456], %swap3A_459 {strides = array<i32>} : memref<16x256x512xf32, #tpu.memory_space<vmem>>, vector<1x256x512xf32>,
      %reduce_min3A = arith.constant dense<0x7F800000> : vector<256xf32>
      %reduce_min3A_460 = vector.multi_reduction <minimumf>, %select_n3A, %reduce_min3A [1] : vector<256x512xf32> to vector<256xf32>
      %broadcast_in_dim3A_461 = vector.shape_cast %reduce_min3A_460 : vector<256xf32> to vector<256x1xf32>
      %eq3A_462 = vector.broadcast %broadcast_in_dim3A_461 : vector<256x1xf32> to vector<256x512xf32>
      %eq3A_463 = arith.cmpf oeq, %select_n3A, %eq3A_462 : vector<256x512xf32>
      %jit3A = arith.constant 8192 : i32
      %broadcast_in_dim3A_464 = vector.broadcast %jit3A : i32 to vector<256x512xi32>
      %select_n3A_465 = arith.select %eq3A_463, %add3A_451, %broadcast_in_dim3A_464 : vector<256x512xi1>, vector<256x512xi32>
      %reduce_min3A_466 = arith.constant dense<2147483647> : vector<256xi32>
      %reduce_min3A_467 = vector.multi_reduction <minsi>, %select_n3A_465, %reduce_min3A_466 [1] : vector<256x512xi32> to vector<256xi32>
      %broadcast_in_dim3A_468 = vector.shape_cast %reduce_min3A_467 : vector<256xi32> to vector<256x1xi32>
      %lt3A = arith.cmpf olt, %broadcast_in_dim3A_461, %while3A_442 : vector<256x1xf32>
      %select_n3A_469 = arith.select %lt3A, %broadcast_in_dim3A_461, %while3A_442 : vector<256x1xi1>, vector<256x1xf32>
      %select_n3A_470 = arith.select %lt3A, %broadcast_in_dim3A_468, %while3A_443 : vector<256x1xi1>, vector<256x1xi32>
      scf.yield %select_n3A_469, %select_n3A_470 : vector<256x1xf32>, vector<256x1xi32>
    }
    %while3A_391 = arith.constant 1 : i32
    %while3A_392:2 = scf.for %while3A_441 = %while3A_388 to %while3A_384 step %while3A_391 iter_args(%while3A_442 = %while3A_390#0, %while3A_443 = %while3A_390#1) -> (vector<256x1xf32>, vector<256x1xi32>)  : i32 {
      %get3A_444 = arith.index_cast %while3A_441 : i32 to index
      %get3A_445 = arith.constant 0 : index
      %get3A_446 = arith.constant 0 : index
      %get3A_447 = vector.load %arg7[%get3A_444, %get3A_445, %get3A_446] : memref<16x256x512xf32, #tpu.memory_space<vmem>>, vector<1x256x512xf32>
      %get3A_448 = vector.shape_cast %get3A_447 : vector<1x256x512xf32> to vector<256x512xf32>
      %iota3A = tpu.iota {dimensions = array<i32: 1>} : vector<256x512xi32>
      %mul3A_449 = arith.constant 512 : i32
      %mul3A_450 = arith.muli %while3A_441, %mul3A_449 : i32
      %add3A = vector.broadcast %mul3A_450 : i32 to vector<256x512xi32>
      %add3A_451 = arith.addi %iota3A, %add3A : vector<256x512xi32>
      %eq3A = vector.broadcast %while3A_371#1 : vector<256x1xi32> to vector<256x512xi32>
      %eq3A_452 = arith.cmpi eq, %add3A_451, %eq3A : vector<256x512xi32>
      %broadcast_in_dim3A_453 = vector.broadcast %while3A_382 : f32 to vector<256x512xf32>
      %select_n3A = arith.select %eq3A_452, %broadcast_in_dim3A_453, %get3A_448 : vector<256x512xi1>, vector<256x512xf32>
      %swap3A_454 = arith.index_cast %while3A_441 : i32 to index
      %swap3A_455 = arith.constant 0 : index
      %swap3A_456 = arith.constant 0 : index
      %swap3A_457 = vector.load %arg7[%swap3A_454, %swap3A_455, %swap3A_456] : memref<16x256x512xf32, #tpu.memory_space<vmem>>, vector<1x256x512xf32>
      %swap3A_458 = vector.shape_cast %swap3A_457 : vector<1x256x512xf32> to vector<256x512xf32>
      %swap3A_459 = vector.shape_cast %select_n3A : vector<256x512xf32> to vector<1x256x512xf32>
      tpu.vector_store %arg7[%swap3A_454, %swap3A_455, %swap3A_456], %swap3A_459 {strides = array<i32>} : memref<16x256x512xf32, #tpu.memory_space<vmem>>, vector<1x256x512xf32>,
      %reduce_min3A = arith.constant dense<0x7F800000> : vector<256xf32>
      %reduce_min3A_460 = vector.multi_reduction <minimumf>, %select_n3A, %reduce_min3A [1] : vector<256x512xf32> to vector<256xf32>
      %broadcast_in_dim3A_461 = vector.shape_cast %reduce_min3A_460 : vector<256xf32> to vector<256x1xf32>
      %eq3A_462 = vector.broadcast %broadcast_in_dim3A_461 : vector<256x1xf32> to vector<256x512xf32>
      %eq3A_463 = arith.cmpf oeq, %select_n3A, %eq3A_462 : vector<256x512xf32>
      %jit3A = arith.constant 8192 : i32
      %broadcast_in_dim3A_464 = vector.broadcast %jit3A : i32 to vector<256x512xi32>
      %select_n3A_465 = arith.select %eq3A_463, %add3A_451, %broadcast_in_dim3A_464 : vector<256x512xi1>, vector<256x512xi32>
      %reduce_min3A_466 = arith.constant dense<2147483647> : vector<256xi32>
      %reduce_min3A_467 = vector.multi_reduction <minsi>, %select_n3A_465, %reduce_min3A_466 [1] : vector<256x512xi32> to vector<256xi32>
      %broadcast_in_dim3A_468 = vector.shape_cast %reduce_min3A_467 : vector<256xi32> to vector<256x1xi32>
      %lt3A = arith.cmpf olt, %broadcast_in_dim3A_461, %while3A_442 : vector<256x1xf32>
      %select_n3A_469 = arith.select %lt3A, %broadcast_in_dim3A_461, %while3A_442 : vector<256x1xi1>, vector<256x1xf32>
      %select_n3A_470 = arith.select %lt3A, %broadcast_in_dim3A_468, %while3A_443 : vector<256x1xi1>, vector<256x1xi32>
      scf.yield %select_n3A_469, %select_n3A_470 : vector<256x1xf32>, vector<256x1xi32>
    }
    %squeeze3A_393 = vector.shape_cast %while3A_392#1 : vector<256x1xi32> to vector<256xi32>
    %swap3A_394 = arith.constant 0 : index
    %swap3A_395 = arith.constant 17 : index
    %swap3A_396 = vector.load %arg6[%swap3A_394, %swap3A_395] : memref<256x20xi32, #tpu.memory_space<vmem>>, vector<256x1xi32>
    %swap3A_397 = vector.shape_cast %swap3A_396 : vector<256x1xi32> to vector<256xi32>
    %swap3A_398 = vector.shape_cast %squeeze3A_393 : vector<256xi32> to vector<256x1xi32>
    tpu.vector_store %arg6[%swap3A_394, %swap3A_395], %swap3A_398 {strides = array<i32>} : memref<256x20xi32, #tpu.memory_space<vmem>>, vector<256x1xi32>,
    %broadcast_in_dim3A_399 = arith.constant 0x7F800000 : f32
    %broadcast_in_dim3A_400 = vector.broadcast %broadcast_in_dim3A_399 : f32 to vector<256x1xf32>
    %broadcast_in_dim3A_401 = arith.constant 0 : i32
    %broadcast_in_dim3A_402 = vector.broadcast %broadcast_in_dim3A_401 : i32 to vector<256x1xi32>
    %while3A_403 = arith.constant 0x7F800000 : f32
    %while3A_404 = arith.subi %get3A_4, %get3A_1 : i32
    %while3A_405 = arith.addi %get3A_1, %while3A_404 : i32
    %while3A_406 = arith.constant 1 : i32
    %while3A_407 = arith.divsi %while3A_404, %while3A_406 : i32
    %while3A_408 = arith.muli %while3A_407, %while3A_406 : i32
    %while3A_409 = arith.addi %get3A_1, %while3A_408 : i32
    %while3A_410 = arith.constant 1 : i32
    %while3A_411:2 = scf.for %while3A_441 = %get3A_1 to %while3A_409 step %while3A_410 iter_args(%while3A_442 = %broadcast_in_dim3A_400, %while3A_443 = %broadcast_in_dim3A_402) -> (vector<256x1xf32>, vector<256x1xi32>)  : i32 {
      %get3A_444 = arith.index_cast %while3A_441 : i32 to index
      %get3A_445 = arith.constant 0 : index
      %get3A_446 = arith.constant 0 : index
      %get3A_447 = vector.load %arg7[%get3A_444, %get3A_445, %get3A_446] : memref<16x256x512xf32, #tpu.memory_space<vmem>>, vector<1x256x512xf32>
      %get3A_448 = vector.shape_cast %get3A_447 : vector<1x256x512xf32> to vector<256x512xf32>
      %iota3A = tpu.iota {dimensions = array<i32: 1>} : vector<256x512xi32>
      %mul3A_449 = arith.constant 512 : i32
      %mul3A_450 = arith.muli %while3A_441, %mul3A_449 : i32
      %add3A = vector.broadcast %mul3A_450 : i32 to vector<256x512xi32>
      %add3A_451 = arith.addi %iota3A, %add3A : vector<256x512xi32>
      %eq3A = vector.broadcast %while3A_392#1 : vector<256x1xi32> to vector<256x512xi32>
      %eq3A_452 = arith.cmpi eq, %add3A_451, %eq3A : vector<256x512xi32>
      %broadcast_in_dim3A_453 = vector.broadcast %while3A_403 : f32 to vector<256x512xf32>
      %select_n3A = arith.select %eq3A_452, %broadcast_in_dim3A_453, %get3A_448 : vector<256x512xi1>, vector<256x512xf32>
      %swap3A_454 = arith.index_cast %while3A_441 : i32 to index
      %swap3A_455 = arith.constant 0 : index
      %swap3A_456 = arith.constant 0 : index
      %swap3A_457 = vector.load %arg7[%swap3A_454, %swap3A_455, %swap3A_456] : memref<16x256x512xf32, #tpu.memory_space<vmem>>, vector<1x256x512xf32>
      %swap3A_458 = vector.shape_cast %swap3A_457 : vector<1x256x512xf32> to vector<256x512xf32>
      %swap3A_459 = vector.shape_cast %select_n3A : vector<256x512xf32> to vector<1x256x512xf32>
      tpu.vector_store %arg7[%swap3A_454, %swap3A_455, %swap3A_456], %swap3A_459 {strides = array<i32>} : memref<16x256x512xf32, #tpu.memory_space<vmem>>, vector<1x256x512xf32>,
      %reduce_min3A = arith.constant dense<0x7F800000> : vector<256xf32>
      %reduce_min3A_460 = vector.multi_reduction <minimumf>, %select_n3A, %reduce_min3A [1] : vector<256x512xf32> to vector<256xf32>
      %broadcast_in_dim3A_461 = vector.shape_cast %reduce_min3A_460 : vector<256xf32> to vector<256x1xf32>
      %eq3A_462 = vector.broadcast %broadcast_in_dim3A_461 : vector<256x1xf32> to vector<256x512xf32>
      %eq3A_463 = arith.cmpf oeq, %select_n3A, %eq3A_462 : vector<256x512xf32>
      %jit3A = arith.constant 8192 : i32
      %broadcast_in_dim3A_464 = vector.broadcast %jit3A : i32 to vector<256x512xi32>
      %select_n3A_465 = arith.select %eq3A_463, %add3A_451, %broadcast_in_dim3A_464 : vector<256x512xi1>, vector<256x512xi32>
      %reduce_min3A_466 = arith.constant dense<2147483647> : vector<256xi32>
      %reduce_min3A_467 = vector.multi_reduction <minsi>, %select_n3A_465, %reduce_min3A_466 [1] : vector<256x512xi32> to vector<256xi32>
      %broadcast_in_dim3A_468 = vector.shape_cast %reduce_min3A_467 : vector<256xi32> to vector<256x1xi32>
      %lt3A = arith.cmpf olt, %broadcast_in_dim3A_461, %while3A_442 : vector<256x1xf32>
      %select_n3A_469 = arith.select %lt3A, %broadcast_in_dim3A_461, %while3A_442 : vector<256x1xi1>, vector<256x1xf32>
      %select_n3A_470 = arith.select %lt3A, %broadcast_in_dim3A_468, %while3A_443 : vector<256x1xi1>, vector<256x1xi32>
      scf.yield %select_n3A_469, %select_n3A_470 : vector<256x1xf32>, vector<256x1xi32>
    }
    %while3A_412 = arith.constant 1 : i32
    %while3A_413:2 = scf.for %while3A_441 = %while3A_409 to %while3A_405 step %while3A_412 iter_args(%while3A_442 = %while3A_411#0, %while3A_443 = %while3A_411#1) -> (vector<256x1xf32>, vector<256x1xi32>)  : i32 {
      %get3A_444 = arith.index_cast %while3A_441 : i32 to index
      %get3A_445 = arith.constant 0 : index
      %get3A_446 = arith.constant 0 : index
      %get3A_447 = vector.load %arg7[%get3A_444, %get3A_445, %get3A_446] : memref<16x256x512xf32, #tpu.memory_space<vmem>>, vector<1x256x512xf32>
      %get3A_448 = vector.shape_cast %get3A_447 : vector<1x256x512xf32> to vector<256x512xf32>
      %iota3A = tpu.iota {dimensions = array<i32: 1>} : vector<256x512xi32>
      %mul3A_449 = arith.constant 512 : i32
      %mul3A_450 = arith.muli %while3A_441, %mul3A_449 : i32
      %add3A = vector.broadcast %mul3A_450 : i32 to vector<256x512xi32>
      %add3A_451 = arith.addi %iota3A, %add3A : vector<256x512xi32>
      %eq3A = vector.broadcast %while3A_392#1 : vector<256x1xi32> to vector<256x512xi32>
      %eq3A_452 = arith.cmpi eq, %add3A_451, %eq3A : vector<256x512xi32>
      %broadcast_in_dim3A_453 = vector.broadcast %while3A_403 : f32 to vector<256x512xf32>
      %select_n3A = arith.select %eq3A_452, %broadcast_in_dim3A_453, %get3A_448 : vector<256x512xi1>, vector<256x512xf32>
      %swap3A_454 = arith.index_cast %while3A_441 : i32 to index
      %swap3A_455 = arith.constant 0 : index
      %swap3A_456 = arith.constant 0 : index
      %swap3A_457 = vector.load %arg7[%swap3A_454, %swap3A_455, %swap3A_456] : memref<16x256x512xf32, #tpu.memory_space<vmem>>, vector<1x256x512xf32>
      %swap3A_458 = vector.shape_cast %swap3A_457 : vector<1x256x512xf32> to vector<256x512xf32>
      %swap3A_459 = vector.shape_cast %select_n3A : vector<256x512xf32> to vector<1x256x512xf32>
      tpu.vector_store %arg7[%swap3A_454, %swap3A_455, %swap3A_456], %swap3A_459 {strides = array<i32>} : memref<16x256x512xf32, #tpu.memory_space<vmem>>, vector<1x256x512xf32>,
      %reduce_min3A = arith.constant dense<0x7F800000> : vector<256xf32>
      %reduce_min3A_460 = vector.multi_reduction <minimumf>, %select_n3A, %reduce_min3A [1] : vector<256x512xf32> to vector<256xf32>
      %broadcast_in_dim3A_461 = vector.shape_cast %reduce_min3A_460 : vector<256xf32> to vector<256x1xf32>
      %eq3A_462 = vector.broadcast %broadcast_in_dim3A_461 : vector<256x1xf32> to vector<256x512xf32>
      %eq3A_463 = arith.cmpf oeq, %select_n3A, %eq3A_462 : vector<256x512xf32>
      %jit3A = arith.constant 8192 : i32
      %broadcast_in_dim3A_464 = vector.broadcast %jit3A : i32 to vector<256x512xi32>
      %select_n3A_465 = arith.select %eq3A_463, %add3A_451, %broadcast_in_dim3A_464 : vector<256x512xi1>, vector<256x512xi32>
      %reduce_min3A_466 = arith.constant dense<2147483647> : vector<256xi32>
      %reduce_min3A_467 = vector.multi_reduction <minsi>, %select_n3A_465, %reduce_min3A_466 [1] : vector<256x512xi32> to vector<256xi32>
      %broadcast_in_dim3A_468 = vector.shape_cast %reduce_min3A_467 : vector<256xi32> to vector<256x1xi32>
      %lt3A = arith.cmpf olt, %broadcast_in_dim3A_461, %while3A_442 : vector<256x1xf32>
      %select_n3A_469 = arith.select %lt3A, %broadcast_in_dim3A_461, %while3A_442 : vector<256x1xi1>, vector<256x1xf32>
      %select_n3A_470 = arith.select %lt3A, %broadcast_in_dim3A_468, %while3A_443 : vector<256x1xi1>, vector<256x1xi32>
      scf.yield %select_n3A_469, %select_n3A_470 : vector<256x1xf32>, vector<256x1xi32>
    }
    %squeeze3A_414 = vector.shape_cast %while3A_413#1 : vector<256x1xi32> to vector<256xi32>
    %swap3A_415 = arith.constant 0 : index
    %swap3A_416 = arith.constant 18 : index
    %swap3A_417 = vector.load %arg6[%swap3A_415, %swap3A_416] : memref<256x20xi32, #tpu.memory_space<vmem>>, vector<256x1xi32>
    %swap3A_418 = vector.shape_cast %swap3A_417 : vector<256x1xi32> to vector<256xi32>
    %swap3A_419 = vector.shape_cast %squeeze3A_414 : vector<256xi32> to vector<256x1xi32>
    tpu.vector_store %arg6[%swap3A_415, %swap3A_416], %swap3A_419 {strides = array<i32>} : memref<256x20xi32, #tpu.memory_space<vmem>>, vector<256x1xi32>,
    %broadcast_in_dim3A_420 = arith.constant 0x7F800000 : f32
    %broadcast_in_dim3A_421 = vector.broadcast %broadcast_in_dim3A_420 : f32 to vector<256x1xf32>
    %broadcast_in_dim3A_422 = arith.constant 0 : i32
    %broadcast_in_dim3A_423 = vector.broadcast %broadcast_in_dim3A_422 : i32 to vector<256x1xi32>
    %while3A_424 = arith.constant 0x7F800000 : f32
    %while3A_425 = arith.subi %get3A_4, %get3A_1 : i32
    %while3A_426 = arith.addi %get3A_1, %while3A_425 : i32
    %while3A_427 = arith.constant 1 : i32
    %while3A_428 = arith.divsi %while3A_425, %while3A_427 : i32
    %while3A_429 = arith.muli %while3A_428, %while3A_427 : i32
    %while3A_430 = arith.addi %get3A_1, %while3A_429 : i32
    %while3A_431 = arith.constant 1 : i32
    %while3A_432:2 = scf.for %while3A_441 = %get3A_1 to %while3A_430 step %while3A_431 iter_args(%while3A_442 = %broadcast_in_dim3A_421, %while3A_443 = %broadcast_in_dim3A_423) -> (vector<256x1xf32>, vector<256x1xi32>)  : i32 {
      %get3A_444 = arith.index_cast %while3A_441 : i32 to index
      %get3A_445 = arith.constant 0 : index
      %get3A_446 = arith.constant 0 : index
      %get3A_447 = vector.load %arg7[%get3A_444, %get3A_445, %get3A_446] : memref<16x256x512xf32, #tpu.memory_space<vmem>>, vector<1x256x512xf32>
      %get3A_448 = vector.shape_cast %get3A_447 : vector<1x256x512xf32> to vector<256x512xf32>
      %iota3A = tpu.iota {dimensions = array<i32: 1>} : vector<256x512xi32>
      %mul3A_449 = arith.constant 512 : i32
      %mul3A_450 = arith.muli %while3A_441, %mul3A_449 : i32
      %add3A = vector.broadcast %mul3A_450 : i32 to vector<256x512xi32>
      %add3A_451 = arith.addi %iota3A, %add3A : vector<256x512xi32>
      %eq3A = vector.broadcast %while3A_413#1 : vector<256x1xi32> to vector<256x512xi32>
      %eq3A_452 = arith.cmpi eq, %add3A_451, %eq3A : vector<256x512xi32>
      %broadcast_in_dim3A_453 = vector.broadcast %while3A_424 : f32 to vector<256x512xf32>
      %select_n3A = arith.select %eq3A_452, %broadcast_in_dim3A_453, %get3A_448 : vector<256x512xi1>, vector<256x512xf32>
      %swap3A_454 = arith.index_cast %while3A_441 : i32 to index
      %swap3A_455 = arith.constant 0 : index
      %swap3A_456 = arith.constant 0 : index
      %swap3A_457 = vector.load %arg7[%swap3A_454, %swap3A_455, %swap3A_456] : memref<16x256x512xf32, #tpu.memory_space<vmem>>, vector<1x256x512xf32>
      %swap3A_458 = vector.shape_cast %swap3A_457 : vector<1x256x512xf32> to vector<256x512xf32>
      %swap3A_459 = vector.shape_cast %select_n3A : vector<256x512xf32> to vector<1x256x512xf32>
      tpu.vector_store %arg7[%swap3A_454, %swap3A_455, %swap3A_456], %swap3A_459 {strides = array<i32>} : memref<16x256x512xf32, #tpu.memory_space<vmem>>, vector<1x256x512xf32>,
      %reduce_min3A = arith.constant dense<0x7F800000> : vector<256xf32>
      %reduce_min3A_460 = vector.multi_reduction <minimumf>, %select_n3A, %reduce_min3A [1] : vector<256x512xf32> to vector<256xf32>
      %broadcast_in_dim3A_461 = vector.shape_cast %reduce_min3A_460 : vector<256xf32> to vector<256x1xf32>
      %eq3A_462 = vector.broadcast %broadcast_in_dim3A_461 : vector<256x1xf32> to vector<256x512xf32>
      %eq3A_463 = arith.cmpf oeq, %select_n3A, %eq3A_462 : vector<256x512xf32>
      %jit3A = arith.constant 8192 : i32
      %broadcast_in_dim3A_464 = vector.broadcast %jit3A : i32 to vector<256x512xi32>
      %select_n3A_465 = arith.select %eq3A_463, %add3A_451, %broadcast_in_dim3A_464 : vector<256x512xi1>, vector<256x512xi32>
      %reduce_min3A_466 = arith.constant dense<2147483647> : vector<256xi32>
      %reduce_min3A_467 = vector.multi_reduction <minsi>, %select_n3A_465, %reduce_min3A_466 [1] : vector<256x512xi32> to vector<256xi32>
      %broadcast_in_dim3A_468 = vector.shape_cast %reduce_min3A_467 : vector<256xi32> to vector<256x1xi32>
      %lt3A = arith.cmpf olt, %broadcast_in_dim3A_461, %while3A_442 : vector<256x1xf32>
      %select_n3A_469 = arith.select %lt3A, %broadcast_in_dim3A_461, %while3A_442 : vector<256x1xi1>, vector<256x1xf32>
      %select_n3A_470 = arith.select %lt3A, %broadcast_in_dim3A_468, %while3A_443 : vector<256x1xi1>, vector<256x1xi32>
      scf.yield %select_n3A_469, %select_n3A_470 : vector<256x1xf32>, vector<256x1xi32>
    }
    %while3A_433 = arith.constant 1 : i32
    %while3A_434:2 = scf.for %while3A_441 = %while3A_430 to %while3A_426 step %while3A_433 iter_args(%while3A_442 = %while3A_432#0, %while3A_443 = %while3A_432#1) -> (vector<256x1xf32>, vector<256x1xi32>)  : i32 {
      %get3A_444 = arith.index_cast %while3A_441 : i32 to index
      %get3A_445 = arith.constant 0 : index
      %get3A_446 = arith.constant 0 : index
      %get3A_447 = vector.load %arg7[%get3A_444, %get3A_445, %get3A_446] : memref<16x256x512xf32, #tpu.memory_space<vmem>>, vector<1x256x512xf32>
      %get3A_448 = vector.shape_cast %get3A_447 : vector<1x256x512xf32> to vector<256x512xf32>
      %iota3A = tpu.iota {dimensions = array<i32: 1>} : vector<256x512xi32>
      %mul3A_449 = arith.constant 512 : i32
      %mul3A_450 = arith.muli %while3A_441, %mul3A_449 : i32
      %add3A = vector.broadcast %mul3A_450 : i32 to vector<256x512xi32>
      %add3A_451 = arith.addi %iota3A, %add3A : vector<256x512xi32>
      %eq3A = vector.broadcast %while3A_413#1 : vector<256x1xi32> to vector<256x512xi32>
      %eq3A_452 = arith.cmpi eq, %add3A_451, %eq3A : vector<256x512xi32>
      %broadcast_in_dim3A_453 = vector.broadcast %while3A_424 : f32 to vector<256x512xf32>
      %select_n3A = arith.select %eq3A_452, %broadcast_in_dim3A_453, %get3A_448 : vector<256x512xi1>, vector<256x512xf32>
      %swap3A_454 = arith.index_cast %while3A_441 : i32 to index
      %swap3A_455 = arith.constant 0 : index
      %swap3A_456 = arith.constant 0 : index
      %swap3A_457 = vector.load %arg7[%swap3A_454, %swap3A_455, %swap3A_456] : memref<16x256x512xf32, #tpu.memory_space<vmem>>, vector<1x256x512xf32>
      %swap3A_458 = vector.shape_cast %swap3A_457 : vector<1x256x512xf32> to vector<256x512xf32>
      %swap3A_459 = vector.shape_cast %select_n3A : vector<256x512xf32> to vector<1x256x512xf32>
      tpu.vector_store %arg7[%swap3A_454, %swap3A_455, %swap3A_456], %swap3A_459 {strides = array<i32>} : memref<16x256x512xf32, #tpu.memory_space<vmem>>, vector<1x256x512xf32>,
      %reduce_min3A = arith.constant dense<0x7F800000> : vector<256xf32>
      %reduce_min3A_460 = vector.multi_reduction <minimumf>, %select_n3A, %reduce_min3A [1] : vector<256x512xf32> to vector<256xf32>
      %broadcast_in_dim3A_461 = vector.shape_cast %reduce_min3A_460 : vector<256xf32> to vector<256x1xf32>
      %eq3A_462 = vector.broadcast %broadcast_in_dim3A_461 : vector<256x1xf32> to vector<256x512xf32>
      %eq3A_463 = arith.cmpf oeq, %select_n3A, %eq3A_462 : vector<256x512xf32>
      %jit3A = arith.constant 8192 : i32
      %broadcast_in_dim3A_464 = vector.broadcast %jit3A : i32 to vector<256x512xi32>
      %select_n3A_465 = arith.select %eq3A_463, %add3A_451, %broadcast_in_dim3A_464 : vector<256x512xi1>, vector<256x512xi32>
      %reduce_min3A_466 = arith.constant dense<2147483647> : vector<256xi32>
      %reduce_min3A_467 = vector.multi_reduction <minsi>, %select_n3A_465, %reduce_min3A_466 [1] : vector<256x512xi32> to vector<256xi32>
      %broadcast_in_dim3A_468 = vector.shape_cast %reduce_min3A_467 : vector<256xi32> to vector<256x1xi32>
      %lt3A = arith.cmpf olt, %broadcast_in_dim3A_461, %while3A_442 : vector<256x1xf32>
      %select_n3A_469 = arith.select %lt3A, %broadcast_in_dim3A_461, %while3A_442 : vector<256x1xi1>, vector<256x1xf32>
      %select_n3A_470 = arith.select %lt3A, %broadcast_in_dim3A_468, %while3A_443 : vector<256x1xi1>, vector<256x1xi32>
      scf.yield %select_n3A_469, %select_n3A_470 : vector<256x1xf32>, vector<256x1xi32>
    }
    %squeeze3A_435 = vector.shape_cast %while3A_434#1 : vector<256x1xi32> to vector<256xi32>
    %swap3A_436 = arith.constant 0 : index
    %swap3A_437 = arith.constant 19 : index
    %swap3A_438 = vector.load %arg6[%swap3A_436, %swap3A_437] : memref<256x20xi32, #tpu.memory_space<vmem>>, vector<256x1xi32>
    %swap3A_439 = vector.shape_cast %swap3A_438 : vector<256x1xi32> to vector<256xi32>
    %swap3A_440 = vector.shape_cast %squeeze3A_435 : vector<256xi32> to vector<256x1xi32>
    tpu.vector_store %arg6[%swap3A_436, %swap3A_437], %swap3A_440 {strides = array<i32>} : memref<256x20xi32, #tpu.memory_space<vmem>>, vector<256x1xi32>,
    return
  }
  func.func @transform_0(%arg0: i32) -> (i32, i32) {
    %c0_i32 = arith.constant 0 : i32
    %c0_i32_0 = arith.constant 0 : i32
    %c0_i32_1 = arith.constant 0 : i32
    return %c0_i32, %c0_i32_0 : i32, i32
  }
  func.func @transform_1(%arg0: i32) -> (i32, i32) {
    %c0_i32 = arith.constant 0 : i32
    %c0_i32_0 = arith.constant 0 : i32
    return %arg0, %c0_i32 : i32, i32
  }
  func.func @transform_2(%arg0: i32) -> (i32, i32, i32) {
    %c0_i32 = arith.constant 0 : i32
    %c0_i32_0 = arith.constant 0 : i32
    %c0_i32_1 = arith.constant 0 : i32
    %c0_i32_2 = arith.constant 0 : i32
    return %c0_i32, %c0_i32_0, %c0_i32_1 : i32, i32, i32
  }
  func.func @transform_3(%arg0: i32) -> (i32, i32) {
    %c0_i32 = arith.constant 0 : i32
    %c0_i32_0 = arith.constant 0 : i32
    return %arg0, %c0_i32 : i32, i32
  }
  func.func @transform_4(%arg0: i32) -> (i32, i32, i32) {
    %c0_i32 = arith.constant 0 : i32
    %c0_i32_0 = arith.constant 0 : i32
    %c0_i32_1 = arith.constant 0 : i32
    %c0_i32_2 = arith.constant 0 : i32
    return %c0_i32, %c0_i32_0, %c0_i32_1 : i32, i32, i32
  }
  func.func @transform_5(%arg0: i32) -> (i32, i32) {
    %c0_i32 = arith.constant 0 : i32
    %c0_i32_0 = arith.constant 0 : i32
    return %arg0, %c0_i32 : i32, i32
  }
}

module attributes {stable_mosaic.version = 14 : i64} {
  func.func @_edge1_body(%arg0: i32, %arg1: i32, %arg2: memref<2x512x64xf32, #tpu.memory_space<vmem>>, %arg3: memref<512x64xf32, #tpu.memory_space<vmem>>, %arg4: memref<128x64xf32, #tpu.memory_space<vmem>>, %arg5: memref<1x64xf32, #tpu.memory_space<vmem>>, %arg6: memref<512x128xf32, #tpu.memory_space<vmem>>) attributes {dimension_semantics = [#tpu.dimension_semantics<arbitrary>, #tpu.dimension_semantics<arbitrary>], iteration_bounds = array<i64: 16, 10>, scalar_prefetch = 0 : i64, scratch_operands = 0 : i64, tpu.core_type = #tpu.core_type<tc>, window_params = [{transform_indices = @transform_0, window_bounds = array<i64: 2, 512, 64>}, {transform_indices = @transform_1, window_bounds = array<i64: 512, 64>}, {pipeline_mode = #tpu.pipeline_mode<synchronous>, transform_indices = @transform_2, window_bounds = array<i64: 128, 64>}, {pipeline_mode = #tpu.pipeline_mode<synchronous>, transform_indices = @transform_3, window_bounds = array<i64: 1, 64>}, {transform_indices = @transform_4, window_bounds = array<i64: 512, 128>}]} {
    %get3A = arith.constant 0 : index
    %get3A_0 = arith.constant 0 : index
    %get3A_1 = vector.load %arg3[%get3A, %get3A_0] : memref<512x64xf32, #tpu.memory_space<vmem>>, vector<512x64xf32>
    %get3A_2 = arith.constant 0 : index
    %get3A_3 = arith.constant 0 : index
    %get3A_4 = vector.load %arg5[%get3A_2, %get3A_3] : memref<1x64xf32, #tpu.memory_space<vmem>>, vector<1x64xf32>
    %get3A_5 = arith.constant 0 : index
    %get3A_6 = arith.constant 0 : index
    %get3A_7 = vector.load %arg4[%get3A_5, %get3A_6] : memref<128x64xf32, #tpu.memory_space<vmem>>, vector<64x64xf32>
    %get3A_8 = arith.constant 64 : index
    %get3A_9 = arith.constant 0 : index
    %get3A_10 = vector.load %arg4[%get3A_8, %get3A_9] : memref<128x64xf32, #tpu.memory_space<vmem>>, vector<64x64xf32>
    %dot_general3A = arith.constant dense<0.000000e+00> : vector<512x64xf32>
    %dot_general3A_11 = tpu.matmul %get3A_1, %get3A_7, %dot_general3A {dimension_numbers = #tpu.dot_dimension_numbers<[1], [0], [0], [1], [0, 0, 1, 1], [], []>, transpose_lhs_hint = false} : vector<512x64xf32>, vector<64x64xf32>, vector<512x64xf32> -> vector<512x64xf32>
    %get3A_12 = arith.constant 0 : index
    %get3A_13 = arith.constant 0 : index
    %get3A_14 = arith.constant 0 : index
    %get3A_15 = vector.load %arg2[%get3A_12, %get3A_13, %get3A_14] : memref<2x512x64xf32, #tpu.memory_space<vmem>>, vector<1x512x64xf32>
    %get3A_16 = vector.shape_cast %get3A_15 : vector<1x512x64xf32> to vector<512x64xf32>
    %sub3A = arith.subf %get3A_16, %get3A_1 : vector<512x64xf32>
    %dot_general3A_17 = arith.constant dense<0.000000e+00> : vector<512x64xf32>
    %dot_general3A_18 = tpu.matmul %sub3A, %get3A_10, %dot_general3A_17 {dimension_numbers = #tpu.dot_dimension_numbers<[1], [0], [0], [1], [0, 0, 1, 1], [], []>, transpose_lhs_hint = false} : vector<512x64xf32>, vector<64x64xf32>, vector<512x64xf32> -> vector<512x64xf32>
    %add3A = arith.addf %dot_general3A_11, %dot_general3A_18 : vector<512x64xf32>
    %add3A_19 = vector.broadcast %get3A_4 : vector<1x64xf32> to vector<512x64xf32>
    %add3A_20 = arith.addf %add3A, %add3A_19 : vector<512x64xf32>
    %swap3A = arith.constant 0 : index
    %swap3A_21 = arith.constant 0 : index
    %swap3A_22 = vector.load %arg6[%swap3A, %swap3A_21] : memref<512x128xf32, #tpu.memory_space<vmem>>, vector<512x64xf32>
    tpu.vector_store %arg6[%swap3A, %swap3A_21], %add3A_20 {strides = array<i32>} : memref<512x128xf32, #tpu.memory_space<vmem>>, vector<512x64xf32>,
    %get3A_23 = arith.constant 1 : index
    %get3A_24 = arith.constant 0 : index
    %get3A_25 = arith.constant 0 : index
    %get3A_26 = vector.load %arg2[%get3A_23, %get3A_24, %get3A_25] : memref<2x512x64xf32, #tpu.memory_space<vmem>>, vector<1x512x64xf32>
    %get3A_27 = vector.shape_cast %get3A_26 : vector<1x512x64xf32> to vector<512x64xf32>
    %sub3A_28 = arith.subf %get3A_27, %get3A_1 : vector<512x64xf32>
    %dot_general3A_29 = arith.constant dense<0.000000e+00> : vector<512x64xf32>
    %dot_general3A_30 = tpu.matmul %sub3A_28, %get3A_10, %dot_general3A_29 {dimension_numbers = #tpu.dot_dimension_numbers<[1], [0], [0], [1], [0, 0, 1, 1], [], []>, transpose_lhs_hint = false} : vector<512x64xf32>, vector<64x64xf32>, vector<512x64xf32> -> vector<512x64xf32>
    %add3A_31 = arith.addf %dot_general3A_11, %dot_general3A_30 : vector<512x64xf32>
    %add3A_32 = vector.broadcast %get3A_4 : vector<1x64xf32> to vector<512x64xf32>
    %add3A_33 = arith.addf %add3A_31, %add3A_32 : vector<512x64xf32>
    %swap3A_34 = arith.constant 0 : index
    %swap3A_35 = arith.constant 64 : index
    %swap3A_36 = vector.load %arg6[%swap3A_34, %swap3A_35] : memref<512x128xf32, #tpu.memory_space<vmem>>, vector<512x64xf32>
    tpu.vector_store %arg6[%swap3A_34, %swap3A_35], %add3A_33 {strides = array<i32>} : memref<512x128xf32, #tpu.memory_space<vmem>>, vector<512x64xf32>,
    return
  }
  func.func @transform_0(%arg0: i32, %arg1: i32) -> (i32, i32, i32) {
    %c0_i32 = arith.constant 0 : i32
    %c0_i32_0 = arith.constant 0 : i32
    return %arg1, %arg0, %c0_i32 : i32, i32, i32
  }
  func.func @transform_1(%arg0: i32, %arg1: i32) -> (i32, i32) {
    %c0_i32 = arith.constant 0 : i32
    %c0_i32_0 = arith.constant 0 : i32
    return %arg0, %c0_i32 : i32, i32
  }
  func.func @transform_2(%arg0: i32, %arg1: i32) -> (i32, i32) {
    %c0_i32 = arith.constant 0 : i32
    %c0_i32_0 = arith.constant 0 : i32
    %c0_i32_1 = arith.constant 0 : i32
    return %c0_i32, %c0_i32_0 : i32, i32
  }
  func.func @transform_3(%arg0: i32, %arg1: i32) -> (i32, i32) {
    %c0_i32 = arith.constant 0 : i32
    %c0_i32_0 = arith.constant 0 : i32
    %c0_i32_1 = arith.constant 0 : i32
    return %c0_i32, %c0_i32_0 : i32, i32
  }
  func.func @transform_4(%arg0: i32, %arg1: i32) -> (i32, i32) {
    %c0_i32 = arith.constant 0 : i32
    return %arg0, %arg1 : i32, i32
  }
}

module attributes {stable_mosaic.version = 14 : i64} {
  func.func @_edge2_body(%arg0: i32, %arg1: i32, %arg2: memref<512x128xf32, #tpu.memory_space<vmem>>, %arg3: memref<1x64xf32, #tpu.memory_space<vmem>>, %arg4: memref<1x64xf32, #tpu.memory_space<vmem>>, %arg5: memref<1x64xf32, #tpu.memory_space<vmem>>, %arg6: memref<1x64xf32, #tpu.memory_space<vmem>>, %arg7: memref<64x64xf32, #tpu.memory_space<vmem>>, %arg8: memref<1x64xf32, #tpu.memory_space<vmem>>, %arg9: memref<512x64xf32, #tpu.memory_space<vmem>>) attributes {dimension_semantics = [#tpu.dimension_semantics<arbitrary>, #tpu.dimension_semantics<arbitrary>], iteration_bounds = array<i64: 16, 10>, scalar_prefetch = 0 : i64, scratch_operands = 0 : i64, tpu.core_type = #tpu.core_type<tc>, window_params = [{transform_indices = @transform_0, window_bounds = array<i64: 512, 128>}, {pipeline_mode = #tpu.pipeline_mode<synchronous>, transform_indices = @transform_1, window_bounds = array<i64: 1, 64>}, {pipeline_mode = #tpu.pipeline_mode<synchronous>, transform_indices = @transform_2, window_bounds = array<i64: 1, 64>}, {pipeline_mode = #tpu.pipeline_mode<synchronous>, transform_indices = @transform_3, window_bounds = array<i64: 1, 64>}, {pipeline_mode = #tpu.pipeline_mode<synchronous>, transform_indices = @transform_4, window_bounds = array<i64: 1, 64>}, {pipeline_mode = #tpu.pipeline_mode<synchronous>, transform_indices = @transform_5, window_bounds = array<i64: 64, 64>}, {pipeline_mode = #tpu.pipeline_mode<synchronous>, transform_indices = @transform_6, window_bounds = array<i64: 1, 64>}, {transform_indices = @transform_7, window_bounds = array<i64: 512, 64>}]} {
    %get3A = arith.constant 0 : index
    %get3A_0 = arith.constant 0 : index
    %get3A_1 = vector.load %arg3[%get3A, %get3A_0] : memref<1x64xf32, #tpu.memory_space<vmem>>, vector<1x64xf32>
    %get3A_2 = arith.constant 0 : index
    %get3A_3 = arith.constant 0 : index
    %get3A_4 = vector.load %arg4[%get3A_2, %get3A_3] : memref<1x64xf32, #tpu.memory_space<vmem>>, vector<1x64xf32>
    %get3A_5 = arith.constant 0 : index
    %get3A_6 = arith.constant 0 : index
    %get3A_7 = vector.load %arg5[%get3A_5, %get3A_6] : memref<1x64xf32, #tpu.memory_space<vmem>>, vector<1x64xf32>
    %get3A_8 = arith.constant 0 : index
    %get3A_9 = arith.constant 0 : index
    %get3A_10 = vector.load %arg6[%get3A_8, %get3A_9] : memref<1x64xf32, #tpu.memory_space<vmem>>, vector<1x64xf32>
    %get3A_11 = arith.constant 0 : index
    %get3A_12 = arith.constant 0 : index
    %get3A_13 = vector.load %arg7[%get3A_11, %get3A_12] : memref<64x64xf32, #tpu.memory_space<vmem>>, vector<64x64xf32>
    %broadcast_in_dim3A = arith.constant 0xFF800000 : f32
    %broadcast_in_dim3A_14 = vector.broadcast %broadcast_in_dim3A : f32 to vector<512x64xf32>
    %get3A_15 = arith.constant 0 : index
    %get3A_16 = arith.constant 0 : index
    %get3A_17 = vector.load %arg2[%get3A_15, %get3A_16] : memref<512x128xf32, #tpu.memory_space<vmem>>, vector<512x64xf32>
    %sub3A = vector.broadcast %get3A_1 : vector<1x64xf32> to vector<512x64xf32>
    %sub3A_18 = arith.subf %get3A_17, %sub3A : vector<512x64xf32>
    %add3A = arith.constant 9.99999974E-6 : f32
    %add3A_19 = vector.broadcast %add3A : f32 to vector<1x64xf32>
    %add3A_20 = arith.addf %get3A_4, %add3A_19 : vector<1x64xf32>
    %sqrt3A = math.sqrt %add3A_20 : vector<1x64xf32>
    %div3A = vector.broadcast %sqrt3A : vector<1x64xf32> to vector<512x64xf32>
    %div3A_21 = arith.divf %sub3A_18, %div3A : vector<512x64xf32>
    %mul3A = vector.broadcast %get3A_7 : vector<1x64xf32> to vector<512x64xf32>
    %mul3A_22 = arith.mulf %div3A_21, %mul3A : vector<512x64xf32>
    %add3A_23 = vector.broadcast %get3A_10 : vector<1x64xf32> to vector<512x64xf32>
    %add3A_24 = arith.addf %mul3A_22, %add3A_23 : vector<512x64xf32>
    %max3A = arith.constant 0.000000e+00 : f32
    %max3A_25 = vector.broadcast %max3A : f32 to vector<512x64xf32>
    %max3A_26 = arith.maximumf %add3A_24, %max3A_25 : vector<512x64xf32>
    %dot_general3A = arith.constant dense<0.000000e+00> : vector<512x64xf32>
    %dot_general3A_27 = tpu.matmul %max3A_26, %get3A_13, %dot_general3A {dimension_numbers = #tpu.dot_dimension_numbers<[1], [0], [0], [1], [0, 0, 1, 1], [], []>, transpose_lhs_hint = false} : vector<512x64xf32>, vector<64x64xf32>, vector<512x64xf32> -> vector<512x64xf32>
    %max3A_28 = arith.maximumf %broadcast_in_dim3A_14, %dot_general3A_27 : vector<512x64xf32>
    %get3A_29 = arith.constant 0 : index
    %get3A_30 = arith.constant 64 : index
    %get3A_31 = vector.load %arg2[%get3A_29, %get3A_30] : memref<512x128xf32, #tpu.memory_space<vmem>>, vector<512x64xf32>
    %sub3A_32 = vector.broadcast %get3A_1 : vector<1x64xf32> to vector<512x64xf32>
    %sub3A_33 = arith.subf %get3A_31, %sub3A_32 : vector<512x64xf32>
    %add3A_34 = arith.constant 9.99999974E-6 : f32
    %add3A_35 = vector.broadcast %add3A_34 : f32 to vector<1x64xf32>
    %add3A_36 = arith.addf %get3A_4, %add3A_35 : vector<1x64xf32>
    %sqrt3A_37 = math.sqrt %add3A_36 : vector<1x64xf32>
    %div3A_38 = vector.broadcast %sqrt3A_37 : vector<1x64xf32> to vector<512x64xf32>
    %div3A_39 = arith.divf %sub3A_33, %div3A_38 : vector<512x64xf32>
    %mul3A_40 = vector.broadcast %get3A_7 : vector<1x64xf32> to vector<512x64xf32>
    %mul3A_41 = arith.mulf %div3A_39, %mul3A_40 : vector<512x64xf32>
    %add3A_42 = vector.broadcast %get3A_10 : vector<1x64xf32> to vector<512x64xf32>
    %add3A_43 = arith.addf %mul3A_41, %add3A_42 : vector<512x64xf32>
    %max3A_44 = arith.constant 0.000000e+00 : f32
    %max3A_45 = vector.broadcast %max3A_44 : f32 to vector<512x64xf32>
    %max3A_46 = arith.maximumf %add3A_43, %max3A_45 : vector<512x64xf32>
    %dot_general3A_47 = arith.constant dense<0.000000e+00> : vector<512x64xf32>
    %dot_general3A_48 = tpu.matmul %max3A_46, %get3A_13, %dot_general3A_47 {dimension_numbers = #tpu.dot_dimension_numbers<[1], [0], [0], [1], [0, 0, 1, 1], [], []>, transpose_lhs_hint = false} : vector<512x64xf32>, vector<64x64xf32>, vector<512x64xf32> -> vector<512x64xf32>
    %max3A_49 = arith.maximumf %max3A_28, %dot_general3A_48 : vector<512x64xf32>
    %eq3A = arith.constant 0 : i32
    %eq3A_50 = arith.cmpi eq, %arg1, %eq3A : i32
    %convert_element_type3A = arith.extui %eq3A_50 : i1 to i32
    %cond3A = arith.constant 0 : i32
    %cond3A_51 = arith.cmpi ne, %convert_element_type3A, %cond3A : i32
    scf.if %cond3A_51 {
      %swap3A = arith.constant 0 : index
      %swap3A_61 = arith.constant 0 : index
      %swap3A_62 = vector.load %arg9[%swap3A, %swap3A_61] : memref<512x64xf32, #tpu.memory_space<vmem>>, vector<512x64xf32>
      tpu.vector_store %arg9[%swap3A, %swap3A_61], %max3A_49 {strides = array<i32>} : memref<512x64xf32, #tpu.memory_space<vmem>>, vector<512x64xf32>,
    } else {
    }
    %gt3A = arith.constant 0 : i32
    %gt3A_52 = arith.cmpi sgt, %arg1, %gt3A : i32
    %convert_element_type3A_53 = arith.extui %gt3A_52 : i1 to i32
    %cond3A_54 = arith.constant 0 : i32
    %cond3A_55 = arith.cmpi ne, %convert_element_type3A_53, %cond3A_54 : i32
    scf.if %cond3A_55 {
      %get3A_61 = arith.constant 0 : index
      %get3A_62 = arith.constant 0 : index
      %get3A_63 = vector.load %arg9[%get3A_61, %get3A_62] : memref<512x64xf32, #tpu.memory_space<vmem>>, vector<512x64xf32>
      %max3A_64 = arith.maximumf %get3A_63, %max3A_49 : vector<512x64xf32>
      %swap3A = arith.constant 0 : index
      %swap3A_65 = arith.constant 0 : index
      %swap3A_66 = vector.load %arg9[%swap3A, %swap3A_65] : memref<512x64xf32, #tpu.memory_space<vmem>>, vector<512x64xf32>
      tpu.vector_store %arg9[%swap3A, %swap3A_65], %max3A_64 {strides = array<i32>} : memref<512x64xf32, #tpu.memory_space<vmem>>, vector<512x64xf32>,
    } else {
    }
    %eq3A_56 = arith.constant 9 : i32
    %eq3A_57 = arith.cmpi eq, %arg1, %eq3A_56 : i32
    %convert_element_type3A_58 = arith.extui %eq3A_57 : i1 to i32
    %cond3A_59 = arith.constant 0 : i32
    %cond3A_60 = arith.cmpi ne, %convert_element_type3A_58, %cond3A_59 : i32
    scf.if %cond3A_60 {
      %get3A_61 = arith.constant 0 : index
      %get3A_62 = arith.constant 0 : index
      %get3A_63 = vector.load %arg9[%get3A_61, %get3A_62] : memref<512x64xf32, #tpu.memory_space<vmem>>, vector<512x64xf32>
      %get3A_64 = arith.constant 0 : index
      %get3A_65 = arith.constant 0 : index
      %get3A_66 = vector.load %arg8[%get3A_64, %get3A_65] : memref<1x64xf32, #tpu.memory_space<vmem>>, vector<1x64xf32>
      %add3A_67 = vector.broadcast %get3A_66 : vector<1x64xf32> to vector<512x64xf32>
      %add3A_68 = arith.addf %get3A_63, %add3A_67 : vector<512x64xf32>
      %swap3A = arith.constant 0 : index
      %swap3A_69 = arith.constant 0 : index
      %swap3A_70 = vector.load %arg9[%swap3A, %swap3A_69] : memref<512x64xf32, #tpu.memory_space<vmem>>, vector<512x64xf32>
      tpu.vector_store %arg9[%swap3A, %swap3A_69], %add3A_68 {strides = array<i32>} : memref<512x64xf32, #tpu.memory_space<vmem>>, vector<512x64xf32>,
    } else {
    }
    return
  }
  func.func @transform_0(%arg0: i32, %arg1: i32) -> (i32, i32) {
    %c0_i32 = arith.constant 0 : i32
    return %arg0, %arg1 : i32, i32
  }
  func.func @transform_1(%arg0: i32, %arg1: i32) -> (i32, i32) {
    %c0_i32 = arith.constant 0 : i32
    %c0_i32_0 = arith.constant 0 : i32
    %c0_i32_1 = arith.constant 0 : i32
    return %c0_i32, %c0_i32_0 : i32, i32
  }
  func.func @transform_2(%arg0: i32, %arg1: i32) -> (i32, i32) {
    %c0_i32 = arith.constant 0 : i32
    %c0_i32_0 = arith.constant 0 : i32
    %c0_i32_1 = arith.constant 0 : i32
    return %c0_i32, %c0_i32_0 : i32, i32
  }
  func.func @transform_3(%arg0: i32, %arg1: i32) -> (i32, i32) {
    %c0_i32 = arith.constant 0 : i32
    %c0_i32_0 = arith.constant 0 : i32
    %c0_i32_1 = arith.constant 0 : i32
    return %c0_i32, %c0_i32_0 : i32, i32
  }
  func.func @transform_4(%arg0: i32, %arg1: i32) -> (i32, i32) {
    %c0_i32 = arith.constant 0 : i32
    %c0_i32_0 = arith.constant 0 : i32
    %c0_i32_1 = arith.constant 0 : i32
    return %c0_i32, %c0_i32_0 : i32, i32
  }
  func.func @transform_5(%arg0: i32, %arg1: i32) -> (i32, i32) {
    %c0_i32 = arith.constant 0 : i32
    %c0_i32_0 = arith.constant 0 : i32
    %c0_i32_1 = arith.constant 0 : i32
    return %c0_i32, %c0_i32_0 : i32, i32
  }
  func.func @transform_6(%arg0: i32, %arg1: i32) -> (i32, i32) {
    %c0_i32 = arith.constant 0 : i32
    %c0_i32_0 = arith.constant 0 : i32
    %c0_i32_1 = arith.constant 0 : i32
    return %c0_i32, %c0_i32_0 : i32, i32
  }
  func.func @transform_7(%arg0: i32, %arg1: i32) -> (i32, i32) {
    %c0_i32 = arith.constant 0 : i32
    %c0_i32_0 = arith.constant 0 : i32
    return %arg0, %c0_i32 : i32, i32
  }
}

module attributes {stable_mosaic.version = 14 : i64} {
  func.func @_pool_body(%arg0: i32, %arg1: memref<1024x192xf32, #tpu.memory_space<vmem>>, %arg2: memref<192x256xf32, #tpu.memory_space<vmem>>, %arg3: memref<1x256xf32, #tpu.memory_space<vmem>>, %arg4: memref<1024x1xf32, #tpu.memory_space<vmem>>, %arg5: memref<8x256xf32, #tpu.memory_space<vmem>>) attributes {dimension_semantics = [#tpu.dimension_semantics<arbitrary>], iteration_bounds = array<i64: 8>, scalar_prefetch = 0 : i64, scratch_operands = 0 : i64, tpu.core_type = #tpu.core_type<tc>, window_params = [{transform_indices = @transform_0, window_bounds = array<i64: 1024, 192>}, {pipeline_mode = #tpu.pipeline_mode<synchronous>, transform_indices = @transform_1, window_bounds = array<i64: 192, 256>}, {pipeline_mode = #tpu.pipeline_mode<synchronous>, transform_indices = @transform_2, window_bounds = array<i64: 1, 256>}, {transform_indices = @transform_3, window_bounds = array<i64: 1024, 1>}, {pipeline_mode = #tpu.pipeline_mode<synchronous>, transform_indices = @transform_4, window_bounds = array<i64: 8, 256>}]} {
    %get3A = arith.constant 0 : index
    %get3A_0 = arith.constant 0 : index
    %get3A_1 = vector.load %arg1[%get3A, %get3A_0] : memref<1024x192xf32, #tpu.memory_space<vmem>>, vector<1024x192xf32>
    %get3A_2 = arith.constant 0 : index
    %get3A_3 = arith.constant 0 : index
    %get3A_4 = vector.load %arg2[%get3A_2, %get3A_3] : memref<192x256xf32, #tpu.memory_space<vmem>>, vector<192x256xf32>
    %dot_general3A = arith.constant dense<0.000000e+00> : vector<1024x256xf32>
    %dot_general3A_5 = tpu.matmul %get3A_1, %get3A_4, %dot_general3A {dimension_numbers = #tpu.dot_dimension_numbers<[1], [0], [0], [1], [0, 0, 1, 1], [], []>, transpose_lhs_hint = false} : vector<1024x192xf32>, vector<192x256xf32>, vector<1024x256xf32> -> vector<1024x256xf32>
    %get3A_6 = arith.constant 0 : index
    %get3A_7 = arith.constant 0 : index
    %get3A_8 = vector.load %arg3[%get3A_6, %get3A_7] : memref<1x256xf32, #tpu.memory_space<vmem>>, vector<1x256xf32>
    %add3A = vector.broadcast %get3A_8 : vector<1x256xf32> to vector<1024x256xf32>
    %add3A_9 = arith.addf %dot_general3A_5, %add3A : vector<1024x256xf32>
    %get3A_10 = arith.constant 0 : index
    %get3A_11 = arith.constant 0 : index
    %get3A_12 = vector.load %arg4[%get3A_10, %get3A_11] : memref<1024x1xf32, #tpu.memory_space<vmem>>, vector<1024x1xf32>
    %eq3A = arith.constant 0 : i32
    %eq3A_13 = arith.cmpi eq, %arg0, %eq3A : i32
    %convert_element_type3A = arith.extui %eq3A_13 : i1 to i32
    %cond3A = arith.constant 0xFF800000 : f32
    %cond3A_14 = arith.constant 0 : i32
    %cond3A_15 = arith.cmpi ne, %convert_element_type3A, %cond3A_14 : i32
    scf.if %cond3A_15 {
      %broadcast_in_dim3A_154 = vector.broadcast %cond3A : f32 to vector<8x256xf32>
      %swap3A_155 = arith.constant 0 : index
      %swap3A_156 = arith.constant 0 : index
      %swap3A_157 = vector.load %arg5[%swap3A_155, %swap3A_156] : memref<8x256xf32, #tpu.memory_space<vmem>>, vector<8x256xf32>
      tpu.vector_store %arg5[%swap3A_155, %swap3A_156], %broadcast_in_dim3A_154 {strides = array<i32>} : memref<8x256xf32, #tpu.memory_space<vmem>>, vector<8x256xf32>,
    } else {
    }
    %eq3A_16 = arith.constant 0.000000e+00 : f32
    %eq3A_17 = vector.broadcast %eq3A_16 : f32 to vector<1024x1xf32>
    %eq3A_18 = arith.cmpf oeq, %get3A_12, %eq3A_17 : vector<1024x1xf32>
    %jit3A = arith.constant 0xFF800000 : f32
    %broadcast_in_dim3A = vector.shape_cast %eq3A_18 : vector<1024x1xi1> to vector<1024x1xi1>
    %broadcast_in_dim3A_19 = vector.broadcast %broadcast_in_dim3A : vector<1024x1xi1> to vector<1024x256xi1>
    %broadcast_in_dim3A_20 = vector.broadcast %jit3A : f32 to vector<1024x256xf32>
    %select_n3A = arith.select %broadcast_in_dim3A_19, %add3A_9, %broadcast_in_dim3A_20 : vector<1024x256xi1>, vector<1024x256xf32>
    %reduce_max3A = arith.constant dense<0xFF800000> : vector<256xf32>
    %reduce_max3A_21 = vector.multi_reduction <maximumf>, %select_n3A, %reduce_max3A [0] : vector<1024x256xf32> to vector<256xf32>
    %broadcast_in_dim3A_22 = vector.shape_cast %reduce_max3A_21 : vector<256xf32> to vector<1x256xf32>
    %get3A_23 = arith.constant 0 : index
    %get3A_24 = arith.constant 0 : index
    %get3A_25 = vector.load %arg5[%get3A_23, %get3A_24] : memref<8x256xf32, #tpu.memory_space<vmem>>, vector<1x256xf32>
    %max3A = arith.maximumf %get3A_25, %broadcast_in_dim3A_22 : vector<1x256xf32>
    %swap3A = arith.constant 0 : index
    %swap3A_26 = arith.constant 0 : index
    %swap3A_27 = vector.load %arg5[%swap3A, %swap3A_26] : memref<8x256xf32, #tpu.memory_space<vmem>>, vector<1x256xf32>
    tpu.vector_store %arg5[%swap3A, %swap3A_26], %max3A {strides = array<i32>} : memref<8x256xf32, #tpu.memory_space<vmem>>, vector<1x256xf32>,
    %eq3A_28 = arith.constant 1.000000e+00 : f32
    %eq3A_29 = vector.broadcast %eq3A_28 : f32 to vector<1024x1xf32>
    %eq3A_30 = arith.cmpf oeq, %get3A_12, %eq3A_29 : vector<1024x1xf32>
    %jit3A_31 = arith.constant 0xFF800000 : f32
    %broadcast_in_dim3A_32 = vector.shape_cast %eq3A_30 : vector<1024x1xi1> to vector<1024x1xi1>
    %broadcast_in_dim3A_33 = vector.broadcast %broadcast_in_dim3A_32 : vector<1024x1xi1> to vector<1024x256xi1>
    %broadcast_in_dim3A_34 = vector.broadcast %jit3A_31 : f32 to vector<1024x256xf32>
    %select_n3A_35 = arith.select %broadcast_in_dim3A_33, %add3A_9, %broadcast_in_dim3A_34 : vector<1024x256xi1>, vector<1024x256xf32>
    %reduce_max3A_36 = arith.constant dense<0xFF800000> : vector<256xf32>
    %reduce_max3A_37 = vector.multi_reduction <maximumf>, %select_n3A_35, %reduce_max3A_36 [0] : vector<1024x256xf32> to vector<256xf32>
    %broadcast_in_dim3A_38 = vector.shape_cast %reduce_max3A_37 : vector<256xf32> to vector<1x256xf32>
    %get3A_39 = arith.constant 1 : index
    %get3A_40 = arith.constant 0 : index
    %get3A_41 = vector.load %arg5[%get3A_39, %get3A_40] : memref<8x256xf32, #tpu.memory_space<vmem>>, vector<1x256xf32>
    %max3A_42 = arith.maximumf %get3A_41, %broadcast_in_dim3A_38 : vector<1x256xf32>
    %swap3A_43 = arith.constant 1 : index
    %swap3A_44 = arith.constant 0 : index
    %swap3A_45 = vector.load %arg5[%swap3A_43, %swap3A_44] : memref<8x256xf32, #tpu.memory_space<vmem>>, vector<1x256xf32>
    tpu.vector_store %arg5[%swap3A_43, %swap3A_44], %max3A_42 {strides = array<i32>} : memref<8x256xf32, #tpu.memory_space<vmem>>, vector<1x256xf32>,
    %eq3A_46 = arith.constant 2.000000e+00 : f32
    %eq3A_47 = vector.broadcast %eq3A_46 : f32 to vector<1024x1xf32>
    %eq3A_48 = arith.cmpf oeq, %get3A_12, %eq3A_47 : vector<1024x1xf32>
    %jit3A_49 = arith.constant 0xFF800000 : f32
    %broadcast_in_dim3A_50 = vector.shape_cast %eq3A_48 : vector<1024x1xi1> to vector<1024x1xi1>
    %broadcast_in_dim3A_51 = vector.broadcast %broadcast_in_dim3A_50 : vector<1024x1xi1> to vector<1024x256xi1>
    %broadcast_in_dim3A_52 = vector.broadcast %jit3A_49 : f32 to vector<1024x256xf32>
    %select_n3A_53 = arith.select %broadcast_in_dim3A_51, %add3A_9, %broadcast_in_dim3A_52 : vector<1024x256xi1>, vector<1024x256xf32>
    %reduce_max3A_54 = arith.constant dense<0xFF800000> : vector<256xf32>
    %reduce_max3A_55 = vector.multi_reduction <maximumf>, %select_n3A_53, %reduce_max3A_54 [0] : vector<1024x256xf32> to vector<256xf32>
    %broadcast_in_dim3A_56 = vector.shape_cast %reduce_max3A_55 : vector<256xf32> to vector<1x256xf32>
    %get3A_57 = arith.constant 2 : index
    %get3A_58 = arith.constant 0 : index
    %get3A_59 = vector.load %arg5[%get3A_57, %get3A_58] : memref<8x256xf32, #tpu.memory_space<vmem>>, vector<1x256xf32>
    %max3A_60 = arith.maximumf %get3A_59, %broadcast_in_dim3A_56 : vector<1x256xf32>
    %swap3A_61 = arith.constant 2 : index
    %swap3A_62 = arith.constant 0 : index
    %swap3A_63 = vector.load %arg5[%swap3A_61, %swap3A_62] : memref<8x256xf32, #tpu.memory_space<vmem>>, vector<1x256xf32>
    tpu.vector_store %arg5[%swap3A_61, %swap3A_62], %max3A_60 {strides = array<i32>} : memref<8x256xf32, #tpu.memory_space<vmem>>, vector<1x256xf32>,
    %eq3A_64 = arith.constant 3.000000e+00 : f32
    %eq3A_65 = vector.broadcast %eq3A_64 : f32 to vector<1024x1xf32>
    %eq3A_66 = arith.cmpf oeq, %get3A_12, %eq3A_65 : vector<1024x1xf32>
    %jit3A_67 = arith.constant 0xFF800000 : f32
    %broadcast_in_dim3A_68 = vector.shape_cast %eq3A_66 : vector<1024x1xi1> to vector<1024x1xi1>
    %broadcast_in_dim3A_69 = vector.broadcast %broadcast_in_dim3A_68 : vector<1024x1xi1> to vector<1024x256xi1>
    %broadcast_in_dim3A_70 = vector.broadcast %jit3A_67 : f32 to vector<1024x256xf32>
    %select_n3A_71 = arith.select %broadcast_in_dim3A_69, %add3A_9, %broadcast_in_dim3A_70 : vector<1024x256xi1>, vector<1024x256xf32>
    %reduce_max3A_72 = arith.constant dense<0xFF800000> : vector<256xf32>
    %reduce_max3A_73 = vector.multi_reduction <maximumf>, %select_n3A_71, %reduce_max3A_72 [0] : vector<1024x256xf32> to vector<256xf32>
    %broadcast_in_dim3A_74 = vector.shape_cast %reduce_max3A_73 : vector<256xf32> to vector<1x256xf32>
    %get3A_75 = arith.constant 3 : index
    %get3A_76 = arith.constant 0 : index
    %get3A_77 = vector.load %arg5[%get3A_75, %get3A_76] : memref<8x256xf32, #tpu.memory_space<vmem>>, vector<1x256xf32>
    %max3A_78 = arith.maximumf %get3A_77, %broadcast_in_dim3A_74 : vector<1x256xf32>
    %swap3A_79 = arith.constant 3 : index
    %swap3A_80 = arith.constant 0 : index
    %swap3A_81 = vector.load %arg5[%swap3A_79, %swap3A_80] : memref<8x256xf32, #tpu.memory_space<vmem>>, vector<1x256xf32>
    tpu.vector_store %arg5[%swap3A_79, %swap3A_80], %max3A_78 {strides = array<i32>} : memref<8x256xf32, #tpu.memory_space<vmem>>, vector<1x256xf32>,
    %eq3A_82 = arith.constant 4.000000e+00 : f32
    %eq3A_83 = vector.broadcast %eq3A_82 : f32 to vector<1024x1xf32>
    %eq3A_84 = arith.cmpf oeq, %get3A_12, %eq3A_83 : vector<1024x1xf32>
    %jit3A_85 = arith.constant 0xFF800000 : f32
    %broadcast_in_dim3A_86 = vector.shape_cast %eq3A_84 : vector<1024x1xi1> to vector<1024x1xi1>
    %broadcast_in_dim3A_87 = vector.broadcast %broadcast_in_dim3A_86 : vector<1024x1xi1> to vector<1024x256xi1>
    %broadcast_in_dim3A_88 = vector.broadcast %jit3A_85 : f32 to vector<1024x256xf32>
    %select_n3A_89 = arith.select %broadcast_in_dim3A_87, %add3A_9, %broadcast_in_dim3A_88 : vector<1024x256xi1>, vector<1024x256xf32>
    %reduce_max3A_90 = arith.constant dense<0xFF800000> : vector<256xf32>
    %reduce_max3A_91 = vector.multi_reduction <maximumf>, %select_n3A_89, %reduce_max3A_90 [0] : vector<1024x256xf32> to vector<256xf32>
    %broadcast_in_dim3A_92 = vector.shape_cast %reduce_max3A_91 : vector<256xf32> to vector<1x256xf32>
    %get3A_93 = arith.constant 4 : index
    %get3A_94 = arith.constant 0 : index
    %get3A_95 = vector.load %arg5[%get3A_93, %get3A_94] : memref<8x256xf32, #tpu.memory_space<vmem>>, vector<1x256xf32>
    %max3A_96 = arith.maximumf %get3A_95, %broadcast_in_dim3A_92 : vector<1x256xf32>
    %swap3A_97 = arith.constant 4 : index
    %swap3A_98 = arith.constant 0 : index
    %swap3A_99 = vector.load %arg5[%swap3A_97, %swap3A_98] : memref<8x256xf32, #tpu.memory_space<vmem>>, vector<1x256xf32>
    tpu.vector_store %arg5[%swap3A_97, %swap3A_98], %max3A_96 {strides = array<i32>} : memref<8x256xf32, #tpu.memory_space<vmem>>, vector<1x256xf32>,
    %eq3A_100 = arith.constant 5.000000e+00 : f32
    %eq3A_101 = vector.broadcast %eq3A_100 : f32 to vector<1024x1xf32>
    %eq3A_102 = arith.cmpf oeq, %get3A_12, %eq3A_101 : vector<1024x1xf32>
    %jit3A_103 = arith.constant 0xFF800000 : f32
    %broadcast_in_dim3A_104 = vector.shape_cast %eq3A_102 : vector<1024x1xi1> to vector<1024x1xi1>
    %broadcast_in_dim3A_105 = vector.broadcast %broadcast_in_dim3A_104 : vector<1024x1xi1> to vector<1024x256xi1>
    %broadcast_in_dim3A_106 = vector.broadcast %jit3A_103 : f32 to vector<1024x256xf32>
    %select_n3A_107 = arith.select %broadcast_in_dim3A_105, %add3A_9, %broadcast_in_dim3A_106 : vector<1024x256xi1>, vector<1024x256xf32>
    %reduce_max3A_108 = arith.constant dense<0xFF800000> : vector<256xf32>
    %reduce_max3A_109 = vector.multi_reduction <maximumf>, %select_n3A_107, %reduce_max3A_108 [0] : vector<1024x256xf32> to vector<256xf32>
    %broadcast_in_dim3A_110 = vector.shape_cast %reduce_max3A_109 : vector<256xf32> to vector<1x256xf32>
    %get3A_111 = arith.constant 5 : index
    %get3A_112 = arith.constant 0 : index
    %get3A_113 = vector.load %arg5[%get3A_111, %get3A_112] : memref<8x256xf32, #tpu.memory_space<vmem>>, vector<1x256xf32>
    %max3A_114 = arith.maximumf %get3A_113, %broadcast_in_dim3A_110 : vector<1x256xf32>
    %swap3A_115 = arith.constant 5 : index
    %swap3A_116 = arith.constant 0 : index
    %swap3A_117 = vector.load %arg5[%swap3A_115, %swap3A_116] : memref<8x256xf32, #tpu.memory_space<vmem>>, vector<1x256xf32>
    tpu.vector_store %arg5[%swap3A_115, %swap3A_116], %max3A_114 {strides = array<i32>} : memref<8x256xf32, #tpu.memory_space<vmem>>, vector<1x256xf32>,
    %eq3A_118 = arith.constant 6.000000e+00 : f32
    %eq3A_119 = vector.broadcast %eq3A_118 : f32 to vector<1024x1xf32>
    %eq3A_120 = arith.cmpf oeq, %get3A_12, %eq3A_119 : vector<1024x1xf32>
    %jit3A_121 = arith.constant 0xFF800000 : f32
    %broadcast_in_dim3A_122 = vector.shape_cast %eq3A_120 : vector<1024x1xi1> to vector<1024x1xi1>
    %broadcast_in_dim3A_123 = vector.broadcast %broadcast_in_dim3A_122 : vector<1024x1xi1> to vector<1024x256xi1>
    %broadcast_in_dim3A_124 = vector.broadcast %jit3A_121 : f32 to vector<1024x256xf32>
    %select_n3A_125 = arith.select %broadcast_in_dim3A_123, %add3A_9, %broadcast_in_dim3A_124 : vector<1024x256xi1>, vector<1024x256xf32>
    %reduce_max3A_126 = arith.constant dense<0xFF800000> : vector<256xf32>
    %reduce_max3A_127 = vector.multi_reduction <maximumf>, %select_n3A_125, %reduce_max3A_126 [0] : vector<1024x256xf32> to vector<256xf32>
    %broadcast_in_dim3A_128 = vector.shape_cast %reduce_max3A_127 : vector<256xf32> to vector<1x256xf32>
    %get3A_129 = arith.constant 6 : index
    %get3A_130 = arith.constant 0 : index
    %get3A_131 = vector.load %arg5[%get3A_129, %get3A_130] : memref<8x256xf32, #tpu.memory_space<vmem>>, vector<1x256xf32>
    %max3A_132 = arith.maximumf %get3A_131, %broadcast_in_dim3A_128 : vector<1x256xf32>
    %swap3A_133 = arith.constant 6 : index
    %swap3A_134 = arith.constant 0 : index
    %swap3A_135 = vector.load %arg5[%swap3A_133, %swap3A_134] : memref<8x256xf32, #tpu.memory_space<vmem>>, vector<1x256xf32>
    tpu.vector_store %arg5[%swap3A_133, %swap3A_134], %max3A_132 {strides = array<i32>} : memref<8x256xf32, #tpu.memory_space<vmem>>, vector<1x256xf32>,
    %eq3A_136 = arith.constant 7.000000e+00 : f32
    %eq3A_137 = vector.broadcast %eq3A_136 : f32 to vector<1024x1xf32>
    %eq3A_138 = arith.cmpf oeq, %get3A_12, %eq3A_137 : vector<1024x1xf32>
    %jit3A_139 = arith.constant 0xFF800000 : f32
    %broadcast_in_dim3A_140 = vector.shape_cast %eq3A_138 : vector<1024x1xi1> to vector<1024x1xi1>
    %broadcast_in_dim3A_141 = vector.broadcast %broadcast_in_dim3A_140 : vector<1024x1xi1> to vector<1024x256xi1>
    %broadcast_in_dim3A_142 = vector.broadcast %jit3A_139 : f32 to vector<1024x256xf32>
    %select_n3A_143 = arith.select %broadcast_in_dim3A_141, %add3A_9, %broadcast_in_dim3A_142 : vector<1024x256xi1>, vector<1024x256xf32>
    %reduce_max3A_144 = arith.constant dense<0xFF800000> : vector<256xf32>
    %reduce_max3A_145 = vector.multi_reduction <maximumf>, %select_n3A_143, %reduce_max3A_144 [0] : vector<1024x256xf32> to vector<256xf32>
    %broadcast_in_dim3A_146 = vector.shape_cast %reduce_max3A_145 : vector<256xf32> to vector<1x256xf32>
    %get3A_147 = arith.constant 7 : index
    %get3A_148 = arith.constant 0 : index
    %get3A_149 = vector.load %arg5[%get3A_147, %get3A_148] : memref<8x256xf32, #tpu.memory_space<vmem>>, vector<1x256xf32>
    %max3A_150 = arith.maximumf %get3A_149, %broadcast_in_dim3A_146 : vector<1x256xf32>
    %swap3A_151 = arith.constant 7 : index
    %swap3A_152 = arith.constant 0 : index
    %swap3A_153 = vector.load %arg5[%swap3A_151, %swap3A_152] : memref<8x256xf32, #tpu.memory_space<vmem>>, vector<1x256xf32>
    tpu.vector_store %arg5[%swap3A_151, %swap3A_152], %max3A_150 {strides = array<i32>} : memref<8x256xf32, #tpu.memory_space<vmem>>, vector<1x256xf32>,
    return
  }
  func.func @transform_0(%arg0: i32) -> (i32, i32) {
    %c0_i32 = arith.constant 0 : i32
    %c0_i32_0 = arith.constant 0 : i32
    return %arg0, %c0_i32 : i32, i32
  }
  func.func @transform_1(%arg0: i32) -> (i32, i32) {
    %c0_i32 = arith.constant 0 : i32
    %c0_i32_0 = arith.constant 0 : i32
    %c0_i32_1 = arith.constant 0 : i32
    return %c0_i32, %c0_i32_0 : i32, i32
  }
  func.func @transform_2(%arg0: i32) -> (i32, i32) {
    %c0_i32 = arith.constant 0 : i32
    %c0_i32_0 = arith.constant 0 : i32
    %c0_i32_1 = arith.constant 0 : i32
    return %c0_i32, %c0_i32_0 : i32, i32
  }
  func.func @transform_3(%arg0: i32) -> (i32, i32) {
    %c0_i32 = arith.constant 0 : i32
    %c0_i32_0 = arith.constant 0 : i32
    return %arg0, %c0_i32 : i32, i32
  }
  func.func @transform_4(%arg0: i32) -> (i32, i32) {
    %c0_i32 = arith.constant 0 : i32
    %c0_i32_0 = arith.constant 0 : i32
    %c0_i32_1 = arith.constant 0 : i32
    return %c0_i32, %c0_i32_0 : i32, i32
  }
}

module attributes {stable_mosaic.version = 14 : i64} {
  func.func @_head_body(%arg0: memref<8x256xf32, #tpu.memory_space<vmem>>, %arg1: memref<256x128xf32, #tpu.memory_space<vmem>>, %arg2: memref<1x128xf32, #tpu.memory_space<vmem>>, %arg3: memref<1x128xf32, #tpu.memory_space<vmem>>, %arg4: memref<1x128xf32, #tpu.memory_space<vmem>>, %arg5: memref<128x40xf32, #tpu.memory_space<vmem>>, %arg6: memref<1x40xf32, #tpu.memory_space<vmem>>, %arg7: memref<8x40xf32, #tpu.memory_space<vmem>>) attributes {dimension_semantics = [], scalar_prefetch = 0 : i64, scratch_operands = 0 : i64, tpu.core_type = #tpu.core_type<tc>} {
    %get3A = arith.constant 0 : index
    %get3A_0 = arith.constant 0 : index
    %get3A_1 = vector.load %arg0[%get3A, %get3A_0] : memref<8x256xf32, #tpu.memory_space<vmem>>, vector<8x256xf32>
    %get3A_2 = arith.constant 0 : index
    %get3A_3 = arith.constant 0 : index
    %get3A_4 = vector.load %arg1[%get3A_2, %get3A_3] : memref<256x128xf32, #tpu.memory_space<vmem>>, vector<256x128xf32>
    %dot_general3A = arith.constant dense<0.000000e+00> : vector<8x128xf32>
    %dot_general3A_5 = tpu.matmul %get3A_1, %get3A_4, %dot_general3A {dimension_numbers = #tpu.dot_dimension_numbers<[1], [0], [0], [1], [0, 0, 1, 1], [], []>, transpose_lhs_hint = false} : vector<8x256xf32>, vector<256x128xf32>, vector<8x128xf32> -> vector<8x128xf32>
    %get3A_6 = arith.constant 0 : index
    %get3A_7 = arith.constant 0 : index
    %get3A_8 = vector.load %arg2[%get3A_6, %get3A_7] : memref<1x128xf32, #tpu.memory_space<vmem>>, vector<1x128xf32>
    %add3A = vector.broadcast %get3A_8 : vector<1x128xf32> to vector<8x128xf32>
    %add3A_9 = arith.addf %dot_general3A_5, %add3A : vector<8x128xf32>
    %reduce_sum3A = arith.constant dense<0.000000e+00> : vector<128xf32>
    %reduce_sum3A_10 = vector.multi_reduction <add>, %add3A_9, %reduce_sum3A [0] : vector<8x128xf32> to vector<128xf32>
    %broadcast_in_dim3A = vector.shape_cast %reduce_sum3A_10 : vector<128xf32> to vector<1x128xf32>
    %div3A = arith.constant 8.000000e+00 : f32
    %div3A_11 = vector.broadcast %div3A : f32 to vector<1x128xf32>
    %div3A_12 = arith.divf %broadcast_in_dim3A, %div3A_11 : vector<1x128xf32>
    %sub3A = vector.broadcast %div3A_12 : vector<1x128xf32> to vector<8x128xf32>
    %sub3A_13 = arith.subf %add3A_9, %sub3A : vector<8x128xf32>
    %mul3A = arith.mulf %sub3A_13, %sub3A_13 : vector<8x128xf32>
    %reduce_sum3A_14 = arith.constant dense<0.000000e+00> : vector<128xf32>
    %reduce_sum3A_15 = vector.multi_reduction <add>, %mul3A, %reduce_sum3A_14 [0] : vector<8x128xf32> to vector<128xf32>
    %broadcast_in_dim3A_16 = vector.shape_cast %reduce_sum3A_15 : vector<128xf32> to vector<1x128xf32>
    %div3A_17 = arith.constant 8.000000e+00 : f32
    %div3A_18 = vector.broadcast %div3A_17 : f32 to vector<1x128xf32>
    %div3A_19 = arith.divf %broadcast_in_dim3A_16, %div3A_18 : vector<1x128xf32>
    %add3A_20 = arith.constant 9.99999974E-6 : f32
    %add3A_21 = vector.broadcast %add3A_20 : f32 to vector<1x128xf32>
    %add3A_22 = arith.addf %div3A_19, %add3A_21 : vector<1x128xf32>
    %sqrt3A = math.sqrt %add3A_22 : vector<1x128xf32>
    %div3A_23 = vector.broadcast %sqrt3A : vector<1x128xf32> to vector<8x128xf32>
    %div3A_24 = arith.divf %sub3A_13, %div3A_23 : vector<8x128xf32>
    %get3A_25 = arith.constant 0 : index
    %get3A_26 = arith.constant 0 : index
    %get3A_27 = vector.load %arg3[%get3A_25, %get3A_26] : memref<1x128xf32, #tpu.memory_space<vmem>>, vector<1x128xf32>
    %mul3A_28 = vector.broadcast %get3A_27 : vector<1x128xf32> to vector<8x128xf32>
    %mul3A_29 = arith.mulf %div3A_24, %mul3A_28 : vector<8x128xf32>
    %get3A_30 = arith.constant 0 : index
    %get3A_31 = arith.constant 0 : index
    %get3A_32 = vector.load %arg4[%get3A_30, %get3A_31] : memref<1x128xf32, #tpu.memory_space<vmem>>, vector<1x128xf32>
    %add3A_33 = vector.broadcast %get3A_32 : vector<1x128xf32> to vector<8x128xf32>
    %add3A_34 = arith.addf %mul3A_29, %add3A_33 : vector<8x128xf32>
    %max3A = arith.constant 0.000000e+00 : f32
    %max3A_35 = vector.broadcast %max3A : f32 to vector<8x128xf32>
    %max3A_36 = arith.maximumf %add3A_34, %max3A_35 : vector<8x128xf32>
    %get3A_37 = arith.constant 0 : index
    %get3A_38 = arith.constant 0 : index
    %get3A_39 = vector.load %arg5[%get3A_37, %get3A_38] : memref<128x40xf32, #tpu.memory_space<vmem>>, vector<128x40xf32>
    %dot_general3A_40 = arith.constant dense<0.000000e+00> : vector<8x40xf32>
    %dot_general3A_41 = tpu.matmul %max3A_36, %get3A_39, %dot_general3A_40 {dimension_numbers = #tpu.dot_dimension_numbers<[1], [0], [0], [1], [0, 0, 1, 1], [], []>, transpose_lhs_hint = false} : vector<8x128xf32>, vector<128x40xf32>, vector<8x40xf32> -> vector<8x40xf32>
    %get3A_42 = arith.constant 0 : index
    %get3A_43 = arith.constant 0 : index
    %get3A_44 = vector.load %arg6[%get3A_42, %get3A_43] : memref<1x40xf32, #tpu.memory_space<vmem>>, vector<1x40xf32>
    %add3A_45 = vector.broadcast %get3A_44 : vector<1x40xf32> to vector<8x40xf32>
    %add3A_46 = arith.addf %dot_general3A_41, %add3A_45 : vector<8x40xf32>
    %swap3A = arith.constant 0 : index
    %swap3A_47 = arith.constant 0 : index
    %swap3A_48 = vector.load %arg7[%swap3A, %swap3A_47] : memref<8x40xf32, #tpu.memory_space<vmem>>, vector<8x40xf32>
    tpu.vector_store %arg7[%swap3A, %swap3A_47], %add3A_46 {strides = array<i32>} : memref<8x40xf32, #tpu.memory_space<vmem>>, vector<8x40xf32>,
    return
  }
}

</mosaic_0001>

<sc_bundles>
// kernel: kernel.16.cloned.1.call-start
scs
__scs_entry_jumppad:
0x0: {  	(pc) =	sbr.rel $0x88, $3  }
0x1: {  	(tag) =	ssettag $0x0;
	lr =	simm.s32 $0x1  }
0x2: {  	[smem:$0x3F85] =	sst lr;
	_ =	strace $0xD0000000  }
0x3: {  	_ = 	snop  }
0x4: {  	_ = 	snop  }
0x5: {  	_ = 	snop  }
0x6: {  	_ = 	snop  }
0x7: {  	_ = 	snop  }
__scs_overlays_trampoline_lowered:
0x8: {  	[smem:$0x3F94] =	sst s0  }
0x9: {  	[smem:$0x3F95] =	sst s1  }
0xa: {  	[smem:$0x3F96] =	sst s2  }
0xb: {  	[smem:$0x3F97] =	sst s3  }
0xc: {  	[smem:$0x3F98] =	sst s4  }
0xd: {  	[smem:$0x3F99] =	sst s5  }
0xe: {  	[smem:$0x3F9A] =	sst s6  }
0xf: {  	[smem:$0x3F9B] =	sst s7  }
0x10: {  	[smem:$0x3F9C] =	sst s8  }
0x11: {  	[smem:$0x3F9D] =	sst s9;
	s0 =	simm.s32 @!p0 $0x0  }
0x12: {  	s1 =	sld [smem:$0x3F83];
	s0 =	simm.s32 @p0 $0x1  }
0x13: {  	[smem:$0x3F9E] =	sst s0;
	s0 =	simm.s32 @!p1 $0x0  }
0x14: {  	s2 =	sld [smem:$0x3F82];
	s0 =	simm.s32 @p1 $0x1  }
0x15: {  	[smem:$0x3F9F] =	sst s0;
	s0 =	simm.s32 @!p2 $0x0  }
0x16: {  	s3 =	sld [smem:$0x3FDB];
	s0 =	simm.s32 @p2 $0x1  }
0x17: {  	s4 =	simm.s32 $0x1BF5;
	[smem:$0x3FA1] =	sst s0  }
0x18: {  	s0 =	sld [smem:$0x3F84];
	_ =	swait.ge [sflag:s4], $0x0  }
0x19: {  	s7 =	sld [smem:$0x3F85]  }
0x1a: {  	s8 =	sadd.s32 $0xFFFFE003, lr  }
0x1b: {  	s9 =	sadd.s32 $0xFFFFFEF7, lr;
	s5 =	simm.s32 $0xFFFFFFFF;
	p2 =	slt.u32 s8, $0xFFFFF086  }
0x1c: {  	p1 =	slt.u32 s9, $0xF7A;
	s5 =	simm.s32 @!p2 $0x0  }
0x1d: {  	s5 =	simm.s32 @p1 $0x1;
	p0 =	seq.s32 s7, s2  }
0x1e: {  	s7 =	smul.u32 @!p0 $0xF7A, s2;
	p2 =	seq.s32 @!p0 s5, $0x0  }
0x1f: {  	s9 =	smul.u32 $0xF7A, s1;
	s8 =	simm.s32 @!p0 $0x1BF5;
	p2 =	por !p2, p0  }
0x20: {  	[sflag:s8] =	ssyncset.s32 @!p0 $0xFFFFF086;
	s6 =	sadd.s32 @!p0 s3, s7;
	s7 =	simm.s32 @!p0 $0x108  }
0x21: {  	s3 =	sadd.s32 s3, s9;
	s6 =	sadd.s32 @!p0 $0x88, s6;
	s7 =	simm.s32 @p2 $0x1082  }
0x22: {  	[simem:s7], [sflag:s8] =	dma.local @!p0 [hbm:s6], $0xF7A  }
0x23: {  	s9 =	sor.u32 $0xD0000000, s2;
	s6 =	simm.s32 $0x108;
	_ =	swait.ge @!p0 [sflag:s8], $0x0  }
0x24: {  	s3 =	sadd.s32 $0x88, s3;
	s6 =	simm.s32 @!p1 $0x1082;
	[sflag:s4] =	ssyncset.s32 $0xFFFFF086  }
0x25: {  	[simem:s6], [sflag:s4] =	dma.local [hbm:s3], $0xF7A  }
0x26: {  	[smem:$0x3F85] =	sst s1;
	(tag) =	ssettag s2;
	_ =	strace s9  }
0x27: {  	s1 =	sld [smem:$0x3F95]  }
0x28: {  	s2 =	sld [smem:$0x3F96]  }
0x29: {  	s4 =	sld [smem:$0x3F98]  }
0x2a: {  	p0 =	seq.s32 s5, $0x0;
	s5 =	sld [smem:$0x3F99]  }
0x2b: {  	s6 =	sld [smem:$0x3F9A]  }
0x2c: {  	s7 =	sld [smem:$0x3F9B]  }
0x2d: {  	s3 =	simm.s32 $0x108;
	s8 =	sld [smem:$0x3F9C]  }
0x2e: {  	s3 =	simm.s32 @!p0 $0x1082;
	s9 =	sld [smem:$0x3F9D]  }
0x2f: {  	lr =	sadd.s32 s0, s3;
	s0 =	sld [smem:$0x3F94]  }
0x30: {  	s3 =	sld [smem:$0x3F97]  }
0x31: {  	[smem:$0x3FA0] =	sst s10  }
0x32: {  	s10 =	sld [smem:$0x3F9E];
	_ =	sdelay $0x3  }
0x33: {  	p0 =	seq.s32 s10, $0x1;
	s10 =	sld [smem:$0x3FA0];
	_ =	sdelay $0x3  }
0x34: {  	[smem:$0x3FA0] =	sst s10  }
0x35: {  	s10 =	sld [smem:$0x3F9F];
	_ =	sdelay $0x3  }
0x36: {  	p1 =	seq.s32 s10, $0x1;
	s10 =	sld [smem:$0x3FA0];
	_ =	sdelay $0x3  }
0x37: {  	[smem:$0x3FA0] =	sst s10  }
0x38: {  	s10 =	sld [smem:$0x3FA1]  }
0x39: {  	_ = 	snop;
	(pc) =	sbr.ind lr, $3  }
0x3a: {  	_ = 	snop  }
0x3b: {  	_ = 	snop  }
0x3c: {  	p2 =	seq.s32 s10, $0x1;
	s10 =	sld [smem:$0x3FA0]  }
0x3d: {  	_ =	shalt  }
0x3e: {  	_ =	shalt  }
0x3f: {  	_ =	shalt  }
0x40: {  	_ =	shalt  }
0x41: {  	_ =	shalt  }
0x42: {  	_ =	shalt  }
0x43: {  	_ =	shalt  }
0x44: {  	_ =	shalt  }
0x45: {  	_ =	shalt  }
0x46: {  	_ =	shalt  }
0x47: {  	_ =	shalt  }
0x48: {  	_ =	shalt  }
0x49: {  	_ =	shalt  }
0x4a: {  	_ =	shalt  }
0x4b: {  	_ =	shalt  }
0x4c: {  	_ =	shalt  }
0x4d: {  	_ =	shalt  }
0x4e: {  	_ =	shalt  }
0x4f: {  	_ =	shalt  }
0x50: {  	_ =	shalt  }
0x51: {  	_ =	shalt  }
0x52: {  	_ =	shalt  }
0x53: {  	_ =	shalt  }
0x54: {  	_ =	shalt  }
0x55: {  	_ =	shalt  }
0x56: {  	_ =	shalt  }
0x57: {  	_ =	shalt  }
0x58: {  	_ =	shalt  }
0x59: {  	_ =	shalt  }
0x5a: {  	_ =	shalt  }
0x5b: {  	_ =	shalt  }
0x5c: {  	_ =	shalt  }
0x5d: {  	_ =	shalt  }
0x5e: {  	_ =	shalt  }
0x5f: {  	_ =	shalt  }
0x60: {  	_ =	shalt  }
0x61: {  	_ =	shalt  }
0x62: {  	_ =	shalt  }
0x63: {  	_ =	shalt  }
0x64: {  	_ =	shalt  }
0x65: {  	_ =	shalt  }
0x66: {  	_ =	shalt  }
0x67: {  	_ =	shalt  }
0x68: {  	_ =	shalt  }
0x69: {  	_ =	shalt  }
0x6a: {  	_ =	shalt  }
0x6b: {  	_ =	shalt  }
0x6c: {  	_ =	shalt  }
0x6d: {  	_ =	shalt  }
0x6e: {  	_ =	shalt  }
0x6f: {  	_ =	shalt  }
0x70: {  	_ =	shalt  }
0x71: {  	_ =	shalt  }
0x72: {  	_ =	shalt  }
0x73: {  	_ =	shalt  }
0x74: {  	_ =	shalt  }
0x75: {  	_ =	shalt  }
0x76: {  	_ =	shalt  }
0x77: {  	_ =	shalt  }
0x78: {  	_ =	shalt  }
0x79: {  	_ =	shalt  }
0x7a: {  	_ =	shalt  }
0x7b: {  	_ =	shalt  }
0x7c: {  	_ =	shalt  }
0x7d: {  	_ =	shalt  }
0x7e: {  	_ =	shalt  }
0x7f: {  	_ =	shalt  }
0x80: {  	_ =	shalt  }
0x81: {  	_ =	shalt  }
0x82: {  	_ =	shalt  }
0x83: {  	_ =	shalt  }
0x84: {  	_ =	shalt  }
0x85: {  	_ =	shalt  }
0x86: {  	_ =	shalt  }
0x87: {  	_ =	shalt  }
.Lfunc_end0:
.L_simem_size_0:
called_computation_lowered:
.L_overlay_start_0:
0x88: {  	s2 =	sld [smem:$0x3FD9]  }
0x89: {  	s3 =	sld [smem:$0x3FFE];
	_ =	sdelay $0x1  }
0x8a: {  	s1 =	srdreg.scid  }
0x8b: {  	s0 =	sand.u32 $0x1, s1  }
0x8c: {  	s16 =	sshll.u32 s0, $0xA;
	s2 =	sadd.s32 s3, s2  }
0x8d: {  	s2 =	sadd.s32 s2, s16  }
0x8e: {  	[smem:$0x3FAC] =	sst s2  }
0x8f: {  	_ = 	snop  }
0x90: {  	(tm) =	ssettm $0x1  }
0x91: {  	s17 =	sld [smem:$0x3FFB];
	_ =	sdelay $0x3  }
0x92: {  	_ =	strace s17  }
0x93: {  	s2 =	sld [smem:$0x3FFC];
	_ =	sdelay $0x3  }
0x94: {  	_ =	strace s2  }
0x95: {  	s2 =	sld [smem:$0x3FFD];
	_ =	sdelay $0x3  }
0x96: {  	_ =	strace s2  }
0x97: {  	_ =	strace $0x8FFFFFFF  }
0x98: {  	s18 =	sld [smem:$0x3FDB];
	_ =	sdelay $0x1  }
0x99: {  	s19 =	simm.s32 $_scs_section_size  }
0x9a: {  	s4 =	simm.s32 $_size__tile_overlayer_lowered;
	s5 =	simm.s32 $_tile_overlayer_lowered  }
0x9b: {  	s22 =	simm.s32 $0x1BFF;
	s21 =	sshll.u32 s5, $0x1;
	s2 =	sadd.s32 s19, s18  }
0x9c: {  	s6 =	simm.s32 $0x0;
	s20 =	sshll.u32 s4, $0x1;
	s4 =	sadd.s32 s21, s2  }
0x9d: {  	[timem:s6], [sflag:s22] =	dma.local [hbm:s4], s20  }
0x9e: {  	_ =	swait.ge [sflag:s22], s20  }
0x9f: {  	s3 =	ssub.s32 $0x0, s20;
	[sflag:s22] =	ssyncset.done $0x0  }
0xa0: {  	[sflag:s22] =	ssyncadd.s32 s3;
	_ =	sdelay $0x1  }
0xa1: {  	s23 =	simm.s32 $0x1B8B  }
0xa2: {  	_ =	swait.ge [sflag:s23], $0x1  }
0xa3: {  	[sflag:s23] =	ssyncset.done $0x0  }
0xa4: {  	s25 =	simm.s32 $0x1B8E;
	s24 =	sld [smem:$0x3FFE];
	[sflag:s23] =	ssyncadd.s32 $0xFFFFFFFF  }
0xa5: {  	s26 =	simm.s32 $execute0_lowered;
	[smem:$0x3FD2] =	sst s25  }
0xa6: {  	s4 =	sshll.u32 s26, $0x1;
	_ =	strace $0x80000046;
	[dreg:$0x1] =	wrdreg $0xFFFFFFFF  }
0xa7: {  	s28 =	simm.s32 $_size_execute0_lowered;
	s2 =	sadd.s32 s2, s4;
	[dreg:$0x0] =	wrdreg $0x0  }
0xa8: {  	s4 =	sshll.u32 s28, $0x1;
	[dreg:$0x2] =	wrdreg s2  }
0xa9: {  	[dreg:$0x3] =	wrdreg s4  }
0xaa: {  	[dreg:$0x4] =	wrdreg $0xC0  }
0xab: {  	_ =	task [dreg:s6], $0x5FFFF  }
0xac: {  	[dreg:$0x1] =	wrdreg $0xFFFFFFFF  }
0xad: {  	[dreg:$0x0] =	wrdreg $0x60  }
0xae: {  	[dreg:$0x2] =	wrdreg s24  }
0xaf: {  	[dreg:$0x3] =	wrdreg $0x9  }
0xb0: {  	_ =	task.clear_ibuf [dreg:s6], $0x4FFFF;
	_ =	strace $0x90000046  }
0xb1: {  	s29 =	simm.s32 $0x9;
	_ =	strace $0x80000048  }
0xb2: {  	_ =	swait.ge [sflag:s29], $0x1  }
0xb3: {  	[sflag:s29] =	ssyncadd.s32 $0xFFFFFFFF  }
0xb4: {  	_ =	strace $0x90000048  }
0xb5: {  	_ =	sfence  }
0xb6: {  	s30 =	sld [smem:$0x0];
	_ =	sdelay $0x2  }
0xb7: {  	s31 =	sshll.u32 s1, $0xD;
	s1 =	sshrl.u32 s1, $0x2  }
0xb8: {  	s3 =	sand.u32 $0x4000, s31;
	s1 =	sadd.s32 s1, s30  }
0xb9: {  	s0 =	sor.u32 s3, s0;
	s1 =	sshll.u32 s1, $0x11  }
0xba: {  	s0 =	sor.u32 s1, s0  }
0xbb: {  	s0 =	sadd.s32 $0x8F2B, s0  }
0xbc: {  	[sflag:s0] =	ssyncadd.remote.s32 $0x1  }
0xbd: {  	_ =	sfence.sel $0xFFFF  }
0xbe: {  	[dreg:$0x0] =	wrdreg $0xFFFFFFFF;
	(pc) =	sbr.abs _section_cstart, $3  }
0xbf: {  	[dreg:$0x1] =	wrdreg $0xFFFFFFFF  }
0xc0: {  	_ =	task.clear_ibuf [dreg:s6], $0x2FFFF;
	_ =	strace $0x9FFFFFFF  }
0xc1: {  	(tm) =	ssettm $0x7FFFFFFF  }
tec
execute0_lowered:
.L_overlay_start_1:
0x0: {  	(tag) =	ssettag $0x1  }
0x1: {  	s4 =	rddreg [dreg:$0x0]  }
0x2: {  	s0 =	rddreg [dreg:$0x1];
	s3 =	srdreg.scid  }
0x3: {  	s1 =	stileid.u32;
	s2 =	simm.s32 $0x0;
	s10 =	simm.s32 $0x3400  }
0x4: {  	s11 =	simm.s32 $0x5400;
	s12 =	simm.s32 $0x7400;
	s13 =	simm.s32 $0x9400  }
0x5: {  	s14 =	simm.s32 $0xB400;
	s15 =	simm.s32 $0xD400;
	s16 =	simm.s32 $0xF400  }
0x6: {  	s17 =	simm.s32 $0x1;
	s18 =	simm.s32 $0x0;
	s3 =	sand.u32 $0x1, s3  }
0x7: {  	s5 =	smul.u32 $0xA0000, s1;
	[smem:$0x7FF] =	sst s2;
	s6 =	sshll.u32 s1, $0x1  }
0x8: {  	s7 =	smul.u32 $0x50000, s3;
	s6 =	sor.u32 s3, s6;
	s30 =	ssub.s32 $0x2, s3  }
0x9: {  	_ =	strace $0x80000047;
	s6 =	smul.u32 $0x280, s6;
	s8 =	sshrl.u32 s30, $0x1  }
0xa: {  	s3 =	sadd.s32 $0x22400, s4;
	s5 =	sadd.s32 s7, s5;
	s31 =	ssub.s32 s30, s8  }
0xb: {  	s7 =	simm.s32 $0x2;
	s5 =	sshrl.u32 s5, $0x3;
	s6 =	sadd.s32 s6, s4  }
0xc: {  	s8 =	simm.s32 $0x80;
	s9 =	sadd.s32 s5, s4;
	s4 =	sadd.s32 $0x32400, s6  }
0xd: {  	s5 =	smax.u32 s31, $0x1;
	s6 =	sadd.s32 $0x37400, s9;
	s9 =	simm.s32 $0x1400  }
.LBB2_1:
0xe: {  	[tilespmem:s2], [sflag:$0x2] =	stream.linear.gather [hbm4b:s4+s2], $0x1400, $0x38;
	[tilespmem:$0x11400] =	vst v63  }
0xf: {  	_ =	swait.ge [sflag:s7], $0x1400  }
0x10: {  	[sflag:s7] =	ssyncset.done $0x0  }
0x11: {  	s19 =	simm.s32 $0x0;
	[sflag:s7] =	ssyncadd.s32 $0xFFFFEC00  }
0x12: {  	[tilespmem:s9], [sflag:$0x1] =	stream.indirect.gather [hbm4b:s3+s8], $0x40, s19, s8, $0xb8;
	[tilespmem:$0x11400] =	vst v63  }
0x13: {  	s24 =	simm.s32 $0x80  }
0x14: {  	[tilespmem:s10], [sflag:$0x1] =	stream.indirect.gather [hbm4b:s3+s8], $0x40, s24, s8, $0xb8;
	[tilespmem:$0x11400] =	vst v63  }
0x15: {  	s25 =	simm.s32 $0x100  }
0x16: {  	[tilespmem:s11], [sflag:$0x1] =	stream.indirect.gather [hbm4b:s3+s8], $0x40, s25, s8, $0xb8;
	[tilespmem:$0x11400] =	vst v63  }
0x17: {  	s26 =	simm.s32 $0x180  }
0x18: {  	[tilespmem:s12], [sflag:$0x1] =	stream.indirect.gather [hbm4b:s3+s8], $0x40, s26, s8, $0xb8;
	[tilespmem:$0x11400] =	vst v63  }
0x19: {  	s28 =	simm.s32 $0x200  }
0x1a: {  	[tilespmem:s13], [sflag:$0x1] =	stream.indirect.gather [hbm4b:s3+s8], $0x40, s28, s8, $0xb8;
	[tilespmem:$0x11400] =	vst v63  }
0x1b: {  	s29 =	simm.s32 $0x280  }
0x1c: {  	[tilespmem:s14], [sflag:$0x1] =	stream.indirect.gather [hbm4b:s3+s8], $0x40, s29, s8, $0xb8;
	[tilespmem:$0x11400] =	vst v63  }
0x1d: {  	s30 =	simm.s32 $0x300  }
0x1e: {  	[tilespmem:s15], [sflag:$0x1] =	stream.indirect.gather [hbm4b:s3+s8], $0x40, s30, s8, $0xb8;
	[tilespmem:$0x11400] =	vst v63  }
0x1f: {  	s31 =	simm.s32 $0x380  }
0x20: {  	[tilespmem:s16], [sflag:$0x1] =	stream.indirect.gather [hbm4b:s3+s8], $0x40, s31, s8, $0xb8;
	[tilespmem:$0x11400] =	vst v63  }
0x21: {  	_ =	swait.ge [sflag:s17], $0x2000  }
0x22: {  	[sflag:s17] =	ssyncset.done $0x0  }
0x23: {  	[sflag:s17] =	ssyncadd.s32 $0xFFFFE000  }
0x24: {  	_ =	swait.ge [sflag:s17], $0x2000  }
0x25: {  	[sflag:s17] =	ssyncset.done $0x0  }
0x26: {  	[sflag:s17] =	ssyncadd.s32 $0xFFFFE000  }
0x27: {  	_ =	swait.ge [sflag:s17], $0x2000  }
0x28: {  	[sflag:s17] =	ssyncset.done $0x0  }
0x29: {  	[sflag:s17] =	ssyncadd.s32 $0xFFFFE000  }
0x2a: {  	_ =	swait.ge [sflag:s17], $0x2000  }
0x2b: {  	[sflag:s17] =	ssyncset.done $0x0  }
0x2c: {  	[sflag:s17] =	ssyncadd.s32 $0xFFFFE000  }
0x2d: {  	_ =	swait.ge [sflag:s17], $0x2000  }
0x2e: {  	[sflag:s17] =	ssyncset.done $0x0  }
0x2f: {  	[sflag:s17] =	ssyncadd.s32 $0xFFFFE000  }
0x30: {  	_ =	swait.ge [sflag:s17], $0x2000  }
0x31: {  	[sflag:s17] =	ssyncset.done $0x0  }
0x32: {  	[sflag:s17] =	ssyncadd.s32 $0xFFFFE000  }
0x33: {  	_ =	swait.ge [sflag:s17], $0x2000  }
0x34: {  	[sflag:s17] =	ssyncset.done $0x0  }
0x35: {  	[sflag:s17] =	ssyncadd.s32 $0xFFFFE000  }
0x36: {  	_ =	swait.ge [sflag:s17], $0x2000  }
0x37: {  	[sflag:s17] =	ssyncset.done $0x0  }
0x38: {  	[sflag:s17] =	ssyncadd.s32 $0xFFFFE000  }
0x39: {  	[hbm4b:s6+s2] =	stream.linear.scatter [tilespmem:s9], [sflag:$0x2], $0x10000, $0x38;
	[tilespmem:$0x11400] =	vst v63  }
0x3a: {  	s20 =	simm.s32 $0x1000;
	_ =	swait.ge [sflag:s7], $0x10000  }
0x3b: {  	s22 =	simm.s32 $0x2000;
	s19 =	sadd.s32 $0x2000, s6;
	[sflag:s7] =	ssyncset.done $0x0  }
.LBB2_2:
0x3c: {  	s23 =	sshra.s32 s20, $0x2  }
0x3d: {  	[sflag:s7] =	ssyncadd.s32 $0xFFFF0000;
	s20 =	smov.u32 s22;
	s21 =	sadd.s32 $0x1000, s22  }
0x3e: {  	[tilespmem:s9], [sflag:$0x1] =	stream.indirect.gather [hbm4b:s3+s8], $0x40, s23, s8, $0xb8;
	[tilespmem:$0x11400] =	vst v63  }
0x3f: {  	p0 =	sne.s32 s22, $0x4000;
	s22 =	sadd.s32 $0x80, s23  }
0x40: {  	[tilespmem:s10], [sflag:$0x1] =	stream.indirect.gather [hbm4b:s3+s8], $0x40, s22, s8, $0xb8;
	[tilespmem:$0x11400] =	vst v63  }
0x41: {  	s22 =	sadd.s32 $0x100, s23  }
0x42: {  	[tilespmem:s11], [sflag:$0x1] =	stream.indirect.gather [hbm4b:s3+s8], $0x40, s22, s8, $0xb8;
	[tilespmem:$0x11400] =	vst v63  }
0x43: {  	s22 =	sadd.s32 $0x180, s23  }
0x44: {  	[tilespmem:s12], [sflag:$0x1] =	stream.indirect.gather [hbm4b:s3+s8], $0x40, s22, s8, $0xb8;
	[tilespmem:$0x11400] =	vst v63  }
0x45: {  	s22 =	sadd.s32 $0x200, s23  }
0x46: {  	[tilespmem:s13], [sflag:$0x1] =	stream.indirect.gather [hbm4b:s3+s8], $0x40, s22, s8, $0xb8;
	[tilespmem:$0x11400] =	vst v63  }
0x47: {  	s22 =	sadd.s32 $0x280, s23  }
0x48: {  	[tilespmem:s14], [sflag:$0x1] =	stream.indirect.gather [hbm4b:s3+s8], $0x40, s22, s8, $0xb8;
	[tilespmem:$0x11400] =	vst v63  }
0x49: {  	s22 =	sadd.s32 $0x300, s23  }
0x4a: {  	[tilespmem:s15], [sflag:$0x1] =	stream.indirect.gather [hbm4b:s3+s8], $0x40, s22, s8, $0xb8;
	[tilespmem:$0x11400] =	vst v63  }
0x4b: {  	s22 =	sadd.s32 $0x380, s23  }
0x4c: {  	[tilespmem:s16], [sflag:$0x1] =	stream.indirect.gather [hbm4b:s3+s8], $0x40, s22, s8, $0xb8;
	[tilespmem:$0x11400] =	vst v63  }
0x4d: {  	_ =	swait.ge [sflag:s17], $0x2000  }
0x4e: {  	[sflag:s17] =	ssyncset.done $0x0  }
0x4f: {  	[sflag:s17] =	ssyncadd.s32 $0xFFFFE000  }
0x50: {  	_ =	swait.ge [sflag:s17], $0x2000  }
0x51: {  	[sflag:s17] =	ssyncset.done $0x0  }
0x52: {  	[sflag:s17] =	ssyncadd.s32 $0xFFFFE000  }
0x53: {  	_ =	swait.ge [sflag:s17], $0x2000  }
0x54: {  	[sflag:s17] =	ssyncset.done $0x0  }
0x55: {  	[sflag:s17] =	ssyncadd.s32 $0xFFFFE000  }
0x56: {  	_ =	swait.ge [sflag:s17], $0x2000  }
0x57: {  	[sflag:s17] =	ssyncset.done $0x0  }
0x58: {  	[sflag:s17] =	ssyncadd.s32 $0xFFFFE000  }
0x59: {  	_ =	swait.ge [sflag:s17], $0x2000  }
0x5a: {  	[sflag:s17] =	ssyncset.done $0x0  }
0x5b: {  	[sflag:s17] =	ssyncadd.s32 $0xFFFFE000  }
0x5c: {  	_ =	swait.ge [sflag:s17], $0x2000  }
0x5d: {  	[sflag:s17] =	ssyncset.done $0x0  }
0x5e: {  	[sflag:s17] =	ssyncadd.s32 $0xFFFFE000  }
0x5f: {  	_ =	swait.ge [sflag:s17], $0x2000  }
0x60: {  	[sflag:s17] =	ssyncset.done $0x0  }
0x61: {  	[sflag:s17] =	ssyncadd.s32 $0xFFFFE000  }
0x62: {  	_ =	swait.ge [sflag:s17], $0x2000  }
.Ltmp0:
0x63: {  	[sflag:s17] =	ssyncset.done $0x0;
	(pc) =	sbr.rel @p0 .LBB2_2-.Ltmp0, $4  }
0x64: {  	[sflag:s17] =	ssyncadd.s32 $0xFFFFE000  }
0x65: {  	[hbm4b:s19+s2] =	stream.linear.scatter [tilespmem:s9], [sflag:$0x2], $0x10000, $0x38;
	[tilespmem:$0x11400] =	vst v63  }
0x66: {  	_ =	swait.ge [sflag:s7], $0x10000  }
0x67: {  	s22 =	smov.u32 s21;
	s19 =	sadd.s32 $0x2000, s19;
	[sflag:s7] =	ssyncset.done $0x0  }
0x68: {  	s20 =	sshra.s32 s20, $0x2;
	[sflag:s7] =	ssyncadd.s32 $0xFFFF0000  }
0x69: {  	[tilespmem:s9], [sflag:$0x1] =	stream.indirect.gather [hbm4b:s3+s8], $0x40, s20, s8, $0xb8;
	[tilespmem:$0x11400] =	vst v63  }
0x6a: {  	s21 =	sadd.s32 $0x80, s20  }
0x6b: {  	[tilespmem:s10], [sflag:$0x1] =	stream.indirect.gather [hbm4b:s3+s8], $0x40, s21, s8, $0xb8;
	[tilespmem:$0x11400] =	vst v63  }
0x6c: {  	s26 =	sadd.s32 $0x100, s20  }
0x6d: {  	[tilespmem:s11], [sflag:$0x1] =	stream.indirect.gather [hbm4b:s3+s8], $0x40, s26, s8, $0xb8;
	[tilespmem:$0x11400] =	vst v63  }
0x6e: {  	s28 =	sadd.s32 $0x180, s20  }
0x6f: {  	[tilespmem:s12], [sflag:$0x1] =	stream.indirect.gather [hbm4b:s3+s8], $0x40, s28, s8, $0xb8;
	[tilespmem:$0x11400] =	vst v63  }
0x70: {  	s29 =	sadd.s32 $0x200, s20  }
0x71: {  	[tilespmem:s13], [sflag:$0x1] =	stream.indirect.gather [hbm4b:s3+s8], $0x40, s29, s8, $0xb8;
	[tilespmem:$0x11400] =	vst v63  }
0x72: {  	s30 =	sadd.s32 $0x280, s20  }
0x73: {  	[tilespmem:s14], [sflag:$0x1] =	stream.indirect.gather [hbm4b:s3+s8], $0x40, s30, s8, $0xb8;
	[tilespmem:$0x11400] =	vst v63  }
0x74: {  	s31 =	sadd.s32 $0x300, s20  }
0x75: {  	[tilespmem:s15], [sflag:$0x1] =	stream.indirect.gather [hbm4b:s3+s8], $0x40, s31, s8, $0xb8;
	[tilespmem:$0x11400] =	vst v63  }
0x76: {  	s20 =	sadd.s32 $0x380, s20  }
0x77: {  	[tilespmem:s16], [sflag:$0x1] =	stream.indirect.gather [hbm4b:s3+s8], $0x40, s20, s8, $0xb8;
	[tilespmem:$0x11400] =	vst v63  }
0x78: {  	_ =	swait.ge [sflag:s17], $0x2000  }
0x79: {  	[sflag:s17] =	ssyncset.done $0x0  }
0x7a: {  	[sflag:s17] =	ssyncadd.s32 $0xFFFFE000  }
0x7b: {  	_ =	swait.ge [sflag:s17], $0x2000  }
0x7c: {  	[sflag:s17] =	ssyncset.done $0x0  }
0x7d: {  	[sflag:s17] =	ssyncadd.s32 $0xFFFFE000  }
0x7e: {  	_ =	swait.ge [sflag:s17], $0x2000  }
0x7f: {  	[sflag:s17] =	ssyncset.done $0x0  }
0x80: {  	[sflag:s17] =	ssyncadd.s32 $0xFFFFE000  }
0x81: {  	_ =	swait.ge [sflag:s17], $0x2000  }
0x82: {  	[sflag:s17] =	ssyncset.done $0x0  }
0x83: {  	[sflag:s17] =	ssyncadd.s32 $0xFFFFE000  }
0x84: {  	_ =	swait.ge [sflag:s17], $0x2000  }
0x85: {  	[sflag:s17] =	ssyncset.done $0x0  }
0x86: {  	[sflag:s17] =	ssyncadd.s32 $0xFFFFE000  }
0x87: {  	_ =	swait.ge [sflag:s17], $0x2000  }
0x88: {  	[sflag:s17] =	ssyncset.done $0x0  }
0x89: {  	[sflag:s17] =	ssyncadd.s32 $0xFFFFE000  }
0x8a: {  	_ =	swait.ge [sflag:s17], $0x2000  }
0x8b: {  	[sflag:s17] =	ssyncset.done $0x0  }
0x8c: {  	[sflag:s17] =	ssyncadd.s32 $0xFFFFE000  }
0x8d: {  	s18 =	sadd.s32 $0x1, s18;
	_ =	swait.ge [sflag:s17], $0x2000  }
0x8e: {  	p0 =	sne.s32 s18, s5;
	[sflag:s17] =	ssyncset.done $0x0  }
.Ltmp1:
0x8f: {  	[sflag:s17] =	ssyncadd.s32 $0xFFFFE000;
	(pc) =	sbr.rel @p0 .LBB2_1-.Ltmp1, $4  }
0x90: {  	[hbm4b:s19+s2] =	stream.linear.scatter [tilespmem:s9], [sflag:$0x2], $0x10000, $0x38;
	[tilespmem:$0x11400] =	vst v63  }
0x91: {  	_ =	swait.ge [sflag:s7], $0x10000  }
0x92: {  	[sflag:s7] =	ssyncset.done $0x0  }
0x93: {  	[sflag:s7] =	ssyncadd.s32 $0xFFFF0000  }
0x94: {  	_ =	sfence.sel $0x180000  }
0x95: {  	[bflag:$0x0] =	sbarrier.arrive $0xFFFF  }
0x96: {  	p0 =	sne.s32 s1, $0x0;
	_ =	strace $0x90000047  }
0x97: {  	s0 =	sadd.s32 @!p0 $0x100000, s0;
	[bflag:$0x2] =	sbarrier.arrive $0xFFFF  }
0x98: {  	[sflag:s0] =	ssyncadd.tile.s32 @!p0 $0x1;
	_ =	shalt  }
.Lfunc_end2:
_tile_overlayer_lowered:
.L_overlay_start_2:
0x99: {  	(tag) =	ssettag $0x2  }
0x9a: {  	s0 =	rddreg [dreg:$0x0];
	s2 =	stileid.u32  }
0x9b: {  	s1 =	rddreg [dreg:$0x1];
	p0 =	sne.s32 s2, $0x0  }
0x9c: {  	s3 =	rddreg [dreg:$0x2];
	[bflag:$0x3] =	sbarrier.arrive $0xFFFF;
	s2 =	simm.s32 @!p0 $0x1C02  }
0x9d: {  	[timem:s3], [sflag:s2] =	dma.local @!p0 [hbm:s0], s1  }
0x9e: {  	s0 =	simm.s32 @!p0 $0x2  }
0x9f: {  	_ =	swait.ge @!p0 [sflag:s0], s1  }
0xa0: {  	s1 =	ssub.s32 @!p0 $0x0, s1;
	[sflag:s0] =	ssyncset.done @!p0 $0x0  }
0xa1: {  	[sflag:s0] =	ssyncadd.s32 @!p0 s1  }
0xa2: {  	[bflag:$0x3] =	sbarrier.arrive $0xFFFF  }
0xa3: {  	_ =	shalt  }

// kernel: kernel.19.cloned.1.call-start
scs
__scs_entry_jumppad:
0x0: {  	(pc) =	sbr.rel $0x88, $3  }
0x1: {  	(tag) =	ssettag $0x0;
	lr =	simm.s32 $0x1  }
0x2: {  	[smem:$0x3F85] =	sst lr;
	_ =	strace $0xD0000000  }
0x3: {  	_ = 	snop  }
0x4: {  	_ = 	snop  }
0x5: {  	_ = 	snop  }
0x6: {  	_ = 	snop  }
0x7: {  	_ = 	snop  }
__scs_overlays_trampoline_lowered:
0x8: {  	[smem:$0x3F94] =	sst s0  }
0x9: {  	[smem:$0x3F95] =	sst s1  }
0xa: {  	[smem:$0x3F96] =	sst s2  }
0xb: {  	[smem:$0x3F97] =	sst s3  }
0xc: {  	[smem:$0x3F98] =	sst s4  }
0xd: {  	[smem:$0x3F99] =	sst s5  }
0xe: {  	[smem:$0x3F9A] =	sst s6  }
0xf: {  	[smem:$0x3F9B] =	sst s7  }
0x10: {  	[smem:$0x3F9C] =	sst s8  }
0x11: {  	[smem:$0x3F9D] =	sst s9;
	s0 =	simm.s32 @!p0 $0x0  }
0x12: {  	s1 =	sld [smem:$0x3F83];
	s0 =	simm.s32 @p0 $0x1  }
0x13: {  	[smem:$0x3F9E] =	sst s0;
	s0 =	simm.s32 @!p1 $0x0  }
0x14: {  	s2 =	sld [smem:$0x3F82];
	s0 =	simm.s32 @p1 $0x1  }
0x15: {  	[smem:$0x3F9F] =	sst s0;
	s0 =	simm.s32 @!p2 $0x0  }
0x16: {  	s3 =	sld [smem:$0x3FDB];
	s0 =	simm.s32 @p2 $0x1  }
0x17: {  	s4 =	simm.s32 $0x1BF5;
	[smem:$0x3FA1] =	sst s0  }
0x18: {  	s0 =	sld [smem:$0x3F84];
	_ =	swait.ge [sflag:s4], $0x0  }
0x19: {  	s7 =	sld [smem:$0x3F85]  }
0x1a: {  	s8 =	sadd.s32 $0xFFFFE003, lr  }
0x1b: {  	s9 =	sadd.s32 $0xFFFFFEF7, lr;
	s5 =	simm.s32 $0xFFFFFFFF;
	p2 =	slt.u32 s8, $0xFFFFF086  }
0x1c: {  	p1 =	slt.u32 s9, $0xF7A;
	s5 =	simm.s32 @!p2 $0x0  }
0x1d: {  	s5 =	simm.s32 @p1 $0x1;
	p0 =	seq.s32 s7, s2  }
0x1e: {  	s7 =	smul.u32 @!p0 $0xF7A, s2;
	p2 =	seq.s32 @!p0 s5, $0x0  }
0x1f: {  	s9 =	smul.u32 $0xF7A, s1;
	s8 =	simm.s32 @!p0 $0x1BF5;
	p2 =	por !p2, p0  }
0x20: {  	[sflag:s8] =	ssyncset.s32 @!p0 $0xFFFFF086;
	s6 =	sadd.s32 @!p0 s3, s7;
	s7 =	simm.s32 @!p0 $0x108  }
0x21: {  	s3 =	sadd.s32 s3, s9;
	s6 =	sadd.s32 @!p0 $0x88, s6;
	s7 =	simm.s32 @p2 $0x1082  }
0x22: {  	[simem:s7], [sflag:s8] =	dma.local @!p0 [hbm:s6], $0xF7A  }
0x23: {  	s9 =	sor.u32 $0xD0000000, s2;
	s6 =	simm.s32 $0x108;
	_ =	swait.ge @!p0 [sflag:s8], $0x0  }
0x24: {  	s3 =	sadd.s32 $0x88, s3;
	s6 =	simm.s32 @!p1 $0x1082;
	[sflag:s4] =	ssyncset.s32 $0xFFFFF086  }
0x25: {  	[simem:s6], [sflag:s4] =	dma.local [hbm:s3], $0xF7A  }
0x26: {  	[smem:$0x3F85] =	sst s1;
	(tag) =	ssettag s2;
	_ =	strace s9  }
0x27: {  	s1 =	sld [smem:$0x3F95]  }
0x28: {  	s2 =	sld [smem:$0x3F96]  }
0x29: {  	s4 =	sld [smem:$0x3F98]  }
0x2a: {  	p0 =	seq.s32 s5, $0x0;
	s5 =	sld [smem:$0x3F99]  }
0x2b: {  	s6 =	sld [smem:$0x3F9A]  }
0x2c: {  	s7 =	sld [smem:$0x3F9B]  }
0x2d: {  	s3 =	simm.s32 $0x108;
	s8 =	sld [smem:$0x3F9C]  }
0x2e: {  	s3 =	simm.s32 @!p0 $0x1082;
	s9 =	sld [smem:$0x3F9D]  }
0x2f: {  	lr =	sadd.s32 s0, s3;
	s0 =	sld [smem:$0x3F94]  }
0x30: {  	s3 =	sld [smem:$0x3F97]  }
0x31: {  	[smem:$0x3FA0] =	sst s10  }
0x32: {  	s10 =	sld [smem:$0x3F9E];
	_ =	sdelay $0x3  }
0x33: {  	p0 =	seq.s32 s10, $0x1;
	s10 =	sld [smem:$0x3FA0];
	_ =	sdelay $0x3  }
0x34: {  	[smem:$0x3FA0] =	sst s10  }
0x35: {  	s10 =	sld [smem:$0x3F9F];
	_ =	sdelay $0x3  }
0x36: {  	p1 =	seq.s32 s10, $0x1;
	s10 =	sld [smem:$0x3FA0];
	_ =	sdelay $0x3  }
0x37: {  	[smem:$0x3FA0] =	sst s10  }
0x38: {  	s10 =	sld [smem:$0x3FA1]  }
0x39: {  	_ = 	snop;
	(pc) =	sbr.ind lr, $3  }
0x3a: {  	_ = 	snop  }
0x3b: {  	_ = 	snop  }
0x3c: {  	p2 =	seq.s32 s10, $0x1;
	s10 =	sld [smem:$0x3FA0]  }
0x3d: {  	_ =	shalt  }
0x3e: {  	_ =	shalt  }
0x3f: {  	_ =	shalt  }
0x40: {  	_ =	shalt  }
0x41: {  	_ =	shalt  }
0x42: {  	_ =	shalt  }
0x43: {  	_ =	shalt  }
0x44: {  	_ =	shalt  }
0x45: {  	_ =	shalt  }
0x46: {  	_ =	shalt  }
0x47: {  	_ =	shalt  }
0x48: {  	_ =	shalt  }
0x49: {  	_ =	shalt  }
0x4a: {  	_ =	shalt  }
0x4b: {  	_ =	shalt  }
0x4c: {  	_ =	shalt  }
0x4d: {  	_ =	shalt  }
0x4e: {  	_ =	shalt  }
0x4f: {  	_ =	shalt  }
0x50: {  	_ =	shalt  }
0x51: {  	_ =	shalt  }
0x52: {  	_ =	shalt  }
0x53: {  	_ =	shalt  }
0x54: {  	_ =	shalt  }
0x55: {  	_ =	shalt  }
0x56: {  	_ =	shalt  }
0x57: {  	_ =	shalt  }
0x58: {  	_ =	shalt  }
0x59: {  	_ =	shalt  }
0x5a: {  	_ =	shalt  }
0x5b: {  	_ =	shalt  }
0x5c: {  	_ =	shalt  }
0x5d: {  	_ =	shalt  }
0x5e: {  	_ =	shalt  }
0x5f: {  	_ =	shalt  }
0x60: {  	_ =	shalt  }
0x61: {  	_ =	shalt  }
0x62: {  	_ =	shalt  }
0x63: {  	_ =	shalt  }
0x64: {  	_ =	shalt  }
0x65: {  	_ =	shalt  }
0x66: {  	_ =	shalt  }
0x67: {  	_ =	shalt  }
0x68: {  	_ =	shalt  }
0x69: {  	_ =	shalt  }
0x6a: {  	_ =	shalt  }
0x6b: {  	_ =	shalt  }
0x6c: {  	_ =	shalt  }
0x6d: {  	_ =	shalt  }
0x6e: {  	_ =	shalt  }
0x6f: {  	_ =	shalt  }
0x70: {  	_ =	shalt  }
0x71: {  	_ =	shalt  }
0x72: {  	_ =	shalt  }
0x73: {  	_ =	shalt  }
0x74: {  	_ =	shalt  }
0x75: {  	_ =	shalt  }
0x76: {  	_ =	shalt  }
0x77: {  	_ =	shalt  }
0x78: {  	_ =	shalt  }
0x79: {  	_ =	shalt  }
0x7a: {  	_ =	shalt  }
0x7b: {  	_ =	shalt  }
0x7c: {  	_ =	shalt  }
0x7d: {  	_ =	shalt  }
0x7e: {  	_ =	shalt  }
0x7f: {  	_ =	shalt  }
0x80: {  	_ =	shalt  }
0x81: {  	_ =	shalt  }
0x82: {  	_ =	shalt  }
0x83: {  	_ =	shalt  }
0x84: {  	_ =	shalt  }
0x85: {  	_ =	shalt  }
0x86: {  	_ =	shalt  }
0x87: {  	_ =	shalt  }
.Lfunc_end0:
.L_simem_size_0:
called_computation.1_lowered:
.L_overlay_start_0:
0x88: {  	s2 =	sld [smem:$0x3FD9]  }
0x89: {  	s3 =	sld [smem:$0x3FFE];
	_ =	sdelay $0x1  }
0x8a: {  	s1 =	srdreg.scid  }
0x8b: {  	s0 =	sand.u32 $0x1, s1  }
0x8c: {  	s16 =	sshll.u32 s0, $0xA;
	s2 =	sadd.s32 s3, s2  }
0x8d: {  	s2 =	sadd.s32 s2, s16  }
0x8e: {  	[smem:$0x3FAC] =	sst s2  }
0x8f: {  	_ = 	snop  }
0x90: {  	(tm) =	ssettm $0x1  }
0x91: {  	s17 =	sld [smem:$0x3FFB];
	_ =	sdelay $0x3  }
0x92: {  	_ =	strace s17  }
0x93: {  	s2 =	sld [smem:$0x3FFC];
	_ =	sdelay $0x3  }
0x94: {  	_ =	strace s2  }
0x95: {  	s2 =	sld [smem:$0x3FFD];
	_ =	sdelay $0x3  }
0x96: {  	_ =	strace s2  }
0x97: {  	_ =	strace $0x8FFFFFFF  }
0x98: {  	s18 =	sld [smem:$0x3FDB];
	_ =	sdelay $0x1  }
0x99: {  	s19 =	simm.s32 $_scs_section_size  }
0x9a: {  	s4 =	simm.s32 $_size__tile_overlayer_lowered;
	s5 =	simm.s32 $_tile_overlayer_lowered  }
0x9b: {  	s22 =	simm.s32 $0x1BFF;
	s21 =	sshll.u32 s5, $0x1;
	s2 =	sadd.s32 s19, s18  }
0x9c: {  	s6 =	simm.s32 $0x0;
	s20 =	sshll.u32 s4, $0x1;
	s4 =	sadd.s32 s21, s2  }
0x9d: {  	[timem:s6], [sflag:s22] =	dma.local [hbm:s4], s20  }
0x9e: {  	_ =	swait.ge [sflag:s22], s20  }
0x9f: {  	s3 =	ssub.s32 $0x0, s20;
	[sflag:s22] =	ssyncset.done $0x0  }
0xa0: {  	[sflag:s22] =	ssyncadd.s32 s3;
	_ =	sdelay $0x1  }
0xa1: {  	s23 =	simm.s32 $0x1B8B  }
0xa2: {  	_ =	swait.ge [sflag:s23], $0x1  }
0xa3: {  	[sflag:s23] =	ssyncset.done $0x0  }
0xa4: {  	s25 =	simm.s32 $0x1B8E;
	s24 =	sld [smem:$0x3FFE];
	[sflag:s23] =	ssyncadd.s32 $0xFFFFFFFF  }
0xa5: {  	s26 =	simm.s32 $execute0_lowered;
	[smem:$0x3FD2] =	sst s25  }
0xa6: {  	s4 =	sshll.u32 s26, $0x1;
	_ =	strace $0x80000049;
	[dreg:$0x1] =	wrdreg $0xFFFFFFFF  }
0xa7: {  	s28 =	simm.s32 $_size_execute0_lowered;
	s2 =	sadd.s32 s2, s4;
	[dreg:$0x0] =	wrdreg $0x0  }
0xa8: {  	s4 =	sshll.u32 s28, $0x1;
	[dreg:$0x2] =	wrdreg s2  }
0xa9: {  	[dreg:$0x3] =	wrdreg s4  }
0xaa: {  	[dreg:$0x4] =	wrdreg $0xC0  }
0xab: {  	_ =	task [dreg:s6], $0x5FFFF  }
0xac: {  	[dreg:$0x1] =	wrdreg $0xFFFFFFFF  }
0xad: {  	[dreg:$0x0] =	wrdreg $0x60  }
0xae: {  	[dreg:$0x2] =	wrdreg s24  }
0xaf: {  	[dreg:$0x3] =	wrdreg $0x9  }
0xb0: {  	_ =	task.clear_ibuf [dreg:s6], $0x4FFFF;
	_ =	strace $0x90000049  }
0xb1: {  	s29 =	simm.s32 $0x9;
	_ =	strace $0x8000004B  }
0xb2: {  	_ =	swait.ge [sflag:s29], $0x1  }
0xb3: {  	[sflag:s29] =	ssyncadd.s32 $0xFFFFFFFF  }
0xb4: {  	_ =	strace $0x9000004B  }
0xb5: {  	_ =	sfence  }
0xb6: {  	s30 =	sld [smem:$0x0];
	_ =	sdelay $0x2  }
0xb7: {  	s31 =	sshll.u32 s1, $0xD;
	s1 =	sshrl.u32 s1, $0x2  }
0xb8: {  	s3 =	sand.u32 $0x4000, s31;
	s1 =	sadd.s32 s1, s30  }
0xb9: {  	s0 =	sor.u32 s3, s0;
	s1 =	sshll.u32 s1, $0x11  }
0xba: {  	s0 =	sor.u32 s1, s0  }
0xbb: {  	s0 =	sadd.s32 $0x8F2B, s0  }
0xbc: {  	[sflag:s0] =	ssyncadd.remote.s32 $0x1  }
0xbd: {  	_ =	sfence.sel $0xFFFF  }
0xbe: {  	[dreg:$0x0] =	wrdreg $0xFFFFFFFF;
	(pc) =	sbr.abs _section_cstart, $3  }
0xbf: {  	[dreg:$0x1] =	wrdreg $0xFFFFFFFF  }
0xc0: {  	_ =	task.clear_ibuf [dreg:s6], $0x2FFFF;
	_ =	strace $0x9FFFFFFF  }
0xc1: {  	(tm) =	ssettm $0x7FFFFFFF  }
tec
execute0_lowered:
.L_overlay_start_1:
0x0: {  	(tag) =	ssettag $0x1  }
0x1: {  	s4 =	rddreg [dreg:$0x0]  }
0x2: {  	s0 =	rddreg [dreg:$0x1];
	s3 =	srdreg.scid  }
0x3: {  	s1 =	stileid.u32;
	s2 =	simm.s32 $0x0;
	s10 =	simm.s32 $0x3400  }
0x4: {  	s11 =	simm.s32 $0x5400;
	s12 =	simm.s32 $0x7400;
	s13 =	simm.s32 $0x9400  }
0x5: {  	s14 =	simm.s32 $0xB400;
	s15 =	simm.s32 $0xD400;
	s16 =	simm.s32 $0xF400  }
0x6: {  	s17 =	simm.s32 $0x1;
	s18 =	simm.s32 $0x0;
	s3 =	sand.u32 $0x1, s3  }
0x7: {  	s5 =	smul.u32 $0xA0000, s1;
	[smem:$0x7FF] =	sst s2;
	s6 =	sshll.u32 s1, $0x1  }
0x8: {  	s7 =	smul.u32 $0x50000, s3;
	s6 =	sor.u32 s3, s6;
	s30 =	ssub.s32 $0x2, s3  }
0x9: {  	_ =	strace $0x8000004A;
	s6 =	smul.u32 $0x280, s6;
	s8 =	sshrl.u32 s30, $0x1  }
0xa: {  	s3 =	sadd.s32 $0x42400, s4;
	s5 =	sadd.s32 s7, s5;
	s31 =	ssub.s32 s30, s8  }
0xb: {  	s7 =	simm.s32 $0x2;
	s5 =	sshrl.u32 s5, $0x3;
	s6 =	sadd.s32 s6, s4  }
0xc: {  	s8 =	simm.s32 $0x80;
	s9 =	sadd.s32 s5, s4;
	s4 =	sadd.s32 $0x52400, s6  }
0xd: {  	s5 =	smax.u32 s31, $0x1;
	s6 =	sadd.s32 $0x57400, s9;
	s9 =	simm.s32 $0x1400  }
.LBB2_1:
0xe: {  	[tilespmem:s2], [sflag:$0x2] =	stream.linear.gather [hbm4b:s4+s2], $0x1400, $0x38;
	[tilespmem:$0x11400] =	vst v63  }
0xf: {  	_ =	swait.ge [sflag:s7], $0x1400  }
0x10: {  	[sflag:s7] =	ssyncset.done $0x0  }
0x11: {  	s19 =	simm.s32 $0x0;
	[sflag:s7] =	ssyncadd.s32 $0xFFFFEC00  }
0x12: {  	[tilespmem:s9], [sflag:$0x1] =	stream.indirect.gather [hbm4b:s3+s8], $0x40, s19, s8, $0xb8;
	[tilespmem:$0x11400] =	vst v63  }
0x13: {  	s24 =	simm.s32 $0x80  }
0x14: {  	[tilespmem:s10], [sflag:$0x1] =	stream.indirect.gather [hbm4b:s3+s8], $0x40, s24, s8, $0xb8;
	[tilespmem:$0x11400] =	vst v63  }
0x15: {  	s25 =	simm.s32 $0x100  }
0x16: {  	[tilespmem:s11], [sflag:$0x1] =	stream.indirect.gather [hbm4b:s3+s8], $0x40, s25, s8, $0xb8;
	[tilespmem:$0x11400] =	vst v63  }
0x17: {  	s26 =	simm.s32 $0x180  }
0x18: {  	[tilespmem:s12], [sflag:$0x1] =	stream.indirect.gather [hbm4b:s3+s8], $0x40, s26, s8, $0xb8;
	[tilespmem:$0x11400] =	vst v63  }
0x19: {  	s28 =	simm.s32 $0x200  }
0x1a: {  	[tilespmem:s13], [sflag:$0x1] =	stream.indirect.gather [hbm4b:s3+s8], $0x40, s28, s8, $0xb8;
	[tilespmem:$0x11400] =	vst v63  }
0x1b: {  	s29 =	simm.s32 $0x280  }
0x1c: {  	[tilespmem:s14], [sflag:$0x1] =	stream.indirect.gather [hbm4b:s3+s8], $0x40, s29, s8, $0xb8;
	[tilespmem:$0x11400] =	vst v63  }
0x1d: {  	s30 =	simm.s32 $0x300  }
0x1e: {  	[tilespmem:s15], [sflag:$0x1] =	stream.indirect.gather [hbm4b:s3+s8], $0x40, s30, s8, $0xb8;
	[tilespmem:$0x11400] =	vst v63  }
0x1f: {  	s31 =	simm.s32 $0x380  }
0x20: {  	[tilespmem:s16], [sflag:$0x1] =	stream.indirect.gather [hbm4b:s3+s8], $0x40, s31, s8, $0xb8;
	[tilespmem:$0x11400] =	vst v63  }
0x21: {  	_ =	swait.ge [sflag:s17], $0x2000  }
0x22: {  	[sflag:s17] =	ssyncset.done $0x0  }
0x23: {  	[sflag:s17] =	ssyncadd.s32 $0xFFFFE000  }
0x24: {  	_ =	swait.ge [sflag:s17], $0x2000  }
0x25: {  	[sflag:s17] =	ssyncset.done $0x0  }
0x26: {  	[sflag:s17] =	ssyncadd.s32 $0xFFFFE000  }
0x27: {  	_ =	swait.ge [sflag:s17], $0x2000  }
0x28: {  	[sflag:s17] =	ssyncset.done $0x0  }
0x29: {  	[sflag:s17] =	ssyncadd.s32 $0xFFFFE000  }
0x2a: {  	_ =	swait.ge [sflag:s17], $0x2000  }
0x2b: {  	[sflag:s17] =	ssyncset.done $0x0  }
0x2c: {  	[sflag:s17] =	ssyncadd.s32 $0xFFFFE000  }
0x2d: {  	_ =	swait.ge [sflag:s17], $0x2000  }
0x2e: {  	[sflag:s17] =	ssyncset.done $0x0  }
0x2f: {  	[sflag:s17] =	ssyncadd.s32 $0xFFFFE000  }
0x30: {  	_ =	swait.ge [sflag:s17], $0x2000  }
0x31: {  	[sflag:s17] =	ssyncset.done $0x0  }
0x32: {  	[sflag:s17] =	ssyncadd.s32 $0xFFFFE000  }
0x33: {  	_ =	swait.ge [sflag:s17], $0x2000  }
0x34: {  	[sflag:s17] =	ssyncset.done $0x0  }
0x35: {  	[sflag:s17] =	ssyncadd.s32 $0xFFFFE000  }
0x36: {  	_ =	swait.ge [sflag:s17], $0x2000  }
0x37: {  	[sflag:s17] =	ssyncset.done $0x0  }
0x38: {  	[sflag:s17] =	ssyncadd.s32 $0xFFFFE000  }
0x39: {  	[hbm4b:s6+s2] =	stream.linear.scatter [tilespmem:s9], [sflag:$0x2], $0x10000, $0x38;
	[tilespmem:$0x11400] =	vst v63  }
0x3a: {  	s20 =	simm.s32 $0x1000;
	_ =	swait.ge [sflag:s7], $0x10000  }
0x3b: {  	s22 =	simm.s32 $0x2000;
	s19 =	sadd.s32 $0x2000, s6;
	[sflag:s7] =	ssyncset.done $0x0  }
.LBB2_2:
0x3c: {  	s23 =	sshra.s32 s20, $0x2  }
0x3d: {  	[sflag:s7] =	ssyncadd.s32 $0xFFFF0000;
	s20 =	smov.u32 s22;
	s21 =	sadd.s32 $0x1000, s22  }
0x3e: {  	[tilespmem:s9], [sflag:$0x1] =	stream.indirect.gather [hbm4b:s3+s8], $0x40, s23, s8, $0xb8;
	[tilespmem:$0x11400] =	vst v63  }
0x3f: {  	p0 =	sne.s32 s22, $0x4000;
	s22 =	sadd.s32 $0x80, s23  }
0x40: {  	[tilespmem:s10], [sflag:$0x1] =	stream.indirect.gather [hbm4b:s3+s8], $0x40, s22, s8, $0xb8;
	[tilespmem:$0x11400] =	vst v63  }
0x41: {  	s22 =	sadd.s32 $0x100, s23  }
0x42: {  	[tilespmem:s11], [sflag:$0x1] =	stream.indirect.gather [hbm4b:s3+s8], $0x40, s22, s8, $0xb8;
	[tilespmem:$0x11400] =	vst v63  }
0x43: {  	s22 =	sadd.s32 $0x180, s23  }
0x44: {  	[tilespmem:s12], [sflag:$0x1] =	stream.indirect.gather [hbm4b:s3+s8], $0x40, s22, s8, $0xb8;
	[tilespmem:$0x11400] =	vst v63  }
0x45: {  	s22 =	sadd.s32 $0x200, s23  }
0x46: {  	[tilespmem:s13], [sflag:$0x1] =	stream.indirect.gather [hbm4b:s3+s8], $0x40, s22, s8, $0xb8;
	[tilespmem:$0x11400] =	vst v63  }
0x47: {  	s22 =	sadd.s32 $0x280, s23  }
0x48: {  	[tilespmem:s14], [sflag:$0x1] =	stream.indirect.gather [hbm4b:s3+s8], $0x40, s22, s8, $0xb8;
	[tilespmem:$0x11400] =	vst v63  }
0x49: {  	s22 =	sadd.s32 $0x300, s23  }
0x4a: {  	[tilespmem:s15], [sflag:$0x1] =	stream.indirect.gather [hbm4b:s3+s8], $0x40, s22, s8, $0xb8;
	[tilespmem:$0x11400] =	vst v63  }
0x4b: {  	s22 =	sadd.s32 $0x380, s23  }
0x4c: {  	[tilespmem:s16], [sflag:$0x1] =	stream.indirect.gather [hbm4b:s3+s8], $0x40, s22, s8, $0xb8;
	[tilespmem:$0x11400] =	vst v63  }
0x4d: {  	_ =	swait.ge [sflag:s17], $0x2000  }
0x4e: {  	[sflag:s17] =	ssyncset.done $0x0  }
0x4f: {  	[sflag:s17] =	ssyncadd.s32 $0xFFFFE000  }
0x50: {  	_ =	swait.ge [sflag:s17], $0x2000  }
0x51: {  	[sflag:s17] =	ssyncset.done $0x0  }
0x52: {  	[sflag:s17] =	ssyncadd.s32 $0xFFFFE000  }
0x53: {  	_ =	swait.ge [sflag:s17], $0x2000  }
0x54: {  	[sflag:s17] =	ssyncset.done $0x0  }
0x55: {  	[sflag:s17] =	ssyncadd.s32 $0xFFFFE000  }
0x56: {  	_ =	swait.ge [sflag:s17], $0x2000  }
0x57: {  	[sflag:s17] =	ssyncset.done $0x0  }
0x58: {  	[sflag:s17] =	ssyncadd.s32 $0xFFFFE000  }
0x59: {  	_ =	swait.ge [sflag:s17], $0x2000  }
0x5a: {  	[sflag:s17] =	ssyncset.done $0x0  }
0x5b: {  	[sflag:s17] =	ssyncadd.s32 $0xFFFFE000  }
0x5c: {  	_ =	swait.ge [sflag:s17], $0x2000  }
0x5d: {  	[sflag:s17] =	ssyncset.done $0x0  }
0x5e: {  	[sflag:s17] =	ssyncadd.s32 $0xFFFFE000  }
0x5f: {  	_ =	swait.ge [sflag:s17], $0x2000  }
0x60: {  	[sflag:s17] =	ssyncset.done $0x0  }
0x61: {  	[sflag:s17] =	ssyncadd.s32 $0xFFFFE000  }
0x62: {  	_ =	swait.ge [sflag:s17], $0x2000  }
.Ltmp0:
0x63: {  	[sflag:s17] =	ssyncset.done $0x0;
	(pc) =	sbr.rel @p0 .LBB2_2-.Ltmp0, $4  }
0x64: {  	[sflag:s17] =	ssyncadd.s32 $0xFFFFE000  }
0x65: {  	[hbm4b:s19+s2] =	stream.linear.scatter [tilespmem:s9], [sflag:$0x2], $0x10000, $0x38;
	[tilespmem:$0x11400] =	vst v63  }
0x66: {  	_ =	swait.ge [sflag:s7], $0x10000  }
0x67: {  	s22 =	smov.u32 s21;
	s19 =	sadd.s32 $0x2000, s19;
	[sflag:s7] =	ssyncset.done $0x0  }
0x68: {  	s20 =	sshra.s32 s20, $0x2;
	[sflag:s7] =	ssyncadd.s32 $0xFFFF0000  }
0x69: {  	[tilespmem:s9], [sflag:$0x1] =	stream.indirect.gather [hbm4b:s3+s8], $0x40, s20, s8, $0xb8;
	[tilespmem:$0x11400] =	vst v63  }
0x6a: {  	s21 =	sadd.s32 $0x80, s20  }
0x6b: {  	[tilespmem:s10], [sflag:$0x1] =	stream.indirect.gather [hbm4b:s3+s8], $0x40, s21, s8, $0xb8;
	[tilespmem:$0x11400] =	vst v63  }
0x6c: {  	s26 =	sadd.s32 $0x100, s20  }
0x6d: {  	[tilespmem:s11], [sflag:$0x1] =	stream.indirect.gather [hbm4b:s3+s8], $0x40, s26, s8, $0xb8;
	[tilespmem:$0x11400] =	vst v63  }
0x6e: {  	s28 =	sadd.s32 $0x180, s20  }
0x6f: {  	[tilespmem:s12], [sflag:$0x1] =	stream.indirect.gather [hbm4b:s3+s8], $0x40, s28, s8, $0xb8;
	[tilespmem:$0x11400] =	vst v63  }
0x70: {  	s29 =	sadd.s32 $0x200, s20  }
0x71: {  	[tilespmem:s13], [sflag:$0x1] =	stream.indirect.gather [hbm4b:s3+s8], $0x40, s29, s8, $0xb8;
	[tilespmem:$0x11400] =	vst v63  }
0x72: {  	s30 =	sadd.s32 $0x280, s20  }
0x73: {  	[tilespmem:s14], [sflag:$0x1] =	stream.indirect.gather [hbm4b:s3+s8], $0x40, s30, s8, $0xb8;
	[tilespmem:$0x11400] =	vst v63  }
0x74: {  	s31 =	sadd.s32 $0x300, s20  }
0x75: {  	[tilespmem:s15], [sflag:$0x1] =	stream.indirect.gather [hbm4b:s3+s8], $0x40, s31, s8, $0xb8;
	[tilespmem:$0x11400] =	vst v63  }
0x76: {  	s20 =	sadd.s32 $0x380, s20  }
0x77: {  	[tilespmem:s16], [sflag:$0x1] =	stream.indirect.gather [hbm4b:s3+s8], $0x40, s20, s8, $0xb8;
	[tilespmem:$0x11400] =	vst v63  }
0x78: {  	_ =	swait.ge [sflag:s17], $0x2000  }
0x79: {  	[sflag:s17] =	ssyncset.done $0x0  }
0x7a: {  	[sflag:s17] =	ssyncadd.s32 $0xFFFFE000  }
0x7b: {  	_ =	swait.ge [sflag:s17], $0x2000  }
0x7c: {  	[sflag:s17] =	ssyncset.done $0x0  }
0x7d: {  	[sflag:s17] =	ssyncadd.s32 $0xFFFFE000  }
0x7e: {  	_ =	swait.ge [sflag:s17], $0x2000  }
0x7f: {  	[sflag:s17] =	ssyncset.done $0x0  }
0x80: {  	[sflag:s17] =	ssyncadd.s32 $0xFFFFE000  }
0x81: {  	_ =	swait.ge [sflag:s17], $0x2000  }
0x82: {  	[sflag:s17] =	ssyncset.done $0x0  }
0x83: {  	[sflag:s17] =	ssyncadd.s32 $0xFFFFE000  }
0x84: {  	_ =	swait.ge [sflag:s17], $0x2000  }
0x85: {  	[sflag:s17] =	ssyncset.done $0x0  }
0x86: {  	[sflag:s17] =	ssyncadd.s32 $0xFFFFE000  }
0x87: {  	_ =	swait.ge [sflag:s17], $0x2000  }
0x88: {  	[sflag:s17] =	ssyncset.done $0x0  }
0x89: {  	[sflag:s17] =	ssyncadd.s32 $0xFFFFE000  }
0x8a: {  	_ =	swait.ge [sflag:s17], $0x2000  }
0x8b: {  	[sflag:s17] =	ssyncset.done $0x0  }
0x8c: {  	[sflag:s17] =	ssyncadd.s32 $0xFFFFE000  }
0x8d: {  	s18 =	sadd.s32 $0x1, s18;
	_ =	swait.ge [sflag:s17], $0x2000  }
0x8e: {  	p0 =	sne.s32 s18, s5;
	[sflag:s17] =	ssyncset.done $0x0  }
.Ltmp1:
0x8f: {  	[sflag:s17] =	ssyncadd.s32 $0xFFFFE000;
	(pc) =	sbr.rel @p0 .LBB2_1-.Ltmp1, $4  }
0x90: {  	[hbm4b:s19+s2] =	stream.linear.scatter [tilespmem:s9], [sflag:$0x2], $0x10000, $0x38;
	[tilespmem:$0x11400] =	vst v63  }
0x91: {  	_ =	swait.ge [sflag:s7], $0x10000  }
0x92: {  	[sflag:s7] =	ssyncset.done $0x0  }
0x93: {  	[sflag:s7] =	ssyncadd.s32 $0xFFFF0000  }
0x94: {  	_ =	sfence.sel $0x180000  }
0x95: {  	[bflag:$0x0] =	sbarrier.arrive $0xFFFF  }
0x96: {  	p0 =	sne.s32 s1, $0x0;
	_ =	strace $0x9000004A  }
0x97: {  	s0 =	sadd.s32 @!p0 $0x100000, s0;
	[bflag:$0x2] =	sbarrier.arrive $0xFFFF  }
0x98: {  	[sflag:s0] =	ssyncadd.tile.s32 @!p0 $0x1;
	_ =	shalt  }
.Lfunc_end2:
_tile_overlayer_lowered:
.L_overlay_start_2:
0x99: {  	(tag) =	ssettag $0x2  }
0x9a: {  	s0 =	rddreg [dreg:$0x0];
	s2 =	stileid.u32  }
0x9b: {  	s1 =	rddreg [dreg:$0x1];
	p0 =	sne.s32 s2, $0x0  }
0x9c: {  	s3 =	rddreg [dreg:$0x2];
	[bflag:$0x3] =	sbarrier.arrive $0xFFFF;
	s2 =	simm.s32 @!p0 $0x1C02  }
0x9d: {  	[timem:s3], [sflag:s2] =	dma.local @!p0 [hbm:s0], s1  }
0x9e: {  	s0 =	simm.s32 @!p0 $0x2  }
0x9f: {  	_ =	swait.ge @!p0 [sflag:s0], s1  }
0xa0: {  	s1 =	ssub.s32 @!p0 $0x0, s1;
	[sflag:s0] =	ssyncset.done @!p0 $0x0  }
0xa1: {  	[sflag:s0] =	ssyncadd.s32 @!p0 s1  }
0xa2: {  	[bflag:$0x3] =	sbarrier.arrive $0xFFFF  }
0xa3: {  	_ =	shalt  }

// kernel: kernel.22.cloned.1.call-start
scs
__scs_entry_jumppad:
0x0: {  	(pc) =	sbr.rel $0x88, $3  }
0x1: {  	(tag) =	ssettag $0x0;
	lr =	simm.s32 $0x1  }
0x2: {  	[smem:$0x3F85] =	sst lr;
	_ =	strace $0xD0000000  }
0x3: {  	_ = 	snop  }
0x4: {  	_ = 	snop  }
0x5: {  	_ = 	snop  }
0x6: {  	_ = 	snop  }
0x7: {  	_ = 	snop  }
__scs_overlays_trampoline_lowered:
0x8: {  	[smem:$0x3F94] =	sst s0  }
0x9: {  	[smem:$0x3F95] =	sst s1  }
0xa: {  	[smem:$0x3F96] =	sst s2  }
0xb: {  	[smem:$0x3F97] =	sst s3  }
0xc: {  	[smem:$0x3F98] =	sst s4  }
0xd: {  	[smem:$0x3F99] =	sst s5  }
0xe: {  	[smem:$0x3F9A] =	sst s6  }
0xf: {  	[smem:$0x3F9B] =	sst s7  }
0x10: {  	[smem:$0x3F9C] =	sst s8  }
0x11: {  	[smem:$0x3F9D] =	sst s9;
	s0 =	simm.s32 @!p0 $0x0  }
0x12: {  	s1 =	sld [smem:$0x3F83];
	s0 =	simm.s32 @p0 $0x1  }
0x13: {  	[smem:$0x3F9E] =	sst s0;
	s0 =	simm.s32 @!p1 $0x0  }
0x14: {  	s2 =	sld [smem:$0x3F82];
	s0 =	simm.s32 @p1 $0x1  }
0x15: {  	[smem:$0x3F9F] =	sst s0;
	s0 =	simm.s32 @!p2 $0x0  }
0x16: {  	s3 =	sld [smem:$0x3FDB];
	s0 =	simm.s32 @p2 $0x1  }
0x17: {  	s4 =	simm.s32 $0x1BF5;
	[smem:$0x3FA1] =	sst s0  }
0x18: {  	s0 =	sld [smem:$0x3F84];
	_ =	swait.ge [sflag:s4], $0x0  }
0x19: {  	s7 =	sld [smem:$0x3F85]  }
0x1a: {  	s8 =	sadd.s32 $0xFFFFE003, lr  }
0x1b: {  	s9 =	sadd.s32 $0xFFFFFEF7, lr;
	s5 =	simm.s32 $0xFFFFFFFF;
	p2 =	slt.u32 s8, $0xFFFFF086  }
0x1c: {  	p1 =	slt.u32 s9, $0xF7A;
	s5 =	simm.s32 @!p2 $0x0  }
0x1d: {  	s5 =	simm.s32 @p1 $0x1;
	p0 =	seq.s32 s7, s2  }
0x1e: {  	s7 =	smul.u32 @!p0 $0xF7A, s2;
	p2 =	seq.s32 @!p0 s5, $0x0  }
0x1f: {  	s9 =	smul.u32 $0xF7A, s1;
	s8 =	simm.s32 @!p0 $0x1BF5;
	p2 =	por !p2, p0  }
0x20: {  	[sflag:s8] =	ssyncset.s32 @!p0 $0xFFFFF086;
	s6 =	sadd.s32 @!p0 s3, s7;
	s7 =	simm.s32 @!p0 $0x108  }
0x21: {  	s3 =	sadd.s32 s3, s9;
	s6 =	sadd.s32 @!p0 $0x88, s6;
	s7 =	simm.s32 @p2 $0x1082  }
0x22: {  	[simem:s7], [sflag:s8] =	dma.local @!p0 [hbm:s6], $0xF7A  }
0x23: {  	s9 =	sor.u32 $0xD0000000, s2;
	s6 =	simm.s32 $0x108;
	_ =	swait.ge @!p0 [sflag:s8], $0x0  }
0x24: {  	s3 =	sadd.s32 $0x88, s3;
	s6 =	simm.s32 @!p1 $0x1082;
	[sflag:s4] =	ssyncset.s32 $0xFFFFF086  }
0x25: {  	[simem:s6], [sflag:s4] =	dma.local [hbm:s3], $0xF7A  }
0x26: {  	[smem:$0x3F85] =	sst s1;
	(tag) =	ssettag s2;
	_ =	strace s9  }
0x27: {  	s1 =	sld [smem:$0x3F95]  }
0x28: {  	s2 =	sld [smem:$0x3F96]  }
0x29: {  	s4 =	sld [smem:$0x3F98]  }
0x2a: {  	p0 =	seq.s32 s5, $0x0;
	s5 =	sld [smem:$0x3F99]  }
0x2b: {  	s6 =	sld [smem:$0x3F9A]  }
0x2c: {  	s7 =	sld [smem:$0x3F9B]  }
0x2d: {  	s3 =	simm.s32 $0x108;
	s8 =	sld [smem:$0x3F9C]  }
0x2e: {  	s3 =	simm.s32 @!p0 $0x1082;
	s9 =	sld [smem:$0x3F9D]  }
0x2f: {  	lr =	sadd.s32 s0, s3;
	s0 =	sld [smem:$0x3F94]  }
0x30: {  	s3 =	sld [smem:$0x3F97]  }
0x31: {  	[smem:$0x3FA0] =	sst s10  }
0x32: {  	s10 =	sld [smem:$0x3F9E];
	_ =	sdelay $0x3  }
0x33: {  	p0 =	seq.s32 s10, $0x1;
	s10 =	sld [smem:$0x3FA0];
	_ =	sdelay $0x3  }
0x34: {  	[smem:$0x3FA0] =	sst s10  }
0x35: {  	s10 =	sld [smem:$0x3F9F];
	_ =	sdelay $0x3  }
0x36: {  	p1 =	seq.s32 s10, $0x1;
	s10 =	sld [smem:$0x3FA0];
	_ =	sdelay $0x3  }
0x37: {  	[smem:$0x3FA0] =	sst s10  }
0x38: {  	s10 =	sld [smem:$0x3FA1]  }
0x39: {  	_ = 	snop;
	(pc) =	sbr.ind lr, $3  }
0x3a: {  	_ = 	snop  }
0x3b: {  	_ = 	snop  }
0x3c: {  	p2 =	seq.s32 s10, $0x1;
	s10 =	sld [smem:$0x3FA0]  }
0x3d: {  	_ =	shalt  }
0x3e: {  	_ =	shalt  }
0x3f: {  	_ =	shalt  }
0x40: {  	_ =	shalt  }
0x41: {  	_ =	shalt  }
0x42: {  	_ =	shalt  }
0x43: {  	_ =	shalt  }
0x44: {  	_ =	shalt  }
0x45: {  	_ =	shalt  }
0x46: {  	_ =	shalt  }
0x47: {  	_ =	shalt  }
0x48: {  	_ =	shalt  }
0x49: {  	_ =	shalt  }
0x4a: {  	_ =	shalt  }
0x4b: {  	_ =	shalt  }
0x4c: {  	_ =	shalt  }
0x4d: {  	_ =	shalt  }
0x4e: {  	_ =	shalt  }
0x4f: {  	_ =	shalt  }
0x50: {  	_ =	shalt  }
0x51: {  	_ =	shalt  }
0x52: {  	_ =	shalt  }
0x53: {  	_ =	shalt  }
0x54: {  	_ =	shalt  }
0x55: {  	_ =	shalt  }
0x56: {  	_ =	shalt  }
0x57: {  	_ =	shalt  }
0x58: {  	_ =	shalt  }
0x59: {  	_ =	shalt  }
0x5a: {  	_ =	shalt  }
0x5b: {  	_ =	shalt  }
0x5c: {  	_ =	shalt  }
0x5d: {  	_ =	shalt  }
0x5e: {  	_ =	shalt  }
0x5f: {  	_ =	shalt  }
0x60: {  	_ =	shalt  }
0x61: {  	_ =	shalt  }
0x62: {  	_ =	shalt  }
0x63: {  	_ =	shalt  }
0x64: {  	_ =	shalt  }
0x65: {  	_ =	shalt  }
0x66: {  	_ =	shalt  }
0x67: {  	_ =	shalt  }
0x68: {  	_ =	shalt  }
0x69: {  	_ =	shalt  }
0x6a: {  	_ =	shalt  }
0x6b: {  	_ =	shalt  }
0x6c: {  	_ =	shalt  }
0x6d: {  	_ =	shalt  }
0x6e: {  	_ =	shalt  }
0x6f: {  	_ =	shalt  }
0x70: {  	_ =	shalt  }
0x71: {  	_ =	shalt  }
0x72: {  	_ =	shalt  }
0x73: {  	_ =	shalt  }
0x74: {  	_ =	shalt  }
0x75: {  	_ =	shalt  }
0x76: {  	_ =	shalt  }
0x77: {  	_ =	shalt  }
0x78: {  	_ =	shalt  }
0x79: {  	_ =	shalt  }
0x7a: {  	_ =	shalt  }
0x7b: {  	_ =	shalt  }
0x7c: {  	_ =	shalt  }
0x7d: {  	_ =	shalt  }
0x7e: {  	_ =	shalt  }
0x7f: {  	_ =	shalt  }
0x80: {  	_ =	shalt  }
0x81: {  	_ =	shalt  }
0x82: {  	_ =	shalt  }
0x83: {  	_ =	shalt  }
0x84: {  	_ =	shalt  }
0x85: {  	_ =	shalt  }
0x86: {  	_ =	shalt  }
0x87: {  	_ =	shalt  }
.Lfunc_end0:
.L_simem_size_0:
called_computation.2_lowered:
.L_overlay_start_0:
0x88: {  	s2 =	sld [smem:$0x3FD9]  }
0x89: {  	s3 =	sld [smem:$0x3FFE];
	_ =	sdelay $0x1  }
0x8a: {  	s1 =	srdreg.scid  }
0x8b: {  	s0 =	sand.u32 $0x1, s1  }
0x8c: {  	s16 =	sshll.u32 s0, $0xA;
	s2 =	sadd.s32 s3, s2  }
0x8d: {  	s2 =	sadd.s32 s2, s16  }
0x8e: {  	[smem:$0x3FAC] =	sst s2  }
0x8f: {  	_ = 	snop  }
0x90: {  	(tm) =	ssettm $0x1  }
0x91: {  	s17 =	sld [smem:$0x3FFB];
	_ =	sdelay $0x3  }
0x92: {  	_ =	strace s17  }
0x93: {  	s2 =	sld [smem:$0x3FFC];
	_ =	sdelay $0x3  }
0x94: {  	_ =	strace s2  }
0x95: {  	s2 =	sld [smem:$0x3FFD];
	_ =	sdelay $0x3  }
0x96: {  	_ =	strace s2  }
0x97: {  	_ =	strace $0x8FFFFFFF  }
0x98: {  	s18 =	sld [smem:$0x3FDB];
	_ =	sdelay $0x1  }
0x99: {  	s19 =	simm.s32 $_scs_section_size  }
0x9a: {  	s4 =	simm.s32 $_size__tile_overlayer_lowered;
	s5 =	simm.s32 $_tile_overlayer_lowered  }
0x9b: {  	s22 =	simm.s32 $0x1BFF;
	s21 =	sshll.u32 s5, $0x1;
	s2 =	sadd.s32 s19, s18  }
0x9c: {  	s6 =	simm.s32 $0x0;
	s20 =	sshll.u32 s4, $0x1;
	s4 =	sadd.s32 s21, s2  }
0x9d: {  	[timem:s6], [sflag:s22] =	dma.local [hbm:s4], s20  }
0x9e: {  	_ =	swait.ge [sflag:s22], s20  }
0x9f: {  	s3 =	ssub.s32 $0x0, s20;
	[sflag:s22] =	ssyncset.done $0x0  }
0xa0: {  	[sflag:s22] =	ssyncadd.s32 s3;
	_ =	sdelay $0x1  }
0xa1: {  	s23 =	simm.s32 $0x1B8B  }
0xa2: {  	_ =	swait.ge [sflag:s23], $0x1  }
0xa3: {  	[sflag:s23] =	ssyncset.done $0x0  }
0xa4: {  	s25 =	simm.s32 $0x1B8E;
	s24 =	sld [smem:$0x3FFE];
	[sflag:s23] =	ssyncadd.s32 $0xFFFFFFFF  }
0xa5: {  	s26 =	simm.s32 $execute0_lowered;
	[smem:$0x3FD2] =	sst s25  }
0xa6: {  	s4 =	sshll.u32 s26, $0x1;
	_ =	strace $0x8000004C;
	[dreg:$0x1] =	wrdreg $0xFFFFFFFF  }
0xa7: {  	s28 =	simm.s32 $_size_execute0_lowered;
	s2 =	sadd.s32 s2, s4;
	[dreg:$0x0] =	wrdreg $0x0  }
0xa8: {  	s4 =	sshll.u32 s28, $0x1;
	[dreg:$0x2] =	wrdreg s2  }
0xa9: {  	[dreg:$0x3] =	wrdreg s4  }
0xaa: {  	[dreg:$0x4] =	wrdreg $0xC0  }
0xab: {  	_ =	task [dreg:s6], $0x5FFFF  }
0xac: {  	[dreg:$0x1] =	wrdreg $0xFFFFFFFF  }
0xad: {  	[dreg:$0x0] =	wrdreg $0x60  }
0xae: {  	[dreg:$0x2] =	wrdreg s24  }
0xaf: {  	[dreg:$0x3] =	wrdreg $0x9  }
0xb0: {  	_ =	task.clear_ibuf [dreg:s6], $0x4FFFF;
	_ =	strace $0x9000004C  }
0xb1: {  	s29 =	simm.s32 $0x9;
	_ =	strace $0x8000004E  }
0xb2: {  	_ =	swait.ge [sflag:s29], $0x1  }
0xb3: {  	[sflag:s29] =	ssyncadd.s32 $0xFFFFFFFF  }
0xb4: {  	_ =	strace $0x9000004E  }
0xb5: {  	_ =	sfence  }
0xb6: {  	s30 =	sld [smem:$0x0];
	_ =	sdelay $0x2  }
0xb7: {  	s31 =	sshll.u32 s1, $0xD;
	s1 =	sshrl.u32 s1, $0x2  }
0xb8: {  	s3 =	sand.u32 $0x4000, s31;
	s1 =	sadd.s32 s1, s30  }
0xb9: {  	s0 =	sor.u32 s3, s0;
	s1 =	sshll.u32 s1, $0x11  }
0xba: {  	s0 =	sor.u32 s1, s0  }
0xbb: {  	s0 =	sadd.s32 $0x8F2B, s0  }
0xbc: {  	[sflag:s0] =	ssyncadd.remote.s32 $0x1  }
0xbd: {  	_ =	sfence.sel $0xFFFF  }
0xbe: {  	[dreg:$0x0] =	wrdreg $0xFFFFFFFF;
	(pc) =	sbr.abs _section_cstart, $3  }
0xbf: {  	[dreg:$0x1] =	wrdreg $0xFFFFFFFF  }
0xc0: {  	_ =	task.clear_ibuf [dreg:s6], $0x2FFFF;
	_ =	strace $0x9FFFFFFF  }
0xc1: {  	(tm) =	ssettm $0x7FFFFFFF  }
tec
execute0_lowered:
.L_overlay_start_1:
0x0: {  	(tag) =	ssettag $0x1  }
0x1: {  	s4 =	rddreg [dreg:$0x0]  }
0x2: {  	s0 =	rddreg [dreg:$0x1];
	s3 =	srdreg.scid  }
0x3: {  	s1 =	stileid.u32;
	s2 =	simm.s32 $0x0;
	s10 =	simm.s32 $0x3400  }
0x4: {  	s11 =	simm.s32 $0x5400;
	s12 =	simm.s32 $0x7400;
	s13 =	simm.s32 $0x9400  }
0x5: {  	s14 =	simm.s32 $0xB400;
	s15 =	simm.s32 $0xD400;
	s16 =	simm.s32 $0xF400  }
0x6: {  	s17 =	simm.s32 $0x1;
	s18 =	simm.s32 $0x0;
	s3 =	sand.u32 $0x1, s3  }
0x7: {  	s5 =	smul.u32 $0xA0000, s1;
	[smem:$0x7FF] =	sst s2;
	s6 =	sshll.u32 s1, $0x1  }
0x8: {  	s7 =	smul.u32 $0x50000, s3;
	s6 =	sor.u32 s3, s6;
	s30 =	ssub.s32 $0x2, s3  }
0x9: {  	_ =	strace $0x8000004D;
	s6 =	smul.u32 $0x280, s6;
	s8 =	sshrl.u32 s30, $0x1  }
0xa: {  	s3 =	sadd.s32 $0x42400, s4;
	s5 =	sadd.s32 s7, s5;
	s31 =	ssub.s32 s30, s8  }
0xb: {  	s7 =	simm.s32 $0x2;
	s5 =	sshrl.u32 s5, $0x3;
	s6 =	sadd.s32 s6, s4  }
0xc: {  	s8 =	simm.s32 $0x80;
	s9 =	sadd.s32 s5, s4;
	s4 =	sadd.s32 $0x52400, s6  }
0xd: {  	s5 =	smax.u32 s31, $0x1;
	s6 =	sadd.s32 $0x57400, s9;
	s9 =	simm.s32 $0x1400  }
.LBB2_1:
0xe: {  	[tilespmem:s2], [sflag:$0x2] =	stream.linear.gather [hbm4b:s4+s2], $0x1400, $0x38;
	[tilespmem:$0x11400] =	vst v63  }
0xf: {  	_ =	swait.ge [sflag:s7], $0x1400  }
0x10: {  	[sflag:s7] =	ssyncset.done $0x0  }
0x11: {  	s19 =	simm.s32 $0x0;
	[sflag:s7] =	ssyncadd.s32 $0xFFFFEC00  }
0x12: {  	[tilespmem:s9], [sflag:$0x1] =	stream.indirect.gather [hbm4b:s3+s8], $0x40, s19, s8, $0xb8;
	[tilespmem:$0x11400] =	vst v63  }
0x13: {  	s24 =	simm.s32 $0x80  }
0x14: {  	[tilespmem:s10], [sflag:$0x1] =	stream.indirect.gather [hbm4b:s3+s8], $0x40, s24, s8, $0xb8;
	[tilespmem:$0x11400] =	vst v63  }
0x15: {  	s25 =	simm.s32 $0x100  }
0x16: {  	[tilespmem:s11], [sflag:$0x1] =	stream.indirect.gather [hbm4b:s3+s8], $0x40, s25, s8, $0xb8;
	[tilespmem:$0x11400] =	vst v63  }
0x17: {  	s26 =	simm.s32 $0x180  }
0x18: {  	[tilespmem:s12], [sflag:$0x1] =	stream.indirect.gather [hbm4b:s3+s8], $0x40, s26, s8, $0xb8;
	[tilespmem:$0x11400] =	vst v63  }
0x19: {  	s28 =	simm.s32 $0x200  }
0x1a: {  	[tilespmem:s13], [sflag:$0x1] =	stream.indirect.gather [hbm4b:s3+s8], $0x40, s28, s8, $0xb8;
	[tilespmem:$0x11400] =	vst v63  }
0x1b: {  	s29 =	simm.s32 $0x280  }
0x1c: {  	[tilespmem:s14], [sflag:$0x1] =	stream.indirect.gather [hbm4b:s3+s8], $0x40, s29, s8, $0xb8;
	[tilespmem:$0x11400] =	vst v63  }
0x1d: {  	s30 =	simm.s32 $0x300  }
0x1e: {  	[tilespmem:s15], [sflag:$0x1] =	stream.indirect.gather [hbm4b:s3+s8], $0x40, s30, s8, $0xb8;
	[tilespmem:$0x11400] =	vst v63  }
0x1f: {  	s31 =	simm.s32 $0x380  }
0x20: {  	[tilespmem:s16], [sflag:$0x1] =	stream.indirect.gather [hbm4b:s3+s8], $0x40, s31, s8, $0xb8;
	[tilespmem:$0x11400] =	vst v63  }
0x21: {  	_ =	swait.ge [sflag:s17], $0x2000  }
0x22: {  	[sflag:s17] =	ssyncset.done $0x0  }
0x23: {  	[sflag:s17] =	ssyncadd.s32 $0xFFFFE000  }
0x24: {  	_ =	swait.ge [sflag:s17], $0x2000  }
0x25: {  	[sflag:s17] =	ssyncset.done $0x0  }
0x26: {  	[sflag:s17] =	ssyncadd.s32 $0xFFFFE000  }
0x27: {  	_ =	swait.ge [sflag:s17], $0x2000  }
0x28: {  	[sflag:s17] =	ssyncset.done $0x0  }
0x29: {  	[sflag:s17] =	ssyncadd.s32 $0xFFFFE000  }
0x2a: {  	_ =	swait.ge [sflag:s17], $0x2000  }
0x2b: {  	[sflag:s17] =	ssyncset.done $0x0  }
0x2c: {  	[sflag:s17] =	ssyncadd.s32 $0xFFFFE000  }
0x2d: {  	_ =	swait.ge [sflag:s17], $0x2000  }
0x2e: {  	[sflag:s17] =	ssyncset.done $0x0  }
0x2f: {  	[sflag:s17] =	ssyncadd.s32 $0xFFFFE000  }
0x30: {  	_ =	swait.ge [sflag:s17], $0x2000  }
0x31: {  	[sflag:s17] =	ssyncset.done $0x0  }
0x32: {  	[sflag:s17] =	ssyncadd.s32 $0xFFFFE000  }
0x33: {  	_ =	swait.ge [sflag:s17], $0x2000  }
0x34: {  	[sflag:s17] =	ssyncset.done $0x0  }
0x35: {  	[sflag:s17] =	ssyncadd.s32 $0xFFFFE000  }
0x36: {  	_ =	swait.ge [sflag:s17], $0x2000  }
0x37: {  	[sflag:s17] =	ssyncset.done $0x0  }
0x38: {  	[sflag:s17] =	ssyncadd.s32 $0xFFFFE000  }
0x39: {  	[hbm4b:s6+s2] =	stream.linear.scatter [tilespmem:s9], [sflag:$0x2], $0x10000, $0x38;
	[tilespmem:$0x11400] =	vst v63  }
0x3a: {  	s20 =	simm.s32 $0x1000;
	_ =	swait.ge [sflag:s7], $0x10000  }
0x3b: {  	s22 =	simm.s32 $0x2000;
	s19 =	sadd.s32 $0x2000, s6;
	[sflag:s7] =	ssyncset.done $0x0  }
.LBB2_2:
0x3c: {  	s23 =	sshra.s32 s20, $0x2  }
0x3d: {  	[sflag:s7] =	ssyncadd.s32 $0xFFFF0000;
	s20 =	smov.u32 s22;
	s21 =	sadd.s32 $0x1000, s22  }
0x3e: {  	[tilespmem:s9], [sflag:$0x1] =	stream.indirect.gather [hbm4b:s3+s8], $0x40, s23, s8, $0xb8;
	[tilespmem:$0x11400] =	vst v63  }
0x3f: {  	p0 =	sne.s32 s22, $0x4000;
	s22 =	sadd.s32 $0x80, s23  }
0x40: {  	[tilespmem:s10], [sflag:$0x1] =	stream.indirect.gather [hbm4b:s3+s8], $0x40, s22, s8, $0xb8;
	[tilespmem:$0x11400] =	vst v63  }
0x41: {  	s22 =	sadd.s32 $0x100, s23  }
0x42: {  	[tilespmem:s11], [sflag:$0x1] =	stream.indirect.gather [hbm4b:s3+s8], $0x40, s22, s8, $0xb8;
	[tilespmem:$0x11400] =	vst v63  }
0x43: {  	s22 =	sadd.s32 $0x180, s23  }
0x44: {  	[tilespmem:s12], [sflag:$0x1] =	stream.indirect.gather [hbm4b:s3+s8], $0x40, s22, s8, $0xb8;
	[tilespmem:$0x11400] =	vst v63  }
0x45: {  	s22 =	sadd.s32 $0x200, s23  }
0x46: {  	[tilespmem:s13], [sflag:$0x1] =	stream.indirect.gather [hbm4b:s3+s8], $0x40, s22, s8, $0xb8;
	[tilespmem:$0x11400] =	vst v63  }
0x47: {  	s22 =	sadd.s32 $0x280, s23  }
0x48: {  	[tilespmem:s14], [sflag:$0x1] =	stream.indirect.gather [hbm4b:s3+s8], $0x40, s22, s8, $0xb8;
	[tilespmem:$0x11400] =	vst v63  }
0x49: {  	s22 =	sadd.s32 $0x300, s23  }
0x4a: {  	[tilespmem:s15], [sflag:$0x1] =	stream.indirect.gather [hbm4b:s3+s8], $0x40, s22, s8, $0xb8;
	[tilespmem:$0x11400] =	vst v63  }
0x4b: {  	s22 =	sadd.s32 $0x380, s23  }
0x4c: {  	[tilespmem:s16], [sflag:$0x1] =	stream.indirect.gather [hbm4b:s3+s8], $0x40, s22, s8, $0xb8;
	[tilespmem:$0x11400] =	vst v63  }
0x4d: {  	_ =	swait.ge [sflag:s17], $0x2000  }
0x4e: {  	[sflag:s17] =	ssyncset.done $0x0  }
0x4f: {  	[sflag:s17] =	ssyncadd.s32 $0xFFFFE000  }
0x50: {  	_ =	swait.ge [sflag:s17], $0x2000  }
0x51: {  	[sflag:s17] =	ssyncset.done $0x0  }
0x52: {  	[sflag:s17] =	ssyncadd.s32 $0xFFFFE000  }
0x53: {  	_ =	swait.ge [sflag:s17], $0x2000  }
0x54: {  	[sflag:s17] =	ssyncset.done $0x0  }
0x55: {  	[sflag:s17] =	ssyncadd.s32 $0xFFFFE000  }
0x56: {  	_ =	swait.ge [sflag:s17], $0x2000  }
0x57: {  	[sflag:s17] =	ssyncset.done $0x0  }
0x58: {  	[sflag:s17] =	ssyncadd.s32 $0xFFFFE000  }
0x59: {  	_ =	swait.ge [sflag:s17], $0x2000  }
0x5a: {  	[sflag:s17] =	ssyncset.done $0x0  }
0x5b: {  	[sflag:s17] =	ssyncadd.s32 $0xFFFFE000  }
0x5c: {  	_ =	swait.ge [sflag:s17], $0x2000  }
0x5d: {  	[sflag:s17] =	ssyncset.done $0x0  }
0x5e: {  	[sflag:s17] =	ssyncadd.s32 $0xFFFFE000  }
0x5f: {  	_ =	swait.ge [sflag:s17], $0x2000  }
0x60: {  	[sflag:s17] =	ssyncset.done $0x0  }
0x61: {  	[sflag:s17] =	ssyncadd.s32 $0xFFFFE000  }
0x62: {  	_ =	swait.ge [sflag:s17], $0x2000  }
.Ltmp0:
0x63: {  	[sflag:s17] =	ssyncset.done $0x0;
	(pc) =	sbr.rel @p0 .LBB2_2-.Ltmp0, $4  }
0x64: {  	[sflag:s17] =	ssyncadd.s32 $0xFFFFE000  }
0x65: {  	[hbm4b:s19+s2] =	stream.linear.scatter [tilespmem:s9], [sflag:$0x2], $0x10000, $0x38;
	[tilespmem:$0x11400] =	vst v63  }
0x66: {  	_ =	swait.ge [sflag:s7], $0x10000  }
0x67: {  	s22 =	smov.u32 s21;
	s19 =	sadd.s32 $0x2000, s19;
	[sflag:s7] =	ssyncset.done $0x0  }
0x68: {  	s20 =	sshra.s32 s20, $0x2;
	[sflag:s7] =	ssyncadd.s32 $0xFFFF0000  }
0x69: {  	[tilespmem:s9], [sflag:$0x1] =	stream.indirect.gather [hbm4b:s3+s8], $0x40, s20, s8, $0xb8;
	[tilespmem:$0x11400] =	vst v63  }
0x6a: {  	s21 =	sadd.s32 $0x80, s20  }
0x6b: {  	[tilespmem:s10], [sflag:$0x1] =	stream.indirect.gather [hbm4b:s3+s8], $0x40, s21, s8, $0xb8;
	[tilespmem:$0x11400] =	vst v63  }
0x6c: {  	s26 =	sadd.s32 $0x100, s20  }
0x6d: {  	[tilespmem:s11], [sflag:$0x1] =	stream.indirect.gather [hbm4b:s3+s8], $0x40, s26, s8, $0xb8;
	[tilespmem:$0x11400] =	vst v63  }
0x6e: {  	s28 =	sadd.s32 $0x180, s20  }
0x6f: {  	[tilespmem:s12], [sflag:$0x1] =	stream.indirect.gather [hbm4b:s3+s8], $0x40, s28, s8, $0xb8;
	[tilespmem:$0x11400] =	vst v63  }
0x70: {  	s29 =	sadd.s32 $0x200, s20  }
0x71: {  	[tilespmem:s13], [sflag:$0x1] =	stream.indirect.gather [hbm4b:s3+s8], $0x40, s29, s8, $0xb8;
	[tilespmem:$0x11400] =	vst v63  }
0x72: {  	s30 =	sadd.s32 $0x280, s20  }
0x73: {  	[tilespmem:s14], [sflag:$0x1] =	stream.indirect.gather [hbm4b:s3+s8], $0x40, s30, s8, $0xb8;
	[tilespmem:$0x11400] =	vst v63  }
0x74: {  	s31 =	sadd.s32 $0x300, s20  }
0x75: {  	[tilespmem:s15], [sflag:$0x1] =	stream.indirect.gather [hbm4b:s3+s8], $0x40, s31, s8, $0xb8;
	[tilespmem:$0x11400] =	vst v63  }
0x76: {  	s20 =	sadd.s32 $0x380, s20  }
0x77: {  	[tilespmem:s16], [sflag:$0x1] =	stream.indirect.gather [hbm4b:s3+s8], $0x40, s20, s8, $0xb8;
	[tilespmem:$0x11400] =	vst v63  }
0x78: {  	_ =	swait.ge [sflag:s17], $0x2000  }
0x79: {  	[sflag:s17] =	ssyncset.done $0x0  }
0x7a: {  	[sflag:s17] =	ssyncadd.s32 $0xFFFFE000  }
0x7b: {  	_ =	swait.ge [sflag:s17], $0x2000  }
0x7c: {  	[sflag:s17] =	ssyncset.done $0x0  }
0x7d: {  	[sflag:s17] =	ssyncadd.s32 $0xFFFFE000  }
0x7e: {  	_ =	swait.ge [sflag:s17], $0x2000  }
0x7f: {  	[sflag:s17] =	ssyncset.done $0x0  }
0x80: {  	[sflag:s17] =	ssyncadd.s32 $0xFFFFE000  }
0x81: {  	_ =	swait.ge [sflag:s17], $0x2000  }
0x82: {  	[sflag:s17] =	ssyncset.done $0x0  }
0x83: {  	[sflag:s17] =	ssyncadd.s32 $0xFFFFE000  }
0x84: {  	_ =	swait.ge [sflag:s17], $0x2000  }
0x85: {  	[sflag:s17] =	ssyncset.done $0x0  }
0x86: {  	[sflag:s17] =	ssyncadd.s32 $0xFFFFE000  }
0x87: {  	_ =	swait.ge [sflag:s17], $0x2000  }
0x88: {  	[sflag:s17] =	ssyncset.done $0x0  }
0x89: {  	[sflag:s17] =	ssyncadd.s32 $0xFFFFE000  }
0x8a: {  	_ =	swait.ge [sflag:s17], $0x2000  }
0x8b: {  	[sflag:s17] =	ssyncset.done $0x0  }
0x8c: {  	[sflag:s17] =	ssyncadd.s32 $0xFFFFE000  }
0x8d: {  	s18 =	sadd.s32 $0x1, s18;
	_ =	swait.ge [sflag:s17], $0x2000  }
0x8e: {  	p0 =	sne.s32 s18, s5;
	[sflag:s17] =	ssyncset.done $0x0  }
.Ltmp1:
0x8f: {  	[sflag:s17] =	ssyncadd.s32 $0xFFFFE000;
	(pc) =	sbr.rel @p0 .LBB2_1-.Ltmp1, $4  }
0x90: {  	[hbm4b:s19+s2] =	stream.linear.scatter [tilespmem:s9], [sflag:$0x2], $0x10000, $0x38;
	[tilespmem:$0x11400] =	vst v63  }
0x91: {  	_ =	swait.ge [sflag:s7], $0x10000  }
0x92: {  	[sflag:s7] =	ssyncset.done $0x0  }
0x93: {  	[sflag:s7] =	ssyncadd.s32 $0xFFFF0000  }
0x94: {  	_ =	sfence.sel $0x180000  }
0x95: {  	[bflag:$0x0] =	sbarrier.arrive $0xFFFF  }
0x96: {  	p0 =	sne.s32 s1, $0x0;
	_ =	strace $0x9000004D  }
0x97: {  	s0 =	sadd.s32 @!p0 $0x100000, s0;
	[bflag:$0x2] =	sbarrier.arrive $0xFFFF  }
0x98: {  	[sflag:s0] =	ssyncadd.tile.s32 @!p0 $0x1;
	_ =	shalt  }
.Lfunc_end2:
_tile_overlayer_lowered:
.L_overlay_start_2:
0x99: {  	(tag) =	ssettag $0x2  }
0x9a: {  	s0 =	rddreg [dreg:$0x0];
	s2 =	stileid.u32  }
0x9b: {  	s1 =	rddreg [dreg:$0x1];
	p0 =	sne.s32 s2, $0x0  }
0x9c: {  	s3 =	rddreg [dreg:$0x2];
	[bflag:$0x3] =	sbarrier.arrive $0xFFFF;
	s2 =	simm.s32 @!p0 $0x1C02  }
0x9d: {  	[timem:s3], [sflag:s2] =	dma.local @!p0 [hbm:s0], s1  }
0x9e: {  	s0 =	simm.s32 @!p0 $0x2  }
0x9f: {  	_ =	swait.ge @!p0 [sflag:s0], s1  }
0xa0: {  	s1 =	ssub.s32 @!p0 $0x0, s1;
	[sflag:s0] =	ssyncset.done @!p0 $0x0  }
0xa1: {  	[sflag:s0] =	ssyncadd.s32 @!p0 s1  }
0xa2: {  	[bflag:$0x3] =	sbarrier.arrive $0xFFFF  }
0xa3: {  	_ =	shalt  }

</sc_bundles>
